<compile_context>
chip_gen: v7x
topology: tpu7x:2x2x1
jax: 0.10.2.dev20260603
libtpu: 0.0.44.dev20260713+nightly
codegen_flags: <defaults>
</compile_context>

<pallas_src>
import jax
import jax.numpy as jnp
from jax import lax
from jax.experimental import pallas as pl
from jax.experimental.pallas import tpu as pltpu
from jax.experimental.pallas import tpu_sc as plsc

N, E, D = 10000, 320000, 128
NP = 10240
NC, NS = 2, 16
NW = NC * NS
EPW = E // NW
CH = 128
GR = 8
NG = 10
NITER = NG * GR
EPWP = NITER * CH
RPT = NP // NS
ZR = 128
QS = 4
QR = CH // QS

_MESH = plsc.VectorSubcoreMesh(core_axis_name="c", subcore_axis_name="s")


def _seg_body(z_hbm, src4, dst3, out_hbm, acc_sh, didx, isb, gbuf,
              sem_a, sem_b, sem_i):
    c = lax.axis_index("c")
    s = lax.axis_index("s")
    wid = s * NC + c

    z16 = jnp.zeros((16,), jnp.float32)

    def zero_buf(i, carry):
        for kk in range(D // 16):
            gbuf[i, pl.ds(kk * 16, 16)] = z16
        return carry

    lax.fori_loop(0, ZR, zero_buf, 0)
    for t in range(RPT // ZR):
        pltpu.sync_copy(gbuf.at[pl.ds(0, ZR)],
                        acc_sh.at[pl.ds(s * RPT + t * ZR, ZR)])

    pltpu.sync_copy(dst3.at[wid], didx)
    pltpu.sync_copy(src4.at[wid, 0], isb.at[0])

    def g_start_chunk(jn, half, sem):
        gn = jn // GR
        tn = jn % GR
        pgn = gn % 2
        for q in range(QS):
            pltpu.make_async_copy(
                z_hbm.at[isb.at[pgn, tn, pl.ds(q * QR, QR)]],
                gbuf.at[pl.ds(half * CH + q * QR, QR)], sem).start()

    def g_wait_chunk(half, sem):
        for q in range(QS):
            pltpu.make_async_copy(
                z_hbm.at[isb.at[0, 0, pl.ds(0, QR)]],
                gbuf.at[pl.ds(half * CH + q * QR, QR)], sem).wait()

    def scat(j, half):
        pltpu.sync_copy(gbuf.at[pl.ds(half * CH, CH)],
                        acc_sh.at[didx.at[j]], add=True)

    g_start_chunk(0, 0, sem_a)
    g_start_chunk(1, 1, sem_b)
    plsc.subcore_barrier()

    def pair(jj, carry):
        j0 = 2 * jj
        g0 = j0 // GR
        t0 = j0 % GR

        @pl.when(jnp.logical_and(t0 == 0, g0 + 1 < NG))
        def _prefetch():
            pltpu.make_async_copy(src4.at[wid, g0 + 1],
                                  isb.at[(g0 + 1) % 2], sem_i).start()

        @pl.when(jnp.logical_and(t0 == GR - 2, g0 + 1 < NG))
        def _drain_prefetch():
            pltpu.make_async_copy(src4.at[wid, 0],
                                  isb.at[0], sem_i).wait()

        g_wait_chunk(0, sem_a)
        scat(j0, 0)

        @pl.when(j0 + 2 < NITER)
        def _start_a():
            g_start_chunk(j0 + 2, 0, sem_a)

        g_wait_chunk(1, sem_b)
        scat(j0 + 1, 1)

        @pl.when(j0 + 3 < NITER)
        def _start_b():
            g_start_chunk(j0 + 3, 1, sem_b)

        return carry

    lax.fori_loop(0, NITER // 2, pair, 0)
    plsc.subcore_barrier()

    for t in range(RPT // ZR):
        r0 = s * RPT + t * ZR
        pltpu.sync_copy(acc_sh.at[pl.ds(r0, ZR)], out_hbm.at[c, pl.ds(r0, ZR)])


_seg_sum = pl.kernel(
    _seg_body,
    out_type=jax.ShapeDtypeStruct((NC, NP, D), jnp.float32),
    mesh=_MESH,
    scratch_types=(
        pltpu.VMEM_SHARED((NP, D), jnp.float32),
        pltpu.VMEM((NITER, CH), jnp.int32),
        pltpu.VMEM((2, GR, CH), jnp.int32),
        pltpu.VMEM((2 * CH, D), jnp.float32),
        pltpu.SemaphoreType.DMA,
        pltpu.SemaphoreType.DMA,
        pltpu.SemaphoreType.DMA,
    ),
)


def _cnt_body(dst3, cnt_out, cnt_sh, stage, didx, sem_c):
    c = lax.axis_index("c")
    s = lax.axis_index("s")
    wid = s * NC + c

    def fill(val):
        v16 = jnp.full((16,), val, jnp.float32)

        def body(i, carry):
            for kk in range(D // 16):
                stage[i, pl.ds(kk * 16, 16)] = v16
            return carry

        lax.fori_loop(0, ZR, body, 0)

    fill(0.0)
    for t in range(RPT // ZR):
        pltpu.sync_copy(stage, cnt_sh.at[pl.ds(s * RPT + t * ZR, ZR)])
    fill(1.0)

    pltpu.sync_copy(dst3.at[wid], didx)
    plsc.subcore_barrier()

    def loop(j4, carry):
        for u in range(4):
            pltpu.async_copy(stage, cnt_sh.at[didx.at[4 * j4 + u]],
                             sem_c, add=True)
        for u in range(4):
            pltpu.make_async_copy(stage, cnt_sh.at[didx.at[0]],
                                  sem_c).wait()
        return carry

    lax.fori_loop(0, NITER // 4, loop, 0)
    plsc.subcore_barrier()

    for t in range(RPT // ZR):
        r0 = s * RPT + t * ZR
        pltpu.sync_copy(cnt_sh.at[pl.ds(r0, ZR)], cnt_out.at[c, pl.ds(r0, ZR)])


_cnt_sum = pl.kernel(
    _cnt_body,
    out_type=jax.ShapeDtypeStruct((NC, NP, D), jnp.float32),
    mesh=_MESH,
    scratch_types=(
        pltpu.VMEM_SHARED((NP, D), jnp.float32),
        pltpu.VMEM((ZR, D), jnp.float32),
        pltpu.VMEM((NITER, CH), jnp.int32),
        pltpu.SemaphoreType.DMA,
    ),
)

BM = 2000


def _dense_body(x_ref, wl_ref, wr_ref, bl_ref, z_ref, r_ref):
    xb = x_ref[...]
    z_ref[...] = jnp.dot(xb, wl_ref[...], preferred_element_type=jnp.float32)
    r_ref[...] = (jnp.dot(xb, wr_ref[...], preferred_element_type=jnp.float32)
                  + bl_ref[...])


_dense = pl.pallas_call(
    _dense_body,
    grid=(N // BM,),
    in_specs=[
        pl.BlockSpec((BM, D), lambda i: (i, 0)),
        pl.BlockSpec((D, D), lambda i: (0, 0)),
        pl.BlockSpec((D, D), lambda i: (0, 0)),
        pl.BlockSpec((1, D), lambda i: (0, 0)),
    ],
    out_specs=[pl.BlockSpec((BM, D), lambda i: (i, 0))] * 2,
    out_shape=[jax.ShapeDtypeStruct((N, D), jnp.float32)] * 2,
)


def _mid_body(a_ref, c_ref, r_ref, wl_ref, wr_ref, bl_ref, z_ref, rr_ref):
    agg = a_ref[0] + a_ref[1]
    cnt = jnp.maximum(c_ref[0] + c_ref[1], 1.0)
    h = jnp.maximum(agg / cnt + r_ref[...], 0.0)
    z_ref[...] = jnp.dot(h, wl_ref[...], preferred_element_type=jnp.float32)
    rr_ref[...] = (jnp.dot(h, wr_ref[...], preferred_element_type=jnp.float32)
                   + bl_ref[...])


_mid = pl.pallas_call(
    _mid_body,
    grid=(N // BM,),
    in_specs=[
        pl.BlockSpec((NC, BM, D), lambda i: (0, i, 0)),
        pl.BlockSpec((NC, BM, 1), lambda i: (0, i, 0)),
        pl.BlockSpec((BM, D), lambda i: (i, 0)),
        pl.BlockSpec((D, D), lambda i: (0, 0)),
        pl.BlockSpec((D, D), lambda i: (0, 0)),
        pl.BlockSpec((1, D), lambda i: (0, 0)),
    ],
    out_specs=[pl.BlockSpec((BM, D), lambda i: (i, 0))] * 2,
    out_shape=[jax.ShapeDtypeStruct((N, D), jnp.float32)] * 2,
)


def _final_body(a_ref, c_ref, r_ref, o_ref):
    agg = a_ref[0] + a_ref[1]
    cnt = jnp.maximum(c_ref[0] + c_ref[1], 1.0)
    o = agg / cnt + r_ref[...]
    m = jnp.max(o, axis=1, keepdims=True)
    lse = jnp.log(jnp.sum(jnp.exp(o - m), axis=1, keepdims=True))
    o_ref[...] = o - m - lse


_final = pl.pallas_call(
    _final_body,
    grid=(N // BM,),
    in_specs=[
        pl.BlockSpec((NC, BM, D), lambda i: (0, i, 0)),
        pl.BlockSpec((NC, BM, 1), lambda i: (0, i, 0)),
        pl.BlockSpec((BM, D), lambda i: (i, 0)),
    ],
    out_specs=pl.BlockSpec((BM, D), lambda i: (i, 0)),
    out_shape=jax.ShapeDtypeStruct((N, D), jnp.float32),
)


def kernel(x, edge_index, Wl0, bl0, Wr0, Wl1, bl1, Wr1):
    ei = edge_index.reshape(2, NW, EPW)
    src4 = jnp.pad(ei[0], ((0, 0), (0, EPWP - EPW))).reshape(NW, NG, GR, CH)
    dst3 = jnp.pad(ei[1], ((0, 0), (0, EPWP - EPW)),
                   constant_values=N).reshape(NW, NITER, CH)
    cnt = _cnt_sum(dst3)[:, :, :1]
    z0, r0 = _dense(x, Wl0, Wr0, bl0.reshape(1, D))
    agg0 = _seg_sum(z0, src4, dst3)
    z1, r1 = _mid(agg0, cnt, r0, Wl1, Wr1, bl1.reshape(1, D))
    agg1 = _seg_sum(z1, src4, dst3)
    return _final(agg1, cnt, r1)

# --- scband reference (transcript-rebuilt; emitter-appended) ---
"""Pipeline reference for scband-gnnstack-1185410974147 (READ-ONLY COPY).

The authoritative reference and input builder live on the scoring server;
editing this copy changes nothing except your own understanding.
"""

import jax, jax.numpy as jnp
import numpy as np

N, E, D, H, O = 10000, 320000, 128, 128, 128


def setup_inputs(seed: int = 0) -> dict:
    key = jax.random.key(seed)
    ks = jax.random.split(key, 9)
    x = jax.random.normal(ks[0], (N, D), dtype=jnp.float32)
    edge_index = jax.random.randint(ks[1], (2, E), 0, N, dtype=jnp.int32)
    s = 0.05
    Wl0 = jax.random.normal(ks[2], (D, H), dtype=jnp.float32) * s
    bl0 = jnp.zeros((H,), dtype=jnp.float32)
    Wr0 = jax.random.normal(ks[3], (D, H), dtype=jnp.float32) * s
    Wl1 = jax.random.normal(ks[4], (H, O), dtype=jnp.float32) * s
    bl1 = jnp.zeros((O,), dtype=jnp.float32)
    Wr1 = jax.random.normal(ks[5], (H, O), dtype=jnp.float32) * s
    return {"x": x, "edge_index": edge_index, "Wl0": Wl0, "bl0": bl0, "Wr0": Wr0, "Wl1": Wl1, "bl1": bl1, "Wr1": Wr1}


def sage_conv(x, edge_index, Wl, bl, Wr):
    # PyG SAGEConv (mean aggr): out = lin_l(mean_{j in N(i)} x_j) + lin_r(x_i)
    src = edge_index[0]
    dst = edge_index[1]
    msgs = jnp.take(x, src, axis=0)
    n = x.shape[0]
    agg = jax.ops.segment_sum(msgs, dst, num_segments=n)
    cnt = jax.ops.segment_sum(jnp.ones((msgs.shape[0], 1), dtype=x.dtype), dst, num_segments=n)
    mean = agg / jnp.clip(cnt, 1.0, None)
    return mean @ Wl + bl + x @ Wr


def reference(x, edge_index, Wl0, bl0, Wr0, Wl1, bl1, Wr1):
    h = sage_conv(x, edge_index, Wl0, bl0, Wr0)
    h = jax.nn.relu(h)
    # dropout p=0.0 / eval mode -> identity
    h = sage_conv(h, edge_index, Wl1, bl1, Wr1)
    return jax.nn.log_softmax(h, axis=1)

if __name__ == "__main__":
    import jax
    _d = setup_inputs()
    print(jax.jit(kernel)(*tuple(_d.values())))

</pallas_src>

<mosaic_0001>
#map = affine_map<(d0, d1) -> (0, 0, 0)>
module attributes {stable_mosaic.version = 14 : i64} {
  func.func @_cnt_body(%arg0: i32, %arg1: i32, %arg2: memref<32x80x128xi32, #tpu.memory_space<hbm>>, %arg3: memref<2x10240x128xf32, #tpu.memory_space<hbm>>, %arg4: memref<10240x128xf32, #tpu.memory_space<vmem_shared>>, %arg5: memref<128x128xf32, #tpu.memory_space<vmem>>, %arg6: memref<80x128xi32, #tpu.memory_space<vmem>>, %arg7: memref<!tpu.dma_semaphore, #tpu.memory_space<semaphore_mem>>) attributes {dimension_semantics = [#tpu.dimension_semantics<core_parallel>, #tpu.dimension_semantics<subcore_parallel>], iteration_bounds = array<i64: 2, 16>, scalar_prefetch = 0 : i64, scratch_operands = 4 : i64, tpu.core_type = #tpu.core_type<sc_vector_subcore>, window_params = [{transform_indices = #map}, {transform_indices = #map}]} {
    %mul3A = arith.constant 2 : i32
    %mul3A_0 = arith.muli %arg1, %mul3A : i32
    %add3A = arith.addi %mul3A_0, %arg0 : i32
    %broadcast_in_dim3A = arith.constant 0.000000e+00 : f32
    %broadcast_in_dim3A_1 = vector.broadcast %broadcast_in_dim3A : f32 to vector<16xf32>
    %scan3A = arith.constant 0 : i32
    %scan3A_2 = arith.constant 0 : i32
    %scan3A_3 = arith.constant 128 : i32
    %scan3A_4 = arith.addi %scan3A_2, %scan3A_3 : i32
    %scan3A_5 = arith.constant 1 : i32
    scf.for %scan3A_62 = %scan3A_2 to %scan3A_4 step %scan3A_5  : i32 {
      %swap3A = arith.index_cast %scan3A_62 : i32 to index
      %swap3A_63 = arith.constant 0 : index
      %swap3A_64 = tpu.vector_load %arg5[%swap3A, %swap3A_63] {strides = array<i32>} : memref<128x128xf32, #tpu.memory_space<vmem>>, vector<1x16xf32>,
      %swap3A_65 = vector.shape_cast %swap3A_64 : vector<1x16xf32> to vector<16xf32>
      %swap3A_66 = vector.shape_cast %broadcast_in_dim3A_1 : vector<16xf32> to vector<1x16xf32>
      tpu.vector_store %arg5[%swap3A, %swap3A_63], %swap3A_66 {strides = array<i32>} : memref<128x128xf32, #tpu.memory_space<vmem>>, vector<1x16xf32>,
      %swap3A_67 = arith.index_cast %scan3A_62 : i32 to index
      %swap3A_68 = arith.constant 16 : index
      %swap3A_69 = tpu.vector_load %arg5[%swap3A_67, %swap3A_68] {strides = array<i32>} : memref<128x128xf32, #tpu.memory_space<vmem>>, vector<1x16xf32>,
      %swap3A_70 = vector.shape_cast %swap3A_69 : vector<1x16xf32> to vector<16xf32>
      %swap3A_71 = vector.shape_cast %broadcast_in_dim3A_1 : vector<16xf32> to vector<1x16xf32>
      tpu.vector_store %arg5[%swap3A_67, %swap3A_68], %swap3A_71 {strides = array<i32>} : memref<128x128xf32, #tpu.memory_space<vmem>>, vector<1x16xf32>,
      %swap3A_72 = arith.index_cast %scan3A_62 : i32 to index
      %swap3A_73 = arith.constant 32 : index
      %swap3A_74 = tpu.vector_load %arg5[%swap3A_72, %swap3A_73] {strides = array<i32>} : memref<128x128xf32, #tpu.memory_space<vmem>>, vector<1x16xf32>,
      %swap3A_75 = vector.shape_cast %swap3A_74 : vector<1x16xf32> to vector<16xf32>
      %swap3A_76 = vector.shape_cast %broadcast_in_dim3A_1 : vector<16xf32> to vector<1x16xf32>
      tpu.vector_store %arg5[%swap3A_72, %swap3A_73], %swap3A_76 {strides = array<i32>} : memref<128x128xf32, #tpu.memory_space<vmem>>, vector<1x16xf32>,
      %swap3A_77 = arith.index_cast %scan3A_62 : i32 to index
      %swap3A_78 = arith.constant 48 : index
      %swap3A_79 = tpu.vector_load %arg5[%swap3A_77, %swap3A_78] {strides = array<i32>} : memref<128x128xf32, #tpu.memory_space<vmem>>, vector<1x16xf32>,
      %swap3A_80 = vector.shape_cast %swap3A_79 : vector<1x16xf32> to vector<16xf32>
      %swap3A_81 = vector.shape_cast %broadcast_in_dim3A_1 : vector<16xf32> to vector<1x16xf32>
      tpu.vector_store %arg5[%swap3A_77, %swap3A_78], %swap3A_81 {strides = array<i32>} : memref<128x128xf32, #tpu.memory_space<vmem>>, vector<1x16xf32>,
      %swap3A_82 = arith.index_cast %scan3A_62 : i32 to index
      %swap3A_83 = arith.constant 64 : index
      %swap3A_84 = tpu.vector_load %arg5[%swap3A_82, %swap3A_83] {strides = array<i32>} : memref<128x128xf32, #tpu.memory_space<vmem>>, vector<1x16xf32>,
      %swap3A_85 = vector.shape_cast %swap3A_84 : vector<1x16xf32> to vector<16xf32>
      %swap3A_86 = vector.shape_cast %broadcast_in_dim3A_1 : vector<16xf32> to vector<1x16xf32>
      tpu.vector_store %arg5[%swap3A_82, %swap3A_83], %swap3A_86 {strides = array<i32>} : memref<128x128xf32, #tpu.memory_space<vmem>>, vector<1x16xf32>,
      %swap3A_87 = arith.index_cast %scan3A_62 : i32 to index
      %swap3A_88 = arith.constant 80 : index
      %swap3A_89 = tpu.vector_load %arg5[%swap3A_87, %swap3A_88] {strides = array<i32>} : memref<128x128xf32, #tpu.memory_space<vmem>>, vector<1x16xf32>,
      %swap3A_90 = vector.shape_cast %swap3A_89 : vector<1x16xf32> to vector<16xf32>
      %swap3A_91 = vector.shape_cast %broadcast_in_dim3A_1 : vector<16xf32> to vector<1x16xf32>
      tpu.vector_store %arg5[%swap3A_87, %swap3A_88], %swap3A_91 {strides = array<i32>} : memref<128x128xf32, #tpu.memory_space<vmem>>, vector<1x16xf32>,
      %swap3A_92 = arith.index_cast %scan3A_62 : i32 to index
      %swap3A_93 = arith.constant 96 : index
      %swap3A_94 = tpu.vector_load %arg5[%swap3A_92, %swap3A_93] {strides = array<i32>} : memref<128x128xf32, #tpu.memory_space<vmem>>, vector<1x16xf32>,
      %swap3A_95 = vector.shape_cast %swap3A_94 : vector<1x16xf32> to vector<16xf32>
      %swap3A_96 = vector.shape_cast %broadcast_in_dim3A_1 : vector<16xf32> to vector<1x16xf32>
      tpu.vector_store %arg5[%swap3A_92, %swap3A_93], %swap3A_96 {strides = array<i32>} : memref<128x128xf32, #tpu.memory_space<vmem>>, vector<1x16xf32>,
      %swap3A_97 = arith.index_cast %scan3A_62 : i32 to index
      %swap3A_98 = arith.constant 112 : index
      %swap3A_99 = tpu.vector_load %arg5[%swap3A_97, %swap3A_98] {strides = array<i32>} : memref<128x128xf32, #tpu.memory_space<vmem>>, vector<1x16xf32>,
      %swap3A_100 = vector.shape_cast %swap3A_99 : vector<1x16xf32> to vector<16xf32>
      %swap3A_101 = vector.shape_cast %broadcast_in_dim3A_1 : vector<16xf32> to vector<1x16xf32>
      tpu.vector_store %arg5[%swap3A_97, %swap3A_98], %swap3A_101 {strides = array<i32>} : memref<128x128xf32, #tpu.memory_space<vmem>>, vector<1x16xf32>,
    }
    %scan3A_6 = arith.constant 128 : i32
    %mul3A_7 = arith.constant 640 : i32
    %mul3A_8 = arith.muli %arg1, %mul3A_7 : i32
    %add3A_9 = arith.constant 0 : i32
    %add3A_10 = arith.addi %mul3A_8, %add3A_9 : i32
    "tpu.region"() ({
      %run_scoped3A = tpu.sem_alloc : memref<!tpu.dma_semaphore, #tpu.memory_space<semaphore_mem>>
      %dma_start3A = arith.constant 0 : i32
      %dma_start3A_62 = tpu.memref_slice %arg4[%add3A_10, %dma_start3A] : memref<10240x128xf32, #tpu.memory_space<vmem_shared>> -> memref<128x128xf32, #tpu.memory_space<vmem_shared>>
      %dma_start3A_63 = arith.constant 0 : i32
      %dma_start3A_64 = tpu.memref_slice %arg4[%add3A_10, %dma_start3A_63] : memref<10240x128xf32, #tpu.memory_space<vmem_shared>> -> memref<128x128xf32, #tpu.memory_space<vmem_shared>>
      tpu.enqueue_dma source(%arg5 : memref<128x128xf32, #tpu.memory_space<vmem>>) target(%dma_start3A_64 : memref<128x128xf32, #tpu.memory_space<vmem_shared>>) target_semaphore(%run_scoped3A : memref<!tpu.dma_semaphore, #tpu.memory_space<semaphore_mem>>)
      %dma_wait3A = arith.constant 0 : i32
      %dma_wait3A_65 = tpu.memref_slice %arg4[%add3A_10, %dma_wait3A] : memref<10240x128xf32, #tpu.memory_space<vmem_shared>> -> memref<128x128xf32, #tpu.memory_space<vmem_shared>>
      %dma_wait3A_66 = arith.constant 0 : i32
      %dma_wait3A_67 = tpu.memref_slice %arg4[%add3A_10, %dma_wait3A_66] : memref<10240x128xf32, #tpu.memory_space<vmem_shared>> -> memref<128x128xf32, #tpu.memory_space<vmem_shared>>
      tpu.wait_dma2 semaphore(%run_scoped3A : memref<!tpu.dma_semaphore, #tpu.memory_space<semaphore_mem>>) src(%arg5 : memref<128x128xf32, #tpu.memory_space<vmem>>) dst(%dma_wait3A_67 : memref<128x128xf32, #tpu.memory_space<vmem_shared>>)
      tpu.yield
    }) : () -> ()
    %mul3A_11 = arith.constant 640 : i32
    %mul3A_12 = arith.muli %arg1, %mul3A_11 : i32
    %add3A_13 = arith.constant 128 : i32
    %add3A_14 = arith.addi %mul3A_12, %add3A_13 : i32
    "tpu.region"() ({
      %run_scoped3A = tpu.sem_alloc : memref<!tpu.dma_semaphore, #tpu.memory_space<semaphore_mem>>
      %dma_start3A = arith.constant 0 : i32
      %dma_start3A_62 = tpu.memref_slice %arg4[%add3A_14, %dma_start3A] : memref<10240x128xf32, #tpu.memory_space<vmem_shared>> -> memref<128x128xf32, #tpu.memory_space<vmem_shared>>
      %dma_start3A_63 = arith.constant 0 : i32
      %dma_start3A_64 = tpu.memref_slice %arg4[%add3A_14, %dma_start3A_63] : memref<10240x128xf32, #tpu.memory_space<vmem_shared>> -> memref<128x128xf32, #tpu.memory_space<vmem_shared>>
      tpu.enqueue_dma source(%arg5 : memref<128x128xf32, #tpu.memory_space<vmem>>) target(%dma_start3A_64 : memref<128x128xf32, #tpu.memory_space<vmem_shared>>) target_semaphore(%run_scoped3A : memref<!tpu.dma_semaphore, #tpu.memory_space<semaphore_mem>>)
      %dma_wait3A = arith.constant 0 : i32
      %dma_wait3A_65 = tpu.memref_slice %arg4[%add3A_14, %dma_wait3A] : memref<10240x128xf32, #tpu.memory_space<vmem_shared>> -> memref<128x128xf32, #tpu.memory_space<vmem_shared>>
      %dma_wait3A_66 = arith.constant 0 : i32
      %dma_wait3A_67 = tpu.memref_slice %arg4[%add3A_14, %dma_wait3A_66] : memref<10240x128xf32, #tpu.memory_space<vmem_shared>> -> memref<128x128xf32, #tpu.memory_space<vmem_shared>>
      tpu.wait_dma2 semaphore(%run_scoped3A : memref<!tpu.dma_semaphore, #tpu.memory_space<semaphore_mem>>) src(%arg5 : memref<128x128xf32, #tpu.memory_space<vmem>>) dst(%dma_wait3A_67 : memref<128x128xf32, #tpu.memory_space<vmem_shared>>)
      tpu.yield
    }) : () -> ()
    %mul3A_15 = arith.constant 640 : i32
    %mul3A_16 = arith.muli %arg1, %mul3A_15 : i32
    %add3A_17 = arith.constant 256 : i32
    %add3A_18 = arith.addi %mul3A_16, %add3A_17 : i32
    "tpu.region"() ({
      %run_scoped3A = tpu.sem_alloc : memref<!tpu.dma_semaphore, #tpu.memory_space<semaphore_mem>>
      %dma_start3A = arith.constant 0 : i32
      %dma_start3A_62 = tpu.memref_slice %arg4[%add3A_18, %dma_start3A] : memref<10240x128xf32, #tpu.memory_space<vmem_shared>> -> memref<128x128xf32, #tpu.memory_space<vmem_shared>>
      %dma_start3A_63 = arith.constant 0 : i32
      %dma_start3A_64 = tpu.memref_slice %arg4[%add3A_18, %dma_start3A_63] : memref<10240x128xf32, #tpu.memory_space<vmem_shared>> -> memref<128x128xf32, #tpu.memory_space<vmem_shared>>
      tpu.enqueue_dma source(%arg5 : memref<128x128xf32, #tpu.memory_space<vmem>>) target(%dma_start3A_64 : memref<128x128xf32, #tpu.memory_space<vmem_shared>>) target_semaphore(%run_scoped3A : memref<!tpu.dma_semaphore, #tpu.memory_space<semaphore_mem>>)
      %dma_wait3A = arith.constant 0 : i32
      %dma_wait3A_65 = tpu.memref_slice %arg4[%add3A_18, %dma_wait3A] : memref<10240x128xf32, #tpu.memory_space<vmem_shared>> -> memref<128x128xf32, #tpu.memory_space<vmem_shared>>
      %dma_wait3A_66 = arith.constant 0 : i32
      %dma_wait3A_67 = tpu.memref_slice %arg4[%add3A_18, %dma_wait3A_66] : memref<10240x128xf32, #tpu.memory_space<vmem_shared>> -> memref<128x128xf32, #tpu.memory_space<vmem_shared>>
      tpu.wait_dma2 semaphore(%run_scoped3A : memref<!tpu.dma_semaphore, #tpu.memory_space<semaphore_mem>>) src(%arg5 : memref<128x128xf32, #tpu.memory_space<vmem>>) dst(%dma_wait3A_67 : memref<128x128xf32, #tpu.memory_space<vmem_shared>>)
      tpu.yield
    }) : () -> ()
    %mul3A_19 = arith.constant 640 : i32
    %mul3A_20 = arith.muli %arg1, %mul3A_19 : i32
    %add3A_21 = arith.constant 384 : i32
    %add3A_22 = arith.addi %mul3A_20, %add3A_21 : i32
    "tpu.region"() ({
      %run_scoped3A = tpu.sem_alloc : memref<!tpu.dma_semaphore, #tpu.memory_space<semaphore_mem>>
      %dma_start3A = arith.constant 0 : i32
      %dma_start3A_62 = tpu.memref_slice %arg4[%add3A_22, %dma_start3A] : memref<10240x128xf32, #tpu.memory_space<vmem_shared>> -> memref<128x128xf32, #tpu.memory_space<vmem_shared>>
      %dma_start3A_63 = arith.constant 0 : i32
      %dma_start3A_64 = tpu.memref_slice %arg4[%add3A_22, %dma_start3A_63] : memref<10240x128xf32, #tpu.memory_space<vmem_shared>> -> memref<128x128xf32, #tpu.memory_space<vmem_shared>>
      tpu.enqueue_dma source(%arg5 : memref<128x128xf32, #tpu.memory_space<vmem>>) target(%dma_start3A_64 : memref<128x128xf32, #tpu.memory_space<vmem_shared>>) target_semaphore(%run_scoped3A : memref<!tpu.dma_semaphore, #tpu.memory_space<semaphore_mem>>)
      %dma_wait3A = arith.constant 0 : i32
      %dma_wait3A_65 = tpu.memref_slice %arg4[%add3A_22, %dma_wait3A] : memref<10240x128xf32, #tpu.memory_space<vmem_shared>> -> memref<128x128xf32, #tpu.memory_space<vmem_shared>>
      %dma_wait3A_66 = arith.constant 0 : i32
      %dma_wait3A_67 = tpu.memref_slice %arg4[%add3A_22, %dma_wait3A_66] : memref<10240x128xf32, #tpu.memory_space<vmem_shared>> -> memref<128x128xf32, #tpu.memory_space<vmem_shared>>
      tpu.wait_dma2 semaphore(%run_scoped3A : memref<!tpu.dma_semaphore, #tpu.memory_space<semaphore_mem>>) src(%arg5 : memref<128x128xf32, #tpu.memory_space<vmem>>) dst(%dma_wait3A_67 : memref<128x128xf32, #tpu.memory_space<vmem_shared>>)
      tpu.yield
    }) : () -> ()
    %mul3A_23 = arith.constant 640 : i32
    %mul3A_24 = arith.muli %arg1, %mul3A_23 : i32
    %add3A_25 = arith.constant 512 : i32
    %add3A_26 = arith.addi %mul3A_24, %add3A_25 : i32
    "tpu.region"() ({
      %run_scoped3A = tpu.sem_alloc : memref<!tpu.dma_semaphore, #tpu.memory_space<semaphore_mem>>
      %dma_start3A = arith.constant 0 : i32
      %dma_start3A_62 = tpu.memref_slice %arg4[%add3A_26, %dma_start3A] : memref<10240x128xf32, #tpu.memory_space<vmem_shared>> -> memref<128x128xf32, #tpu.memory_space<vmem_shared>>
      %dma_start3A_63 = arith.constant 0 : i32
      %dma_start3A_64 = tpu.memref_slice %arg4[%add3A_26, %dma_start3A_63] : memref<10240x128xf32, #tpu.memory_space<vmem_shared>> -> memref<128x128xf32, #tpu.memory_space<vmem_shared>>
      tpu.enqueue_dma source(%arg5 : memref<128x128xf32, #tpu.memory_space<vmem>>) target(%dma_start3A_64 : memref<128x128xf32, #tpu.memory_space<vmem_shared>>) target_semaphore(%run_scoped3A : memref<!tpu.dma_semaphore, #tpu.memory_space<semaphore_mem>>)
      %dma_wait3A = arith.constant 0 : i32
      %dma_wait3A_65 = tpu.memref_slice %arg4[%add3A_26, %dma_wait3A] : memref<10240x128xf32, #tpu.memory_space<vmem_shared>> -> memref<128x128xf32, #tpu.memory_space<vmem_shared>>
      %dma_wait3A_66 = arith.constant 0 : i32
      %dma_wait3A_67 = tpu.memref_slice %arg4[%add3A_26, %dma_wait3A_66] : memref<10240x128xf32, #tpu.memory_space<vmem_shared>> -> memref<128x128xf32, #tpu.memory_space<vmem_shared>>
      tpu.wait_dma2 semaphore(%run_scoped3A : memref<!tpu.dma_semaphore, #tpu.memory_space<semaphore_mem>>) src(%arg5 : memref<128x128xf32, #tpu.memory_space<vmem>>) dst(%dma_wait3A_67 : memref<128x128xf32, #tpu.memory_space<vmem_shared>>)
      tpu.yield
    }) : () -> ()
    %broadcast_in_dim3A_27 = arith.constant 1.000000e+00 : f32
    %broadcast_in_dim3A_28 = vector.broadcast %broadcast_in_dim3A_27 : f32 to vector<16xf32>
    %scan3A_29 = arith.constant 0 : i32
    %scan3A_30 = arith.constant 0 : i32
    %scan3A_31 = arith.constant 128 : i32
    %scan3A_32 = arith.addi %scan3A_30, %scan3A_31 : i32
    %scan3A_33 = arith.constant 1 : i32
    scf.for %scan3A_62 = %scan3A_30 to %scan3A_32 step %scan3A_33  : i32 {
      %swap3A = arith.index_cast %scan3A_62 : i32 to index
      %swap3A_63 = arith.constant 0 : index
      %swap3A_64 = tpu.vector_load %arg5[%swap3A, %swap3A_63] {strides = array<i32>} : memref<128x128xf32, #tpu.memory_space<vmem>>, vector<1x16xf32>,
      %swap3A_65 = vector.shape_cast %swap3A_64 : vector<1x16xf32> to vector<16xf32>
      %swap3A_66 = vector.shape_cast %broadcast_in_dim3A_28 : vector<16xf32> to vector<1x16xf32>
      tpu.vector_store %arg5[%swap3A, %swap3A_63], %swap3A_66 {strides = array<i32>} : memref<128x128xf32, #tpu.memory_space<vmem>>, vector<1x16xf32>,
      %swap3A_67 = arith.index_cast %scan3A_62 : i32 to index
      %swap3A_68 = arith.constant 16 : index
      %swap3A_69 = tpu.vector_load %arg5[%swap3A_67, %swap3A_68] {strides = array<i32>} : memref<128x128xf32, #tpu.memory_space<vmem>>, vector<1x16xf32>,
      %swap3A_70 = vector.shape_cast %swap3A_69 : vector<1x16xf32> to vector<16xf32>
      %swap3A_71 = vector.shape_cast %broadcast_in_dim3A_28 : vector<16xf32> to vector<1x16xf32>
      tpu.vector_store %arg5[%swap3A_67, %swap3A_68], %swap3A_71 {strides = array<i32>} : memref<128x128xf32, #tpu.memory_space<vmem>>, vector<1x16xf32>,
      %swap3A_72 = arith.index_cast %scan3A_62 : i32 to index
      %swap3A_73 = arith.constant 32 : index
      %swap3A_74 = tpu.vector_load %arg5[%swap3A_72, %swap3A_73] {strides = array<i32>} : memref<128x128xf32, #tpu.memory_space<vmem>>, vector<1x16xf32>,
      %swap3A_75 = vector.shape_cast %swap3A_74 : vector<1x16xf32> to vector<16xf32>
      %swap3A_76 = vector.shape_cast %broadcast_in_dim3A_28 : vector<16xf32> to vector<1x16xf32>
      tpu.vector_store %arg5[%swap3A_72, %swap3A_73], %swap3A_76 {strides = array<i32>} : memref<128x128xf32, #tpu.memory_space<vmem>>, vector<1x16xf32>,
      %swap3A_77 = arith.index_cast %scan3A_62 : i32 to index
      %swap3A_78 = arith.constant 48 : index
      %swap3A_79 = tpu.vector_load %arg5[%swap3A_77, %swap3A_78] {strides = array<i32>} : memref<128x128xf32, #tpu.memory_space<vmem>>, vector<1x16xf32>,
      %swap3A_80 = vector.shape_cast %swap3A_79 : vector<1x16xf32> to vector<16xf32>
      %swap3A_81 = vector.shape_cast %broadcast_in_dim3A_28 : vector<16xf32> to vector<1x16xf32>
      tpu.vector_store %arg5[%swap3A_77, %swap3A_78], %swap3A_81 {strides = array<i32>} : memref<128x128xf32, #tpu.memory_space<vmem>>, vector<1x16xf32>,
      %swap3A_82 = arith.index_cast %scan3A_62 : i32 to index
      %swap3A_83 = arith.constant 64 : index
      %swap3A_84 = tpu.vector_load %arg5[%swap3A_82, %swap3A_83] {strides = array<i32>} : memref<128x128xf32, #tpu.memory_space<vmem>>, vector<1x16xf32>,
      %swap3A_85 = vector.shape_cast %swap3A_84 : vector<1x16xf32> to vector<16xf32>
      %swap3A_86 = vector.shape_cast %broadcast_in_dim3A_28 : vector<16xf32> to vector<1x16xf32>
      tpu.vector_store %arg5[%swap3A_82, %swap3A_83], %swap3A_86 {strides = array<i32>} : memref<128x128xf32, #tpu.memory_space<vmem>>, vector<1x16xf32>,
      %swap3A_87 = arith.index_cast %scan3A_62 : i32 to index
      %swap3A_88 = arith.constant 80 : index
      %swap3A_89 = tpu.vector_load %arg5[%swap3A_87, %swap3A_88] {strides = array<i32>} : memref<128x128xf32, #tpu.memory_space<vmem>>, vector<1x16xf32>,
      %swap3A_90 = vector.shape_cast %swap3A_89 : vector<1x16xf32> to vector<16xf32>
      %swap3A_91 = vector.shape_cast %broadcast_in_dim3A_28 : vector<16xf32> to vector<1x16xf32>
      tpu.vector_store %arg5[%swap3A_87, %swap3A_88], %swap3A_91 {strides = array<i32>} : memref<128x128xf32, #tpu.memory_space<vmem>>, vector<1x16xf32>,
      %swap3A_92 = arith.index_cast %scan3A_62 : i32 to index
      %swap3A_93 = arith.constant 96 : index
      %swap3A_94 = tpu.vector_load %arg5[%swap3A_92, %swap3A_93] {strides = array<i32>} : memref<128x128xf32, #tpu.memory_space<vmem>>, vector<1x16xf32>,
      %swap3A_95 = vector.shape_cast %swap3A_94 : vector<1x16xf32> to vector<16xf32>
      %swap3A_96 = vector.shape_cast %broadcast_in_dim3A_28 : vector<16xf32> to vector<1x16xf32>
      tpu.vector_store %arg5[%swap3A_92, %swap3A_93], %swap3A_96 {strides = array<i32>} : memref<128x128xf32, #tpu.memory_space<vmem>>, vector<1x16xf32>,
      %swap3A_97 = arith.index_cast %scan3A_62 : i32 to index
      %swap3A_98 = arith.constant 112 : index
      %swap3A_99 = tpu.vector_load %arg5[%swap3A_97, %swap3A_98] {strides = array<i32>} : memref<128x128xf32, #tpu.memory_space<vmem>>, vector<1x16xf32>,
      %swap3A_100 = vector.shape_cast %swap3A_99 : vector<1x16xf32> to vector<16xf32>
      %swap3A_101 = vector.shape_cast %broadcast_in_dim3A_28 : vector<16xf32> to vector<1x16xf32>
      tpu.vector_store %arg5[%swap3A_97, %swap3A_98], %swap3A_101 {strides = array<i32>} : memref<128x128xf32, #tpu.memory_space<vmem>>, vector<1x16xf32>,
    }
    %scan3A_34 = arith.constant 128 : i32
    "tpu.region"() ({
      %run_scoped3A = tpu.sem_alloc : memref<!tpu.dma_semaphore, #tpu.memory_space<semaphore_mem>>
      %dma_start3A = arith.constant 0 : i32
      %dma_start3A_62 = arith.constant 0 : i32
      %dma_start3A_63 = tpu.memref_slice %arg2[%add3A, %dma_start3A, %dma_start3A_62] : memref<32x80x128xi32, #tpu.memory_space<hbm>> -> memref<1x80x128xi32, #tpu.memory_space<hbm>>
      %dma_start3A_64 = tpu.memref_squeeze %dma_start3A_63 : memref<1x80x128xi32, #tpu.memory_space<hbm>> -> memref<80x128xi32, #tpu.memory_space<hbm>>
      %dma_start3A_65 = arith.constant 0 : i32
      %dma_start3A_66 = arith.constant 0 : i32
      %dma_start3A_67 = tpu.memref_slice %arg2[%add3A, %dma_start3A_65, %dma_start3A_66] : memref<32x80x128xi32, #tpu.memory_space<hbm>> -> memref<1x80x128xi32, #tpu.memory_space<hbm>>
      %dma_start3A_68 = tpu.memref_squeeze %dma_start3A_67 : memref<1x80x128xi32, #tpu.memory_space<hbm>> -> memref<80x128xi32, #tpu.memory_space<hbm>>
      tpu.enqueue_dma source(%dma_start3A_68 : memref<80x128xi32, #tpu.memory_space<hbm>>) target(%arg6 : memref<80x128xi32, #tpu.memory_space<vmem>>) target_semaphore(%run_scoped3A : memref<!tpu.dma_semaphore, #tpu.memory_space<semaphore_mem>>)
      %dma_wait3A = arith.constant 0 : i32
      %dma_wait3A_69 = arith.constant 0 : i32
      %dma_wait3A_70 = tpu.memref_slice %arg2[%add3A, %dma_wait3A, %dma_wait3A_69] : memref<32x80x128xi32, #tpu.memory_space<hbm>> -> memref<1x80x128xi32, #tpu.memory_space<hbm>>
      %dma_wait3A_71 = tpu.memref_squeeze %dma_wait3A_70 : memref<1x80x128xi32, #tpu.memory_space<hbm>> -> memref<80x128xi32, #tpu.memory_space<hbm>>
      %dma_wait3A_72 = arith.constant 0 : i32
      %dma_wait3A_73 = arith.constant 0 : i32
      %dma_wait3A_74 = tpu.memref_slice %arg2[%add3A, %dma_wait3A_72, %dma_wait3A_73] : memref<32x80x128xi32, #tpu.memory_space<hbm>> -> memref<1x80x128xi32, #tpu.memory_space<hbm>>
      %dma_wait3A_75 = tpu.memref_squeeze %dma_wait3A_74 : memref<1x80x128xi32, #tpu.memory_space<hbm>> -> memref<80x128xi32, #tpu.memory_space<hbm>>
      tpu.wait_dma2 semaphore(%run_scoped3A : memref<!tpu.dma_semaphore, #tpu.memory_space<semaphore_mem>>) src(%dma_wait3A_75 : memref<80x128xi32, #tpu.memory_space<hbm>>) dst(%arg6 : memref<80x128xi32, #tpu.memory_space<vmem>>)
      tpu.yield
    }) : () -> ()
    %barrier3A = arith.constant 0 : index
    tpu.barrier barrier_id(%barrier3A)
    %scan3A_35 = arith.constant 0 : i32
    %scan3A_36 = arith.constant 0 : i32
    %scan3A_37 = arith.constant 20 : i32
    %scan3A_38 = arith.addi %scan3A_36, %scan3A_37 : i32
    %scan3A_39 = arith.constant 1 : i32
    scf.for %scan3A_62 = %scan3A_36 to %scan3A_38 step %scan3A_39  : i32 {
      %mul3A_63 = arith.constant 4 : i32
      %mul3A_64 = arith.muli %mul3A_63, %scan3A_62 : i32
      %add3A_65 = arith.constant 0 : i32
      %add3A_66 = arith.addi %mul3A_64, %add3A_65 : i32
      %dma_start3A = arith.constant 0 : i32
      %dma_start3A_67 = tpu.memref_slice %arg6[%add3A_66, %dma_start3A] : memref<80x128xi32, #tpu.memory_space<vmem>> -> memref<1x128xi32, #tpu.memory_space<vmem>>
      %dma_start3A_68 = tpu.memref_squeeze %dma_start3A_67 : memref<1x128xi32, #tpu.memory_space<vmem>> -> memref<128xi32, #tpu.memory_space<vmem>>
      %dma_start3A_69 = arith.constant 0 : i32
      %dma_start3A_70 = arith.constant 0 : i32
      %dma_start3A_71 = tpu.memref_slice %arg4[%dma_start3A_69, %dma_start3A_70] : memref<10240x128xf32, #tpu.memory_space<vmem_shared>> -> memref<10240x128xf32, #tpu.memory_space<vmem_shared>>
      tpu.enqueue_indirect_dma source(%arg5 : memref<128x128xf32, #tpu.memory_space<vmem>>) target(%dma_start3A_71 : memref<10240x128xf32, #tpu.memory_space<vmem_shared>>) offsets(%dma_start3A_68 : memref<128xi32, #tpu.memory_space<vmem>>) semaphore(%arg7 : memref<!tpu.dma_semaphore, #tpu.memory_space<semaphore_mem>>) {add = true}
      %mul3A_72 = arith.constant 4 : i32
      %mul3A_73 = arith.muli %mul3A_72, %scan3A_62 : i32
      %add3A_74 = arith.constant 1 : i32
      %add3A_75 = arith.addi %mul3A_73, %add3A_74 : i32
      %dma_start3A_76 = arith.constant 0 : i32
      %dma_start3A_77 = tpu.memref_slice %arg6[%add3A_75, %dma_start3A_76] : memref<80x128xi32, #tpu.memory_space<vmem>> -> memref<1x128xi32, #tpu.memory_space<vmem>>
      %dma_start3A_78 = tpu.memref_squeeze %dma_start3A_77 : memref<1x128xi32, #tpu.memory_space<vmem>> -> memref<128xi32, #tpu.memory_space<vmem>>
      %dma_start3A_79 = arith.constant 0 : i32
      %dma_start3A_80 = arith.constant 0 : i32
      %dma_start3A_81 = tpu.memref_slice %arg4[%dma_start3A_79, %dma_start3A_80] : memref<10240x128xf32, #tpu.memory_space<vmem_shared>> -> memref<10240x128xf32, #tpu.memory_space<vmem_shared>>
      tpu.enqueue_indirect_dma source(%arg5 : memref<128x128xf32, #tpu.memory_space<vmem>>) target(%dma_start3A_81 : memref<10240x128xf32, #tpu.memory_space<vmem_shared>>) offsets(%dma_start3A_78 : memref<128xi32, #tpu.memory_space<vmem>>) semaphore(%arg7 : memref<!tpu.dma_semaphore, #tpu.memory_space<semaphore_mem>>) {add = true}
      %mul3A_82 = arith.constant 4 : i32
      %mul3A_83 = arith.muli %mul3A_82, %scan3A_62 : i32
      %add3A_84 = arith.constant 2 : i32
      %add3A_85 = arith.addi %mul3A_83, %add3A_84 : i32
      %dma_start3A_86 = arith.constant 0 : i32
      %dma_start3A_87 = tpu.memref_slice %arg6[%add3A_85, %dma_start3A_86] : memref<80x128xi32, #tpu.memory_space<vmem>> -> memref<1x128xi32, #tpu.memory_space<vmem>>
      %dma_start3A_88 = tpu.memref_squeeze %dma_start3A_87 : memref<1x128xi32, #tpu.memory_space<vmem>> -> memref<128xi32, #tpu.memory_space<vmem>>
      %dma_start3A_89 = arith.constant 0 : i32
      %dma_start3A_90 = arith.constant 0 : i32
      %dma_start3A_91 = tpu.memref_slice %arg4[%dma_start3A_89, %dma_start3A_90] : memref<10240x128xf32, #tpu.memory_space<vmem_shared>> -> memref<10240x128xf32, #tpu.memory_space<vmem_shared>>
      tpu.enqueue_indirect_dma source(%arg5 : memref<128x128xf32, #tpu.memory_space<vmem>>) target(%dma_start3A_91 : memref<10240x128xf32, #tpu.memory_space<vmem_shared>>) offsets(%dma_start3A_88 : memref<128xi32, #tpu.memory_space<vmem>>) semaphore(%arg7 : memref<!tpu.dma_semaphore, #tpu.memory_space<semaphore_mem>>) {add = true}
      %mul3A_92 = arith.constant 4 : i32
      %mul3A_93 = arith.muli %mul3A_92, %scan3A_62 : i32
      %add3A_94 = arith.constant 3 : i32
      %add3A_95 = arith.addi %mul3A_93, %add3A_94 : i32
      %dma_start3A_96 = arith.constant 0 : i32
      %dma_start3A_97 = tpu.memref_slice %arg6[%add3A_95, %dma_start3A_96] : memref<80x128xi32, #tpu.memory_space<vmem>> -> memref<1x128xi32, #tpu.memory_space<vmem>>
      %dma_start3A_98 = tpu.memref_squeeze %dma_start3A_97 : memref<1x128xi32, #tpu.memory_space<vmem>> -> memref<128xi32, #tpu.memory_space<vmem>>
      %dma_start3A_99 = arith.constant 0 : i32
      %dma_start3A_100 = arith.constant 0 : i32
      %dma_start3A_101 = tpu.memref_slice %arg4[%dma_start3A_99, %dma_start3A_100] : memref<10240x128xf32, #tpu.memory_space<vmem_shared>> -> memref<10240x128xf32, #tpu.memory_space<vmem_shared>>
      tpu.enqueue_indirect_dma source(%arg5 : memref<128x128xf32, #tpu.memory_space<vmem>>) target(%dma_start3A_101 : memref<10240x128xf32, #tpu.memory_space<vmem_shared>>) offsets(%dma_start3A_98 : memref<128xi32, #tpu.memory_space<vmem>>) semaphore(%arg7 : memref<!tpu.dma_semaphore, #tpu.memory_space<semaphore_mem>>) {add = true}
      %dma_wait3A = arith.constant 0 : i32
      %dma_wait3A_102 = arith.constant 0 : i32
      %dma_wait3A_103 = tpu.memref_slice %arg6[%dma_wait3A, %dma_wait3A_102] : memref<80x128xi32, #tpu.memory_space<vmem>> -> memref<1x128xi32, #tpu.memory_space<vmem>>
      %dma_wait3A_104 = tpu.memref_squeeze %dma_wait3A_103 : memref<1x128xi32, #tpu.memory_space<vmem>> -> memref<128xi32, #tpu.memory_space<vmem>>
      %dma_wait3A_105 = arith.constant 0 : i32
      %dma_wait3A_106 = arith.constant 0 : i32
      %dma_wait3A_107 = tpu.memref_slice %arg4[%dma_wait3A_105, %dma_wait3A_106] : memref<10240x128xf32, #tpu.memory_space<vmem_shared>> -> memref<10240x128xf32, #tpu.memory_space<vmem_shared>>
      tpu.wait_indirect_dma semaphore(%arg7 : memref<!tpu.dma_semaphore, #tpu.memory_space<semaphore_mem>>) src(%arg5 : memref<128x128xf32, #tpu.memory_space<vmem>>) dst(%dma_wait3A_107 : memref<10240x128xf32, #tpu.memory_space<vmem_shared>>)
      %dma_wait3A_108 = arith.constant 0 : i32
      %dma_wait3A_109 = arith.constant 0 : i32
      %dma_wait3A_110 = tpu.memref_slice %arg6[%dma_wait3A_108, %dma_wait3A_109] : memref<80x128xi32, #tpu.memory_space<vmem>> -> memref<1x128xi32, #tpu.memory_space<vmem>>
      %dma_wait3A_111 = tpu.memref_squeeze %dma_wait3A_110 : memref<1x128xi32, #tpu.memory_space<vmem>> -> memref<128xi32, #tpu.memory_space<vmem>>
      %dma_wait3A_112 = arith.constant 0 : i32
      %dma_wait3A_113 = arith.constant 0 : i32
      %dma_wait3A_114 = tpu.memref_slice %arg4[%dma_wait3A_112, %dma_wait3A_113] : memref<10240x128xf32, #tpu.memory_space<vmem_shared>> -> memref<10240x128xf32, #tpu.memory_space<vmem_shared>>
      tpu.wait_indirect_dma semaphore(%arg7 : memref<!tpu.dma_semaphore, #tpu.memory_space<semaphore_mem>>) src(%arg5 : memref<128x128xf32, #tpu.memory_space<vmem>>) dst(%dma_wait3A_114 : memref<10240x128xf32, #tpu.memory_space<vmem_shared>>)
      %dma_wait3A_115 = arith.constant 0 : i32
      %dma_wait3A_116 = arith.constant 0 : i32
      %dma_wait3A_117 = tpu.memref_slice %arg6[%dma_wait3A_115, %dma_wait3A_116] : memref<80x128xi32, #tpu.memory_space<vmem>> -> memref<1x128xi32, #tpu.memory_space<vmem>>
      %dma_wait3A_118 = tpu.memref_squeeze %dma_wait3A_117 : memref<1x128xi32, #tpu.memory_space<vmem>> -> memref<128xi32, #tpu.memory_space<vmem>>
      %dma_wait3A_119 = arith.constant 0 : i32
      %dma_wait3A_120 = arith.constant 0 : i32
      %dma_wait3A_121 = tpu.memref_slice %arg4[%dma_wait3A_119, %dma_wait3A_120] : memref<10240x128xf32, #tpu.memory_space<vmem_shared>> -> memref<10240x128xf32, #tpu.memory_space<vmem_shared>>
      tpu.wait_indirect_dma semaphore(%arg7 : memref<!tpu.dma_semaphore, #tpu.memory_space<semaphore_mem>>) src(%arg5 : memref<128x128xf32, #tpu.memory_space<vmem>>) dst(%dma_wait3A_121 : memref<10240x128xf32, #tpu.memory_space<vmem_shared>>)
      %dma_wait3A_122 = arith.constant 0 : i32
      %dma_wait3A_123 = arith.constant 0 : i32
      %dma_wait3A_124 = tpu.memref_slice %arg6[%dma_wait3A_122, %dma_wait3A_123] : memref<80x128xi32, #tpu.memory_space<vmem>> -> memref<1x128xi32, #tpu.memory_space<vmem>>
      %dma_wait3A_125 = tpu.memref_squeeze %dma_wait3A_124 : memref<1x128xi32, #tpu.memory_space<vmem>> -> memref<128xi32, #tpu.memory_space<vmem>>
      %dma_wait3A_126 = arith.constant 0 : i32
      %dma_wait3A_127 = arith.constant 0 : i32
      %dma_wait3A_128 = tpu.memref_slice %arg4[%dma_wait3A_126, %dma_wait3A_127] : memref<10240x128xf32, #tpu.memory_space<vmem_shared>> -> memref<10240x128xf32, #tpu.memory_space<vmem_shared>>
      tpu.wait_indirect_dma semaphore(%arg7 : memref<!tpu.dma_semaphore, #tpu.memory_space<semaphore_mem>>) src(%arg5 : memref<128x128xf32, #tpu.memory_space<vmem>>) dst(%dma_wait3A_128 : memref<10240x128xf32, #tpu.memory_space<vmem_shared>>)
    }
    %scan3A_40 = arith.constant 20 : i32
    %barrier3A_41 = arith.constant 0 : index
    tpu.barrier barrier_id(%barrier3A_41)
    %mul3A_42 = arith.constant 640 : i32
    %mul3A_43 = arith.muli %arg1, %mul3A_42 : i32
    %add3A_44 = arith.constant 0 : i32
    %add3A_45 = arith.addi %mul3A_43, %add3A_44 : i32
    "tpu.region"() ({
      %run_scoped3A = tpu.sem_alloc : memref<!tpu.dma_semaphore, #tpu.memory_space<semaphore_mem>>
      %dma_start3A = arith.constant 0 : i32
      %dma_start3A_62 = tpu.memref_slice %arg3[%arg0, %add3A_45, %dma_start3A] : memref<2x10240x128xf32, #tpu.memory_space<hbm>> -> memref<1x128x128xf32, #tpu.memory_space<hbm>>
      %dma_start3A_63 = tpu.memref_squeeze %dma_start3A_62 : memref<1x128x128xf32, #tpu.memory_space<hbm>> -> memref<128x128xf32, #tpu.memory_space<hbm>>
      %dma_start3A_64 = arith.constant 0 : i32
      %dma_start3A_65 = tpu.memref_slice %arg4[%add3A_45, %dma_start3A_64] : memref<10240x128xf32, #tpu.memory_space<vmem_shared>> -> memref<128x128xf32, #tpu.memory_space<vmem_shared>>
      tpu.enqueue_dma source(%dma_start3A_65 : memref<128x128xf32, #tpu.memory_space<vmem_shared>>) target(%dma_start3A_63 : memref<128x128xf32, #tpu.memory_space<hbm>>) target_semaphore(%run_scoped3A : memref<!tpu.dma_semaphore, #tpu.memory_space<semaphore_mem>>)
      %dma_wait3A = arith.constant 0 : i32
      %dma_wait3A_66 = tpu.memref_slice %arg3[%arg0, %add3A_45, %dma_wait3A] : memref<2x10240x128xf32, #tpu.memory_space<hbm>> -> memref<1x128x128xf32, #tpu.memory_space<hbm>>
      %dma_wait3A_67 = tpu.memref_squeeze %dma_wait3A_66 : memref<1x128x128xf32, #tpu.memory_space<hbm>> -> memref<128x128xf32, #tpu.memory_space<hbm>>
      %dma_wait3A_68 = arith.constant 0 : i32
      %dma_wait3A_69 = tpu.memref_slice %arg4[%add3A_45, %dma_wait3A_68] : memref<10240x128xf32, #tpu.memory_space<vmem_shared>> -> memref<128x128xf32, #tpu.memory_space<vmem_shared>>
      tpu.wait_dma2 semaphore(%run_scoped3A : memref<!tpu.dma_semaphore, #tpu.memory_space<semaphore_mem>>) src(%dma_wait3A_69 : memref<128x128xf32, #tpu.memory_space<vmem_shared>>) dst(%dma_wait3A_67 : memref<128x128xf32, #tpu.memory_space<hbm>>)
      tpu.yield
    }) : () -> ()
    %mul3A_46 = arith.constant 640 : i32
    %mul3A_47 = arith.muli %arg1, %mul3A_46 : i32
    %add3A_48 = arith.constant 128 : i32
    %add3A_49 = arith.addi %mul3A_47, %add3A_48 : i32
    "tpu.region"() ({
      %run_scoped3A = tpu.sem_alloc : memref<!tpu.dma_semaphore, #tpu.memory_space<semaphore_mem>>
      %dma_start3A = arith.constant 0 : i32
      %dma_start3A_62 = tpu.memref_slice %arg3[%arg0, %add3A_49, %dma_start3A] : memref<2x10240x128xf32, #tpu.memory_space<hbm>> -> memref<1x128x128xf32, #tpu.memory_space<hbm>>
      %dma_start3A_63 = tpu.memref_squeeze %dma_start3A_62 : memref<1x128x128xf32, #tpu.memory_space<hbm>> -> memref<128x128xf32, #tpu.memory_space<hbm>>
      %dma_start3A_64 = arith.constant 0 : i32
      %dma_start3A_65 = tpu.memref_slice %arg4[%add3A_49, %dma_start3A_64] : memref<10240x128xf32, #tpu.memory_space<vmem_shared>> -> memref<128x128xf32, #tpu.memory_space<vmem_shared>>
      tpu.enqueue_dma source(%dma_start3A_65 : memref<128x128xf32, #tpu.memory_space<vmem_shared>>) target(%dma_start3A_63 : memref<128x128xf32, #tpu.memory_space<hbm>>) target_semaphore(%run_scoped3A : memref<!tpu.dma_semaphore, #tpu.memory_space<semaphore_mem>>)
      %dma_wait3A = arith.constant 0 : i32
      %dma_wait3A_66 = tpu.memref_slice %arg3[%arg0, %add3A_49, %dma_wait3A] : memref<2x10240x128xf32, #tpu.memory_space<hbm>> -> memref<1x128x128xf32, #tpu.memory_space<hbm>>
      %dma_wait3A_67 = tpu.memref_squeeze %dma_wait3A_66 : memref<1x128x128xf32, #tpu.memory_space<hbm>> -> memref<128x128xf32, #tpu.memory_space<hbm>>
      %dma_wait3A_68 = arith.constant 0 : i32
      %dma_wait3A_69 = tpu.memref_slice %arg4[%add3A_49, %dma_wait3A_68] : memref<10240x128xf32, #tpu.memory_space<vmem_shared>> -> memref<128x128xf32, #tpu.memory_space<vmem_shared>>
      tpu.wait_dma2 semaphore(%run_scoped3A : memref<!tpu.dma_semaphore, #tpu.memory_space<semaphore_mem>>) src(%dma_wait3A_69 : memref<128x128xf32, #tpu.memory_space<vmem_shared>>) dst(%dma_wait3A_67 : memref<128x128xf32, #tpu.memory_space<hbm>>)
      tpu.yield
    }) : () -> ()
    %mul3A_50 = arith.constant 640 : i32
    %mul3A_51 = arith.muli %arg1, %mul3A_50 : i32
    %add3A_52 = arith.constant 256 : i32
    %add3A_53 = arith.addi %mul3A_51, %add3A_52 : i32
    "tpu.region"() ({
      %run_scoped3A = tpu.sem_alloc : memref<!tpu.dma_semaphore, #tpu.memory_space<semaphore_mem>>
      %dma_start3A = arith.constant 0 : i32
      %dma_start3A_62 = tpu.memref_slice %arg3[%arg0, %add3A_53, %dma_start3A] : memref<2x10240x128xf32, #tpu.memory_space<hbm>> -> memref<1x128x128xf32, #tpu.memory_space<hbm>>
      %dma_start3A_63 = tpu.memref_squeeze %dma_start3A_62 : memref<1x128x128xf32, #tpu.memory_space<hbm>> -> memref<128x128xf32, #tpu.memory_space<hbm>>
      %dma_start3A_64 = arith.constant 0 : i32
      %dma_start3A_65 = tpu.memref_slice %arg4[%add3A_53, %dma_start3A_64] : memref<10240x128xf32, #tpu.memory_space<vmem_shared>> -> memref<128x128xf32, #tpu.memory_space<vmem_shared>>
      tpu.enqueue_dma source(%dma_start3A_65 : memref<128x128xf32, #tpu.memory_space<vmem_shared>>) target(%dma_start3A_63 : memref<128x128xf32, #tpu.memory_space<hbm>>) target_semaphore(%run_scoped3A : memref<!tpu.dma_semaphore, #tpu.memory_space<semaphore_mem>>)
      %dma_wait3A = arith.constant 0 : i32
      %dma_wait3A_66 = tpu.memref_slice %arg3[%arg0, %add3A_53, %dma_wait3A] : memref<2x10240x128xf32, #tpu.memory_space<hbm>> -> memref<1x128x128xf32, #tpu.memory_space<hbm>>
      %dma_wait3A_67 = tpu.memref_squeeze %dma_wait3A_66 : memref<1x128x128xf32, #tpu.memory_space<hbm>> -> memref<128x128xf32, #tpu.memory_space<hbm>>
      %dma_wait3A_68 = arith.constant 0 : i32
      %dma_wait3A_69 = tpu.memref_slice %arg4[%add3A_53, %dma_wait3A_68] : memref<10240x128xf32, #tpu.memory_space<vmem_shared>> -> memref<128x128xf32, #tpu.memory_space<vmem_shared>>
      tpu.wait_dma2 semaphore(%run_scoped3A : memref<!tpu.dma_semaphore, #tpu.memory_space<semaphore_mem>>) src(%dma_wait3A_69 : memref<128x128xf32, #tpu.memory_space<vmem_shared>>) dst(%dma_wait3A_67 : memref<128x128xf32, #tpu.memory_space<hbm>>)
      tpu.yield
    }) : () -> ()
    %mul3A_54 = arith.constant 640 : i32
    %mul3A_55 = arith.muli %arg1, %mul3A_54 : i32
    %add3A_56 = arith.constant 384 : i32
    %add3A_57 = arith.addi %mul3A_55, %add3A_56 : i32
    "tpu.region"() ({
      %run_scoped3A = tpu.sem_alloc : memref<!tpu.dma_semaphore, #tpu.memory_space<semaphore_mem>>
      %dma_start3A = arith.constant 0 : i32
      %dma_start3A_62 = tpu.memref_slice %arg3[%arg0, %add3A_57, %dma_start3A] : memref<2x10240x128xf32, #tpu.memory_space<hbm>> -> memref<1x128x128xf32, #tpu.memory_space<hbm>>
      %dma_start3A_63 = tpu.memref_squeeze %dma_start3A_62 : memref<1x128x128xf32, #tpu.memory_space<hbm>> -> memref<128x128xf32, #tpu.memory_space<hbm>>
      %dma_start3A_64 = arith.constant 0 : i32
      %dma_start3A_65 = tpu.memref_slice %arg4[%add3A_57, %dma_start3A_64] : memref<10240x128xf32, #tpu.memory_space<vmem_shared>> -> memref<128x128xf32, #tpu.memory_space<vmem_shared>>
      tpu.enqueue_dma source(%dma_start3A_65 : memref<128x128xf32, #tpu.memory_space<vmem_shared>>) target(%dma_start3A_63 : memref<128x128xf32, #tpu.memory_space<hbm>>) target_semaphore(%run_scoped3A : memref<!tpu.dma_semaphore, #tpu.memory_space<semaphore_mem>>)
      %dma_wait3A = arith.constant 0 : i32
      %dma_wait3A_66 = tpu.memref_slice %arg3[%arg0, %add3A_57, %dma_wait3A] : memref<2x10240x128xf32, #tpu.memory_space<hbm>> -> memref<1x128x128xf32, #tpu.memory_space<hbm>>
      %dma_wait3A_67 = tpu.memref_squeeze %dma_wait3A_66 : memref<1x128x128xf32, #tpu.memory_space<hbm>> -> memref<128x128xf32, #tpu.memory_space<hbm>>
      %dma_wait3A_68 = arith.constant 0 : i32
      %dma_wait3A_69 = tpu.memref_slice %arg4[%add3A_57, %dma_wait3A_68] : memref<10240x128xf32, #tpu.memory_space<vmem_shared>> -> memref<128x128xf32, #tpu.memory_space<vmem_shared>>
      tpu.wait_dma2 semaphore(%run_scoped3A : memref<!tpu.dma_semaphore, #tpu.memory_space<semaphore_mem>>) src(%dma_wait3A_69 : memref<128x128xf32, #tpu.memory_space<vmem_shared>>) dst(%dma_wait3A_67 : memref<128x128xf32, #tpu.memory_space<hbm>>)
      tpu.yield
    }) : () -> ()
    %mul3A_58 = arith.constant 640 : i32
    %mul3A_59 = arith.muli %arg1, %mul3A_58 : i32
    %add3A_60 = arith.constant 512 : i32
    %add3A_61 = arith.addi %mul3A_59, %add3A_60 : i32
    "tpu.region"() ({
      %run_scoped3A = tpu.sem_alloc : memref<!tpu.dma_semaphore, #tpu.memory_space<semaphore_mem>>
      %dma_start3A = arith.constant 0 : i32
      %dma_start3A_62 = tpu.memref_slice %arg3[%arg0, %add3A_61, %dma_start3A] : memref<2x10240x128xf32, #tpu.memory_space<hbm>> -> memref<1x128x128xf32, #tpu.memory_space<hbm>>
      %dma_start3A_63 = tpu.memref_squeeze %dma_start3A_62 : memref<1x128x128xf32, #tpu.memory_space<hbm>> -> memref<128x128xf32, #tpu.memory_space<hbm>>
      %dma_start3A_64 = arith.constant 0 : i32
      %dma_start3A_65 = tpu.memref_slice %arg4[%add3A_61, %dma_start3A_64] : memref<10240x128xf32, #tpu.memory_space<vmem_shared>> -> memref<128x128xf32, #tpu.memory_space<vmem_shared>>
      tpu.enqueue_dma source(%dma_start3A_65 : memref<128x128xf32, #tpu.memory_space<vmem_shared>>) target(%dma_start3A_63 : memref<128x128xf32, #tpu.memory_space<hbm>>) target_semaphore(%run_scoped3A : memref<!tpu.dma_semaphore, #tpu.memory_space<semaphore_mem>>)
      %dma_wait3A = arith.constant 0 : i32
      %dma_wait3A_66 = tpu.memref_slice %arg3[%arg0, %add3A_61, %dma_wait3A] : memref<2x10240x128xf32, #tpu.memory_space<hbm>> -> memref<1x128x128xf32, #tpu.memory_space<hbm>>
      %dma_wait3A_67 = tpu.memref_squeeze %dma_wait3A_66 : memref<1x128x128xf32, #tpu.memory_space<hbm>> -> memref<128x128xf32, #tpu.memory_space<hbm>>
      %dma_wait3A_68 = arith.constant 0 : i32
      %dma_wait3A_69 = tpu.memref_slice %arg4[%add3A_61, %dma_wait3A_68] : memref<10240x128xf32, #tpu.memory_space<vmem_shared>> -> memref<128x128xf32, #tpu.memory_space<vmem_shared>>
      tpu.wait_dma2 semaphore(%run_scoped3A : memref<!tpu.dma_semaphore, #tpu.memory_space<semaphore_mem>>) src(%dma_wait3A_69 : memref<128x128xf32, #tpu.memory_space<vmem_shared>>) dst(%dma_wait3A_67 : memref<128x128xf32, #tpu.memory_space<hbm>>)
      tpu.yield
    }) : () -> ()
    return
  }
}

#map = affine_map<(d0, d1) -> (0, 0)>
#map1 = affine_map<(d0, d1) -> (0, 0, 0, 0)>
#map2 = affine_map<(d0, d1) -> (0, 0, 0)>
module attributes {stable_mosaic.version = 14 : i64} {
  func.func @_seg_body(%arg0: i32, %arg1: i32, %arg2: memref<10000x128xf32, #tpu.memory_space<hbm>>, %arg3: memref<32x10x8x128xi32, #tpu.memory_space<hbm>>, %arg4: memref<32x80x128xi32, #tpu.memory_space<hbm>>, %arg5: memref<2x10240x128xf32, #tpu.memory_space<hbm>>, %arg6: memref<10240x128xf32, #tpu.memory_space<vmem_shared>>, %arg7: memref<80x128xi32, #tpu.memory_space<vmem>>, %arg8: memref<2x8x128xi32, #tpu.memory_space<vmem>>, %arg9: memref<256x128xf32, #tpu.memory_space<vmem>>, %arg10: memref<!tpu.dma_semaphore, #tpu.memory_space<semaphore_mem>>, %arg11: memref<!tpu.dma_semaphore, #tpu.memory_space<semaphore_mem>>, %arg12: memref<!tpu.dma_semaphore, #tpu.memory_space<semaphore_mem>>) attributes {dimension_semantics = [#tpu.dimension_semantics<core_parallel>, #tpu.dimension_semantics<subcore_parallel>], iteration_bounds = array<i64: 2, 16>, scalar_prefetch = 0 : i64, scratch_operands = 7 : i64, tpu.core_type = #tpu.core_type<sc_vector_subcore>, window_params = [{transform_indices = #map}, {transform_indices = #map1}, {transform_indices = #map2}, {transform_indices = #map2}]} {
    %mul3A = arith.constant 2 : i32
    %mul3A_0 = arith.muli %arg1, %mul3A : i32
    %add3A = arith.addi %mul3A_0, %arg0 : i32
    %broadcast_in_dim3A = arith.constant 0.000000e+00 : f32
    %broadcast_in_dim3A_1 = vector.broadcast %broadcast_in_dim3A : f32 to vector<16xf32>
    %scan3A = arith.constant 0 : i32
    %scan3A_2 = arith.constant 0 : i32
    %scan3A_3 = arith.constant 128 : i32
    %scan3A_4 = arith.addi %scan3A_2, %scan3A_3 : i32
    %scan3A_5 = arith.constant 1 : i32
    scf.for %scan3A_142 = %scan3A_2 to %scan3A_4 step %scan3A_5  : i32 {
      %swap3A = arith.index_cast %scan3A_142 : i32 to index
      %swap3A_143 = arith.constant 0 : index
      %swap3A_144 = tpu.vector_load %arg9[%swap3A, %swap3A_143] {strides = array<i32>} : memref<256x128xf32, #tpu.memory_space<vmem>>, vector<1x16xf32>,
      %swap3A_145 = vector.shape_cast %swap3A_144 : vector<1x16xf32> to vector<16xf32>
      %swap3A_146 = vector.shape_cast %broadcast_in_dim3A_1 : vector<16xf32> to vector<1x16xf32>
      tpu.vector_store %arg9[%swap3A, %swap3A_143], %swap3A_146 {strides = array<i32>} : memref<256x128xf32, #tpu.memory_space<vmem>>, vector<1x16xf32>,
      %swap3A_147 = arith.index_cast %scan3A_142 : i32 to index
      %swap3A_148 = arith.constant 16 : index
      %swap3A_149 = tpu.vector_load %arg9[%swap3A_147, %swap3A_148] {strides = array<i32>} : memref<256x128xf32, #tpu.memory_space<vmem>>, vector<1x16xf32>,
      %swap3A_150 = vector.shape_cast %swap3A_149 : vector<1x16xf32> to vector<16xf32>
      %swap3A_151 = vector.shape_cast %broadcast_in_dim3A_1 : vector<16xf32> to vector<1x16xf32>
      tpu.vector_store %arg9[%swap3A_147, %swap3A_148], %swap3A_151 {strides = array<i32>} : memref<256x128xf32, #tpu.memory_space<vmem>>, vector<1x16xf32>,
      %swap3A_152 = arith.index_cast %scan3A_142 : i32 to index
      %swap3A_153 = arith.constant 32 : index
      %swap3A_154 = tpu.vector_load %arg9[%swap3A_152, %swap3A_153] {strides = array<i32>} : memref<256x128xf32, #tpu.memory_space<vmem>>, vector<1x16xf32>,
      %swap3A_155 = vector.shape_cast %swap3A_154 : vector<1x16xf32> to vector<16xf32>
      %swap3A_156 = vector.shape_cast %broadcast_in_dim3A_1 : vector<16xf32> to vector<1x16xf32>
      tpu.vector_store %arg9[%swap3A_152, %swap3A_153], %swap3A_156 {strides = array<i32>} : memref<256x128xf32, #tpu.memory_space<vmem>>, vector<1x16xf32>,
      %swap3A_157 = arith.index_cast %scan3A_142 : i32 to index
      %swap3A_158 = arith.constant 48 : index
      %swap3A_159 = tpu.vector_load %arg9[%swap3A_157, %swap3A_158] {strides = array<i32>} : memref<256x128xf32, #tpu.memory_space<vmem>>, vector<1x16xf32>,
      %swap3A_160 = vector.shape_cast %swap3A_159 : vector<1x16xf32> to vector<16xf32>
      %swap3A_161 = vector.shape_cast %broadcast_in_dim3A_1 : vector<16xf32> to vector<1x16xf32>
      tpu.vector_store %arg9[%swap3A_157, %swap3A_158], %swap3A_161 {strides = array<i32>} : memref<256x128xf32, #tpu.memory_space<vmem>>, vector<1x16xf32>,
      %swap3A_162 = arith.index_cast %scan3A_142 : i32 to index
      %swap3A_163 = arith.constant 64 : index
      %swap3A_164 = tpu.vector_load %arg9[%swap3A_162, %swap3A_163] {strides = array<i32>} : memref<256x128xf32, #tpu.memory_space<vmem>>, vector<1x16xf32>,
      %swap3A_165 = vector.shape_cast %swap3A_164 : vector<1x16xf32> to vector<16xf32>
      %swap3A_166 = vector.shape_cast %broadcast_in_dim3A_1 : vector<16xf32> to vector<1x16xf32>
      tpu.vector_store %arg9[%swap3A_162, %swap3A_163], %swap3A_166 {strides = array<i32>} : memref<256x128xf32, #tpu.memory_space<vmem>>, vector<1x16xf32>,
      %swap3A_167 = arith.index_cast %scan3A_142 : i32 to index
      %swap3A_168 = arith.constant 80 : index
      %swap3A_169 = tpu.vector_load %arg9[%swap3A_167, %swap3A_168] {strides = array<i32>} : memref<256x128xf32, #tpu.memory_space<vmem>>, vector<1x16xf32>,
      %swap3A_170 = vector.shape_cast %swap3A_169 : vector<1x16xf32> to vector<16xf32>
      %swap3A_171 = vector.shape_cast %broadcast_in_dim3A_1 : vector<16xf32> to vector<1x16xf32>
      tpu.vector_store %arg9[%swap3A_167, %swap3A_168], %swap3A_171 {strides = array<i32>} : memref<256x128xf32, #tpu.memory_space<vmem>>, vector<1x16xf32>,
      %swap3A_172 = arith.index_cast %scan3A_142 : i32 to index
      %swap3A_173 = arith.constant 96 : index
      %swap3A_174 = tpu.vector_load %arg9[%swap3A_172, %swap3A_173] {strides = array<i32>} : memref<256x128xf32, #tpu.memory_space<vmem>>, vector<1x16xf32>,
      %swap3A_175 = vector.shape_cast %swap3A_174 : vector<1x16xf32> to vector<16xf32>
      %swap3A_176 = vector.shape_cast %broadcast_in_dim3A_1 : vector<16xf32> to vector<1x16xf32>
      tpu.vector_store %arg9[%swap3A_172, %swap3A_173], %swap3A_176 {strides = array<i32>} : memref<256x128xf32, #tpu.memory_space<vmem>>, vector<1x16xf32>,
      %swap3A_177 = arith.index_cast %scan3A_142 : i32 to index
      %swap3A_178 = arith.constant 112 : index
      %swap3A_179 = tpu.vector_load %arg9[%swap3A_177, %swap3A_178] {strides = array<i32>} : memref<256x128xf32, #tpu.memory_space<vmem>>, vector<1x16xf32>,
      %swap3A_180 = vector.shape_cast %swap3A_179 : vector<1x16xf32> to vector<16xf32>
      %swap3A_181 = vector.shape_cast %broadcast_in_dim3A_1 : vector<16xf32> to vector<1x16xf32>
      tpu.vector_store %arg9[%swap3A_177, %swap3A_178], %swap3A_181 {strides = array<i32>} : memref<256x128xf32, #tpu.memory_space<vmem>>, vector<1x16xf32>,
    }
    %scan3A_6 = arith.constant 128 : i32
    %mul3A_7 = arith.constant 640 : i32
    %mul3A_8 = arith.muli %arg1, %mul3A_7 : i32
    %add3A_9 = arith.constant 0 : i32
    %add3A_10 = arith.addi %mul3A_8, %add3A_9 : i32
    "tpu.region"() ({
      %run_scoped3A_142 = tpu.sem_alloc : memref<!tpu.dma_semaphore, #tpu.memory_space<semaphore_mem>>
      %dma_start3A_143 = arith.constant 0 : i32
      %dma_start3A_144 = arith.constant 0 : i32
      %dma_start3A_145 = tpu.memref_slice %arg9[%dma_start3A_143, %dma_start3A_144] : memref<256x128xf32, #tpu.memory_space<vmem>> -> memref<128x128xf32, #tpu.memory_space<vmem>>
      %dma_start3A_146 = arith.constant 0 : i32
      %dma_start3A_147 = tpu.memref_slice %arg6[%add3A_10, %dma_start3A_146] : memref<10240x128xf32, #tpu.memory_space<vmem_shared>> -> memref<128x128xf32, #tpu.memory_space<vmem_shared>>
      %dma_start3A_148 = arith.constant 0 : i32
      %dma_start3A_149 = tpu.memref_slice %arg6[%add3A_10, %dma_start3A_148] : memref<10240x128xf32, #tpu.memory_space<vmem_shared>> -> memref<128x128xf32, #tpu.memory_space<vmem_shared>>
      %dma_start3A_150 = arith.constant 0 : i32
      %dma_start3A_151 = arith.constant 0 : i32
      %dma_start3A_152 = tpu.memref_slice %arg9[%dma_start3A_150, %dma_start3A_151] : memref<256x128xf32, #tpu.memory_space<vmem>> -> memref<128x128xf32, #tpu.memory_space<vmem>>
      tpu.enqueue_dma source(%dma_start3A_152 : memref<128x128xf32, #tpu.memory_space<vmem>>) target(%dma_start3A_149 : memref<128x128xf32, #tpu.memory_space<vmem_shared>>) target_semaphore(%run_scoped3A_142 : memref<!tpu.dma_semaphore, #tpu.memory_space<semaphore_mem>>)
      %dma_wait3A = arith.constant 0 : i32
      %dma_wait3A_153 = arith.constant 0 : i32
      %dma_wait3A_154 = tpu.memref_slice %arg9[%dma_wait3A, %dma_wait3A_153] : memref<256x128xf32, #tpu.memory_space<vmem>> -> memref<128x128xf32, #tpu.memory_space<vmem>>
      %dma_wait3A_155 = arith.constant 0 : i32
      %dma_wait3A_156 = tpu.memref_slice %arg6[%add3A_10, %dma_wait3A_155] : memref<10240x128xf32, #tpu.memory_space<vmem_shared>> -> memref<128x128xf32, #tpu.memory_space<vmem_shared>>
      %dma_wait3A_157 = arith.constant 0 : i32
      %dma_wait3A_158 = tpu.memref_slice %arg6[%add3A_10, %dma_wait3A_157] : memref<10240x128xf32, #tpu.memory_space<vmem_shared>> -> memref<128x128xf32, #tpu.memory_space<vmem_shared>>
      %dma_wait3A_159 = arith.constant 0 : i32
      %dma_wait3A_160 = arith.constant 0 : i32
      %dma_wait3A_161 = tpu.memref_slice %arg9[%dma_wait3A_159, %dma_wait3A_160] : memref<256x128xf32, #tpu.memory_space<vmem>> -> memref<128x128xf32, #tpu.memory_space<vmem>>
      tpu.wait_dma2 semaphore(%run_scoped3A_142 : memref<!tpu.dma_semaphore, #tpu.memory_space<semaphore_mem>>) src(%dma_wait3A_161 : memref<128x128xf32, #tpu.memory_space<vmem>>) dst(%dma_wait3A_158 : memref<128x128xf32, #tpu.memory_space<vmem_shared>>)
      tpu.yield
    }) : () -> ()
    %mul3A_11 = arith.constant 640 : i32
    %mul3A_12 = arith.muli %arg1, %mul3A_11 : i32
    %add3A_13 = arith.constant 128 : i32
    %add3A_14 = arith.addi %mul3A_12, %add3A_13 : i32
    "tpu.region"() ({
      %run_scoped3A_142 = tpu.sem_alloc : memref<!tpu.dma_semaphore, #tpu.memory_space<semaphore_mem>>
      %dma_start3A_143 = arith.constant 0 : i32
      %dma_start3A_144 = arith.constant 0 : i32
      %dma_start3A_145 = tpu.memref_slice %arg9[%dma_start3A_143, %dma_start3A_144] : memref<256x128xf32, #tpu.memory_space<vmem>> -> memref<128x128xf32, #tpu.memory_space<vmem>>
      %dma_start3A_146 = arith.constant 0 : i32
      %dma_start3A_147 = tpu.memref_slice %arg6[%add3A_14, %dma_start3A_146] : memref<10240x128xf32, #tpu.memory_space<vmem_shared>> -> memref<128x128xf32, #tpu.memory_space<vmem_shared>>
      %dma_start3A_148 = arith.constant 0 : i32
      %dma_start3A_149 = tpu.memref_slice %arg6[%add3A_14, %dma_start3A_148] : memref<10240x128xf32, #tpu.memory_space<vmem_shared>> -> memref<128x128xf32, #tpu.memory_space<vmem_shared>>
      %dma_start3A_150 = arith.constant 0 : i32
      %dma_start3A_151 = arith.constant 0 : i32
      %dma_start3A_152 = tpu.memref_slice %arg9[%dma_start3A_150, %dma_start3A_151] : memref<256x128xf32, #tpu.memory_space<vmem>> -> memref<128x128xf32, #tpu.memory_space<vmem>>
      tpu.enqueue_dma source(%dma_start3A_152 : memref<128x128xf32, #tpu.memory_space<vmem>>) target(%dma_start3A_149 : memref<128x128xf32, #tpu.memory_space<vmem_shared>>) target_semaphore(%run_scoped3A_142 : memref<!tpu.dma_semaphore, #tpu.memory_space<semaphore_mem>>)
      %dma_wait3A = arith.constant 0 : i32
      %dma_wait3A_153 = arith.constant 0 : i32
      %dma_wait3A_154 = tpu.memref_slice %arg9[%dma_wait3A, %dma_wait3A_153] : memref<256x128xf32, #tpu.memory_space<vmem>> -> memref<128x128xf32, #tpu.memory_space<vmem>>
      %dma_wait3A_155 = arith.constant 0 : i32
      %dma_wait3A_156 = tpu.memref_slice %arg6[%add3A_14, %dma_wait3A_155] : memref<10240x128xf32, #tpu.memory_space<vmem_shared>> -> memref<128x128xf32, #tpu.memory_space<vmem_shared>>
      %dma_wait3A_157 = arith.constant 0 : i32
      %dma_wait3A_158 = tpu.memref_slice %arg6[%add3A_14, %dma_wait3A_157] : memref<10240x128xf32, #tpu.memory_space<vmem_shared>> -> memref<128x128xf32, #tpu.memory_space<vmem_shared>>
      %dma_wait3A_159 = arith.constant 0 : i32
      %dma_wait3A_160 = arith.constant 0 : i32
      %dma_wait3A_161 = tpu.memref_slice %arg9[%dma_wait3A_159, %dma_wait3A_160] : memref<256x128xf32, #tpu.memory_space<vmem>> -> memref<128x128xf32, #tpu.memory_space<vmem>>
      tpu.wait_dma2 semaphore(%run_scoped3A_142 : memref<!tpu.dma_semaphore, #tpu.memory_space<semaphore_mem>>) src(%dma_wait3A_161 : memref<128x128xf32, #tpu.memory_space<vmem>>) dst(%dma_wait3A_158 : memref<128x128xf32, #tpu.memory_space<vmem_shared>>)
      tpu.yield
    }) : () -> ()
    %mul3A_15 = arith.constant 640 : i32
    %mul3A_16 = arith.muli %arg1, %mul3A_15 : i32
    %add3A_17 = arith.constant 256 : i32
    %add3A_18 = arith.addi %mul3A_16, %add3A_17 : i32
    "tpu.region"() ({
      %run_scoped3A_142 = tpu.sem_alloc : memref<!tpu.dma_semaphore, #tpu.memory_space<semaphore_mem>>
      %dma_start3A_143 = arith.constant 0 : i32
      %dma_start3A_144 = arith.constant 0 : i32
      %dma_start3A_145 = tpu.memref_slice %arg9[%dma_start3A_143, %dma_start3A_144] : memref<256x128xf32, #tpu.memory_space<vmem>> -> memref<128x128xf32, #tpu.memory_space<vmem>>
      %dma_start3A_146 = arith.constant 0 : i32
      %dma_start3A_147 = tpu.memref_slice %arg6[%add3A_18, %dma_start3A_146] : memref<10240x128xf32, #tpu.memory_space<vmem_shared>> -> memref<128x128xf32, #tpu.memory_space<vmem_shared>>
      %dma_start3A_148 = arith.constant 0 : i32
      %dma_start3A_149 = tpu.memref_slice %arg6[%add3A_18, %dma_start3A_148] : memref<10240x128xf32, #tpu.memory_space<vmem_shared>> -> memref<128x128xf32, #tpu.memory_space<vmem_shared>>
      %dma_start3A_150 = arith.constant 0 : i32
      %dma_start3A_151 = arith.constant 0 : i32
      %dma_start3A_152 = tpu.memref_slice %arg9[%dma_start3A_150, %dma_start3A_151] : memref<256x128xf32, #tpu.memory_space<vmem>> -> memref<128x128xf32, #tpu.memory_space<vmem>>
      tpu.enqueue_dma source(%dma_start3A_152 : memref<128x128xf32, #tpu.memory_space<vmem>>) target(%dma_start3A_149 : memref<128x128xf32, #tpu.memory_space<vmem_shared>>) target_semaphore(%run_scoped3A_142 : memref<!tpu.dma_semaphore, #tpu.memory_space<semaphore_mem>>)
      %dma_wait3A = arith.constant 0 : i32
      %dma_wait3A_153 = arith.constant 0 : i32
      %dma_wait3A_154 = tpu.memref_slice %arg9[%dma_wait3A, %dma_wait3A_153] : memref<256x128xf32, #tpu.memory_space<vmem>> -> memref<128x128xf32, #tpu.memory_space<vmem>>
      %dma_wait3A_155 = arith.constant 0 : i32
      %dma_wait3A_156 = tpu.memref_slice %arg6[%add3A_18, %dma_wait3A_155] : memref<10240x128xf32, #tpu.memory_space<vmem_shared>> -> memref<128x128xf32, #tpu.memory_space<vmem_shared>>
      %dma_wait3A_157 = arith.constant 0 : i32
      %dma_wait3A_158 = tpu.memref_slice %arg6[%add3A_18, %dma_wait3A_157] : memref<10240x128xf32, #tpu.memory_space<vmem_shared>> -> memref<128x128xf32, #tpu.memory_space<vmem_shared>>
      %dma_wait3A_159 = arith.constant 0 : i32
      %dma_wait3A_160 = arith.constant 0 : i32
      %dma_wait3A_161 = tpu.memref_slice %arg9[%dma_wait3A_159, %dma_wait3A_160] : memref<256x128xf32, #tpu.memory_space<vmem>> -> memref<128x128xf32, #tpu.memory_space<vmem>>
      tpu.wait_dma2 semaphore(%run_scoped3A_142 : memref<!tpu.dma_semaphore, #tpu.memory_space<semaphore_mem>>) src(%dma_wait3A_161 : memref<128x128xf32, #tpu.memory_space<vmem>>) dst(%dma_wait3A_158 : memref<128x128xf32, #tpu.memory_space<vmem_shared>>)
      tpu.yield
    }) : () -> ()
    %mul3A_19 = arith.constant 640 : i32
    %mul3A_20 = arith.muli %arg1, %mul3A_19 : i32
    %add3A_21 = arith.constant 384 : i32
    %add3A_22 = arith.addi %mul3A_20, %add3A_21 : i32
    "tpu.region"() ({
      %run_scoped3A_142 = tpu.sem_alloc : memref<!tpu.dma_semaphore, #tpu.memory_space<semaphore_mem>>
      %dma_start3A_143 = arith.constant 0 : i32
      %dma_start3A_144 = arith.constant 0 : i32
      %dma_start3A_145 = tpu.memref_slice %arg9[%dma_start3A_143, %dma_start3A_144] : memref<256x128xf32, #tpu.memory_space<vmem>> -> memref<128x128xf32, #tpu.memory_space<vmem>>
      %dma_start3A_146 = arith.constant 0 : i32
      %dma_start3A_147 = tpu.memref_slice %arg6[%add3A_22, %dma_start3A_146] : memref<10240x128xf32, #tpu.memory_space<vmem_shared>> -> memref<128x128xf32, #tpu.memory_space<vmem_shared>>
      %dma_start3A_148 = arith.constant 0 : i32
      %dma_start3A_149 = tpu.memref_slice %arg6[%add3A_22, %dma_start3A_148] : memref<10240x128xf32, #tpu.memory_space<vmem_shared>> -> memref<128x128xf32, #tpu.memory_space<vmem_shared>>
      %dma_start3A_150 = arith.constant 0 : i32
      %dma_start3A_151 = arith.constant 0 : i32
      %dma_start3A_152 = tpu.memref_slice %arg9[%dma_start3A_150, %dma_start3A_151] : memref<256x128xf32, #tpu.memory_space<vmem>> -> memref<128x128xf32, #tpu.memory_space<vmem>>
      tpu.enqueue_dma source(%dma_start3A_152 : memref<128x128xf32, #tpu.memory_space<vmem>>) target(%dma_start3A_149 : memref<128x128xf32, #tpu.memory_space<vmem_shared>>) target_semaphore(%run_scoped3A_142 : memref<!tpu.dma_semaphore, #tpu.memory_space<semaphore_mem>>)
      %dma_wait3A = arith.constant 0 : i32
      %dma_wait3A_153 = arith.constant 0 : i32
      %dma_wait3A_154 = tpu.memref_slice %arg9[%dma_wait3A, %dma_wait3A_153] : memref<256x128xf32, #tpu.memory_space<vmem>> -> memref<128x128xf32, #tpu.memory_space<vmem>>
      %dma_wait3A_155 = arith.constant 0 : i32
      %dma_wait3A_156 = tpu.memref_slice %arg6[%add3A_22, %dma_wait3A_155] : memref<10240x128xf32, #tpu.memory_space<vmem_shared>> -> memref<128x128xf32, #tpu.memory_space<vmem_shared>>
      %dma_wait3A_157 = arith.constant 0 : i32
      %dma_wait3A_158 = tpu.memref_slice %arg6[%add3A_22, %dma_wait3A_157] : memref<10240x128xf32, #tpu.memory_space<vmem_shared>> -> memref<128x128xf32, #tpu.memory_space<vmem_shared>>
      %dma_wait3A_159 = arith.constant 0 : i32
      %dma_wait3A_160 = arith.constant 0 : i32
      %dma_wait3A_161 = tpu.memref_slice %arg9[%dma_wait3A_159, %dma_wait3A_160] : memref<256x128xf32, #tpu.memory_space<vmem>> -> memref<128x128xf32, #tpu.memory_space<vmem>>
      tpu.wait_dma2 semaphore(%run_scoped3A_142 : memref<!tpu.dma_semaphore, #tpu.memory_space<semaphore_mem>>) src(%dma_wait3A_161 : memref<128x128xf32, #tpu.memory_space<vmem>>) dst(%dma_wait3A_158 : memref<128x128xf32, #tpu.memory_space<vmem_shared>>)
      tpu.yield
    }) : () -> ()
    %mul3A_23 = arith.constant 640 : i32
    %mul3A_24 = arith.muli %arg1, %mul3A_23 : i32
    %add3A_25 = arith.constant 512 : i32
    %add3A_26 = arith.addi %mul3A_24, %add3A_25 : i32
    "tpu.region"() ({
      %run_scoped3A_142 = tpu.sem_alloc : memref<!tpu.dma_semaphore, #tpu.memory_space<semaphore_mem>>
      %dma_start3A_143 = arith.constant 0 : i32
      %dma_start3A_144 = arith.constant 0 : i32
      %dma_start3A_145 = tpu.memref_slice %arg9[%dma_start3A_143, %dma_start3A_144] : memref<256x128xf32, #tpu.memory_space<vmem>> -> memref<128x128xf32, #tpu.memory_space<vmem>>
      %dma_start3A_146 = arith.constant 0 : i32
      %dma_start3A_147 = tpu.memref_slice %arg6[%add3A_26, %dma_start3A_146] : memref<10240x128xf32, #tpu.memory_space<vmem_shared>> -> memref<128x128xf32, #tpu.memory_space<vmem_shared>>
      %dma_start3A_148 = arith.constant 0 : i32
      %dma_start3A_149 = tpu.memref_slice %arg6[%add3A_26, %dma_start3A_148] : memref<10240x128xf32, #tpu.memory_space<vmem_shared>> -> memref<128x128xf32, #tpu.memory_space<vmem_shared>>
      %dma_start3A_150 = arith.constant 0 : i32
      %dma_start3A_151 = arith.constant 0 : i32
      %dma_start3A_152 = tpu.memref_slice %arg9[%dma_start3A_150, %dma_start3A_151] : memref<256x128xf32, #tpu.memory_space<vmem>> -> memref<128x128xf32, #tpu.memory_space<vmem>>
      tpu.enqueue_dma source(%dma_start3A_152 : memref<128x128xf32, #tpu.memory_space<vmem>>) target(%dma_start3A_149 : memref<128x128xf32, #tpu.memory_space<vmem_shared>>) target_semaphore(%run_scoped3A_142 : memref<!tpu.dma_semaphore, #tpu.memory_space<semaphore_mem>>)
      %dma_wait3A = arith.constant 0 : i32
      %dma_wait3A_153 = arith.constant 0 : i32
      %dma_wait3A_154 = tpu.memref_slice %arg9[%dma_wait3A, %dma_wait3A_153] : memref<256x128xf32, #tpu.memory_space<vmem>> -> memref<128x128xf32, #tpu.memory_space<vmem>>
      %dma_wait3A_155 = arith.constant 0 : i32
      %dma_wait3A_156 = tpu.memref_slice %arg6[%add3A_26, %dma_wait3A_155] : memref<10240x128xf32, #tpu.memory_space<vmem_shared>> -> memref<128x128xf32, #tpu.memory_space<vmem_shared>>
      %dma_wait3A_157 = arith.constant 0 : i32
      %dma_wait3A_158 = tpu.memref_slice %arg6[%add3A_26, %dma_wait3A_157] : memref<10240x128xf32, #tpu.memory_space<vmem_shared>> -> memref<128x128xf32, #tpu.memory_space<vmem_shared>>
      %dma_wait3A_159 = arith.constant 0 : i32
      %dma_wait3A_160 = arith.constant 0 : i32
      %dma_wait3A_161 = tpu.memref_slice %arg9[%dma_wait3A_159, %dma_wait3A_160] : memref<256x128xf32, #tpu.memory_space<vmem>> -> memref<128x128xf32, #tpu.memory_space<vmem>>
      tpu.wait_dma2 semaphore(%run_scoped3A_142 : memref<!tpu.dma_semaphore, #tpu.memory_space<semaphore_mem>>) src(%dma_wait3A_161 : memref<128x128xf32, #tpu.memory_space<vmem>>) dst(%dma_wait3A_158 : memref<128x128xf32, #tpu.memory_space<vmem_shared>>)
      tpu.yield
    }) : () -> ()
    "tpu.region"() ({
      %run_scoped3A_142 = tpu.sem_alloc : memref<!tpu.dma_semaphore, #tpu.memory_space<semaphore_mem>>
      %dma_start3A_143 = arith.constant 0 : i32
      %dma_start3A_144 = arith.constant 0 : i32
      %dma_start3A_145 = tpu.memref_slice %arg4[%add3A, %dma_start3A_143, %dma_start3A_144] : memref<32x80x128xi32, #tpu.memory_space<hbm>> -> memref<1x80x128xi32, #tpu.memory_space<hbm>>
      %dma_start3A_146 = tpu.memref_squeeze %dma_start3A_145 : memref<1x80x128xi32, #tpu.memory_space<hbm>> -> memref<80x128xi32, #tpu.memory_space<hbm>>
      %dma_start3A_147 = arith.constant 0 : i32
      %dma_start3A_148 = arith.constant 0 : i32
      %dma_start3A_149 = tpu.memref_slice %arg4[%add3A, %dma_start3A_147, %dma_start3A_148] : memref<32x80x128xi32, #tpu.memory_space<hbm>> -> memref<1x80x128xi32, #tpu.memory_space<hbm>>
      %dma_start3A_150 = tpu.memref_squeeze %dma_start3A_149 : memref<1x80x128xi32, #tpu.memory_space<hbm>> -> memref<80x128xi32, #tpu.memory_space<hbm>>
      tpu.enqueue_dma source(%dma_start3A_150 : memref<80x128xi32, #tpu.memory_space<hbm>>) target(%arg7 : memref<80x128xi32, #tpu.memory_space<vmem>>) target_semaphore(%run_scoped3A_142 : memref<!tpu.dma_semaphore, #tpu.memory_space<semaphore_mem>>)
      %dma_wait3A = arith.constant 0 : i32
      %dma_wait3A_151 = arith.constant 0 : i32
      %dma_wait3A_152 = tpu.memref_slice %arg4[%add3A, %dma_wait3A, %dma_wait3A_151] : memref<32x80x128xi32, #tpu.memory_space<hbm>> -> memref<1x80x128xi32, #tpu.memory_space<hbm>>
      %dma_wait3A_153 = tpu.memref_squeeze %dma_wait3A_152 : memref<1x80x128xi32, #tpu.memory_space<hbm>> -> memref<80x128xi32, #tpu.memory_space<hbm>>
      %dma_wait3A_154 = arith.constant 0 : i32
      %dma_wait3A_155 = arith.constant 0 : i32
      %dma_wait3A_156 = tpu.memref_slice %arg4[%add3A, %dma_wait3A_154, %dma_wait3A_155] : memref<32x80x128xi32, #tpu.memory_space<hbm>> -> memref<1x80x128xi32, #tpu.memory_space<hbm>>
      %dma_wait3A_157 = tpu.memref_squeeze %dma_wait3A_156 : memref<1x80x128xi32, #tpu.memory_space<hbm>> -> memref<80x128xi32, #tpu.memory_space<hbm>>
      tpu.wait_dma2 semaphore(%run_scoped3A_142 : memref<!tpu.dma_semaphore, #tpu.memory_space<semaphore_mem>>) src(%dma_wait3A_157 : memref<80x128xi32, #tpu.memory_space<hbm>>) dst(%arg7 : memref<80x128xi32, #tpu.memory_space<vmem>>)
      tpu.yield
    }) : () -> ()
    %run_scoped3A = arith.constant 0 : i32
    %run_scoped3A_27 = arith.constant 0 : i32
    "tpu.region"() ({
      %run_scoped3A_142 = tpu.sem_alloc : memref<!tpu.dma_semaphore, #tpu.memory_space<semaphore_mem>>
      %dma_start3A_143 = arith.constant 0 : i32
      %dma_start3A_144 = arith.constant 0 : i32
      %dma_start3A_145 = tpu.memref_slice %arg8[%run_scoped3A_27, %dma_start3A_143, %dma_start3A_144] : memref<2x8x128xi32, #tpu.memory_space<vmem>> -> memref<1x8x128xi32, #tpu.memory_space<vmem>>
      %dma_start3A_146 = tpu.memref_squeeze %dma_start3A_145 : memref<1x8x128xi32, #tpu.memory_space<vmem>> -> memref<8x128xi32, #tpu.memory_space<vmem>>
      %dma_start3A_147 = arith.constant 0 : i32
      %dma_start3A_148 = arith.constant 0 : i32
      %dma_start3A_149 = tpu.memref_slice %arg3[%add3A, %run_scoped3A, %dma_start3A_147, %dma_start3A_148] : memref<32x10x8x128xi32, #tpu.memory_space<hbm>> -> memref<1x1x8x128xi32, #tpu.memory_space<hbm>>
      %dma_start3A_150 = tpu.memref_squeeze %dma_start3A_149 : memref<1x1x8x128xi32, #tpu.memory_space<hbm>> -> memref<8x128xi32, #tpu.memory_space<hbm>>
      %dma_start3A_151 = arith.constant 0 : i32
      %dma_start3A_152 = arith.constant 0 : i32
      %dma_start3A_153 = tpu.memref_slice %arg8[%run_scoped3A_27, %dma_start3A_151, %dma_start3A_152] : memref<2x8x128xi32, #tpu.memory_space<vmem>> -> memref<1x8x128xi32, #tpu.memory_space<vmem>>
      %dma_start3A_154 = tpu.memref_squeeze %dma_start3A_153 : memref<1x8x128xi32, #tpu.memory_space<vmem>> -> memref<8x128xi32, #tpu.memory_space<vmem>>
      %dma_start3A_155 = arith.constant 0 : i32
      %dma_start3A_156 = arith.constant 0 : i32
      %dma_start3A_157 = tpu.memref_slice %arg3[%add3A, %run_scoped3A, %dma_start3A_155, %dma_start3A_156] : memref<32x10x8x128xi32, #tpu.memory_space<hbm>> -> memref<1x1x8x128xi32, #tpu.memory_space<hbm>>
      %dma_start3A_158 = tpu.memref_squeeze %dma_start3A_157 : memref<1x1x8x128xi32, #tpu.memory_space<hbm>> -> memref<8x128xi32, #tpu.memory_space<hbm>>
      tpu.enqueue_dma source(%dma_start3A_158 : memref<8x128xi32, #tpu.memory_space<hbm>>) target(%dma_start3A_154 : memref<8x128xi32, #tpu.memory_space<vmem>>) target_semaphore(%run_scoped3A_142 : memref<!tpu.dma_semaphore, #tpu.memory_space<semaphore_mem>>)
      %dma_wait3A = arith.constant 0 : i32
      %dma_wait3A_159 = arith.constant 0 : i32
      %dma_wait3A_160 = tpu.memref_slice %arg8[%run_scoped3A_27, %dma_wait3A, %dma_wait3A_159] : memref<2x8x128xi32, #tpu.memory_space<vmem>> -> memref<1x8x128xi32, #tpu.memory_space<vmem>>
      %dma_wait3A_161 = tpu.memref_squeeze %dma_wait3A_160 : memref<1x8x128xi32, #tpu.memory_space<vmem>> -> memref<8x128xi32, #tpu.memory_space<vmem>>
      %dma_wait3A_162 = arith.constant 0 : i32
      %dma_wait3A_163 = arith.constant 0 : i32
      %dma_wait3A_164 = tpu.memref_slice %arg3[%add3A, %run_scoped3A, %dma_wait3A_162, %dma_wait3A_163] : memref<32x10x8x128xi32, #tpu.memory_space<hbm>> -> memref<1x1x8x128xi32, #tpu.memory_space<hbm>>
      %dma_wait3A_165 = tpu.memref_squeeze %dma_wait3A_164 : memref<1x1x8x128xi32, #tpu.memory_space<hbm>> -> memref<8x128xi32, #tpu.memory_space<hbm>>
      %dma_wait3A_166 = arith.constant 0 : i32
      %dma_wait3A_167 = arith.constant 0 : i32
      %dma_wait3A_168 = tpu.memref_slice %arg8[%run_scoped3A_27, %dma_wait3A_166, %dma_wait3A_167] : memref<2x8x128xi32, #tpu.memory_space<vmem>> -> memref<1x8x128xi32, #tpu.memory_space<vmem>>
      %dma_wait3A_169 = tpu.memref_squeeze %dma_wait3A_168 : memref<1x8x128xi32, #tpu.memory_space<vmem>> -> memref<8x128xi32, #tpu.memory_space<vmem>>
      %dma_wait3A_170 = arith.constant 0 : i32
      %dma_wait3A_171 = arith.constant 0 : i32
      %dma_wait3A_172 = tpu.memref_slice %arg3[%add3A, %run_scoped3A, %dma_wait3A_170, %dma_wait3A_171] : memref<32x10x8x128xi32, #tpu.memory_space<hbm>> -> memref<1x1x8x128xi32, #tpu.memory_space<hbm>>
      %dma_wait3A_173 = tpu.memref_squeeze %dma_wait3A_172 : memref<1x1x8x128xi32, #tpu.memory_space<hbm>> -> memref<8x128xi32, #tpu.memory_space<hbm>>
      tpu.wait_dma2 semaphore(%run_scoped3A_142 : memref<!tpu.dma_semaphore, #tpu.memory_space<semaphore_mem>>) src(%dma_wait3A_173 : memref<8x128xi32, #tpu.memory_space<hbm>>) dst(%dma_wait3A_169 : memref<8x128xi32, #tpu.memory_space<vmem>>)
      tpu.yield
    }) : () -> ()
    %dma_start3A = arith.constant 0 : i32
    %dma_start3A_28 = arith.constant 0 : i32
    %dma_start3A_29 = arith.constant 0 : i32
    %dma_start3A_30 = arith.constant 0 : i32
    %dma_start3A_31 = tpu.memref_slice %arg9[%dma_start3A_29, %dma_start3A_30] : memref<256x128xf32, #tpu.memory_space<vmem>> -> memref<32x128xf32, #tpu.memory_space<vmem>>
    %dma_start3A_32 = arith.constant 0 : i32
    %dma_start3A_33 = tpu.memref_slice %arg8[%dma_start3A, %dma_start3A_28, %dma_start3A_32] : memref<2x8x128xi32, #tpu.memory_space<vmem>> -> memref<1x1x32xi32, #tpu.memory_space<vmem>>
    %dma_start3A_34 = tpu.memref_squeeze %dma_start3A_33 : memref<1x1x32xi32, #tpu.memory_space<vmem>> -> memref<32xi32, #tpu.memory_space<vmem>>
    %dma_start3A_35 = arith.constant 0 : i32
    %dma_start3A_36 = arith.constant 0 : i32
    %dma_start3A_37 = tpu.memref_slice %arg2[%dma_start3A_35, %dma_start3A_36] : memref<10000x128xf32, #tpu.memory_space<hbm>> -> memref<10000x128xf32, #tpu.memory_space<hbm>>
    tpu.enqueue_indirect_dma source(%dma_start3A_37 : memref<10000x128xf32, #tpu.memory_space<hbm>>) target(%dma_start3A_31 : memref<32x128xf32, #tpu.memory_space<vmem>>) offsets(%dma_start3A_34 : memref<32xi32, #tpu.memory_space<vmem>>) semaphore(%arg10 : memref<!tpu.dma_semaphore, #tpu.memory_space<semaphore_mem>>)
    %dma_start3A_38 = arith.constant 0 : i32
    %dma_start3A_39 = arith.constant 0 : i32
    %dma_start3A_40 = arith.constant 32 : i32
    %dma_start3A_41 = arith.constant 0 : i32
    %dma_start3A_42 = tpu.memref_slice %arg9[%dma_start3A_40, %dma_start3A_41] : memref<256x128xf32, #tpu.memory_space<vmem>> -> memref<32x128xf32, #tpu.memory_space<vmem>>
    %dma_start3A_43 = arith.constant 32 : i32
    %dma_start3A_44 = tpu.memref_slice %arg8[%dma_start3A_38, %dma_start3A_39, %dma_start3A_43] : memref<2x8x128xi32, #tpu.memory_space<vmem>> -> memref<1x1x32xi32, #tpu.memory_space<vmem>>
    %dma_start3A_45 = tpu.memref_squeeze %dma_start3A_44 : memref<1x1x32xi32, #tpu.memory_space<vmem>> -> memref<32xi32, #tpu.memory_space<vmem>>
    %dma_start3A_46 = arith.constant 0 : i32
    %dma_start3A_47 = arith.constant 0 : i32
    %dma_start3A_48 = tpu.memref_slice %arg2[%dma_start3A_46, %dma_start3A_47] : memref<10000x128xf32, #tpu.memory_space<hbm>> -> memref<10000x128xf32, #tpu.memory_space<hbm>>
    tpu.enqueue_indirect_dma source(%dma_start3A_48 : memref<10000x128xf32, #tpu.memory_space<hbm>>) target(%dma_start3A_42 : memref<32x128xf32, #tpu.memory_space<vmem>>) offsets(%dma_start3A_45 : memref<32xi32, #tpu.memory_space<vmem>>) semaphore(%arg10 : memref<!tpu.dma_semaphore, #tpu.memory_space<semaphore_mem>>)
    %dma_start3A_49 = arith.constant 0 : i32
    %dma_start3A_50 = arith.constant 0 : i32
    %dma_start3A_51 = arith.constant 64 : i32
    %dma_start3A_52 = arith.constant 0 : i32
    %dma_start3A_53 = tpu.memref_slice %arg9[%dma_start3A_51, %dma_start3A_52] : memref<256x128xf32, #tpu.memory_space<vmem>> -> memref<32x128xf32, #tpu.memory_space<vmem>>
    %dma_start3A_54 = arith.constant 64 : i32
    %dma_start3A_55 = tpu.memref_slice %arg8[%dma_start3A_49, %dma_start3A_50, %dma_start3A_54] : memref<2x8x128xi32, #tpu.memory_space<vmem>> -> memref<1x1x32xi32, #tpu.memory_space<vmem>>
    %dma_start3A_56 = tpu.memref_squeeze %dma_start3A_55 : memref<1x1x32xi32, #tpu.memory_space<vmem>> -> memref<32xi32, #tpu.memory_space<vmem>>
    %dma_start3A_57 = arith.constant 0 : i32
    %dma_start3A_58 = arith.constant 0 : i32
    %dma_start3A_59 = tpu.memref_slice %arg2[%dma_start3A_57, %dma_start3A_58] : memref<10000x128xf32, #tpu.memory_space<hbm>> -> memref<10000x128xf32, #tpu.memory_space<hbm>>
    tpu.enqueue_indirect_dma source(%dma_start3A_59 : memref<10000x128xf32, #tpu.memory_space<hbm>>) target(%dma_start3A_53 : memref<32x128xf32, #tpu.memory_space<vmem>>) offsets(%dma_start3A_56 : memref<32xi32, #tpu.memory_space<vmem>>) semaphore(%arg10 : memref<!tpu.dma_semaphore, #tpu.memory_space<semaphore_mem>>)
    %dma_start3A_60 = arith.constant 0 : i32
    %dma_start3A_61 = arith.constant 0 : i32
    %dma_start3A_62 = arith.constant 96 : i32
    %dma_start3A_63 = arith.constant 0 : i32
    %dma_start3A_64 = tpu.memref_slice %arg9[%dma_start3A_62, %dma_start3A_63] : memref<256x128xf32, #tpu.memory_space<vmem>> -> memref<32x128xf32, #tpu.memory_space<vmem>>
    %dma_start3A_65 = arith.constant 96 : i32
    %dma_start3A_66 = tpu.memref_slice %arg8[%dma_start3A_60, %dma_start3A_61, %dma_start3A_65] : memref<2x8x128xi32, #tpu.memory_space<vmem>> -> memref<1x1x32xi32, #tpu.memory_space<vmem>>
    %dma_start3A_67 = tpu.memref_squeeze %dma_start3A_66 : memref<1x1x32xi32, #tpu.memory_space<vmem>> -> memref<32xi32, #tpu.memory_space<vmem>>
    %dma_start3A_68 = arith.constant 0 : i32
    %dma_start3A_69 = arith.constant 0 : i32
    %dma_start3A_70 = tpu.memref_slice %arg2[%dma_start3A_68, %dma_start3A_69] : memref<10000x128xf32, #tpu.memory_space<hbm>> -> memref<10000x128xf32, #tpu.memory_space<hbm>>
    tpu.enqueue_indirect_dma source(%dma_start3A_70 : memref<10000x128xf32, #tpu.memory_space<hbm>>) target(%dma_start3A_64 : memref<32x128xf32, #tpu.memory_space<vmem>>) offsets(%dma_start3A_67 : memref<32xi32, #tpu.memory_space<vmem>>) semaphore(%arg10 : memref<!tpu.dma_semaphore, #tpu.memory_space<semaphore_mem>>)
    %dma_start3A_71 = arith.constant 0 : i32
    %dma_start3A_72 = arith.constant 1 : i32
    %dma_start3A_73 = arith.constant 128 : i32
    %dma_start3A_74 = arith.constant 0 : i32
    %dma_start3A_75 = tpu.memref_slice %arg9[%dma_start3A_73, %dma_start3A_74] : memref<256x128xf32, #tpu.memory_space<vmem>> -> memref<32x128xf32, #tpu.memory_space<vmem>>
    %dma_start3A_76 = arith.constant 0 : i32
    %dma_start3A_77 = tpu.memref_slice %arg8[%dma_start3A_71, %dma_start3A_72, %dma_start3A_76] : memref<2x8x128xi32, #tpu.memory_space<vmem>> -> memref<1x1x32xi32, #tpu.memory_space<vmem>>
    %dma_start3A_78 = tpu.memref_squeeze %dma_start3A_77 : memref<1x1x32xi32, #tpu.memory_space<vmem>> -> memref<32xi32, #tpu.memory_space<vmem>>
    %dma_start3A_79 = arith.constant 0 : i32
    %dma_start3A_80 = arith.constant 0 : i32
    %dma_start3A_81 = tpu.memref_slice %arg2[%dma_start3A_79, %dma_start3A_80] : memref<10000x128xf32, #tpu.memory_space<hbm>> -> memref<10000x128xf32, #tpu.memory_space<hbm>>
    tpu.enqueue_indirect_dma source(%dma_start3A_81 : memref<10000x128xf32, #tpu.memory_space<hbm>>) target(%dma_start3A_75 : memref<32x128xf32, #tpu.memory_space<vmem>>) offsets(%dma_start3A_78 : memref<32xi32, #tpu.memory_space<vmem>>) semaphore(%arg11 : memref<!tpu.dma_semaphore, #tpu.memory_space<semaphore_mem>>)
    %dma_start3A_82 = arith.constant 0 : i32
    %dma_start3A_83 = arith.constant 1 : i32
    %dma_start3A_84 = arith.constant 160 : i32
    %dma_start3A_85 = arith.constant 0 : i32
    %dma_start3A_86 = tpu.memref_slice %arg9[%dma_start3A_84, %dma_start3A_85] : memref<256x128xf32, #tpu.memory_space<vmem>> -> memref<32x128xf32, #tpu.memory_space<vmem>>
    %dma_start3A_87 = arith.constant 32 : i32
    %dma_start3A_88 = tpu.memref_slice %arg8[%dma_start3A_82, %dma_start3A_83, %dma_start3A_87] : memref<2x8x128xi32, #tpu.memory_space<vmem>> -> memref<1x1x32xi32, #tpu.memory_space<vmem>>
    %dma_start3A_89 = tpu.memref_squeeze %dma_start3A_88 : memref<1x1x32xi32, #tpu.memory_space<vmem>> -> memref<32xi32, #tpu.memory_space<vmem>>
    %dma_start3A_90 = arith.constant 0 : i32
    %dma_start3A_91 = arith.constant 0 : i32
    %dma_start3A_92 = tpu.memref_slice %arg2[%dma_start3A_90, %dma_start3A_91] : memref<10000x128xf32, #tpu.memory_space<hbm>> -> memref<10000x128xf32, #tpu.memory_space<hbm>>
    tpu.enqueue_indirect_dma source(%dma_start3A_92 : memref<10000x128xf32, #tpu.memory_space<hbm>>) target(%dma_start3A_86 : memref<32x128xf32, #tpu.memory_space<vmem>>) offsets(%dma_start3A_89 : memref<32xi32, #tpu.memory_space<vmem>>) semaphore(%arg11 : memref<!tpu.dma_semaphore, #tpu.memory_space<semaphore_mem>>)
    %dma_start3A_93 = arith.constant 0 : i32
    %dma_start3A_94 = arith.constant 1 : i32
    %dma_start3A_95 = arith.constant 192 : i32
    %dma_start3A_96 = arith.constant 0 : i32
    %dma_start3A_97 = tpu.memref_slice %arg9[%dma_start3A_95, %dma_start3A_96] : memref<256x128xf32, #tpu.memory_space<vmem>> -> memref<32x128xf32, #tpu.memory_space<vmem>>
    %dma_start3A_98 = arith.constant 64 : i32
    %dma_start3A_99 = tpu.memref_slice %arg8[%dma_start3A_93, %dma_start3A_94, %dma_start3A_98] : memref<2x8x128xi32, #tpu.memory_space<vmem>> -> memref<1x1x32xi32, #tpu.memory_space<vmem>>
    %dma_start3A_100 = tpu.memref_squeeze %dma_start3A_99 : memref<1x1x32xi32, #tpu.memory_space<vmem>> -> memref<32xi32, #tpu.memory_space<vmem>>
    %dma_start3A_101 = arith.constant 0 : i32
    %dma_start3A_102 = arith.constant 0 : i32
    %dma_start3A_103 = tpu.memref_slice %arg2[%dma_start3A_101, %dma_start3A_102] : memref<10000x128xf32, #tpu.memory_space<hbm>> -> memref<10000x128xf32, #tpu.memory_space<hbm>>
    tpu.enqueue_indirect_dma source(%dma_start3A_103 : memref<10000x128xf32, #tpu.memory_space<hbm>>) target(%dma_start3A_97 : memref<32x128xf32, #tpu.memory_space<vmem>>) offsets(%dma_start3A_100 : memref<32xi32, #tpu.memory_space<vmem>>) semaphore(%arg11 : memref<!tpu.dma_semaphore, #tpu.memory_space<semaphore_mem>>)
    %dma_start3A_104 = arith.constant 0 : i32
    %dma_start3A_105 = arith.constant 1 : i32
    %dma_start3A_106 = arith.constant 224 : i32
    %dma_start3A_107 = arith.constant 0 : i32
    %dma_start3A_108 = tpu.memref_slice %arg9[%dma_start3A_106, %dma_start3A_107] : memref<256x128xf32, #tpu.memory_space<vmem>> -> memref<32x128xf32, #tpu.memory_space<vmem>>
    %dma_start3A_109 = arith.constant 96 : i32
    %dma_start3A_110 = tpu.memref_slice %arg8[%dma_start3A_104, %dma_start3A_105, %dma_start3A_109] : memref<2x8x128xi32, #tpu.memory_space<vmem>> -> memref<1x1x32xi32, #tpu.memory_space<vmem>>
    %dma_start3A_111 = tpu.memref_squeeze %dma_start3A_110 : memref<1x1x32xi32, #tpu.memory_space<vmem>> -> memref<32xi32, #tpu.memory_space<vmem>>
    %dma_start3A_112 = arith.constant 0 : i32
    %dma_start3A_113 = arith.constant 0 : i32
    %dma_start3A_114 = tpu.memref_slice %arg2[%dma_start3A_112, %dma_start3A_113] : memref<10000x128xf32, #tpu.memory_space<hbm>> -> memref<10000x128xf32, #tpu.memory_space<hbm>>
    tpu.enqueue_indirect_dma source(%dma_start3A_114 : memref<10000x128xf32, #tpu.memory_space<hbm>>) target(%dma_start3A_108 : memref<32x128xf32, #tpu.memory_space<vmem>>) offsets(%dma_start3A_111 : memref<32xi32, #tpu.memory_space<vmem>>) semaphore(%arg11 : memref<!tpu.dma_semaphore, #tpu.memory_space<semaphore_mem>>)
    %barrier3A = arith.constant 0 : index
    tpu.barrier barrier_id(%barrier3A)
    %scan3A_115 = arith.constant 0 : i32
    %scan3A_116 = arith.constant 0 : i32
    %scan3A_117 = arith.constant 40 : i32
    %scan3A_118 = arith.addi %scan3A_116, %scan3A_117 : i32
    %scan3A_119 = arith.constant 1 : i32
    scf.for %scan3A_142 = %scan3A_116 to %scan3A_118 step %scan3A_119  : i32 {
      %mul3A_143 = arith.constant 2 : i32
      %mul3A_144 = arith.muli %mul3A_143, %scan3A_142 : i32
      %jit3A = arith.constant 8 : i32
      %div3A = arith.divsi %mul3A_144, %jit3A : i32
      %sign3A = arith.constant 0 : i32
      %sign3A_145 = arith.cmpi sgt, %mul3A_144, %sign3A : i32
      %sign3A_146 = arith.extui %sign3A_145 : i1 to i32
      %sign3A_147 = arith.constant 0 : i32
      %sign3A_148 = arith.cmpi slt, %mul3A_144, %sign3A_147 : i32
      %sign3A_149 = arith.extui %sign3A_148 : i1 to i32
      %sign3A_150 = arith.subi %sign3A_146, %sign3A_149 : i32
      %sign3A_151 = arith.constant 0 : i32
      %sign3A_152 = arith.cmpi sgt, %jit3A, %sign3A_151 : i32
      %sign3A_153 = arith.extui %sign3A_152 : i1 to i32
      %sign3A_154 = arith.constant 0 : i32
      %sign3A_155 = arith.cmpi slt, %jit3A, %sign3A_154 : i32
      %sign3A_156 = arith.extui %sign3A_155 : i1 to i32
      %sign3A_157 = arith.subi %sign3A_153, %sign3A_156 : i32
      %ne3A = arith.cmpi ne, %sign3A_150, %sign3A_157 : i32
      %rem3A = arith.remsi %mul3A_144, %jit3A : i32
      %ne3A_158 = arith.constant 0 : i32
      %ne3A_159 = arith.cmpi ne, %rem3A, %ne3A_158 : i32
      %and3A = arith.andi %ne3A, %ne3A_159 : i1
      %sub3A = arith.constant 1 : i32
      %sub3A_160 = arith.subi %div3A, %sub3A : i32
      %select_n3A = arith.select %and3A, %sub3A_160, %div3A : i32
      %jit3A_161 = arith.constant 8 : i32
      %eq3A = arith.constant 0 : i32
      %eq3A_162 = arith.cmpi eq, %jit3A_161, %eq3A : i32
      %jit3A_163 = arith.constant 1 : i32
      %select_n3A_164 = arith.select %eq3A_162, %jit3A_163, %jit3A_161 : i32
      %rem3A_165 = arith.remsi %mul3A_144, %select_n3A_164 : i32
      %ne3A_166 = arith.constant 0 : i32
      %ne3A_167 = arith.cmpi ne, %rem3A_165, %ne3A_166 : i32
      %lt3A = arith.constant 0 : i32
      %lt3A_168 = arith.cmpi slt, %rem3A_165, %lt3A : i32
      %lt3A_169 = arith.constant 0 : i32
      %lt3A_170 = arith.cmpi slt, %select_n3A_164, %lt3A_169 : i32
      %ne3A_171 = arith.xori %lt3A_168, %lt3A_170 : i1
      %and3A_172 = arith.andi %ne3A_171, %ne3A_167 : i1
      %add3A_173 = arith.addi %rem3A_165, %select_n3A_164 : i32
      %select_n3A_174 = arith.select %and3A_172, %add3A_173, %rem3A_165 : i32
      %eq3A_175 = arith.constant 0 : i32
      %eq3A_176 = arith.cmpi eq, %select_n3A_174, %eq3A_175 : i32
      %add3A_177 = arith.constant 1 : i32
      %add3A_178 = arith.addi %select_n3A, %add3A_177 : i32
      %lt3A_179 = arith.constant 10 : i32
      %lt3A_180 = arith.cmpi slt, %add3A_178, %lt3A_179 : i32
      %and3A_181 = arith.andi %eq3A_176, %lt3A_180 : i1
      %convert_element_type3A = arith.extui %and3A_181 : i1 to i32
      %cond3A = arith.constant 0 : i32
      %cond3A_182 = arith.cmpi ne, %convert_element_type3A, %cond3A : i32
      scf.if %cond3A_182 {
        %add3A_296 = arith.constant 1 : i32
        %add3A_297 = arith.addi %select_n3A, %add3A_296 : i32
        %add3A_298 = arith.constant 1 : i32
        %add3A_299 = arith.addi %select_n3A, %add3A_298 : i32
        %jit3A_300 = arith.constant 2 : i32
        %eq3A_301 = arith.constant 0 : i32
        %eq3A_302 = arith.cmpi eq, %jit3A_300, %eq3A_301 : i32
        %jit3A_303 = arith.constant 1 : i32
        %select_n3A_304 = arith.select %eq3A_302, %jit3A_303, %jit3A_300 : i32
        %rem3A_305 = arith.remsi %add3A_299, %select_n3A_304 : i32
        %ne3A_306 = arith.constant 0 : i32
        %ne3A_307 = arith.cmpi ne, %rem3A_305, %ne3A_306 : i32
        %lt3A_308 = arith.constant 0 : i32
        %lt3A_309 = arith.cmpi slt, %rem3A_305, %lt3A_308 : i32
        %lt3A_310 = arith.constant 0 : i32
        %lt3A_311 = arith.cmpi slt, %select_n3A_304, %lt3A_310 : i32
        %ne3A_312 = arith.xori %lt3A_309, %lt3A_311 : i1
        %and3A_313 = arith.andi %ne3A_312, %ne3A_307 : i1
        %add3A_314 = arith.addi %rem3A_305, %select_n3A_304 : i32
        %select_n3A_315 = arith.select %and3A_313, %add3A_314, %rem3A_305 : i32
        %dma_start3A_316 = arith.constant 0 : i32
        %dma_start3A_317 = arith.constant 0 : i32
        %dma_start3A_318 = tpu.memref_slice %arg8[%select_n3A_315, %dma_start3A_316, %dma_start3A_317] : memref<2x8x128xi32, #tpu.memory_space<vmem>> -> memref<1x8x128xi32, #tpu.memory_space<vmem>>
        %dma_start3A_319 = tpu.memref_squeeze %dma_start3A_318 : memref<1x8x128xi32, #tpu.memory_space<vmem>> -> memref<8x128xi32, #tpu.memory_space<vmem>>
        %dma_start3A_320 = arith.constant 0 : i32
        %dma_start3A_321 = arith.constant 0 : i32
        %dma_start3A_322 = tpu.memref_slice %arg3[%add3A, %add3A_297, %dma_start3A_320, %dma_start3A_321] : memref<32x10x8x128xi32, #tpu.memory_space<hbm>> -> memref<1x1x8x128xi32, #tpu.memory_space<hbm>>
        %dma_start3A_323 = tpu.memref_squeeze %dma_start3A_322 : memref<1x1x8x128xi32, #tpu.memory_space<hbm>> -> memref<8x128xi32, #tpu.memory_space<hbm>>
        %dma_start3A_324 = arith.constant 0 : i32
        %dma_start3A_325 = arith.constant 0 : i32
        %dma_start3A_326 = tpu.memref_slice %arg8[%select_n3A_315, %dma_start3A_324, %dma_start3A_325] : memref<2x8x128xi32, #tpu.memory_space<vmem>> -> memref<1x8x128xi32, #tpu.memory_space<vmem>>
        %dma_start3A_327 = tpu.memref_squeeze %dma_start3A_326 : memref<1x8x128xi32, #tpu.memory_space<vmem>> -> memref<8x128xi32, #tpu.memory_space<vmem>>
        %dma_start3A_328 = arith.constant 0 : i32
        %dma_start3A_329 = arith.constant 0 : i32
        %dma_start3A_330 = tpu.memref_slice %arg3[%add3A, %add3A_297, %dma_start3A_328, %dma_start3A_329] : memref<32x10x8x128xi32, #tpu.memory_space<hbm>> -> memref<1x1x8x128xi32, #tpu.memory_space<hbm>>
        %dma_start3A_331 = tpu.memref_squeeze %dma_start3A_330 : memref<1x1x8x128xi32, #tpu.memory_space<hbm>> -> memref<8x128xi32, #tpu.memory_space<hbm>>
        tpu.enqueue_dma source(%dma_start3A_331 : memref<8x128xi32, #tpu.memory_space<hbm>>) target(%dma_start3A_327 : memref<8x128xi32, #tpu.memory_space<vmem>>) target_semaphore(%arg12 : memref<!tpu.dma_semaphore, #tpu.memory_space<semaphore_mem>>)
      } else {
      }
      %eq3A_183 = arith.constant 6 : i32
      %eq3A_184 = arith.cmpi eq, %select_n3A_174, %eq3A_183 : i32
      %add3A_185 = arith.constant 1 : i32
      %add3A_186 = arith.addi %select_n3A, %add3A_185 : i32
      %lt3A_187 = arith.constant 10 : i32
      %lt3A_188 = arith.cmpi slt, %add3A_186, %lt3A_187 : i32
      %and3A_189 = arith.andi %eq3A_184, %lt3A_188 : i1
      %convert_element_type3A_190 = arith.extui %and3A_189 : i1 to i32
      %cond3A_191 = arith.constant 0 : i32
      %cond3A_192 = arith.cmpi ne, %convert_element_type3A_190, %cond3A_191 : i32
      scf.if %cond3A_192 {
        %dma_wait3A_296 = arith.constant 0 : i32
        %dma_wait3A_297 = arith.constant 0 : i32
        %dma_wait3A_298 = arith.constant 0 : i32
        %dma_wait3A_299 = arith.constant 0 : i32
        %dma_wait3A_300 = tpu.memref_slice %arg8[%dma_wait3A_297, %dma_wait3A_298, %dma_wait3A_299] : memref<2x8x128xi32, #tpu.memory_space<vmem>> -> memref<1x8x128xi32, #tpu.memory_space<vmem>>
        %dma_wait3A_301 = tpu.memref_squeeze %dma_wait3A_300 : memref<1x8x128xi32, #tpu.memory_space<vmem>> -> memref<8x128xi32, #tpu.memory_space<vmem>>
        %dma_wait3A_302 = arith.constant 0 : i32
        %dma_wait3A_303 = arith.constant 0 : i32
        %dma_wait3A_304 = tpu.memref_slice %arg3[%add3A, %dma_wait3A_296, %dma_wait3A_302, %dma_wait3A_303] : memref<32x10x8x128xi32, #tpu.memory_space<hbm>> -> memref<1x1x8x128xi32, #tpu.memory_space<hbm>>
        %dma_wait3A_305 = tpu.memref_squeeze %dma_wait3A_304 : memref<1x1x8x128xi32, #tpu.memory_space<hbm>> -> memref<8x128xi32, #tpu.memory_space<hbm>>
        %dma_wait3A_306 = arith.constant 0 : i32
        %dma_wait3A_307 = arith.constant 0 : i32
        %dma_wait3A_308 = tpu.memref_slice %arg8[%dma_wait3A_297, %dma_wait3A_306, %dma_wait3A_307] : memref<2x8x128xi32, #tpu.memory_space<vmem>> -> memref<1x8x128xi32, #tpu.memory_space<vmem>>
        %dma_wait3A_309 = tpu.memref_squeeze %dma_wait3A_308 : memref<1x8x128xi32, #tpu.memory_space<vmem>> -> memref<8x128xi32, #tpu.memory_space<vmem>>
        %dma_wait3A_310 = arith.constant 0 : i32
        %dma_wait3A_311 = arith.constant 0 : i32
        %dma_wait3A_312 = tpu.memref_slice %arg3[%add3A, %dma_wait3A_296, %dma_wait3A_310, %dma_wait3A_311] : memref<32x10x8x128xi32, #tpu.memory_space<hbm>> -> memref<1x1x8x128xi32, #tpu.memory_space<hbm>>
        %dma_wait3A_313 = tpu.memref_squeeze %dma_wait3A_312 : memref<1x1x8x128xi32, #tpu.memory_space<hbm>> -> memref<8x128xi32, #tpu.memory_space<hbm>>
        tpu.wait_dma2 semaphore(%arg12 : memref<!tpu.dma_semaphore, #tpu.memory_space<semaphore_mem>>) src(%dma_wait3A_313 : memref<8x128xi32, #tpu.memory_space<hbm>>) dst(%dma_wait3A_309 : memref<8x128xi32, #tpu.memory_space<vmem>>)
      } else {
      }
      %dma_wait3A = arith.constant 0 : i32
      %dma_wait3A_193 = arith.constant 0 : i32
      %dma_wait3A_194 = arith.constant 0 : i32
      %dma_wait3A_195 = arith.constant 0 : i32
      %dma_wait3A_196 = tpu.memref_slice %arg9[%dma_wait3A_194, %dma_wait3A_195] : memref<256x128xf32, #tpu.memory_space<vmem>> -> memref<32x128xf32, #tpu.memory_space<vmem>>
      %dma_wait3A_197 = arith.constant 0 : i32
      %dma_wait3A_198 = tpu.memref_slice %arg8[%dma_wait3A, %dma_wait3A_193, %dma_wait3A_197] : memref<2x8x128xi32, #tpu.memory_space<vmem>> -> memref<1x1x32xi32, #tpu.memory_space<vmem>>
      %dma_wait3A_199 = tpu.memref_squeeze %dma_wait3A_198 : memref<1x1x32xi32, #tpu.memory_space<vmem>> -> memref<32xi32, #tpu.memory_space<vmem>>
      %dma_wait3A_200 = arith.constant 0 : i32
      %dma_wait3A_201 = arith.constant 0 : i32
      %dma_wait3A_202 = tpu.memref_slice %arg2[%dma_wait3A_200, %dma_wait3A_201] : memref<10000x128xf32, #tpu.memory_space<hbm>> -> memref<10000x128xf32, #tpu.memory_space<hbm>>
      tpu.wait_indirect_dma semaphore(%arg10 : memref<!tpu.dma_semaphore, #tpu.memory_space<semaphore_mem>>) src(%dma_wait3A_202 : memref<10000x128xf32, #tpu.memory_space<hbm>>) dst(%dma_wait3A_196 : memref<32x128xf32, #tpu.memory_space<vmem>>)
      %dma_wait3A_203 = arith.constant 0 : i32
      %dma_wait3A_204 = arith.constant 0 : i32
      %dma_wait3A_205 = arith.constant 32 : i32
      %dma_wait3A_206 = arith.constant 0 : i32
      %dma_wait3A_207 = tpu.memref_slice %arg9[%dma_wait3A_205, %dma_wait3A_206] : memref<256x128xf32, #tpu.memory_space<vmem>> -> memref<32x128xf32, #tpu.memory_space<vmem>>
      %dma_wait3A_208 = arith.constant 0 : i32
      %dma_wait3A_209 = tpu.memref_slice %arg8[%dma_wait3A_203, %dma_wait3A_204, %dma_wait3A_208] : memref<2x8x128xi32, #tpu.memory_space<vmem>> -> memref<1x1x32xi32, #tpu.memory_space<vmem>>
      %dma_wait3A_210 = tpu.memref_squeeze %dma_wait3A_209 : memref<1x1x32xi32, #tpu.memory_space<vmem>> -> memref<32xi32, #tpu.memory_space<vmem>>
      %dma_wait3A_211 = arith.constant 0 : i32
      %dma_wait3A_212 = arith.constant 0 : i32
      %dma_wait3A_213 = tpu.memref_slice %arg2[%dma_wait3A_211, %dma_wait3A_212] : memref<10000x128xf32, #tpu.memory_space<hbm>> -> memref<10000x128xf32, #tpu.memory_space<hbm>>
      tpu.wait_indirect_dma semaphore(%arg10 : memref<!tpu.dma_semaphore, #tpu.memory_space<semaphore_mem>>) src(%dma_wait3A_213 : memref<10000x128xf32, #tpu.memory_space<hbm>>) dst(%dma_wait3A_207 : memref<32x128xf32, #tpu.memory_space<vmem>>)
      %dma_wait3A_214 = arith.constant 0 : i32
      %dma_wait3A_215 = arith.constant 0 : i32
      %dma_wait3A_216 = arith.constant 64 : i32
      %dma_wait3A_217 = arith.constant 0 : i32
      %dma_wait3A_218 = tpu.memref_slice %arg9[%dma_wait3A_216, %dma_wait3A_217] : memref<256x128xf32, #tpu.memory_space<vmem>> -> memref<32x128xf32, #tpu.memory_space<vmem>>
      %dma_wait3A_219 = arith.constant 0 : i32
      %dma_wait3A_220 = tpu.memref_slice %arg8[%dma_wait3A_214, %dma_wait3A_215, %dma_wait3A_219] : memref<2x8x128xi32, #tpu.memory_space<vmem>> -> memref<1x1x32xi32, #tpu.memory_space<vmem>>
      %dma_wait3A_221 = tpu.memref_squeeze %dma_wait3A_220 : memref<1x1x32xi32, #tpu.memory_space<vmem>> -> memref<32xi32, #tpu.memory_space<vmem>>
      %dma_wait3A_222 = arith.constant 0 : i32
      %dma_wait3A_223 = arith.constant 0 : i32
      %dma_wait3A_224 = tpu.memref_slice %arg2[%dma_wait3A_222, %dma_wait3A_223] : memref<10000x128xf32, #tpu.memory_space<hbm>> -> memref<10000x128xf32, #tpu.memory_space<hbm>>
      tpu.wait_indirect_dma semaphore(%arg10 : memref<!tpu.dma_semaphore, #tpu.memory_space<semaphore_mem>>) src(%dma_wait3A_224 : memref<10000x128xf32, #tpu.memory_space<hbm>>) dst(%dma_wait3A_218 : memref<32x128xf32, #tpu.memory_space<vmem>>)
      %dma_wait3A_225 = arith.constant 0 : i32
      %dma_wait3A_226 = arith.constant 0 : i32
      %dma_wait3A_227 = arith.constant 96 : i32
      %dma_wait3A_228 = arith.constant 0 : i32
      %dma_wait3A_229 = tpu.memref_slice %arg9[%dma_wait3A_227, %dma_wait3A_228] : memref<256x128xf32, #tpu.memory_space<vmem>> -> memref<32x128xf32, #tpu.memory_space<vmem>>
      %dma_wait3A_230 = arith.constant 0 : i32
      %dma_wait3A_231 = tpu.memref_slice %arg8[%dma_wait3A_225, %dma_wait3A_226, %dma_wait3A_230] : memref<2x8x128xi32, #tpu.memory_space<vmem>> -> memref<1x1x32xi32, #tpu.memory_space<vmem>>
      %dma_wait3A_232 = tpu.memref_squeeze %dma_wait3A_231 : memref<1x1x32xi32, #tpu.memory_space<vmem>> -> memref<32xi32, #tpu.memory_space<vmem>>
      %dma_wait3A_233 = arith.constant 0 : i32
      %dma_wait3A_234 = arith.constant 0 : i32
      %dma_wait3A_235 = tpu.memref_slice %arg2[%dma_wait3A_233, %dma_wait3A_234] : memref<10000x128xf32, #tpu.memory_space<hbm>> -> memref<10000x128xf32, #tpu.memory_space<hbm>>
      tpu.wait_indirect_dma semaphore(%arg10 : memref<!tpu.dma_semaphore, #tpu.memory_space<semaphore_mem>>) src(%dma_wait3A_235 : memref<10000x128xf32, #tpu.memory_space<hbm>>) dst(%dma_wait3A_229 : memref<32x128xf32, #tpu.memory_space<vmem>>)
      "tpu.region"() ({
        %run_scoped3A_296 = tpu.sem_alloc : memref<!tpu.dma_semaphore, #tpu.memory_space<semaphore_mem>>
        %dma_start3A_297 = arith.constant 0 : i32
        %dma_start3A_298 = arith.constant 0 : i32
        %dma_start3A_299 = tpu.memref_slice %arg9[%dma_start3A_297, %dma_start3A_298] : memref<256x128xf32, #tpu.memory_space<vmem>> -> memref<128x128xf32, #tpu.memory_space<vmem>>
        %dma_start3A_300 = arith.constant 0 : i32
        %dma_start3A_301 = tpu.memref_slice %arg7[%mul3A_144, %dma_start3A_300] : memref<80x128xi32, #tpu.memory_space<vmem>> -> memref<1x128xi32, #tpu.memory_space<vmem>>
        %dma_start3A_302 = tpu.memref_squeeze %dma_start3A_301 : memref<1x128xi32, #tpu.memory_space<vmem>> -> memref<128xi32, #tpu.memory_space<vmem>>
        %dma_start3A_303 = arith.constant 0 : i32
        %dma_start3A_304 = arith.constant 0 : i32
        %dma_start3A_305 = tpu.memref_slice %arg6[%dma_start3A_303, %dma_start3A_304] : memref<10240x128xf32, #tpu.memory_space<vmem_shared>> -> memref<10240x128xf32, #tpu.memory_space<vmem_shared>>
        tpu.enqueue_indirect_dma source(%dma_start3A_299 : memref<128x128xf32, #tpu.memory_space<vmem>>) target(%dma_start3A_305 : memref<10240x128xf32, #tpu.memory_space<vmem_shared>>) offsets(%dma_start3A_302 : memref<128xi32, #tpu.memory_space<vmem>>) semaphore(%run_scoped3A_296 : memref<!tpu.dma_semaphore, #tpu.memory_space<semaphore_mem>>) {add = true}
        %dma_wait3A_306 = arith.constant 0 : i32
        %dma_wait3A_307 = arith.constant 0 : i32
        %dma_wait3A_308 = tpu.memref_slice %arg9[%dma_wait3A_306, %dma_wait3A_307] : memref<256x128xf32, #tpu.memory_space<vmem>> -> memref<128x128xf32, #tpu.memory_space<vmem>>
        %dma_wait3A_309 = arith.constant 0 : i32
        %dma_wait3A_310 = tpu.memref_slice %arg7[%mul3A_144, %dma_wait3A_309] : memref<80x128xi32, #tpu.memory_space<vmem>> -> memref<1x128xi32, #tpu.memory_space<vmem>>
        %dma_wait3A_311 = tpu.memref_squeeze %dma_wait3A_310 : memref<1x128xi32, #tpu.memory_space<vmem>> -> memref<128xi32, #tpu.memory_space<vmem>>
        %dma_wait3A_312 = arith.constant 0 : i32
        %dma_wait3A_313 = arith.constant 0 : i32
        %dma_wait3A_314 = tpu.memref_slice %arg6[%dma_wait3A_312, %dma_wait3A_313] : memref<10240x128xf32, #tpu.memory_space<vmem_shared>> -> memref<10240x128xf32, #tpu.memory_space<vmem_shared>>
        tpu.wait_indirect_dma semaphore(%run_scoped3A_296 : memref<!tpu.dma_semaphore, #tpu.memory_space<semaphore_mem>>) src(%dma_wait3A_308 : memref<128x128xf32, #tpu.memory_space<vmem>>) dst(%dma_wait3A_314 : memref<10240x128xf32, #tpu.memory_space<vmem_shared>>)
        tpu.yield
      }) : () -> ()
      %add3A_236 = arith.constant 2 : i32
      %add3A_237 = arith.addi %mul3A_144, %add3A_236 : i32
      %lt3A_238 = arith.constant 80 : i32
      %lt3A_239 = arith.cmpi slt, %add3A_237, %lt3A_238 : i32
      %convert_element_type3A_240 = arith.extui %lt3A_239 : i1 to i32
      %cond3A_241 = arith.constant 0 : i32
      %cond3A_242 = arith.cmpi ne, %convert_element_type3A_240, %cond3A_241 : i32
      scf.if %cond3A_242 {
        %add3A_296 = arith.constant 2 : i32
        %add3A_297 = arith.addi %mul3A_144, %add3A_296 : i32
        %jit3A_298 = arith.constant 8 : i32
        %div3A_299 = arith.divsi %add3A_297, %jit3A_298 : i32
        %sign3A_300 = arith.constant 0 : i32
        %sign3A_301 = arith.cmpi sgt, %add3A_297, %sign3A_300 : i32
        %sign3A_302 = arith.extui %sign3A_301 : i1 to i32
        %sign3A_303 = arith.constant 0 : i32
        %sign3A_304 = arith.cmpi slt, %add3A_297, %sign3A_303 : i32
        %sign3A_305 = arith.extui %sign3A_304 : i1 to i32
        %sign3A_306 = arith.subi %sign3A_302, %sign3A_305 : i32
        %sign3A_307 = arith.constant 0 : i32
        %sign3A_308 = arith.cmpi sgt, %jit3A_298, %sign3A_307 : i32
        %sign3A_309 = arith.extui %sign3A_308 : i1 to i32
        %sign3A_310 = arith.constant 0 : i32
        %sign3A_311 = arith.cmpi slt, %jit3A_298, %sign3A_310 : i32
        %sign3A_312 = arith.extui %sign3A_311 : i1 to i32
        %sign3A_313 = arith.subi %sign3A_309, %sign3A_312 : i32
        %ne3A_314 = arith.cmpi ne, %sign3A_306, %sign3A_313 : i32
        %rem3A_315 = arith.remsi %add3A_297, %jit3A_298 : i32
        %ne3A_316 = arith.constant 0 : i32
        %ne3A_317 = arith.cmpi ne, %rem3A_315, %ne3A_316 : i32
        %and3A_318 = arith.andi %ne3A_314, %ne3A_317 : i1
        %sub3A_319 = arith.constant 1 : i32
        %sub3A_320 = arith.subi %div3A_299, %sub3A_319 : i32
        %select_n3A_321 = arith.select %and3A_318, %sub3A_320, %div3A_299 : i32
        %jit3A_322 = arith.constant 8 : i32
        %eq3A_323 = arith.constant 0 : i32
        %eq3A_324 = arith.cmpi eq, %jit3A_322, %eq3A_323 : i32
        %jit3A_325 = arith.constant 1 : i32
        %select_n3A_326 = arith.select %eq3A_324, %jit3A_325, %jit3A_322 : i32
        %rem3A_327 = arith.remsi %add3A_297, %select_n3A_326 : i32
        %ne3A_328 = arith.constant 0 : i32
        %ne3A_329 = arith.cmpi ne, %rem3A_327, %ne3A_328 : i32
        %lt3A_330 = arith.constant 0 : i32
        %lt3A_331 = arith.cmpi slt, %rem3A_327, %lt3A_330 : i32
        %lt3A_332 = arith.constant 0 : i32
        %lt3A_333 = arith.cmpi slt, %select_n3A_326, %lt3A_332 : i32
        %ne3A_334 = arith.xori %lt3A_331, %lt3A_333 : i1
        %and3A_335 = arith.andi %ne3A_334, %ne3A_329 : i1
        %add3A_336 = arith.addi %rem3A_327, %select_n3A_326 : i32
        %select_n3A_337 = arith.select %and3A_335, %add3A_336, %rem3A_327 : i32
        %jit3A_338 = arith.constant 2 : i32
        %eq3A_339 = arith.constant 0 : i32
        %eq3A_340 = arith.cmpi eq, %jit3A_338, %eq3A_339 : i32
        %jit3A_341 = arith.constant 1 : i32
        %select_n3A_342 = arith.select %eq3A_340, %jit3A_341, %jit3A_338 : i32
        %rem3A_343 = arith.remsi %select_n3A_321, %select_n3A_342 : i32
        %ne3A_344 = arith.constant 0 : i32
        %ne3A_345 = arith.cmpi ne, %rem3A_343, %ne3A_344 : i32
        %lt3A_346 = arith.constant 0 : i32
        %lt3A_347 = arith.cmpi slt, %rem3A_343, %lt3A_346 : i32
        %lt3A_348 = arith.constant 0 : i32
        %lt3A_349 = arith.cmpi slt, %select_n3A_342, %lt3A_348 : i32
        %ne3A_350 = arith.xori %lt3A_347, %lt3A_349 : i1
        %and3A_351 = arith.andi %ne3A_350, %ne3A_345 : i1
        %add3A_352 = arith.addi %rem3A_343, %select_n3A_342 : i32
        %select_n3A_353 = arith.select %and3A_351, %add3A_352, %rem3A_343 : i32
        %dma_start3A_354 = arith.constant 0 : i32
        %dma_start3A_355 = arith.constant 0 : i32
        %dma_start3A_356 = tpu.memref_slice %arg9[%dma_start3A_354, %dma_start3A_355] : memref<256x128xf32, #tpu.memory_space<vmem>> -> memref<32x128xf32, #tpu.memory_space<vmem>>
        %dma_start3A_357 = arith.constant 0 : i32
        %dma_start3A_358 = tpu.memref_slice %arg8[%select_n3A_353, %select_n3A_337, %dma_start3A_357] : memref<2x8x128xi32, #tpu.memory_space<vmem>> -> memref<1x1x32xi32, #tpu.memory_space<vmem>>
        %dma_start3A_359 = tpu.memref_squeeze %dma_start3A_358 : memref<1x1x32xi32, #tpu.memory_space<vmem>> -> memref<32xi32, #tpu.memory_space<vmem>>
        %dma_start3A_360 = arith.constant 0 : i32
        %dma_start3A_361 = arith.constant 0 : i32
        %dma_start3A_362 = tpu.memref_slice %arg2[%dma_start3A_360, %dma_start3A_361] : memref<10000x128xf32, #tpu.memory_space<hbm>> -> memref<10000x128xf32, #tpu.memory_space<hbm>>
        tpu.enqueue_indirect_dma source(%dma_start3A_362 : memref<10000x128xf32, #tpu.memory_space<hbm>>) target(%dma_start3A_356 : memref<32x128xf32, #tpu.memory_space<vmem>>) offsets(%dma_start3A_359 : memref<32xi32, #tpu.memory_space<vmem>>) semaphore(%arg10 : memref<!tpu.dma_semaphore, #tpu.memory_space<semaphore_mem>>)
        %dma_start3A_363 = arith.constant 32 : i32
        %dma_start3A_364 = arith.constant 0 : i32
        %dma_start3A_365 = tpu.memref_slice %arg9[%dma_start3A_363, %dma_start3A_364] : memref<256x128xf32, #tpu.memory_space<vmem>> -> memref<32x128xf32, #tpu.memory_space<vmem>>
        %dma_start3A_366 = arith.constant 32 : i32
        %dma_start3A_367 = tpu.memref_slice %arg8[%select_n3A_353, %select_n3A_337, %dma_start3A_366] : memref<2x8x128xi32, #tpu.memory_space<vmem>> -> memref<1x1x32xi32, #tpu.memory_space<vmem>>
        %dma_start3A_368 = tpu.memref_squeeze %dma_start3A_367 : memref<1x1x32xi32, #tpu.memory_space<vmem>> -> memref<32xi32, #tpu.memory_space<vmem>>
        %dma_start3A_369 = arith.constant 0 : i32
        %dma_start3A_370 = arith.constant 0 : i32
        %dma_start3A_371 = tpu.memref_slice %arg2[%dma_start3A_369, %dma_start3A_370] : memref<10000x128xf32, #tpu.memory_space<hbm>> -> memref<10000x128xf32, #tpu.memory_space<hbm>>
        tpu.enqueue_indirect_dma source(%dma_start3A_371 : memref<10000x128xf32, #tpu.memory_space<hbm>>) target(%dma_start3A_365 : memref<32x128xf32, #tpu.memory_space<vmem>>) offsets(%dma_start3A_368 : memref<32xi32, #tpu.memory_space<vmem>>) semaphore(%arg10 : memref<!tpu.dma_semaphore, #tpu.memory_space<semaphore_mem>>)
        %dma_start3A_372 = arith.constant 64 : i32
        %dma_start3A_373 = arith.constant 0 : i32
        %dma_start3A_374 = tpu.memref_slice %arg9[%dma_start3A_372, %dma_start3A_373] : memref<256x128xf32, #tpu.memory_space<vmem>> -> memref<32x128xf32, #tpu.memory_space<vmem>>
        %dma_start3A_375 = arith.constant 64 : i32
        %dma_start3A_376 = tpu.memref_slice %arg8[%select_n3A_353, %select_n3A_337, %dma_start3A_375] : memref<2x8x128xi32, #tpu.memory_space<vmem>> -> memref<1x1x32xi32, #tpu.memory_space<vmem>>
        %dma_start3A_377 = tpu.memref_squeeze %dma_start3A_376 : memref<1x1x32xi32, #tpu.memory_space<vmem>> -> memref<32xi32, #tpu.memory_space<vmem>>
        %dma_start3A_378 = arith.constant 0 : i32
        %dma_start3A_379 = arith.constant 0 : i32
        %dma_start3A_380 = tpu.memref_slice %arg2[%dma_start3A_378, %dma_start3A_379] : memref<10000x128xf32, #tpu.memory_space<hbm>> -> memref<10000x128xf32, #tpu.memory_space<hbm>>
        tpu.enqueue_indirect_dma source(%dma_start3A_380 : memref<10000x128xf32, #tpu.memory_space<hbm>>) target(%dma_start3A_374 : memref<32x128xf32, #tpu.memory_space<vmem>>) offsets(%dma_start3A_377 : memref<32xi32, #tpu.memory_space<vmem>>) semaphore(%arg10 : memref<!tpu.dma_semaphore, #tpu.memory_space<semaphore_mem>>)
        %dma_start3A_381 = arith.constant 96 : i32
        %dma_start3A_382 = arith.constant 0 : i32
        %dma_start3A_383 = tpu.memref_slice %arg9[%dma_start3A_381, %dma_start3A_382] : memref<256x128xf32, #tpu.memory_space<vmem>> -> memref<32x128xf32, #tpu.memory_space<vmem>>
        %dma_start3A_384 = arith.constant 96 : i32
        %dma_start3A_385 = tpu.memref_slice %arg8[%select_n3A_353, %select_n3A_337, %dma_start3A_384] : memref<2x8x128xi32, #tpu.memory_space<vmem>> -> memref<1x1x32xi32, #tpu.memory_space<vmem>>
        %dma_start3A_386 = tpu.memref_squeeze %dma_start3A_385 : memref<1x1x32xi32, #tpu.memory_space<vmem>> -> memref<32xi32, #tpu.memory_space<vmem>>
        %dma_start3A_387 = arith.constant 0 : i32
        %dma_start3A_388 = arith.constant 0 : i32
        %dma_start3A_389 = tpu.memref_slice %arg2[%dma_start3A_387, %dma_start3A_388] : memref<10000x128xf32, #tpu.memory_space<hbm>> -> memref<10000x128xf32, #tpu.memory_space<hbm>>
        tpu.enqueue_indirect_dma source(%dma_start3A_389 : memref<10000x128xf32, #tpu.memory_space<hbm>>) target(%dma_start3A_383 : memref<32x128xf32, #tpu.memory_space<vmem>>) offsets(%dma_start3A_386 : memref<32xi32, #tpu.memory_space<vmem>>) semaphore(%arg10 : memref<!tpu.dma_semaphore, #tpu.memory_space<semaphore_mem>>)
      } else {
      }
      %dma_wait3A_243 = arith.constant 0 : i32
      %dma_wait3A_244 = arith.constant 0 : i32
      %dma_wait3A_245 = arith.constant 128 : i32
      %dma_wait3A_246 = arith.constant 0 : i32
      %dma_wait3A_247 = tpu.memref_slice %arg9[%dma_wait3A_245, %dma_wait3A_246] : memref<256x128xf32, #tpu.memory_space<vmem>> -> memref<32x128xf32, #tpu.memory_space<vmem>>
      %dma_wait3A_248 = arith.constant 0 : i32
      %dma_wait3A_249 = tpu.memref_slice %arg8[%dma_wait3A_243, %dma_wait3A_244, %dma_wait3A_248] : memref<2x8x128xi32, #tpu.memory_space<vmem>> -> memref<1x1x32xi32, #tpu.memory_space<vmem>>
      %dma_wait3A_250 = tpu.memref_squeeze %dma_wait3A_249 : memref<1x1x32xi32, #tpu.memory_space<vmem>> -> memref<32xi32, #tpu.memory_space<vmem>>
      %dma_wait3A_251 = arith.constant 0 : i32
      %dma_wait3A_252 = arith.constant 0 : i32
      %dma_wait3A_253 = tpu.memref_slice %arg2[%dma_wait3A_251, %dma_wait3A_252] : memref<10000x128xf32, #tpu.memory_space<hbm>> -> memref<10000x128xf32, #tpu.memory_space<hbm>>
      tpu.wait_indirect_dma semaphore(%arg11 : memref<!tpu.dma_semaphore, #tpu.memory_space<semaphore_mem>>) src(%dma_wait3A_253 : memref<10000x128xf32, #tpu.memory_space<hbm>>) dst(%dma_wait3A_247 : memref<32x128xf32, #tpu.memory_space<vmem>>)
      %dma_wait3A_254 = arith.constant 0 : i32
      %dma_wait3A_255 = arith.constant 0 : i32
      %dma_wait3A_256 = arith.constant 160 : i32
      %dma_wait3A_257 = arith.constant 0 : i32
      %dma_wait3A_258 = tpu.memref_slice %arg9[%dma_wait3A_256, %dma_wait3A_257] : memref<256x128xf32, #tpu.memory_space<vmem>> -> memref<32x128xf32, #tpu.memory_space<vmem>>
      %dma_wait3A_259 = arith.constant 0 : i32
      %dma_wait3A_260 = tpu.memref_slice %arg8[%dma_wait3A_254, %dma_wait3A_255, %dma_wait3A_259] : memref<2x8x128xi32, #tpu.memory_space<vmem>> -> memref<1x1x32xi32, #tpu.memory_space<vmem>>
      %dma_wait3A_261 = tpu.memref_squeeze %dma_wait3A_260 : memref<1x1x32xi32, #tpu.memory_space<vmem>> -> memref<32xi32, #tpu.memory_space<vmem>>
      %dma_wait3A_262 = arith.constant 0 : i32
      %dma_wait3A_263 = arith.constant 0 : i32
      %dma_wait3A_264 = tpu.memref_slice %arg2[%dma_wait3A_262, %dma_wait3A_263] : memref<10000x128xf32, #tpu.memory_space<hbm>> -> memref<10000x128xf32, #tpu.memory_space<hbm>>
      tpu.wait_indirect_dma semaphore(%arg11 : memref<!tpu.dma_semaphore, #tpu.memory_space<semaphore_mem>>) src(%dma_wait3A_264 : memref<10000x128xf32, #tpu.memory_space<hbm>>) dst(%dma_wait3A_258 : memref<32x128xf32, #tpu.memory_space<vmem>>)
      %dma_wait3A_265 = arith.constant 0 : i32
      %dma_wait3A_266 = arith.constant 0 : i32
      %dma_wait3A_267 = arith.constant 192 : i32
      %dma_wait3A_268 = arith.constant 0 : i32
      %dma_wait3A_269 = tpu.memref_slice %arg9[%dma_wait3A_267, %dma_wait3A_268] : memref<256x128xf32, #tpu.memory_space<vmem>> -> memref<32x128xf32, #tpu.memory_space<vmem>>
      %dma_wait3A_270 = arith.constant 0 : i32
      %dma_wait3A_271 = tpu.memref_slice %arg8[%dma_wait3A_265, %dma_wait3A_266, %dma_wait3A_270] : memref<2x8x128xi32, #tpu.memory_space<vmem>> -> memref<1x1x32xi32, #tpu.memory_space<vmem>>
      %dma_wait3A_272 = tpu.memref_squeeze %dma_wait3A_271 : memref<1x1x32xi32, #tpu.memory_space<vmem>> -> memref<32xi32, #tpu.memory_space<vmem>>
      %dma_wait3A_273 = arith.constant 0 : i32
      %dma_wait3A_274 = arith.constant 0 : i32
      %dma_wait3A_275 = tpu.memref_slice %arg2[%dma_wait3A_273, %dma_wait3A_274] : memref<10000x128xf32, #tpu.memory_space<hbm>> -> memref<10000x128xf32, #tpu.memory_space<hbm>>
      tpu.wait_indirect_dma semaphore(%arg11 : memref<!tpu.dma_semaphore, #tpu.memory_space<semaphore_mem>>) src(%dma_wait3A_275 : memref<10000x128xf32, #tpu.memory_space<hbm>>) dst(%dma_wait3A_269 : memref<32x128xf32, #tpu.memory_space<vmem>>)
      %dma_wait3A_276 = arith.constant 0 : i32
      %dma_wait3A_277 = arith.constant 0 : i32
      %dma_wait3A_278 = arith.constant 224 : i32
      %dma_wait3A_279 = arith.constant 0 : i32
      %dma_wait3A_280 = tpu.memref_slice %arg9[%dma_wait3A_278, %dma_wait3A_279] : memref<256x128xf32, #tpu.memory_space<vmem>> -> memref<32x128xf32, #tpu.memory_space<vmem>>
      %dma_wait3A_281 = arith.constant 0 : i32
      %dma_wait3A_282 = tpu.memref_slice %arg8[%dma_wait3A_276, %dma_wait3A_277, %dma_wait3A_281] : memref<2x8x128xi32, #tpu.memory_space<vmem>> -> memref<1x1x32xi32, #tpu.memory_space<vmem>>
      %dma_wait3A_283 = tpu.memref_squeeze %dma_wait3A_282 : memref<1x1x32xi32, #tpu.memory_space<vmem>> -> memref<32xi32, #tpu.memory_space<vmem>>
      %dma_wait3A_284 = arith.constant 0 : i32
      %dma_wait3A_285 = arith.constant 0 : i32
      %dma_wait3A_286 = tpu.memref_slice %arg2[%dma_wait3A_284, %dma_wait3A_285] : memref<10000x128xf32, #tpu.memory_space<hbm>> -> memref<10000x128xf32, #tpu.memory_space<hbm>>
      tpu.wait_indirect_dma semaphore(%arg11 : memref<!tpu.dma_semaphore, #tpu.memory_space<semaphore_mem>>) src(%dma_wait3A_286 : memref<10000x128xf32, #tpu.memory_space<hbm>>) dst(%dma_wait3A_280 : memref<32x128xf32, #tpu.memory_space<vmem>>)
      %add3A_287 = arith.constant 1 : i32
      %add3A_288 = arith.addi %mul3A_144, %add3A_287 : i32
      "tpu.region"() ({
        %run_scoped3A_296 = tpu.sem_alloc : memref<!tpu.dma_semaphore, #tpu.memory_space<semaphore_mem>>
        %dma_start3A_297 = arith.constant 128 : i32
        %dma_start3A_298 = arith.constant 0 : i32
        %dma_start3A_299 = tpu.memref_slice %arg9[%dma_start3A_297, %dma_start3A_298] : memref<256x128xf32, #tpu.memory_space<vmem>> -> memref<128x128xf32, #tpu.memory_space<vmem>>
        %dma_start3A_300 = arith.constant 0 : i32
        %dma_start3A_301 = tpu.memref_slice %arg7[%add3A_288, %dma_start3A_300] : memref<80x128xi32, #tpu.memory_space<vmem>> -> memref<1x128xi32, #tpu.memory_space<vmem>>
        %dma_start3A_302 = tpu.memref_squeeze %dma_start3A_301 : memref<1x128xi32, #tpu.memory_space<vmem>> -> memref<128xi32, #tpu.memory_space<vmem>>
        %dma_start3A_303 = arith.constant 0 : i32
        %dma_start3A_304 = arith.constant 0 : i32
        %dma_start3A_305 = tpu.memref_slice %arg6[%dma_start3A_303, %dma_start3A_304] : memref<10240x128xf32, #tpu.memory_space<vmem_shared>> -> memref<10240x128xf32, #tpu.memory_space<vmem_shared>>
        tpu.enqueue_indirect_dma source(%dma_start3A_299 : memref<128x128xf32, #tpu.memory_space<vmem>>) target(%dma_start3A_305 : memref<10240x128xf32, #tpu.memory_space<vmem_shared>>) offsets(%dma_start3A_302 : memref<128xi32, #tpu.memory_space<vmem>>) semaphore(%run_scoped3A_296 : memref<!tpu.dma_semaphore, #tpu.memory_space<semaphore_mem>>) {add = true}
        %dma_wait3A_306 = arith.constant 128 : i32
        %dma_wait3A_307 = arith.constant 0 : i32
        %dma_wait3A_308 = tpu.memref_slice %arg9[%dma_wait3A_306, %dma_wait3A_307] : memref<256x128xf32, #tpu.memory_space<vmem>> -> memref<128x128xf32, #tpu.memory_space<vmem>>
        %dma_wait3A_309 = arith.constant 0 : i32
        %dma_wait3A_310 = tpu.memref_slice %arg7[%add3A_288, %dma_wait3A_309] : memref<80x128xi32, #tpu.memory_space<vmem>> -> memref<1x128xi32, #tpu.memory_space<vmem>>
        %dma_wait3A_311 = tpu.memref_squeeze %dma_wait3A_310 : memref<1x128xi32, #tpu.memory_space<vmem>> -> memref<128xi32, #tpu.memory_space<vmem>>
        %dma_wait3A_312 = arith.constant 0 : i32
        %dma_wait3A_313 = arith.constant 0 : i32
        %dma_wait3A_314 = tpu.memref_slice %arg6[%dma_wait3A_312, %dma_wait3A_313] : memref<10240x128xf32, #tpu.memory_space<vmem_shared>> -> memref<10240x128xf32, #tpu.memory_space<vmem_shared>>
        tpu.wait_indirect_dma semaphore(%run_scoped3A_296 : memref<!tpu.dma_semaphore, #tpu.memory_space<semaphore_mem>>) src(%dma_wait3A_308 : memref<128x128xf32, #tpu.memory_space<vmem>>) dst(%dma_wait3A_314 : memref<10240x128xf32, #tpu.memory_space<vmem_shared>>)
        tpu.yield
      }) : () -> ()
      %add3A_289 = arith.constant 3 : i32
      %add3A_290 = arith.addi %mul3A_144, %add3A_289 : i32
      %lt3A_291 = arith.constant 80 : i32
      %lt3A_292 = arith.cmpi slt, %add3A_290, %lt3A_291 : i32
      %convert_element_type3A_293 = arith.extui %lt3A_292 : i1 to i32
      %cond3A_294 = arith.constant 0 : i32
      %cond3A_295 = arith.cmpi ne, %convert_element_type3A_293, %cond3A_294 : i32
      scf.if %cond3A_295 {
        %add3A_296 = arith.constant 3 : i32
        %add3A_297 = arith.addi %mul3A_144, %add3A_296 : i32
        %jit3A_298 = arith.constant 8 : i32
        %div3A_299 = arith.divsi %add3A_297, %jit3A_298 : i32
        %sign3A_300 = arith.constant 0 : i32
        %sign3A_301 = arith.cmpi sgt, %add3A_297, %sign3A_300 : i32
        %sign3A_302 = arith.extui %sign3A_301 : i1 to i32
        %sign3A_303 = arith.constant 0 : i32
        %sign3A_304 = arith.cmpi slt, %add3A_297, %sign3A_303 : i32
        %sign3A_305 = arith.extui %sign3A_304 : i1 to i32
        %sign3A_306 = arith.subi %sign3A_302, %sign3A_305 : i32
        %sign3A_307 = arith.constant 0 : i32
        %sign3A_308 = arith.cmpi sgt, %jit3A_298, %sign3A_307 : i32
        %sign3A_309 = arith.extui %sign3A_308 : i1 to i32
        %sign3A_310 = arith.constant 0 : i32
        %sign3A_311 = arith.cmpi slt, %jit3A_298, %sign3A_310 : i32
        %sign3A_312 = arith.extui %sign3A_311 : i1 to i32
        %sign3A_313 = arith.subi %sign3A_309, %sign3A_312 : i32
        %ne3A_314 = arith.cmpi ne, %sign3A_306, %sign3A_313 : i32
        %rem3A_315 = arith.remsi %add3A_297, %jit3A_298 : i32
        %ne3A_316 = arith.constant 0 : i32
        %ne3A_317 = arith.cmpi ne, %rem3A_315, %ne3A_316 : i32
        %and3A_318 = arith.andi %ne3A_314, %ne3A_317 : i1
        %sub3A_319 = arith.constant 1 : i32
        %sub3A_320 = arith.subi %div3A_299, %sub3A_319 : i32
        %select_n3A_321 = arith.select %and3A_318, %sub3A_320, %div3A_299 : i32
        %jit3A_322 = arith.constant 8 : i32
        %eq3A_323 = arith.constant 0 : i32
        %eq3A_324 = arith.cmpi eq, %jit3A_322, %eq3A_323 : i32
        %jit3A_325 = arith.constant 1 : i32
        %select_n3A_326 = arith.select %eq3A_324, %jit3A_325, %jit3A_322 : i32
        %rem3A_327 = arith.remsi %add3A_297, %select_n3A_326 : i32
        %ne3A_328 = arith.constant 0 : i32
        %ne3A_329 = arith.cmpi ne, %rem3A_327, %ne3A_328 : i32
        %lt3A_330 = arith.constant 0 : i32
        %lt3A_331 = arith.cmpi slt, %rem3A_327, %lt3A_330 : i32
        %lt3A_332 = arith.constant 0 : i32
        %lt3A_333 = arith.cmpi slt, %select_n3A_326, %lt3A_332 : i32
        %ne3A_334 = arith.xori %lt3A_331, %lt3A_333 : i1
        %and3A_335 = arith.andi %ne3A_334, %ne3A_329 : i1
        %add3A_336 = arith.addi %rem3A_327, %select_n3A_326 : i32
        %select_n3A_337 = arith.select %and3A_335, %add3A_336, %rem3A_327 : i32
        %jit3A_338 = arith.constant 2 : i32
        %eq3A_339 = arith.constant 0 : i32
        %eq3A_340 = arith.cmpi eq, %jit3A_338, %eq3A_339 : i32
        %jit3A_341 = arith.constant 1 : i32
        %select_n3A_342 = arith.select %eq3A_340, %jit3A_341, %jit3A_338 : i32
        %rem3A_343 = arith.remsi %select_n3A_321, %select_n3A_342 : i32
        %ne3A_344 = arith.constant 0 : i32
        %ne3A_345 = arith.cmpi ne, %rem3A_343, %ne3A_344 : i32
        %lt3A_346 = arith.constant 0 : i32
        %lt3A_347 = arith.cmpi slt, %rem3A_343, %lt3A_346 : i32
        %lt3A_348 = arith.constant 0 : i32
        %lt3A_349 = arith.cmpi slt, %select_n3A_342, %lt3A_348 : i32
        %ne3A_350 = arith.xori %lt3A_347, %lt3A_349 : i1
        %and3A_351 = arith.andi %ne3A_350, %ne3A_345 : i1
        %add3A_352 = arith.addi %rem3A_343, %select_n3A_342 : i32
        %select_n3A_353 = arith.select %and3A_351, %add3A_352, %rem3A_343 : i32
        %dma_start3A_354 = arith.constant 128 : i32
        %dma_start3A_355 = arith.constant 0 : i32
        %dma_start3A_356 = tpu.memref_slice %arg9[%dma_start3A_354, %dma_start3A_355] : memref<256x128xf32, #tpu.memory_space<vmem>> -> memref<32x128xf32, #tpu.memory_space<vmem>>
        %dma_start3A_357 = arith.constant 0 : i32
        %dma_start3A_358 = tpu.memref_slice %arg8[%select_n3A_353, %select_n3A_337, %dma_start3A_357] : memref<2x8x128xi32, #tpu.memory_space<vmem>> -> memref<1x1x32xi32, #tpu.memory_space<vmem>>
        %dma_start3A_359 = tpu.memref_squeeze %dma_start3A_358 : memref<1x1x32xi32, #tpu.memory_space<vmem>> -> memref<32xi32, #tpu.memory_space<vmem>>
        %dma_start3A_360 = arith.constant 0 : i32
        %dma_start3A_361 = arith.constant 0 : i32
        %dma_start3A_362 = tpu.memref_slice %arg2[%dma_start3A_360, %dma_start3A_361] : memref<10000x128xf32, #tpu.memory_space<hbm>> -> memref<10000x128xf32, #tpu.memory_space<hbm>>
        tpu.enqueue_indirect_dma source(%dma_start3A_362 : memref<10000x128xf32, #tpu.memory_space<hbm>>) target(%dma_start3A_356 : memref<32x128xf32, #tpu.memory_space<vmem>>) offsets(%dma_start3A_359 : memref<32xi32, #tpu.memory_space<vmem>>) semaphore(%arg11 : memref<!tpu.dma_semaphore, #tpu.memory_space<semaphore_mem>>)
        %dma_start3A_363 = arith.constant 160 : i32
        %dma_start3A_364 = arith.constant 0 : i32
        %dma_start3A_365 = tpu.memref_slice %arg9[%dma_start3A_363, %dma_start3A_364] : memref<256x128xf32, #tpu.memory_space<vmem>> -> memref<32x128xf32, #tpu.memory_space<vmem>>
        %dma_start3A_366 = arith.constant 32 : i32
        %dma_start3A_367 = tpu.memref_slice %arg8[%select_n3A_353, %select_n3A_337, %dma_start3A_366] : memref<2x8x128xi32, #tpu.memory_space<vmem>> -> memref<1x1x32xi32, #tpu.memory_space<vmem>>
        %dma_start3A_368 = tpu.memref_squeeze %dma_start3A_367 : memref<1x1x32xi32, #tpu.memory_space<vmem>> -> memref<32xi32, #tpu.memory_space<vmem>>
        %dma_start3A_369 = arith.constant 0 : i32
        %dma_start3A_370 = arith.constant 0 : i32
        %dma_start3A_371 = tpu.memref_slice %arg2[%dma_start3A_369, %dma_start3A_370] : memref<10000x128xf32, #tpu.memory_space<hbm>> -> memref<10000x128xf32, #tpu.memory_space<hbm>>
        tpu.enqueue_indirect_dma source(%dma_start3A_371 : memref<10000x128xf32, #tpu.memory_space<hbm>>) target(%dma_start3A_365 : memref<32x128xf32, #tpu.memory_space<vmem>>) offsets(%dma_start3A_368 : memref<32xi32, #tpu.memory_space<vmem>>) semaphore(%arg11 : memref<!tpu.dma_semaphore, #tpu.memory_space<semaphore_mem>>)
        %dma_start3A_372 = arith.constant 192 : i32
        %dma_start3A_373 = arith.constant 0 : i32
        %dma_start3A_374 = tpu.memref_slice %arg9[%dma_start3A_372, %dma_start3A_373] : memref<256x128xf32, #tpu.memory_space<vmem>> -> memref<32x128xf32, #tpu.memory_space<vmem>>
        %dma_start3A_375 = arith.constant 64 : i32
        %dma_start3A_376 = tpu.memref_slice %arg8[%select_n3A_353, %select_n3A_337, %dma_start3A_375] : memref<2x8x128xi32, #tpu.memory_space<vmem>> -> memref<1x1x32xi32, #tpu.memory_space<vmem>>
        %dma_start3A_377 = tpu.memref_squeeze %dma_start3A_376 : memref<1x1x32xi32, #tpu.memory_space<vmem>> -> memref<32xi32, #tpu.memory_space<vmem>>
        %dma_start3A_378 = arith.constant 0 : i32
        %dma_start3A_379 = arith.constant 0 : i32
        %dma_start3A_380 = tpu.memref_slice %arg2[%dma_start3A_378, %dma_start3A_379] : memref<10000x128xf32, #tpu.memory_space<hbm>> -> memref<10000x128xf32, #tpu.memory_space<hbm>>
        tpu.enqueue_indirect_dma source(%dma_start3A_380 : memref<10000x128xf32, #tpu.memory_space<hbm>>) target(%dma_start3A_374 : memref<32x128xf32, #tpu.memory_space<vmem>>) offsets(%dma_start3A_377 : memref<32xi32, #tpu.memory_space<vmem>>) semaphore(%arg11 : memref<!tpu.dma_semaphore, #tpu.memory_space<semaphore_mem>>)
        %dma_start3A_381 = arith.constant 224 : i32
        %dma_start3A_382 = arith.constant 0 : i32
        %dma_start3A_383 = tpu.memref_slice %arg9[%dma_start3A_381, %dma_start3A_382] : memref<256x128xf32, #tpu.memory_space<vmem>> -> memref<32x128xf32, #tpu.memory_space<vmem>>
        %dma_start3A_384 = arith.constant 96 : i32
        %dma_start3A_385 = tpu.memref_slice %arg8[%select_n3A_353, %select_n3A_337, %dma_start3A_384] : memref<2x8x128xi32, #tpu.memory_space<vmem>> -> memref<1x1x32xi32, #tpu.memory_space<vmem>>
        %dma_start3A_386 = tpu.memref_squeeze %dma_start3A_385 : memref<1x1x32xi32, #tpu.memory_space<vmem>> -> memref<32xi32, #tpu.memory_space<vmem>>
        %dma_start3A_387 = arith.constant 0 : i32
        %dma_start3A_388 = arith.constant 0 : i32
        %dma_start3A_389 = tpu.memref_slice %arg2[%dma_start3A_387, %dma_start3A_388] : memref<10000x128xf32, #tpu.memory_space<hbm>> -> memref<10000x128xf32, #tpu.memory_space<hbm>>
        tpu.enqueue_indirect_dma source(%dma_start3A_389 : memref<10000x128xf32, #tpu.memory_space<hbm>>) target(%dma_start3A_383 : memref<32x128xf32, #tpu.memory_space<vmem>>) offsets(%dma_start3A_386 : memref<32xi32, #tpu.memory_space<vmem>>) semaphore(%arg11 : memref<!tpu.dma_semaphore, #tpu.memory_space<semaphore_mem>>)
      } else {
      }
    }
    %scan3A_120 = arith.constant 40 : i32
    %barrier3A_121 = arith.constant 0 : index
    tpu.barrier barrier_id(%barrier3A_121)
    %mul3A_122 = arith.constant 640 : i32
    %mul3A_123 = arith.muli %arg1, %mul3A_122 : i32
    %add3A_124 = arith.constant 0 : i32
    %add3A_125 = arith.addi %mul3A_123, %add3A_124 : i32
    "tpu.region"() ({
      %run_scoped3A_142 = tpu.sem_alloc : memref<!tpu.dma_semaphore, #tpu.memory_space<semaphore_mem>>
      %dma_start3A_143 = arith.constant 0 : i32
      %dma_start3A_144 = tpu.memref_slice %arg5[%arg0, %add3A_125, %dma_start3A_143] : memref<2x10240x128xf32, #tpu.memory_space<hbm>> -> memref<1x128x128xf32, #tpu.memory_space<hbm>>
      %dma_start3A_145 = tpu.memref_squeeze %dma_start3A_144 : memref<1x128x128xf32, #tpu.memory_space<hbm>> -> memref<128x128xf32, #tpu.memory_space<hbm>>
      %dma_start3A_146 = arith.constant 0 : i32
      %dma_start3A_147 = tpu.memref_slice %arg6[%add3A_125, %dma_start3A_146] : memref<10240x128xf32, #tpu.memory_space<vmem_shared>> -> memref<128x128xf32, #tpu.memory_space<vmem_shared>>
      tpu.enqueue_dma source(%dma_start3A_147 : memref<128x128xf32, #tpu.memory_space<vmem_shared>>) target(%dma_start3A_145 : memref<128x128xf32, #tpu.memory_space<hbm>>) target_semaphore(%run_scoped3A_142 : memref<!tpu.dma_semaphore, #tpu.memory_space<semaphore_mem>>)
      %dma_wait3A = arith.constant 0 : i32
      %dma_wait3A_148 = tpu.memref_slice %arg5[%arg0, %add3A_125, %dma_wait3A] : memref<2x10240x128xf32, #tpu.memory_space<hbm>> -> memref<1x128x128xf32, #tpu.memory_space<hbm>>
      %dma_wait3A_149 = tpu.memref_squeeze %dma_wait3A_148 : memref<1x128x128xf32, #tpu.memory_space<hbm>> -> memref<128x128xf32, #tpu.memory_space<hbm>>
      %dma_wait3A_150 = arith.constant 0 : i32
      %dma_wait3A_151 = tpu.memref_slice %arg6[%add3A_125, %dma_wait3A_150] : memref<10240x128xf32, #tpu.memory_space<vmem_shared>> -> memref<128x128xf32, #tpu.memory_space<vmem_shared>>
      tpu.wait_dma2 semaphore(%run_scoped3A_142 : memref<!tpu.dma_semaphore, #tpu.memory_space<semaphore_mem>>) src(%dma_wait3A_151 : memref<128x128xf32, #tpu.memory_space<vmem_shared>>) dst(%dma_wait3A_149 : memref<128x128xf32, #tpu.memory_space<hbm>>)
      tpu.yield
    }) : () -> ()
    %mul3A_126 = arith.constant 640 : i32
    %mul3A_127 = arith.muli %arg1, %mul3A_126 : i32
    %add3A_128 = arith.constant 128 : i32
    %add3A_129 = arith.addi %mul3A_127, %add3A_128 : i32
    "tpu.region"() ({
      %run_scoped3A_142 = tpu.sem_alloc : memref<!tpu.dma_semaphore, #tpu.memory_space<semaphore_mem>>
      %dma_start3A_143 = arith.constant 0 : i32
      %dma_start3A_144 = tpu.memref_slice %arg5[%arg0, %add3A_129, %dma_start3A_143] : memref<2x10240x128xf32, #tpu.memory_space<hbm>> -> memref<1x128x128xf32, #tpu.memory_space<hbm>>
      %dma_start3A_145 = tpu.memref_squeeze %dma_start3A_144 : memref<1x128x128xf32, #tpu.memory_space<hbm>> -> memref<128x128xf32, #tpu.memory_space<hbm>>
      %dma_start3A_146 = arith.constant 0 : i32
      %dma_start3A_147 = tpu.memref_slice %arg6[%add3A_129, %dma_start3A_146] : memref<10240x128xf32, #tpu.memory_space<vmem_shared>> -> memref<128x128xf32, #tpu.memory_space<vmem_shared>>
      tpu.enqueue_dma source(%dma_start3A_147 : memref<128x128xf32, #tpu.memory_space<vmem_shared>>) target(%dma_start3A_145 : memref<128x128xf32, #tpu.memory_space<hbm>>) target_semaphore(%run_scoped3A_142 : memref<!tpu.dma_semaphore, #tpu.memory_space<semaphore_mem>>)
      %dma_wait3A = arith.constant 0 : i32
      %dma_wait3A_148 = tpu.memref_slice %arg5[%arg0, %add3A_129, %dma_wait3A] : memref<2x10240x128xf32, #tpu.memory_space<hbm>> -> memref<1x128x128xf32, #tpu.memory_space<hbm>>
      %dma_wait3A_149 = tpu.memref_squeeze %dma_wait3A_148 : memref<1x128x128xf32, #tpu.memory_space<hbm>> -> memref<128x128xf32, #tpu.memory_space<hbm>>
      %dma_wait3A_150 = arith.constant 0 : i32
      %dma_wait3A_151 = tpu.memref_slice %arg6[%add3A_129, %dma_wait3A_150] : memref<10240x128xf32, #tpu.memory_space<vmem_shared>> -> memref<128x128xf32, #tpu.memory_space<vmem_shared>>
      tpu.wait_dma2 semaphore(%run_scoped3A_142 : memref<!tpu.dma_semaphore, #tpu.memory_space<semaphore_mem>>) src(%dma_wait3A_151 : memref<128x128xf32, #tpu.memory_space<vmem_shared>>) dst(%dma_wait3A_149 : memref<128x128xf32, #tpu.memory_space<hbm>>)
      tpu.yield
    }) : () -> ()
    %mul3A_130 = arith.constant 640 : i32
    %mul3A_131 = arith.muli %arg1, %mul3A_130 : i32
    %add3A_132 = arith.constant 256 : i32
    %add3A_133 = arith.addi %mul3A_131, %add3A_132 : i32
    "tpu.region"() ({
      %run_scoped3A_142 = tpu.sem_alloc : memref<!tpu.dma_semaphore, #tpu.memory_space<semaphore_mem>>
      %dma_start3A_143 = arith.constant 0 : i32
      %dma_start3A_144 = tpu.memref_slice %arg5[%arg0, %add3A_133, %dma_start3A_143] : memref<2x10240x128xf32, #tpu.memory_space<hbm>> -> memref<1x128x128xf32, #tpu.memory_space<hbm>>
      %dma_start3A_145 = tpu.memref_squeeze %dma_start3A_144 : memref<1x128x128xf32, #tpu.memory_space<hbm>> -> memref<128x128xf32, #tpu.memory_space<hbm>>
      %dma_start3A_146 = arith.constant 0 : i32
      %dma_start3A_147 = tpu.memref_slice %arg6[%add3A_133, %dma_start3A_146] : memref<10240x128xf32, #tpu.memory_space<vmem_shared>> -> memref<128x128xf32, #tpu.memory_space<vmem_shared>>
      tpu.enqueue_dma source(%dma_start3A_147 : memref<128x128xf32, #tpu.memory_space<vmem_shared>>) target(%dma_start3A_145 : memref<128x128xf32, #tpu.memory_space<hbm>>) target_semaphore(%run_scoped3A_142 : memref<!tpu.dma_semaphore, #tpu.memory_space<semaphore_mem>>)
      %dma_wait3A = arith.constant 0 : i32
      %dma_wait3A_148 = tpu.memref_slice %arg5[%arg0, %add3A_133, %dma_wait3A] : memref<2x10240x128xf32, #tpu.memory_space<hbm>> -> memref<1x128x128xf32, #tpu.memory_space<hbm>>
      %dma_wait3A_149 = tpu.memref_squeeze %dma_wait3A_148 : memref<1x128x128xf32, #tpu.memory_space<hbm>> -> memref<128x128xf32, #tpu.memory_space<hbm>>
      %dma_wait3A_150 = arith.constant 0 : i32
      %dma_wait3A_151 = tpu.memref_slice %arg6[%add3A_133, %dma_wait3A_150] : memref<10240x128xf32, #tpu.memory_space<vmem_shared>> -> memref<128x128xf32, #tpu.memory_space<vmem_shared>>
      tpu.wait_dma2 semaphore(%run_scoped3A_142 : memref<!tpu.dma_semaphore, #tpu.memory_space<semaphore_mem>>) src(%dma_wait3A_151 : memref<128x128xf32, #tpu.memory_space<vmem_shared>>) dst(%dma_wait3A_149 : memref<128x128xf32, #tpu.memory_space<hbm>>)
      tpu.yield
    }) : () -> ()
    %mul3A_134 = arith.constant 640 : i32
    %mul3A_135 = arith.muli %arg1, %mul3A_134 : i32
    %add3A_136 = arith.constant 384 : i32
    %add3A_137 = arith.addi %mul3A_135, %add3A_136 : i32
    "tpu.region"() ({
      %run_scoped3A_142 = tpu.sem_alloc : memref<!tpu.dma_semaphore, #tpu.memory_space<semaphore_mem>>
      %dma_start3A_143 = arith.constant 0 : i32
      %dma_start3A_144 = tpu.memref_slice %arg5[%arg0, %add3A_137, %dma_start3A_143] : memref<2x10240x128xf32, #tpu.memory_space<hbm>> -> memref<1x128x128xf32, #tpu.memory_space<hbm>>
      %dma_start3A_145 = tpu.memref_squeeze %dma_start3A_144 : memref<1x128x128xf32, #tpu.memory_space<hbm>> -> memref<128x128xf32, #tpu.memory_space<hbm>>
      %dma_start3A_146 = arith.constant 0 : i32
      %dma_start3A_147 = tpu.memref_slice %arg6[%add3A_137, %dma_start3A_146] : memref<10240x128xf32, #tpu.memory_space<vmem_shared>> -> memref<128x128xf32, #tpu.memory_space<vmem_shared>>
      tpu.enqueue_dma source(%dma_start3A_147 : memref<128x128xf32, #tpu.memory_space<vmem_shared>>) target(%dma_start3A_145 : memref<128x128xf32, #tpu.memory_space<hbm>>) target_semaphore(%run_scoped3A_142 : memref<!tpu.dma_semaphore, #tpu.memory_space<semaphore_mem>>)
      %dma_wait3A = arith.constant 0 : i32
      %dma_wait3A_148 = tpu.memref_slice %arg5[%arg0, %add3A_137, %dma_wait3A] : memref<2x10240x128xf32, #tpu.memory_space<hbm>> -> memref<1x128x128xf32, #tpu.memory_space<hbm>>
      %dma_wait3A_149 = tpu.memref_squeeze %dma_wait3A_148 : memref<1x128x128xf32, #tpu.memory_space<hbm>> -> memref<128x128xf32, #tpu.memory_space<hbm>>
      %dma_wait3A_150 = arith.constant 0 : i32
      %dma_wait3A_151 = tpu.memref_slice %arg6[%add3A_137, %dma_wait3A_150] : memref<10240x128xf32, #tpu.memory_space<vmem_shared>> -> memref<128x128xf32, #tpu.memory_space<vmem_shared>>
      tpu.wait_dma2 semaphore(%run_scoped3A_142 : memref<!tpu.dma_semaphore, #tpu.memory_space<semaphore_mem>>) src(%dma_wait3A_151 : memref<128x128xf32, #tpu.memory_space<vmem_shared>>) dst(%dma_wait3A_149 : memref<128x128xf32, #tpu.memory_space<hbm>>)
      tpu.yield
    }) : () -> ()
    %mul3A_138 = arith.constant 640 : i32
    %mul3A_139 = arith.muli %arg1, %mul3A_138 : i32
    %add3A_140 = arith.constant 512 : i32
    %add3A_141 = arith.addi %mul3A_139, %add3A_140 : i32
    "tpu.region"() ({
      %run_scoped3A_142 = tpu.sem_alloc : memref<!tpu.dma_semaphore, #tpu.memory_space<semaphore_mem>>
      %dma_start3A_143 = arith.constant 0 : i32
      %dma_start3A_144 = tpu.memref_slice %arg5[%arg0, %add3A_141, %dma_start3A_143] : memref<2x10240x128xf32, #tpu.memory_space<hbm>> -> memref<1x128x128xf32, #tpu.memory_space<hbm>>
      %dma_start3A_145 = tpu.memref_squeeze %dma_start3A_144 : memref<1x128x128xf32, #tpu.memory_space<hbm>> -> memref<128x128xf32, #tpu.memory_space<hbm>>
      %dma_start3A_146 = arith.constant 0 : i32
      %dma_start3A_147 = tpu.memref_slice %arg6[%add3A_141, %dma_start3A_146] : memref<10240x128xf32, #tpu.memory_space<vmem_shared>> -> memref<128x128xf32, #tpu.memory_space<vmem_shared>>
      tpu.enqueue_dma source(%dma_start3A_147 : memref<128x128xf32, #tpu.memory_space<vmem_shared>>) target(%dma_start3A_145 : memref<128x128xf32, #tpu.memory_space<hbm>>) target_semaphore(%run_scoped3A_142 : memref<!tpu.dma_semaphore, #tpu.memory_space<semaphore_mem>>)
      %dma_wait3A = arith.constant 0 : i32
      %dma_wait3A_148 = tpu.memref_slice %arg5[%arg0, %add3A_141, %dma_wait3A] : memref<2x10240x128xf32, #tpu.memory_space<hbm>> -> memref<1x128x128xf32, #tpu.memory_space<hbm>>
      %dma_wait3A_149 = tpu.memref_squeeze %dma_wait3A_148 : memref<1x128x128xf32, #tpu.memory_space<hbm>> -> memref<128x128xf32, #tpu.memory_space<hbm>>
      %dma_wait3A_150 = arith.constant 0 : i32
      %dma_wait3A_151 = tpu.memref_slice %arg6[%add3A_141, %dma_wait3A_150] : memref<10240x128xf32, #tpu.memory_space<vmem_shared>> -> memref<128x128xf32, #tpu.memory_space<vmem_shared>>
      tpu.wait_dma2 semaphore(%run_scoped3A_142 : memref<!tpu.dma_semaphore, #tpu.memory_space<semaphore_mem>>) src(%dma_wait3A_151 : memref<128x128xf32, #tpu.memory_space<vmem_shared>>) dst(%dma_wait3A_149 : memref<128x128xf32, #tpu.memory_space<hbm>>)
      tpu.yield
    }) : () -> ()
    return
  }
}

#map = affine_map<(d0, d1) -> (0, 0)>
#map1 = affine_map<(d0, d1) -> (0, 0, 0, 0)>
#map2 = affine_map<(d0, d1) -> (0, 0, 0)>
module attributes {stable_mosaic.version = 14 : i64} {
  func.func @_seg_body(%arg0: i32, %arg1: i32, %arg2: memref<10000x128xf32, #tpu.memory_space<hbm>>, %arg3: memref<32x10x8x128xi32, #tpu.memory_space<hbm>>, %arg4: memref<32x80x128xi32, #tpu.memory_space<hbm>>, %arg5: memref<2x10240x128xf32, #tpu.memory_space<hbm>>, %arg6: memref<10240x128xf32, #tpu.memory_space<vmem_shared>>, %arg7: memref<80x128xi32, #tpu.memory_space<vmem>>, %arg8: memref<2x8x128xi32, #tpu.memory_space<vmem>>, %arg9: memref<256x128xf32, #tpu.memory_space<vmem>>, %arg10: memref<!tpu.dma_semaphore, #tpu.memory_space<semaphore_mem>>, %arg11: memref<!tpu.dma_semaphore, #tpu.memory_space<semaphore_mem>>, %arg12: memref<!tpu.dma_semaphore, #tpu.memory_space<semaphore_mem>>) attributes {dimension_semantics = [#tpu.dimension_semantics<core_parallel>, #tpu.dimension_semantics<subcore_parallel>], iteration_bounds = array<i64: 2, 16>, scalar_prefetch = 0 : i64, scratch_operands = 7 : i64, tpu.core_type = #tpu.core_type<sc_vector_subcore>, window_params = [{transform_indices = #map}, {transform_indices = #map1}, {transform_indices = #map2}, {transform_indices = #map2}]} {
    %mul3A = arith.constant 2 : i32
    %mul3A_0 = arith.muli %arg1, %mul3A : i32
    %add3A = arith.addi %mul3A_0, %arg0 : i32
    %broadcast_in_dim3A = arith.constant 0.000000e+00 : f32
    %broadcast_in_dim3A_1 = vector.broadcast %broadcast_in_dim3A : f32 to vector<16xf32>
    %scan3A = arith.constant 0 : i32
    %scan3A_2 = arith.constant 0 : i32
    %scan3A_3 = arith.constant 128 : i32
    %scan3A_4 = arith.addi %scan3A_2, %scan3A_3 : i32
    %scan3A_5 = arith.constant 1 : i32
    scf.for %scan3A_142 = %scan3A_2 to %scan3A_4 step %scan3A_5  : i32 {
      %swap3A = arith.index_cast %scan3A_142 : i32 to index
      %swap3A_143 = arith.constant 0 : index
      %swap3A_144 = tpu.vector_load %arg9[%swap3A, %swap3A_143] {strides = array<i32>} : memref<256x128xf32, #tpu.memory_space<vmem>>, vector<1x16xf32>,
      %swap3A_145 = vector.shape_cast %swap3A_144 : vector<1x16xf32> to vector<16xf32>
      %swap3A_146 = vector.shape_cast %broadcast_in_dim3A_1 : vector<16xf32> to vector<1x16xf32>
      tpu.vector_store %arg9[%swap3A, %swap3A_143], %swap3A_146 {strides = array<i32>} : memref<256x128xf32, #tpu.memory_space<vmem>>, vector<1x16xf32>,
      %swap3A_147 = arith.index_cast %scan3A_142 : i32 to index
      %swap3A_148 = arith.constant 16 : index
      %swap3A_149 = tpu.vector_load %arg9[%swap3A_147, %swap3A_148] {strides = array<i32>} : memref<256x128xf32, #tpu.memory_space<vmem>>, vector<1x16xf32>,
      %swap3A_150 = vector.shape_cast %swap3A_149 : vector<1x16xf32> to vector<16xf32>
      %swap3A_151 = vector.shape_cast %broadcast_in_dim3A_1 : vector<16xf32> to vector<1x16xf32>
      tpu.vector_store %arg9[%swap3A_147, %swap3A_148], %swap3A_151 {strides = array<i32>} : memref<256x128xf32, #tpu.memory_space<vmem>>, vector<1x16xf32>,
      %swap3A_152 = arith.index_cast %scan3A_142 : i32 to index
      %swap3A_153 = arith.constant 32 : index
      %swap3A_154 = tpu.vector_load %arg9[%swap3A_152, %swap3A_153] {strides = array<i32>} : memref<256x128xf32, #tpu.memory_space<vmem>>, vector<1x16xf32>,
      %swap3A_155 = vector.shape_cast %swap3A_154 : vector<1x16xf32> to vector<16xf32>
      %swap3A_156 = vector.shape_cast %broadcast_in_dim3A_1 : vector<16xf32> to vector<1x16xf32>
      tpu.vector_store %arg9[%swap3A_152, %swap3A_153], %swap3A_156 {strides = array<i32>} : memref<256x128xf32, #tpu.memory_space<vmem>>, vector<1x16xf32>,
      %swap3A_157 = arith.index_cast %scan3A_142 : i32 to index
      %swap3A_158 = arith.constant 48 : index
      %swap3A_159 = tpu.vector_load %arg9[%swap3A_157, %swap3A_158] {strides = array<i32>} : memref<256x128xf32, #tpu.memory_space<vmem>>, vector<1x16xf32>,
      %swap3A_160 = vector.shape_cast %swap3A_159 : vector<1x16xf32> to vector<16xf32>
      %swap3A_161 = vector.shape_cast %broadcast_in_dim3A_1 : vector<16xf32> to vector<1x16xf32>
      tpu.vector_store %arg9[%swap3A_157, %swap3A_158], %swap3A_161 {strides = array<i32>} : memref<256x128xf32, #tpu.memory_space<vmem>>, vector<1x16xf32>,
      %swap3A_162 = arith.index_cast %scan3A_142 : i32 to index
      %swap3A_163 = arith.constant 64 : index
      %swap3A_164 = tpu.vector_load %arg9[%swap3A_162, %swap3A_163] {strides = array<i32>} : memref<256x128xf32, #tpu.memory_space<vmem>>, vector<1x16xf32>,
      %swap3A_165 = vector.shape_cast %swap3A_164 : vector<1x16xf32> to vector<16xf32>
      %swap3A_166 = vector.shape_cast %broadcast_in_dim3A_1 : vector<16xf32> to vector<1x16xf32>
      tpu.vector_store %arg9[%swap3A_162, %swap3A_163], %swap3A_166 {strides = array<i32>} : memref<256x128xf32, #tpu.memory_space<vmem>>, vector<1x16xf32>,
      %swap3A_167 = arith.index_cast %scan3A_142 : i32 to index
      %swap3A_168 = arith.constant 80 : index
      %swap3A_169 = tpu.vector_load %arg9[%swap3A_167, %swap3A_168] {strides = array<i32>} : memref<256x128xf32, #tpu.memory_space<vmem>>, vector<1x16xf32>,
      %swap3A_170 = vector.shape_cast %swap3A_169 : vector<1x16xf32> to vector<16xf32>
      %swap3A_171 = vector.shape_cast %broadcast_in_dim3A_1 : vector<16xf32> to vector<1x16xf32>
      tpu.vector_store %arg9[%swap3A_167, %swap3A_168], %swap3A_171 {strides = array<i32>} : memref<256x128xf32, #tpu.memory_space<vmem>>, vector<1x16xf32>,
      %swap3A_172 = arith.index_cast %scan3A_142 : i32 to index
      %swap3A_173 = arith.constant 96 : index
      %swap3A_174 = tpu.vector_load %arg9[%swap3A_172, %swap3A_173] {strides = array<i32>} : memref<256x128xf32, #tpu.memory_space<vmem>>, vector<1x16xf32>,
      %swap3A_175 = vector.shape_cast %swap3A_174 : vector<1x16xf32> to vector<16xf32>
      %swap3A_176 = vector.shape_cast %broadcast_in_dim3A_1 : vector<16xf32> to vector<1x16xf32>
      tpu.vector_store %arg9[%swap3A_172, %swap3A_173], %swap3A_176 {strides = array<i32>} : memref<256x128xf32, #tpu.memory_space<vmem>>, vector<1x16xf32>,
      %swap3A_177 = arith.index_cast %scan3A_142 : i32 to index
      %swap3A_178 = arith.constant 112 : index
      %swap3A_179 = tpu.vector_load %arg9[%swap3A_177, %swap3A_178] {strides = array<i32>} : memref<256x128xf32, #tpu.memory_space<vmem>>, vector<1x16xf32>,
      %swap3A_180 = vector.shape_cast %swap3A_179 : vector<1x16xf32> to vector<16xf32>
      %swap3A_181 = vector.shape_cast %broadcast_in_dim3A_1 : vector<16xf32> to vector<1x16xf32>
      tpu.vector_store %arg9[%swap3A_177, %swap3A_178], %swap3A_181 {strides = array<i32>} : memref<256x128xf32, #tpu.memory_space<vmem>>, vector<1x16xf32>,
    }
    %scan3A_6 = arith.constant 128 : i32
    %mul3A_7 = arith.constant 640 : i32
    %mul3A_8 = arith.muli %arg1, %mul3A_7 : i32
    %add3A_9 = arith.constant 0 : i32
    %add3A_10 = arith.addi %mul3A_8, %add3A_9 : i32
    "tpu.region"() ({
      %run_scoped3A_142 = tpu.sem_alloc : memref<!tpu.dma_semaphore, #tpu.memory_space<semaphore_mem>>
      %dma_start3A_143 = arith.constant 0 : i32
      %dma_start3A_144 = arith.constant 0 : i32
      %dma_start3A_145 = tpu.memref_slice %arg9[%dma_start3A_143, %dma_start3A_144] : memref<256x128xf32, #tpu.memory_space<vmem>> -> memref<128x128xf32, #tpu.memory_space<vmem>>
      %dma_start3A_146 = arith.constant 0 : i32
      %dma_start3A_147 = tpu.memref_slice %arg6[%add3A_10, %dma_start3A_146] : memref<10240x128xf32, #tpu.memory_space<vmem_shared>> -> memref<128x128xf32, #tpu.memory_space<vmem_shared>>
      %dma_start3A_148 = arith.constant 0 : i32
      %dma_start3A_149 = tpu.memref_slice %arg6[%add3A_10, %dma_start3A_148] : memref<10240x128xf32, #tpu.memory_space<vmem_shared>> -> memref<128x128xf32, #tpu.memory_space<vmem_shared>>
      %dma_start3A_150 = arith.constant 0 : i32
      %dma_start3A_151 = arith.constant 0 : i32
      %dma_start3A_152 = tpu.memref_slice %arg9[%dma_start3A_150, %dma_start3A_151] : memref<256x128xf32, #tpu.memory_space<vmem>> -> memref<128x128xf32, #tpu.memory_space<vmem>>
      tpu.enqueue_dma source(%dma_start3A_152 : memref<128x128xf32, #tpu.memory_space<vmem>>) target(%dma_start3A_149 : memref<128x128xf32, #tpu.memory_space<vmem_shared>>) target_semaphore(%run_scoped3A_142 : memref<!tpu.dma_semaphore, #tpu.memory_space<semaphore_mem>>)
      %dma_wait3A = arith.constant 0 : i32
      %dma_wait3A_153 = arith.constant 0 : i32
      %dma_wait3A_154 = tpu.memref_slice %arg9[%dma_wait3A, %dma_wait3A_153] : memref<256x128xf32, #tpu.memory_space<vmem>> -> memref<128x128xf32, #tpu.memory_space<vmem>>
      %dma_wait3A_155 = arith.constant 0 : i32
      %dma_wait3A_156 = tpu.memref_slice %arg6[%add3A_10, %dma_wait3A_155] : memref<10240x128xf32, #tpu.memory_space<vmem_shared>> -> memref<128x128xf32, #tpu.memory_space<vmem_shared>>
      %dma_wait3A_157 = arith.constant 0 : i32
      %dma_wait3A_158 = tpu.memref_slice %arg6[%add3A_10, %dma_wait3A_157] : memref<10240x128xf32, #tpu.memory_space<vmem_shared>> -> memref<128x128xf32, #tpu.memory_space<vmem_shared>>
      %dma_wait3A_159 = arith.constant 0 : i32
      %dma_wait3A_160 = arith.constant 0 : i32
      %dma_wait3A_161 = tpu.memref_slice %arg9[%dma_wait3A_159, %dma_wait3A_160] : memref<256x128xf32, #tpu.memory_space<vmem>> -> memref<128x128xf32, #tpu.memory_space<vmem>>
      tpu.wait_dma2 semaphore(%run_scoped3A_142 : memref<!tpu.dma_semaphore, #tpu.memory_space<semaphore_mem>>) src(%dma_wait3A_161 : memref<128x128xf32, #tpu.memory_space<vmem>>) dst(%dma_wait3A_158 : memref<128x128xf32, #tpu.memory_space<vmem_shared>>)
      tpu.yield
    }) : () -> ()
    %mul3A_11 = arith.constant 640 : i32
    %mul3A_12 = arith.muli %arg1, %mul3A_11 : i32
    %add3A_13 = arith.constant 128 : i32
    %add3A_14 = arith.addi %mul3A_12, %add3A_13 : i32
    "tpu.region"() ({
      %run_scoped3A_142 = tpu.sem_alloc : memref<!tpu.dma_semaphore, #tpu.memory_space<semaphore_mem>>
      %dma_start3A_143 = arith.constant 0 : i32
      %dma_start3A_144 = arith.constant 0 : i32
      %dma_start3A_145 = tpu.memref_slice %arg9[%dma_start3A_143, %dma_start3A_144] : memref<256x128xf32, #tpu.memory_space<vmem>> -> memref<128x128xf32, #tpu.memory_space<vmem>>
      %dma_start3A_146 = arith.constant 0 : i32
      %dma_start3A_147 = tpu.memref_slice %arg6[%add3A_14, %dma_start3A_146] : memref<10240x128xf32, #tpu.memory_space<vmem_shared>> -> memref<128x128xf32, #tpu.memory_space<vmem_shared>>
      %dma_start3A_148 = arith.constant 0 : i32
      %dma_start3A_149 = tpu.memref_slice %arg6[%add3A_14, %dma_start3A_148] : memref<10240x128xf32, #tpu.memory_space<vmem_shared>> -> memref<128x128xf32, #tpu.memory_space<vmem_shared>>
      %dma_start3A_150 = arith.constant 0 : i32
      %dma_start3A_151 = arith.constant 0 : i32
      %dma_start3A_152 = tpu.memref_slice %arg9[%dma_start3A_150, %dma_start3A_151] : memref<256x128xf32, #tpu.memory_space<vmem>> -> memref<128x128xf32, #tpu.memory_space<vmem>>
      tpu.enqueue_dma source(%dma_start3A_152 : memref<128x128xf32, #tpu.memory_space<vmem>>) target(%dma_start3A_149 : memref<128x128xf32, #tpu.memory_space<vmem_shared>>) target_semaphore(%run_scoped3A_142 : memref<!tpu.dma_semaphore, #tpu.memory_space<semaphore_mem>>)
      %dma_wait3A = arith.constant 0 : i32
      %dma_wait3A_153 = arith.constant 0 : i32
      %dma_wait3A_154 = tpu.memref_slice %arg9[%dma_wait3A, %dma_wait3A_153] : memref<256x128xf32, #tpu.memory_space<vmem>> -> memref<128x128xf32, #tpu.memory_space<vmem>>
      %dma_wait3A_155 = arith.constant 0 : i32
      %dma_wait3A_156 = tpu.memref_slice %arg6[%add3A_14, %dma_wait3A_155] : memref<10240x128xf32, #tpu.memory_space<vmem_shared>> -> memref<128x128xf32, #tpu.memory_space<vmem_shared>>
      %dma_wait3A_157 = arith.constant 0 : i32
      %dma_wait3A_158 = tpu.memref_slice %arg6[%add3A_14, %dma_wait3A_157] : memref<10240x128xf32, #tpu.memory_space<vmem_shared>> -> memref<128x128xf32, #tpu.memory_space<vmem_shared>>
      %dma_wait3A_159 = arith.constant 0 : i32
      %dma_wait3A_160 = arith.constant 0 : i32
      %dma_wait3A_161 = tpu.memref_slice %arg9[%dma_wait3A_159, %dma_wait3A_160] : memref<256x128xf32, #tpu.memory_space<vmem>> -> memref<128x128xf32, #tpu.memory_space<vmem>>
      tpu.wait_dma2 semaphore(%run_scoped3A_142 : memref<!tpu.dma_semaphore, #tpu.memory_space<semaphore_mem>>) src(%dma_wait3A_161 : memref<128x128xf32, #tpu.memory_space<vmem>>) dst(%dma_wait3A_158 : memref<128x128xf32, #tpu.memory_space<vmem_shared>>)
      tpu.yield
    }) : () -> ()
    %mul3A_15 = arith.constant 640 : i32
    %mul3A_16 = arith.muli %arg1, %mul3A_15 : i32
    %add3A_17 = arith.constant 256 : i32
    %add3A_18 = arith.addi %mul3A_16, %add3A_17 : i32
    "tpu.region"() ({
      %run_scoped3A_142 = tpu.sem_alloc : memref<!tpu.dma_semaphore, #tpu.memory_space<semaphore_mem>>
      %dma_start3A_143 = arith.constant 0 : i32
      %dma_start3A_144 = arith.constant 0 : i32
      %dma_start3A_145 = tpu.memref_slice %arg9[%dma_start3A_143, %dma_start3A_144] : memref<256x128xf32, #tpu.memory_space<vmem>> -> memref<128x128xf32, #tpu.memory_space<vmem>>
      %dma_start3A_146 = arith.constant 0 : i32
      %dma_start3A_147 = tpu.memref_slice %arg6[%add3A_18, %dma_start3A_146] : memref<10240x128xf32, #tpu.memory_space<vmem_shared>> -> memref<128x128xf32, #tpu.memory_space<vmem_shared>>
      %dma_start3A_148 = arith.constant 0 : i32
      %dma_start3A_149 = tpu.memref_slice %arg6[%add3A_18, %dma_start3A_148] : memref<10240x128xf32, #tpu.memory_space<vmem_shared>> -> memref<128x128xf32, #tpu.memory_space<vmem_shared>>
      %dma_start3A_150 = arith.constant 0 : i32
      %dma_start3A_151 = arith.constant 0 : i32
      %dma_start3A_152 = tpu.memref_slice %arg9[%dma_start3A_150, %dma_start3A_151] : memref<256x128xf32, #tpu.memory_space<vmem>> -> memref<128x128xf32, #tpu.memory_space<vmem>>
      tpu.enqueue_dma source(%dma_start3A_152 : memref<128x128xf32, #tpu.memory_space<vmem>>) target(%dma_start3A_149 : memref<128x128xf32, #tpu.memory_space<vmem_shared>>) target_semaphore(%run_scoped3A_142 : memref<!tpu.dma_semaphore, #tpu.memory_space<semaphore_mem>>)
      %dma_wait3A = arith.constant 0 : i32
      %dma_wait3A_153 = arith.constant 0 : i32
      %dma_wait3A_154 = tpu.memref_slice %arg9[%dma_wait3A, %dma_wait3A_153] : memref<256x128xf32, #tpu.memory_space<vmem>> -> memref<128x128xf32, #tpu.memory_space<vmem>>
      %dma_wait3A_155 = arith.constant 0 : i32
      %dma_wait3A_156 = tpu.memref_slice %arg6[%add3A_18, %dma_wait3A_155] : memref<10240x128xf32, #tpu.memory_space<vmem_shared>> -> memref<128x128xf32, #tpu.memory_space<vmem_shared>>
      %dma_wait3A_157 = arith.constant 0 : i32
      %dma_wait3A_158 = tpu.memref_slice %arg6[%add3A_18, %dma_wait3A_157] : memref<10240x128xf32, #tpu.memory_space<vmem_shared>> -> memref<128x128xf32, #tpu.memory_space<vmem_shared>>
      %dma_wait3A_159 = arith.constant 0 : i32
      %dma_wait3A_160 = arith.constant 0 : i32
      %dma_wait3A_161 = tpu.memref_slice %arg9[%dma_wait3A_159, %dma_wait3A_160] : memref<256x128xf32, #tpu.memory_space<vmem>> -> memref<128x128xf32, #tpu.memory_space<vmem>>
      tpu.wait_dma2 semaphore(%run_scoped3A_142 : memref<!tpu.dma_semaphore, #tpu.memory_space<semaphore_mem>>) src(%dma_wait3A_161 : memref<128x128xf32, #tpu.memory_space<vmem>>) dst(%dma_wait3A_158 : memref<128x128xf32, #tpu.memory_space<vmem_shared>>)
      tpu.yield
    }) : () -> ()
    %mul3A_19 = arith.constant 640 : i32
    %mul3A_20 = arith.muli %arg1, %mul3A_19 : i32
    %add3A_21 = arith.constant 384 : i32
    %add3A_22 = arith.addi %mul3A_20, %add3A_21 : i32
    "tpu.region"() ({
      %run_scoped3A_142 = tpu.sem_alloc : memref<!tpu.dma_semaphore, #tpu.memory_space<semaphore_mem>>
      %dma_start3A_143 = arith.constant 0 : i32
      %dma_start3A_144 = arith.constant 0 : i32
      %dma_start3A_145 = tpu.memref_slice %arg9[%dma_start3A_143, %dma_start3A_144] : memref<256x128xf32, #tpu.memory_space<vmem>> -> memref<128x128xf32, #tpu.memory_space<vmem>>
      %dma_start3A_146 = arith.constant 0 : i32
      %dma_start3A_147 = tpu.memref_slice %arg6[%add3A_22, %dma_start3A_146] : memref<10240x128xf32, #tpu.memory_space<vmem_shared>> -> memref<128x128xf32, #tpu.memory_space<vmem_shared>>
      %dma_start3A_148 = arith.constant 0 : i32
      %dma_start3A_149 = tpu.memref_slice %arg6[%add3A_22, %dma_start3A_148] : memref<10240x128xf32, #tpu.memory_space<vmem_shared>> -> memref<128x128xf32, #tpu.memory_space<vmem_shared>>
      %dma_start3A_150 = arith.constant 0 : i32
      %dma_start3A_151 = arith.constant 0 : i32
      %dma_start3A_152 = tpu.memref_slice %arg9[%dma_start3A_150, %dma_start3A_151] : memref<256x128xf32, #tpu.memory_space<vmem>> -> memref<128x128xf32, #tpu.memory_space<vmem>>
      tpu.enqueue_dma source(%dma_start3A_152 : memref<128x128xf32, #tpu.memory_space<vmem>>) target(%dma_start3A_149 : memref<128x128xf32, #tpu.memory_space<vmem_shared>>) target_semaphore(%run_scoped3A_142 : memref<!tpu.dma_semaphore, #tpu.memory_space<semaphore_mem>>)
      %dma_wait3A = arith.constant 0 : i32
      %dma_wait3A_153 = arith.constant 0 : i32
      %dma_wait3A_154 = tpu.memref_slice %arg9[%dma_wait3A, %dma_wait3A_153] : memref<256x128xf32, #tpu.memory_space<vmem>> -> memref<128x128xf32, #tpu.memory_space<vmem>>
      %dma_wait3A_155 = arith.constant 0 : i32
      %dma_wait3A_156 = tpu.memref_slice %arg6[%add3A_22, %dma_wait3A_155] : memref<10240x128xf32, #tpu.memory_space<vmem_shared>> -> memref<128x128xf32, #tpu.memory_space<vmem_shared>>
      %dma_wait3A_157 = arith.constant 0 : i32
      %dma_wait3A_158 = tpu.memref_slice %arg6[%add3A_22, %dma_wait3A_157] : memref<10240x128xf32, #tpu.memory_space<vmem_shared>> -> memref<128x128xf32, #tpu.memory_space<vmem_shared>>
      %dma_wait3A_159 = arith.constant 0 : i32
      %dma_wait3A_160 = arith.constant 0 : i32
      %dma_wait3A_161 = tpu.memref_slice %arg9[%dma_wait3A_159, %dma_wait3A_160] : memref<256x128xf32, #tpu.memory_space<vmem>> -> memref<128x128xf32, #tpu.memory_space<vmem>>
      tpu.wait_dma2 semaphore(%run_scoped3A_142 : memref<!tpu.dma_semaphore, #tpu.memory_space<semaphore_mem>>) src(%dma_wait3A_161 : memref<128x128xf32, #tpu.memory_space<vmem>>) dst(%dma_wait3A_158 : memref<128x128xf32, #tpu.memory_space<vmem_shared>>)
      tpu.yield
    }) : () -> ()
    %mul3A_23 = arith.constant 640 : i32
    %mul3A_24 = arith.muli %arg1, %mul3A_23 : i32
    %add3A_25 = arith.constant 512 : i32
    %add3A_26 = arith.addi %mul3A_24, %add3A_25 : i32
    "tpu.region"() ({
      %run_scoped3A_142 = tpu.sem_alloc : memref<!tpu.dma_semaphore, #tpu.memory_space<semaphore_mem>>
      %dma_start3A_143 = arith.constant 0 : i32
      %dma_start3A_144 = arith.constant 0 : i32
      %dma_start3A_145 = tpu.memref_slice %arg9[%dma_start3A_143, %dma_start3A_144] : memref<256x128xf32, #tpu.memory_space<vmem>> -> memref<128x128xf32, #tpu.memory_space<vmem>>
      %dma_start3A_146 = arith.constant 0 : i32
      %dma_start3A_147 = tpu.memref_slice %arg6[%add3A_26, %dma_start3A_146] : memref<10240x128xf32, #tpu.memory_space<vmem_shared>> -> memref<128x128xf32, #tpu.memory_space<vmem_shared>>
      %dma_start3A_148 = arith.constant 0 : i32
      %dma_start3A_149 = tpu.memref_slice %arg6[%add3A_26, %dma_start3A_148] : memref<10240x128xf32, #tpu.memory_space<vmem_shared>> -> memref<128x128xf32, #tpu.memory_space<vmem_shared>>
      %dma_start3A_150 = arith.constant 0 : i32
      %dma_start3A_151 = arith.constant 0 : i32
      %dma_start3A_152 = tpu.memref_slice %arg9[%dma_start3A_150, %dma_start3A_151] : memref<256x128xf32, #tpu.memory_space<vmem>> -> memref<128x128xf32, #tpu.memory_space<vmem>>
      tpu.enqueue_dma source(%dma_start3A_152 : memref<128x128xf32, #tpu.memory_space<vmem>>) target(%dma_start3A_149 : memref<128x128xf32, #tpu.memory_space<vmem_shared>>) target_semaphore(%run_scoped3A_142 : memref<!tpu.dma_semaphore, #tpu.memory_space<semaphore_mem>>)
      %dma_wait3A = arith.constant 0 : i32
      %dma_wait3A_153 = arith.constant 0 : i32
      %dma_wait3A_154 = tpu.memref_slice %arg9[%dma_wait3A, %dma_wait3A_153] : memref<256x128xf32, #tpu.memory_space<vmem>> -> memref<128x128xf32, #tpu.memory_space<vmem>>
      %dma_wait3A_155 = arith.constant 0 : i32
      %dma_wait3A_156 = tpu.memref_slice %arg6[%add3A_26, %dma_wait3A_155] : memref<10240x128xf32, #tpu.memory_space<vmem_shared>> -> memref<128x128xf32, #tpu.memory_space<vmem_shared>>
      %dma_wait3A_157 = arith.constant 0 : i32
      %dma_wait3A_158 = tpu.memref_slice %arg6[%add3A_26, %dma_wait3A_157] : memref<10240x128xf32, #tpu.memory_space<vmem_shared>> -> memref<128x128xf32, #tpu.memory_space<vmem_shared>>
      %dma_wait3A_159 = arith.constant 0 : i32
      %dma_wait3A_160 = arith.constant 0 : i32
      %dma_wait3A_161 = tpu.memref_slice %arg9[%dma_wait3A_159, %dma_wait3A_160] : memref<256x128xf32, #tpu.memory_space<vmem>> -> memref<128x128xf32, #tpu.memory_space<vmem>>
      tpu.wait_dma2 semaphore(%run_scoped3A_142 : memref<!tpu.dma_semaphore, #tpu.memory_space<semaphore_mem>>) src(%dma_wait3A_161 : memref<128x128xf32, #tpu.memory_space<vmem>>) dst(%dma_wait3A_158 : memref<128x128xf32, #tpu.memory_space<vmem_shared>>)
      tpu.yield
    }) : () -> ()
    "tpu.region"() ({
      %run_scoped3A_142 = tpu.sem_alloc : memref<!tpu.dma_semaphore, #tpu.memory_space<semaphore_mem>>
      %dma_start3A_143 = arith.constant 0 : i32
      %dma_start3A_144 = arith.constant 0 : i32
      %dma_start3A_145 = tpu.memref_slice %arg4[%add3A, %dma_start3A_143, %dma_start3A_144] : memref<32x80x128xi32, #tpu.memory_space<hbm>> -> memref<1x80x128xi32, #tpu.memory_space<hbm>>
      %dma_start3A_146 = tpu.memref_squeeze %dma_start3A_145 : memref<1x80x128xi32, #tpu.memory_space<hbm>> -> memref<80x128xi32, #tpu.memory_space<hbm>>
      %dma_start3A_147 = arith.constant 0 : i32
      %dma_start3A_148 = arith.constant 0 : i32
      %dma_start3A_149 = tpu.memref_slice %arg4[%add3A, %dma_start3A_147, %dma_start3A_148] : memref<32x80x128xi32, #tpu.memory_space<hbm>> -> memref<1x80x128xi32, #tpu.memory_space<hbm>>
      %dma_start3A_150 = tpu.memref_squeeze %dma_start3A_149 : memref<1x80x128xi32, #tpu.memory_space<hbm>> -> memref<80x128xi32, #tpu.memory_space<hbm>>
      tpu.enqueue_dma source(%dma_start3A_150 : memref<80x128xi32, #tpu.memory_space<hbm>>) target(%arg7 : memref<80x128xi32, #tpu.memory_space<vmem>>) target_semaphore(%run_scoped3A_142 : memref<!tpu.dma_semaphore, #tpu.memory_space<semaphore_mem>>)
      %dma_wait3A = arith.constant 0 : i32
      %dma_wait3A_151 = arith.constant 0 : i32
      %dma_wait3A_152 = tpu.memref_slice %arg4[%add3A, %dma_wait3A, %dma_wait3A_151] : memref<32x80x128xi32, #tpu.memory_space<hbm>> -> memref<1x80x128xi32, #tpu.memory_space<hbm>>
      %dma_wait3A_153 = tpu.memref_squeeze %dma_wait3A_152 : memref<1x80x128xi32, #tpu.memory_space<hbm>> -> memref<80x128xi32, #tpu.memory_space<hbm>>
      %dma_wait3A_154 = arith.constant 0 : i32
      %dma_wait3A_155 = arith.constant 0 : i32
      %dma_wait3A_156 = tpu.memref_slice %arg4[%add3A, %dma_wait3A_154, %dma_wait3A_155] : memref<32x80x128xi32, #tpu.memory_space<hbm>> -> memref<1x80x128xi32, #tpu.memory_space<hbm>>
      %dma_wait3A_157 = tpu.memref_squeeze %dma_wait3A_156 : memref<1x80x128xi32, #tpu.memory_space<hbm>> -> memref<80x128xi32, #tpu.memory_space<hbm>>
      tpu.wait_dma2 semaphore(%run_scoped3A_142 : memref<!tpu.dma_semaphore, #tpu.memory_space<semaphore_mem>>) src(%dma_wait3A_157 : memref<80x128xi32, #tpu.memory_space<hbm>>) dst(%arg7 : memref<80x128xi32, #tpu.memory_space<vmem>>)
      tpu.yield
    }) : () -> ()
    %run_scoped3A = arith.constant 0 : i32
    %run_scoped3A_27 = arith.constant 0 : i32
    "tpu.region"() ({
      %run_scoped3A_142 = tpu.sem_alloc : memref<!tpu.dma_semaphore, #tpu.memory_space<semaphore_mem>>
      %dma_start3A_143 = arith.constant 0 : i32
      %dma_start3A_144 = arith.constant 0 : i32
      %dma_start3A_145 = tpu.memref_slice %arg8[%run_scoped3A_27, %dma_start3A_143, %dma_start3A_144] : memref<2x8x128xi32, #tpu.memory_space<vmem>> -> memref<1x8x128xi32, #tpu.memory_space<vmem>>
      %dma_start3A_146 = tpu.memref_squeeze %dma_start3A_145 : memref<1x8x128xi32, #tpu.memory_space<vmem>> -> memref<8x128xi32, #tpu.memory_space<vmem>>
      %dma_start3A_147 = arith.constant 0 : i32
      %dma_start3A_148 = arith.constant 0 : i32
      %dma_start3A_149 = tpu.memref_slice %arg3[%add3A, %run_scoped3A, %dma_start3A_147, %dma_start3A_148] : memref<32x10x8x128xi32, #tpu.memory_space<hbm>> -> memref<1x1x8x128xi32, #tpu.memory_space<hbm>>
      %dma_start3A_150 = tpu.memref_squeeze %dma_start3A_149 : memref<1x1x8x128xi32, #tpu.memory_space<hbm>> -> memref<8x128xi32, #tpu.memory_space<hbm>>
      %dma_start3A_151 = arith.constant 0 : i32
      %dma_start3A_152 = arith.constant 0 : i32
      %dma_start3A_153 = tpu.memref_slice %arg8[%run_scoped3A_27, %dma_start3A_151, %dma_start3A_152] : memref<2x8x128xi32, #tpu.memory_space<vmem>> -> memref<1x8x128xi32, #tpu.memory_space<vmem>>
      %dma_start3A_154 = tpu.memref_squeeze %dma_start3A_153 : memref<1x8x128xi32, #tpu.memory_space<vmem>> -> memref<8x128xi32, #tpu.memory_space<vmem>>
      %dma_start3A_155 = arith.constant 0 : i32
      %dma_start3A_156 = arith.constant 0 : i32
      %dma_start3A_157 = tpu.memref_slice %arg3[%add3A, %run_scoped3A, %dma_start3A_155, %dma_start3A_156] : memref<32x10x8x128xi32, #tpu.memory_space<hbm>> -> memref<1x1x8x128xi32, #tpu.memory_space<hbm>>
      %dma_start3A_158 = tpu.memref_squeeze %dma_start3A_157 : memref<1x1x8x128xi32, #tpu.memory_space<hbm>> -> memref<8x128xi32, #tpu.memory_space<hbm>>
      tpu.enqueue_dma source(%dma_start3A_158 : memref<8x128xi32, #tpu.memory_space<hbm>>) target(%dma_start3A_154 : memref<8x128xi32, #tpu.memory_space<vmem>>) target_semaphore(%run_scoped3A_142 : memref<!tpu.dma_semaphore, #tpu.memory_space<semaphore_mem>>)
      %dma_wait3A = arith.constant 0 : i32
      %dma_wait3A_159 = arith.constant 0 : i32
      %dma_wait3A_160 = tpu.memref_slice %arg8[%run_scoped3A_27, %dma_wait3A, %dma_wait3A_159] : memref<2x8x128xi32, #tpu.memory_space<vmem>> -> memref<1x8x128xi32, #tpu.memory_space<vmem>>
      %dma_wait3A_161 = tpu.memref_squeeze %dma_wait3A_160 : memref<1x8x128xi32, #tpu.memory_space<vmem>> -> memref<8x128xi32, #tpu.memory_space<vmem>>
      %dma_wait3A_162 = arith.constant 0 : i32
      %dma_wait3A_163 = arith.constant 0 : i32
      %dma_wait3A_164 = tpu.memref_slice %arg3[%add3A, %run_scoped3A, %dma_wait3A_162, %dma_wait3A_163] : memref<32x10x8x128xi32, #tpu.memory_space<hbm>> -> memref<1x1x8x128xi32, #tpu.memory_space<hbm>>
      %dma_wait3A_165 = tpu.memref_squeeze %dma_wait3A_164 : memref<1x1x8x128xi32, #tpu.memory_space<hbm>> -> memref<8x128xi32, #tpu.memory_space<hbm>>
      %dma_wait3A_166 = arith.constant 0 : i32
      %dma_wait3A_167 = arith.constant 0 : i32
      %dma_wait3A_168 = tpu.memref_slice %arg8[%run_scoped3A_27, %dma_wait3A_166, %dma_wait3A_167] : memref<2x8x128xi32, #tpu.memory_space<vmem>> -> memref<1x8x128xi32, #tpu.memory_space<vmem>>
      %dma_wait3A_169 = tpu.memref_squeeze %dma_wait3A_168 : memref<1x8x128xi32, #tpu.memory_space<vmem>> -> memref<8x128xi32, #tpu.memory_space<vmem>>
      %dma_wait3A_170 = arith.constant 0 : i32
      %dma_wait3A_171 = arith.constant 0 : i32
      %dma_wait3A_172 = tpu.memref_slice %arg3[%add3A, %run_scoped3A, %dma_wait3A_170, %dma_wait3A_171] : memref<32x10x8x128xi32, #tpu.memory_space<hbm>> -> memref<1x1x8x128xi32, #tpu.memory_space<hbm>>
      %dma_wait3A_173 = tpu.memref_squeeze %dma_wait3A_172 : memref<1x1x8x128xi32, #tpu.memory_space<hbm>> -> memref<8x128xi32, #tpu.memory_space<hbm>>
      tpu.wait_dma2 semaphore(%run_scoped3A_142 : memref<!tpu.dma_semaphore, #tpu.memory_space<semaphore_mem>>) src(%dma_wait3A_173 : memref<8x128xi32, #tpu.memory_space<hbm>>) dst(%dma_wait3A_169 : memref<8x128xi32, #tpu.memory_space<vmem>>)
      tpu.yield
    }) : () -> ()
    %dma_start3A = arith.constant 0 : i32
    %dma_start3A_28 = arith.constant 0 : i32
    %dma_start3A_29 = arith.constant 0 : i32
    %dma_start3A_30 = arith.constant 0 : i32
    %dma_start3A_31 = tpu.memref_slice %arg9[%dma_start3A_29, %dma_start3A_30] : memref<256x128xf32, #tpu.memory_space<vmem>> -> memref<32x128xf32, #tpu.memory_space<vmem>>
    %dma_start3A_32 = arith.constant 0 : i32
    %dma_start3A_33 = tpu.memref_slice %arg8[%dma_start3A, %dma_start3A_28, %dma_start3A_32] : memref<2x8x128xi32, #tpu.memory_space<vmem>> -> memref<1x1x32xi32, #tpu.memory_space<vmem>>
    %dma_start3A_34 = tpu.memref_squeeze %dma_start3A_33 : memref<1x1x32xi32, #tpu.memory_space<vmem>> -> memref<32xi32, #tpu.memory_space<vmem>>
    %dma_start3A_35 = arith.constant 0 : i32
    %dma_start3A_36 = arith.constant 0 : i32
    %dma_start3A_37 = tpu.memref_slice %arg2[%dma_start3A_35, %dma_start3A_36] : memref<10000x128xf32, #tpu.memory_space<hbm>> -> memref<10000x128xf32, #tpu.memory_space<hbm>>
    tpu.enqueue_indirect_dma source(%dma_start3A_37 : memref<10000x128xf32, #tpu.memory_space<hbm>>) target(%dma_start3A_31 : memref<32x128xf32, #tpu.memory_space<vmem>>) offsets(%dma_start3A_34 : memref<32xi32, #tpu.memory_space<vmem>>) semaphore(%arg10 : memref<!tpu.dma_semaphore, #tpu.memory_space<semaphore_mem>>)
    %dma_start3A_38 = arith.constant 0 : i32
    %dma_start3A_39 = arith.constant 0 : i32
    %dma_start3A_40 = arith.constant 32 : i32
    %dma_start3A_41 = arith.constant 0 : i32
    %dma_start3A_42 = tpu.memref_slice %arg9[%dma_start3A_40, %dma_start3A_41] : memref<256x128xf32, #tpu.memory_space<vmem>> -> memref<32x128xf32, #tpu.memory_space<vmem>>
    %dma_start3A_43 = arith.constant 32 : i32
    %dma_start3A_44 = tpu.memref_slice %arg8[%dma_start3A_38, %dma_start3A_39, %dma_start3A_43] : memref<2x8x128xi32, #tpu.memory_space<vmem>> -> memref<1x1x32xi32, #tpu.memory_space<vmem>>
    %dma_start3A_45 = tpu.memref_squeeze %dma_start3A_44 : memref<1x1x32xi32, #tpu.memory_space<vmem>> -> memref<32xi32, #tpu.memory_space<vmem>>
    %dma_start3A_46 = arith.constant 0 : i32
    %dma_start3A_47 = arith.constant 0 : i32
    %dma_start3A_48 = tpu.memref_slice %arg2[%dma_start3A_46, %dma_start3A_47] : memref<10000x128xf32, #tpu.memory_space<hbm>> -> memref<10000x128xf32, #tpu.memory_space<hbm>>
    tpu.enqueue_indirect_dma source(%dma_start3A_48 : memref<10000x128xf32, #tpu.memory_space<hbm>>) target(%dma_start3A_42 : memref<32x128xf32, #tpu.memory_space<vmem>>) offsets(%dma_start3A_45 : memref<32xi32, #tpu.memory_space<vmem>>) semaphore(%arg10 : memref<!tpu.dma_semaphore, #tpu.memory_space<semaphore_mem>>)
    %dma_start3A_49 = arith.constant 0 : i32
    %dma_start3A_50 = arith.constant 0 : i32
    %dma_start3A_51 = arith.constant 64 : i32
    %dma_start3A_52 = arith.constant 0 : i32
    %dma_start3A_53 = tpu.memref_slice %arg9[%dma_start3A_51, %dma_start3A_52] : memref<256x128xf32, #tpu.memory_space<vmem>> -> memref<32x128xf32, #tpu.memory_space<vmem>>
    %dma_start3A_54 = arith.constant 64 : i32
    %dma_start3A_55 = tpu.memref_slice %arg8[%dma_start3A_49, %dma_start3A_50, %dma_start3A_54] : memref<2x8x128xi32, #tpu.memory_space<vmem>> -> memref<1x1x32xi32, #tpu.memory_space<vmem>>
    %dma_start3A_56 = tpu.memref_squeeze %dma_start3A_55 : memref<1x1x32xi32, #tpu.memory_space<vmem>> -> memref<32xi32, #tpu.memory_space<vmem>>
    %dma_start3A_57 = arith.constant 0 : i32
    %dma_start3A_58 = arith.constant 0 : i32
    %dma_start3A_59 = tpu.memref_slice %arg2[%dma_start3A_57, %dma_start3A_58] : memref<10000x128xf32, #tpu.memory_space<hbm>> -> memref<10000x128xf32, #tpu.memory_space<hbm>>
    tpu.enqueue_indirect_dma source(%dma_start3A_59 : memref<10000x128xf32, #tpu.memory_space<hbm>>) target(%dma_start3A_53 : memref<32x128xf32, #tpu.memory_space<vmem>>) offsets(%dma_start3A_56 : memref<32xi32, #tpu.memory_space<vmem>>) semaphore(%arg10 : memref<!tpu.dma_semaphore, #tpu.memory_space<semaphore_mem>>)
    %dma_start3A_60 = arith.constant 0 : i32
    %dma_start3A_61 = arith.constant 0 : i32
    %dma_start3A_62 = arith.constant 96 : i32
    %dma_start3A_63 = arith.constant 0 : i32
    %dma_start3A_64 = tpu.memref_slice %arg9[%dma_start3A_62, %dma_start3A_63] : memref<256x128xf32, #tpu.memory_space<vmem>> -> memref<32x128xf32, #tpu.memory_space<vmem>>
    %dma_start3A_65 = arith.constant 96 : i32
    %dma_start3A_66 = tpu.memref_slice %arg8[%dma_start3A_60, %dma_start3A_61, %dma_start3A_65] : memref<2x8x128xi32, #tpu.memory_space<vmem>> -> memref<1x1x32xi32, #tpu.memory_space<vmem>>
    %dma_start3A_67 = tpu.memref_squeeze %dma_start3A_66 : memref<1x1x32xi32, #tpu.memory_space<vmem>> -> memref<32xi32, #tpu.memory_space<vmem>>
    %dma_start3A_68 = arith.constant 0 : i32
    %dma_start3A_69 = arith.constant 0 : i32
    %dma_start3A_70 = tpu.memref_slice %arg2[%dma_start3A_68, %dma_start3A_69] : memref<10000x128xf32, #tpu.memory_space<hbm>> -> memref<10000x128xf32, #tpu.memory_space<hbm>>
    tpu.enqueue_indirect_dma source(%dma_start3A_70 : memref<10000x128xf32, #tpu.memory_space<hbm>>) target(%dma_start3A_64 : memref<32x128xf32, #tpu.memory_space<vmem>>) offsets(%dma_start3A_67 : memref<32xi32, #tpu.memory_space<vmem>>) semaphore(%arg10 : memref<!tpu.dma_semaphore, #tpu.memory_space<semaphore_mem>>)
    %dma_start3A_71 = arith.constant 0 : i32
    %dma_start3A_72 = arith.constant 1 : i32
    %dma_start3A_73 = arith.constant 128 : i32
    %dma_start3A_74 = arith.constant 0 : i32
    %dma_start3A_75 = tpu.memref_slice %arg9[%dma_start3A_73, %dma_start3A_74] : memref<256x128xf32, #tpu.memory_space<vmem>> -> memref<32x128xf32, #tpu.memory_space<vmem>>
    %dma_start3A_76 = arith.constant 0 : i32
    %dma_start3A_77 = tpu.memref_slice %arg8[%dma_start3A_71, %dma_start3A_72, %dma_start3A_76] : memref<2x8x128xi32, #tpu.memory_space<vmem>> -> memref<1x1x32xi32, #tpu.memory_space<vmem>>
    %dma_start3A_78 = tpu.memref_squeeze %dma_start3A_77 : memref<1x1x32xi32, #tpu.memory_space<vmem>> -> memref<32xi32, #tpu.memory_space<vmem>>
    %dma_start3A_79 = arith.constant 0 : i32
    %dma_start3A_80 = arith.constant 0 : i32
    %dma_start3A_81 = tpu.memref_slice %arg2[%dma_start3A_79, %dma_start3A_80] : memref<10000x128xf32, #tpu.memory_space<hbm>> -> memref<10000x128xf32, #tpu.memory_space<hbm>>
    tpu.enqueue_indirect_dma source(%dma_start3A_81 : memref<10000x128xf32, #tpu.memory_space<hbm>>) target(%dma_start3A_75 : memref<32x128xf32, #tpu.memory_space<vmem>>) offsets(%dma_start3A_78 : memref<32xi32, #tpu.memory_space<vmem>>) semaphore(%arg11 : memref<!tpu.dma_semaphore, #tpu.memory_space<semaphore_mem>>)
    %dma_start3A_82 = arith.constant 0 : i32
    %dma_start3A_83 = arith.constant 1 : i32
    %dma_start3A_84 = arith.constant 160 : i32
    %dma_start3A_85 = arith.constant 0 : i32
    %dma_start3A_86 = tpu.memref_slice %arg9[%dma_start3A_84, %dma_start3A_85] : memref<256x128xf32, #tpu.memory_space<vmem>> -> memref<32x128xf32, #tpu.memory_space<vmem>>
    %dma_start3A_87 = arith.constant 32 : i32
    %dma_start3A_88 = tpu.memref_slice %arg8[%dma_start3A_82, %dma_start3A_83, %dma_start3A_87] : memref<2x8x128xi32, #tpu.memory_space<vmem>> -> memref<1x1x32xi32, #tpu.memory_space<vmem>>
    %dma_start3A_89 = tpu.memref_squeeze %dma_start3A_88 : memref<1x1x32xi32, #tpu.memory_space<vmem>> -> memref<32xi32, #tpu.memory_space<vmem>>
    %dma_start3A_90 = arith.constant 0 : i32
    %dma_start3A_91 = arith.constant 0 : i32
    %dma_start3A_92 = tpu.memref_slice %arg2[%dma_start3A_90, %dma_start3A_91] : memref<10000x128xf32, #tpu.memory_space<hbm>> -> memref<10000x128xf32, #tpu.memory_space<hbm>>
    tpu.enqueue_indirect_dma source(%dma_start3A_92 : memref<10000x128xf32, #tpu.memory_space<hbm>>) target(%dma_start3A_86 : memref<32x128xf32, #tpu.memory_space<vmem>>) offsets(%dma_start3A_89 : memref<32xi32, #tpu.memory_space<vmem>>) semaphore(%arg11 : memref<!tpu.dma_semaphore, #tpu.memory_space<semaphore_mem>>)
    %dma_start3A_93 = arith.constant 0 : i32
    %dma_start3A_94 = arith.constant 1 : i32
    %dma_start3A_95 = arith.constant 192 : i32
    %dma_start3A_96 = arith.constant 0 : i32
    %dma_start3A_97 = tpu.memref_slice %arg9[%dma_start3A_95, %dma_start3A_96] : memref<256x128xf32, #tpu.memory_space<vmem>> -> memref<32x128xf32, #tpu.memory_space<vmem>>
    %dma_start3A_98 = arith.constant 64 : i32
    %dma_start3A_99 = tpu.memref_slice %arg8[%dma_start3A_93, %dma_start3A_94, %dma_start3A_98] : memref<2x8x128xi32, #tpu.memory_space<vmem>> -> memref<1x1x32xi32, #tpu.memory_space<vmem>>
    %dma_start3A_100 = tpu.memref_squeeze %dma_start3A_99 : memref<1x1x32xi32, #tpu.memory_space<vmem>> -> memref<32xi32, #tpu.memory_space<vmem>>
    %dma_start3A_101 = arith.constant 0 : i32
    %dma_start3A_102 = arith.constant 0 : i32
    %dma_start3A_103 = tpu.memref_slice %arg2[%dma_start3A_101, %dma_start3A_102] : memref<10000x128xf32, #tpu.memory_space<hbm>> -> memref<10000x128xf32, #tpu.memory_space<hbm>>
    tpu.enqueue_indirect_dma source(%dma_start3A_103 : memref<10000x128xf32, #tpu.memory_space<hbm>>) target(%dma_start3A_97 : memref<32x128xf32, #tpu.memory_space<vmem>>) offsets(%dma_start3A_100 : memref<32xi32, #tpu.memory_space<vmem>>) semaphore(%arg11 : memref<!tpu.dma_semaphore, #tpu.memory_space<semaphore_mem>>)
    %dma_start3A_104 = arith.constant 0 : i32
    %dma_start3A_105 = arith.constant 1 : i32
    %dma_start3A_106 = arith.constant 224 : i32
    %dma_start3A_107 = arith.constant 0 : i32
    %dma_start3A_108 = tpu.memref_slice %arg9[%dma_start3A_106, %dma_start3A_107] : memref<256x128xf32, #tpu.memory_space<vmem>> -> memref<32x128xf32, #tpu.memory_space<vmem>>
    %dma_start3A_109 = arith.constant 96 : i32
    %dma_start3A_110 = tpu.memref_slice %arg8[%dma_start3A_104, %dma_start3A_105, %dma_start3A_109] : memref<2x8x128xi32, #tpu.memory_space<vmem>> -> memref<1x1x32xi32, #tpu.memory_space<vmem>>
    %dma_start3A_111 = tpu.memref_squeeze %dma_start3A_110 : memref<1x1x32xi32, #tpu.memory_space<vmem>> -> memref<32xi32, #tpu.memory_space<vmem>>
    %dma_start3A_112 = arith.constant 0 : i32
    %dma_start3A_113 = arith.constant 0 : i32
    %dma_start3A_114 = tpu.memref_slice %arg2[%dma_start3A_112, %dma_start3A_113] : memref<10000x128xf32, #tpu.memory_space<hbm>> -> memref<10000x128xf32, #tpu.memory_space<hbm>>
    tpu.enqueue_indirect_dma source(%dma_start3A_114 : memref<10000x128xf32, #tpu.memory_space<hbm>>) target(%dma_start3A_108 : memref<32x128xf32, #tpu.memory_space<vmem>>) offsets(%dma_start3A_111 : memref<32xi32, #tpu.memory_space<vmem>>) semaphore(%arg11 : memref<!tpu.dma_semaphore, #tpu.memory_space<semaphore_mem>>)
    %barrier3A = arith.constant 0 : index
    tpu.barrier barrier_id(%barrier3A)
    %scan3A_115 = arith.constant 0 : i32
    %scan3A_116 = arith.constant 0 : i32
    %scan3A_117 = arith.constant 40 : i32
    %scan3A_118 = arith.addi %scan3A_116, %scan3A_117 : i32
    %scan3A_119 = arith.constant 1 : i32
    scf.for %scan3A_142 = %scan3A_116 to %scan3A_118 step %scan3A_119  : i32 {
      %mul3A_143 = arith.constant 2 : i32
      %mul3A_144 = arith.muli %mul3A_143, %scan3A_142 : i32
      %jit3A = arith.constant 8 : i32
      %div3A = arith.divsi %mul3A_144, %jit3A : i32
      %sign3A = arith.constant 0 : i32
      %sign3A_145 = arith.cmpi sgt, %mul3A_144, %sign3A : i32
      %sign3A_146 = arith.extui %sign3A_145 : i1 to i32
      %sign3A_147 = arith.constant 0 : i32
      %sign3A_148 = arith.cmpi slt, %mul3A_144, %sign3A_147 : i32
      %sign3A_149 = arith.extui %sign3A_148 : i1 to i32
      %sign3A_150 = arith.subi %sign3A_146, %sign3A_149 : i32
      %sign3A_151 = arith.constant 0 : i32
      %sign3A_152 = arith.cmpi sgt, %jit3A, %sign3A_151 : i32
      %sign3A_153 = arith.extui %sign3A_152 : i1 to i32
      %sign3A_154 = arith.constant 0 : i32
      %sign3A_155 = arith.cmpi slt, %jit3A, %sign3A_154 : i32
      %sign3A_156 = arith.extui %sign3A_155 : i1 to i32
      %sign3A_157 = arith.subi %sign3A_153, %sign3A_156 : i32
      %ne3A = arith.cmpi ne, %sign3A_150, %sign3A_157 : i32
      %rem3A = arith.remsi %mul3A_144, %jit3A : i32
      %ne3A_158 = arith.constant 0 : i32
      %ne3A_159 = arith.cmpi ne, %rem3A, %ne3A_158 : i32
      %and3A = arith.andi %ne3A, %ne3A_159 : i1
      %sub3A = arith.constant 1 : i32
      %sub3A_160 = arith.subi %div3A, %sub3A : i32
      %select_n3A = arith.select %and3A, %sub3A_160, %div3A : i32
      %jit3A_161 = arith.constant 8 : i32
      %eq3A = arith.constant 0 : i32
      %eq3A_162 = arith.cmpi eq, %jit3A_161, %eq3A : i32
      %jit3A_163 = arith.constant 1 : i32
      %select_n3A_164 = arith.select %eq3A_162, %jit3A_163, %jit3A_161 : i32
      %rem3A_165 = arith.remsi %mul3A_144, %select_n3A_164 : i32
      %ne3A_166 = arith.constant 0 : i32
      %ne3A_167 = arith.cmpi ne, %rem3A_165, %ne3A_166 : i32
      %lt3A = arith.constant 0 : i32
      %lt3A_168 = arith.cmpi slt, %rem3A_165, %lt3A : i32
      %lt3A_169 = arith.constant 0 : i32
      %lt3A_170 = arith.cmpi slt, %select_n3A_164, %lt3A_169 : i32
      %ne3A_171 = arith.xori %lt3A_168, %lt3A_170 : i1
      %and3A_172 = arith.andi %ne3A_171, %ne3A_167 : i1
      %add3A_173 = arith.addi %rem3A_165, %select_n3A_164 : i32
      %select_n3A_174 = arith.select %and3A_172, %add3A_173, %rem3A_165 : i32
      %eq3A_175 = arith.constant 0 : i32
      %eq3A_176 = arith.cmpi eq, %select_n3A_174, %eq3A_175 : i32
      %add3A_177 = arith.constant 1 : i32
      %add3A_178 = arith.addi %select_n3A, %add3A_177 : i32
      %lt3A_179 = arith.constant 10 : i32
      %lt3A_180 = arith.cmpi slt, %add3A_178, %lt3A_179 : i32
      %and3A_181 = arith.andi %eq3A_176, %lt3A_180 : i1
      %convert_element_type3A = arith.extui %and3A_181 : i1 to i32
      %cond3A = arith.constant 0 : i32
      %cond3A_182 = arith.cmpi ne, %convert_element_type3A, %cond3A : i32
      scf.if %cond3A_182 {
        %add3A_296 = arith.constant 1 : i32
        %add3A_297 = arith.addi %select_n3A, %add3A_296 : i32
        %add3A_298 = arith.constant 1 : i32
        %add3A_299 = arith.addi %select_n3A, %add3A_298 : i32
        %jit3A_300 = arith.constant 2 : i32
        %eq3A_301 = arith.constant 0 : i32
        %eq3A_302 = arith.cmpi eq, %jit3A_300, %eq3A_301 : i32
        %jit3A_303 = arith.constant 1 : i32
        %select_n3A_304 = arith.select %eq3A_302, %jit3A_303, %jit3A_300 : i32
        %rem3A_305 = arith.remsi %add3A_299, %select_n3A_304 : i32
        %ne3A_306 = arith.constant 0 : i32
        %ne3A_307 = arith.cmpi ne, %rem3A_305, %ne3A_306 : i32
        %lt3A_308 = arith.constant 0 : i32
        %lt3A_309 = arith.cmpi slt, %rem3A_305, %lt3A_308 : i32
        %lt3A_310 = arith.constant 0 : i32
        %lt3A_311 = arith.cmpi slt, %select_n3A_304, %lt3A_310 : i32
        %ne3A_312 = arith.xori %lt3A_309, %lt3A_311 : i1
        %and3A_313 = arith.andi %ne3A_312, %ne3A_307 : i1
        %add3A_314 = arith.addi %rem3A_305, %select_n3A_304 : i32
        %select_n3A_315 = arith.select %and3A_313, %add3A_314, %rem3A_305 : i32
        %dma_start3A_316 = arith.constant 0 : i32
        %dma_start3A_317 = arith.constant 0 : i32
        %dma_start3A_318 = tpu.memref_slice %arg8[%select_n3A_315, %dma_start3A_316, %dma_start3A_317] : memref<2x8x128xi32, #tpu.memory_space<vmem>> -> memref<1x8x128xi32, #tpu.memory_space<vmem>>
        %dma_start3A_319 = tpu.memref_squeeze %dma_start3A_318 : memref<1x8x128xi32, #tpu.memory_space<vmem>> -> memref<8x128xi32, #tpu.memory_space<vmem>>
        %dma_start3A_320 = arith.constant 0 : i32
        %dma_start3A_321 = arith.constant 0 : i32
        %dma_start3A_322 = tpu.memref_slice %arg3[%add3A, %add3A_297, %dma_start3A_320, %dma_start3A_321] : memref<32x10x8x128xi32, #tpu.memory_space<hbm>> -> memref<1x1x8x128xi32, #tpu.memory_space<hbm>>
        %dma_start3A_323 = tpu.memref_squeeze %dma_start3A_322 : memref<1x1x8x128xi32, #tpu.memory_space<hbm>> -> memref<8x128xi32, #tpu.memory_space<hbm>>
        %dma_start3A_324 = arith.constant 0 : i32
        %dma_start3A_325 = arith.constant 0 : i32
        %dma_start3A_326 = tpu.memref_slice %arg8[%select_n3A_315, %dma_start3A_324, %dma_start3A_325] : memref<2x8x128xi32, #tpu.memory_space<vmem>> -> memref<1x8x128xi32, #tpu.memory_space<vmem>>
        %dma_start3A_327 = tpu.memref_squeeze %dma_start3A_326 : memref<1x8x128xi32, #tpu.memory_space<vmem>> -> memref<8x128xi32, #tpu.memory_space<vmem>>
        %dma_start3A_328 = arith.constant 0 : i32
        %dma_start3A_329 = arith.constant 0 : i32
        %dma_start3A_330 = tpu.memref_slice %arg3[%add3A, %add3A_297, %dma_start3A_328, %dma_start3A_329] : memref<32x10x8x128xi32, #tpu.memory_space<hbm>> -> memref<1x1x8x128xi32, #tpu.memory_space<hbm>>
        %dma_start3A_331 = tpu.memref_squeeze %dma_start3A_330 : memref<1x1x8x128xi32, #tpu.memory_space<hbm>> -> memref<8x128xi32, #tpu.memory_space<hbm>>
        tpu.enqueue_dma source(%dma_start3A_331 : memref<8x128xi32, #tpu.memory_space<hbm>>) target(%dma_start3A_327 : memref<8x128xi32, #tpu.memory_space<vmem>>) target_semaphore(%arg12 : memref<!tpu.dma_semaphore, #tpu.memory_space<semaphore_mem>>)
      } else {
      }
      %eq3A_183 = arith.constant 6 : i32
      %eq3A_184 = arith.cmpi eq, %select_n3A_174, %eq3A_183 : i32
      %add3A_185 = arith.constant 1 : i32
      %add3A_186 = arith.addi %select_n3A, %add3A_185 : i32
      %lt3A_187 = arith.constant 10 : i32
      %lt3A_188 = arith.cmpi slt, %add3A_186, %lt3A_187 : i32
      %and3A_189 = arith.andi %eq3A_184, %lt3A_188 : i1
      %convert_element_type3A_190 = arith.extui %and3A_189 : i1 to i32
      %cond3A_191 = arith.constant 0 : i32
      %cond3A_192 = arith.cmpi ne, %convert_element_type3A_190, %cond3A_191 : i32
      scf.if %cond3A_192 {
        %dma_wait3A_296 = arith.constant 0 : i32
        %dma_wait3A_297 = arith.constant 0 : i32
        %dma_wait3A_298 = arith.constant 0 : i32
        %dma_wait3A_299 = arith.constant 0 : i32
        %dma_wait3A_300 = tpu.memref_slice %arg8[%dma_wait3A_297, %dma_wait3A_298, %dma_wait3A_299] : memref<2x8x128xi32, #tpu.memory_space<vmem>> -> memref<1x8x128xi32, #tpu.memory_space<vmem>>
        %dma_wait3A_301 = tpu.memref_squeeze %dma_wait3A_300 : memref<1x8x128xi32, #tpu.memory_space<vmem>> -> memref<8x128xi32, #tpu.memory_space<vmem>>
        %dma_wait3A_302 = arith.constant 0 : i32
        %dma_wait3A_303 = arith.constant 0 : i32
        %dma_wait3A_304 = tpu.memref_slice %arg3[%add3A, %dma_wait3A_296, %dma_wait3A_302, %dma_wait3A_303] : memref<32x10x8x128xi32, #tpu.memory_space<hbm>> -> memref<1x1x8x128xi32, #tpu.memory_space<hbm>>
        %dma_wait3A_305 = tpu.memref_squeeze %dma_wait3A_304 : memref<1x1x8x128xi32, #tpu.memory_space<hbm>> -> memref<8x128xi32, #tpu.memory_space<hbm>>
        %dma_wait3A_306 = arith.constant 0 : i32
        %dma_wait3A_307 = arith.constant 0 : i32
        %dma_wait3A_308 = tpu.memref_slice %arg8[%dma_wait3A_297, %dma_wait3A_306, %dma_wait3A_307] : memref<2x8x128xi32, #tpu.memory_space<vmem>> -> memref<1x8x128xi32, #tpu.memory_space<vmem>>
        %dma_wait3A_309 = tpu.memref_squeeze %dma_wait3A_308 : memref<1x8x128xi32, #tpu.memory_space<vmem>> -> memref<8x128xi32, #tpu.memory_space<vmem>>
        %dma_wait3A_310 = arith.constant 0 : i32
        %dma_wait3A_311 = arith.constant 0 : i32
        %dma_wait3A_312 = tpu.memref_slice %arg3[%add3A, %dma_wait3A_296, %dma_wait3A_310, %dma_wait3A_311] : memref<32x10x8x128xi32, #tpu.memory_space<hbm>> -> memref<1x1x8x128xi32, #tpu.memory_space<hbm>>
        %dma_wait3A_313 = tpu.memref_squeeze %dma_wait3A_312 : memref<1x1x8x128xi32, #tpu.memory_space<hbm>> -> memref<8x128xi32, #tpu.memory_space<hbm>>
        tpu.wait_dma2 semaphore(%arg12 : memref<!tpu.dma_semaphore, #tpu.memory_space<semaphore_mem>>) src(%dma_wait3A_313 : memref<8x128xi32, #tpu.memory_space<hbm>>) dst(%dma_wait3A_309 : memref<8x128xi32, #tpu.memory_space<vmem>>)
      } else {
      }
      %dma_wait3A = arith.constant 0 : i32
      %dma_wait3A_193 = arith.constant 0 : i32
      %dma_wait3A_194 = arith.constant 0 : i32
      %dma_wait3A_195 = arith.constant 0 : i32
      %dma_wait3A_196 = tpu.memref_slice %arg9[%dma_wait3A_194, %dma_wait3A_195] : memref<256x128xf32, #tpu.memory_space<vmem>> -> memref<32x128xf32, #tpu.memory_space<vmem>>
      %dma_wait3A_197 = arith.constant 0 : i32
      %dma_wait3A_198 = tpu.memref_slice %arg8[%dma_wait3A, %dma_wait3A_193, %dma_wait3A_197] : memref<2x8x128xi32, #tpu.memory_space<vmem>> -> memref<1x1x32xi32, #tpu.memory_space<vmem>>
      %dma_wait3A_199 = tpu.memref_squeeze %dma_wait3A_198 : memref<1x1x32xi32, #tpu.memory_space<vmem>> -> memref<32xi32, #tpu.memory_space<vmem>>
      %dma_wait3A_200 = arith.constant 0 : i32
      %dma_wait3A_201 = arith.constant 0 : i32
      %dma_wait3A_202 = tpu.memref_slice %arg2[%dma_wait3A_200, %dma_wait3A_201] : memref<10000x128xf32, #tpu.memory_space<hbm>> -> memref<10000x128xf32, #tpu.memory_space<hbm>>
      tpu.wait_indirect_dma semaphore(%arg10 : memref<!tpu.dma_semaphore, #tpu.memory_space<semaphore_mem>>) src(%dma_wait3A_202 : memref<10000x128xf32, #tpu.memory_space<hbm>>) dst(%dma_wait3A_196 : memref<32x128xf32, #tpu.memory_space<vmem>>)
      %dma_wait3A_203 = arith.constant 0 : i32
      %dma_wait3A_204 = arith.constant 0 : i32
      %dma_wait3A_205 = arith.constant 32 : i32
      %dma_wait3A_206 = arith.constant 0 : i32
      %dma_wait3A_207 = tpu.memref_slice %arg9[%dma_wait3A_205, %dma_wait3A_206] : memref<256x128xf32, #tpu.memory_space<vmem>> -> memref<32x128xf32, #tpu.memory_space<vmem>>
      %dma_wait3A_208 = arith.constant 0 : i32
      %dma_wait3A_209 = tpu.memref_slice %arg8[%dma_wait3A_203, %dma_wait3A_204, %dma_wait3A_208] : memref<2x8x128xi32, #tpu.memory_space<vmem>> -> memref<1x1x32xi32, #tpu.memory_space<vmem>>
      %dma_wait3A_210 = tpu.memref_squeeze %dma_wait3A_209 : memref<1x1x32xi32, #tpu.memory_space<vmem>> -> memref<32xi32, #tpu.memory_space<vmem>>
      %dma_wait3A_211 = arith.constant 0 : i32
      %dma_wait3A_212 = arith.constant 0 : i32
      %dma_wait3A_213 = tpu.memref_slice %arg2[%dma_wait3A_211, %dma_wait3A_212] : memref<10000x128xf32, #tpu.memory_space<hbm>> -> memref<10000x128xf32, #tpu.memory_space<hbm>>
      tpu.wait_indirect_dma semaphore(%arg10 : memref<!tpu.dma_semaphore, #tpu.memory_space<semaphore_mem>>) src(%dma_wait3A_213 : memref<10000x128xf32, #tpu.memory_space<hbm>>) dst(%dma_wait3A_207 : memref<32x128xf32, #tpu.memory_space<vmem>>)
      %dma_wait3A_214 = arith.constant 0 : i32
      %dma_wait3A_215 = arith.constant 0 : i32
      %dma_wait3A_216 = arith.constant 64 : i32
      %dma_wait3A_217 = arith.constant 0 : i32
      %dma_wait3A_218 = tpu.memref_slice %arg9[%dma_wait3A_216, %dma_wait3A_217] : memref<256x128xf32, #tpu.memory_space<vmem>> -> memref<32x128xf32, #tpu.memory_space<vmem>>
      %dma_wait3A_219 = arith.constant 0 : i32
      %dma_wait3A_220 = tpu.memref_slice %arg8[%dma_wait3A_214, %dma_wait3A_215, %dma_wait3A_219] : memref<2x8x128xi32, #tpu.memory_space<vmem>> -> memref<1x1x32xi32, #tpu.memory_space<vmem>>
      %dma_wait3A_221 = tpu.memref_squeeze %dma_wait3A_220 : memref<1x1x32xi32, #tpu.memory_space<vmem>> -> memref<32xi32, #tpu.memory_space<vmem>>
      %dma_wait3A_222 = arith.constant 0 : i32
      %dma_wait3A_223 = arith.constant 0 : i32
      %dma_wait3A_224 = tpu.memref_slice %arg2[%dma_wait3A_222, %dma_wait3A_223] : memref<10000x128xf32, #tpu.memory_space<hbm>> -> memref<10000x128xf32, #tpu.memory_space<hbm>>
      tpu.wait_indirect_dma semaphore(%arg10 : memref<!tpu.dma_semaphore, #tpu.memory_space<semaphore_mem>>) src(%dma_wait3A_224 : memref<10000x128xf32, #tpu.memory_space<hbm>>) dst(%dma_wait3A_218 : memref<32x128xf32, #tpu.memory_space<vmem>>)
      %dma_wait3A_225 = arith.constant 0 : i32
      %dma_wait3A_226 = arith.constant 0 : i32
      %dma_wait3A_227 = arith.constant 96 : i32
      %dma_wait3A_228 = arith.constant 0 : i32
      %dma_wait3A_229 = tpu.memref_slice %arg9[%dma_wait3A_227, %dma_wait3A_228] : memref<256x128xf32, #tpu.memory_space<vmem>> -> memref<32x128xf32, #tpu.memory_space<vmem>>
      %dma_wait3A_230 = arith.constant 0 : i32
      %dma_wait3A_231 = tpu.memref_slice %arg8[%dma_wait3A_225, %dma_wait3A_226, %dma_wait3A_230] : memref<2x8x128xi32, #tpu.memory_space<vmem>> -> memref<1x1x32xi32, #tpu.memory_space<vmem>>
      %dma_wait3A_232 = tpu.memref_squeeze %dma_wait3A_231 : memref<1x1x32xi32, #tpu.memory_space<vmem>> -> memref<32xi32, #tpu.memory_space<vmem>>
      %dma_wait3A_233 = arith.constant 0 : i32
      %dma_wait3A_234 = arith.constant 0 : i32
      %dma_wait3A_235 = tpu.memref_slice %arg2[%dma_wait3A_233, %dma_wait3A_234] : memref<10000x128xf32, #tpu.memory_space<hbm>> -> memref<10000x128xf32, #tpu.memory_space<hbm>>
      tpu.wait_indirect_dma semaphore(%arg10 : memref<!tpu.dma_semaphore, #tpu.memory_space<semaphore_mem>>) src(%dma_wait3A_235 : memref<10000x128xf32, #tpu.memory_space<hbm>>) dst(%dma_wait3A_229 : memref<32x128xf32, #tpu.memory_space<vmem>>)
      "tpu.region"() ({
        %run_scoped3A_296 = tpu.sem_alloc : memref<!tpu.dma_semaphore, #tpu.memory_space<semaphore_mem>>
        %dma_start3A_297 = arith.constant 0 : i32
        %dma_start3A_298 = arith.constant 0 : i32
        %dma_start3A_299 = tpu.memref_slice %arg9[%dma_start3A_297, %dma_start3A_298] : memref<256x128xf32, #tpu.memory_space<vmem>> -> memref<128x128xf32, #tpu.memory_space<vmem>>
        %dma_start3A_300 = arith.constant 0 : i32
        %dma_start3A_301 = tpu.memref_slice %arg7[%mul3A_144, %dma_start3A_300] : memref<80x128xi32, #tpu.memory_space<vmem>> -> memref<1x128xi32, #tpu.memory_space<vmem>>
        %dma_start3A_302 = tpu.memref_squeeze %dma_start3A_301 : memref<1x128xi32, #tpu.memory_space<vmem>> -> memref<128xi32, #tpu.memory_space<vmem>>
        %dma_start3A_303 = arith.constant 0 : i32
        %dma_start3A_304 = arith.constant 0 : i32
        %dma_start3A_305 = tpu.memref_slice %arg6[%dma_start3A_303, %dma_start3A_304] : memref<10240x128xf32, #tpu.memory_space<vmem_shared>> -> memref<10240x128xf32, #tpu.memory_space<vmem_shared>>
        tpu.enqueue_indirect_dma source(%dma_start3A_299 : memref<128x128xf32, #tpu.memory_space<vmem>>) target(%dma_start3A_305 : memref<10240x128xf32, #tpu.memory_space<vmem_shared>>) offsets(%dma_start3A_302 : memref<128xi32, #tpu.memory_space<vmem>>) semaphore(%run_scoped3A_296 : memref<!tpu.dma_semaphore, #tpu.memory_space<semaphore_mem>>) {add = true}
        %dma_wait3A_306 = arith.constant 0 : i32
        %dma_wait3A_307 = arith.constant 0 : i32
        %dma_wait3A_308 = tpu.memref_slice %arg9[%dma_wait3A_306, %dma_wait3A_307] : memref<256x128xf32, #tpu.memory_space<vmem>> -> memref<128x128xf32, #tpu.memory_space<vmem>>
        %dma_wait3A_309 = arith.constant 0 : i32
        %dma_wait3A_310 = tpu.memref_slice %arg7[%mul3A_144, %dma_wait3A_309] : memref<80x128xi32, #tpu.memory_space<vmem>> -> memref<1x128xi32, #tpu.memory_space<vmem>>
        %dma_wait3A_311 = tpu.memref_squeeze %dma_wait3A_310 : memref<1x128xi32, #tpu.memory_space<vmem>> -> memref<128xi32, #tpu.memory_space<vmem>>
        %dma_wait3A_312 = arith.constant 0 : i32
        %dma_wait3A_313 = arith.constant 0 : i32
        %dma_wait3A_314 = tpu.memref_slice %arg6[%dma_wait3A_312, %dma_wait3A_313] : memref<10240x128xf32, #tpu.memory_space<vmem_shared>> -> memref<10240x128xf32, #tpu.memory_space<vmem_shared>>
        tpu.wait_indirect_dma semaphore(%run_scoped3A_296 : memref<!tpu.dma_semaphore, #tpu.memory_space<semaphore_mem>>) src(%dma_wait3A_308 : memref<128x128xf32, #tpu.memory_space<vmem>>) dst(%dma_wait3A_314 : memref<10240x128xf32, #tpu.memory_space<vmem_shared>>)
        tpu.yield
      }) : () -> ()
      %add3A_236 = arith.constant 2 : i32
      %add3A_237 = arith.addi %mul3A_144, %add3A_236 : i32
      %lt3A_238 = arith.constant 80 : i32
      %lt3A_239 = arith.cmpi slt, %add3A_237, %lt3A_238 : i32
      %convert_element_type3A_240 = arith.extui %lt3A_239 : i1 to i32
      %cond3A_241 = arith.constant 0 : i32
      %cond3A_242 = arith.cmpi ne, %convert_element_type3A_240, %cond3A_241 : i32
      scf.if %cond3A_242 {
        %add3A_296 = arith.constant 2 : i32
        %add3A_297 = arith.addi %mul3A_144, %add3A_296 : i32
        %jit3A_298 = arith.constant 8 : i32
        %div3A_299 = arith.divsi %add3A_297, %jit3A_298 : i32
        %sign3A_300 = arith.constant 0 : i32
        %sign3A_301 = arith.cmpi sgt, %add3A_297, %sign3A_300 : i32
        %sign3A_302 = arith.extui %sign3A_301 : i1 to i32
        %sign3A_303 = arith.constant 0 : i32
        %sign3A_304 = arith.cmpi slt, %add3A_297, %sign3A_303 : i32
        %sign3A_305 = arith.extui %sign3A_304 : i1 to i32
        %sign3A_306 = arith.subi %sign3A_302, %sign3A_305 : i32
        %sign3A_307 = arith.constant 0 : i32
        %sign3A_308 = arith.cmpi sgt, %jit3A_298, %sign3A_307 : i32
        %sign3A_309 = arith.extui %sign3A_308 : i1 to i32
        %sign3A_310 = arith.constant 0 : i32
        %sign3A_311 = arith.cmpi slt, %jit3A_298, %sign3A_310 : i32
        %sign3A_312 = arith.extui %sign3A_311 : i1 to i32
        %sign3A_313 = arith.subi %sign3A_309, %sign3A_312 : i32
        %ne3A_314 = arith.cmpi ne, %sign3A_306, %sign3A_313 : i32
        %rem3A_315 = arith.remsi %add3A_297, %jit3A_298 : i32
        %ne3A_316 = arith.constant 0 : i32
        %ne3A_317 = arith.cmpi ne, %rem3A_315, %ne3A_316 : i32
        %and3A_318 = arith.andi %ne3A_314, %ne3A_317 : i1
        %sub3A_319 = arith.constant 1 : i32
        %sub3A_320 = arith.subi %div3A_299, %sub3A_319 : i32
        %select_n3A_321 = arith.select %and3A_318, %sub3A_320, %div3A_299 : i32
        %jit3A_322 = arith.constant 8 : i32
        %eq3A_323 = arith.constant 0 : i32
        %eq3A_324 = arith.cmpi eq, %jit3A_322, %eq3A_323 : i32
        %jit3A_325 = arith.constant 1 : i32
        %select_n3A_326 = arith.select %eq3A_324, %jit3A_325, %jit3A_322 : i32
        %rem3A_327 = arith.remsi %add3A_297, %select_n3A_326 : i32
        %ne3A_328 = arith.constant 0 : i32
        %ne3A_329 = arith.cmpi ne, %rem3A_327, %ne3A_328 : i32
        %lt3A_330 = arith.constant 0 : i32
        %lt3A_331 = arith.cmpi slt, %rem3A_327, %lt3A_330 : i32
        %lt3A_332 = arith.constant 0 : i32
        %lt3A_333 = arith.cmpi slt, %select_n3A_326, %lt3A_332 : i32
        %ne3A_334 = arith.xori %lt3A_331, %lt3A_333 : i1
        %and3A_335 = arith.andi %ne3A_334, %ne3A_329 : i1
        %add3A_336 = arith.addi %rem3A_327, %select_n3A_326 : i32
        %select_n3A_337 = arith.select %and3A_335, %add3A_336, %rem3A_327 : i32
        %jit3A_338 = arith.constant 2 : i32
        %eq3A_339 = arith.constant 0 : i32
        %eq3A_340 = arith.cmpi eq, %jit3A_338, %eq3A_339 : i32
        %jit3A_341 = arith.constant 1 : i32
        %select_n3A_342 = arith.select %eq3A_340, %jit3A_341, %jit3A_338 : i32
        %rem3A_343 = arith.remsi %select_n3A_321, %select_n3A_342 : i32
        %ne3A_344 = arith.constant 0 : i32
        %ne3A_345 = arith.cmpi ne, %rem3A_343, %ne3A_344 : i32
        %lt3A_346 = arith.constant 0 : i32
        %lt3A_347 = arith.cmpi slt, %rem3A_343, %lt3A_346 : i32
        %lt3A_348 = arith.constant 0 : i32
        %lt3A_349 = arith.cmpi slt, %select_n3A_342, %lt3A_348 : i32
        %ne3A_350 = arith.xori %lt3A_347, %lt3A_349 : i1
        %and3A_351 = arith.andi %ne3A_350, %ne3A_345 : i1
        %add3A_352 = arith.addi %rem3A_343, %select_n3A_342 : i32
        %select_n3A_353 = arith.select %and3A_351, %add3A_352, %rem3A_343 : i32
        %dma_start3A_354 = arith.constant 0 : i32
        %dma_start3A_355 = arith.constant 0 : i32
        %dma_start3A_356 = tpu.memref_slice %arg9[%dma_start3A_354, %dma_start3A_355] : memref<256x128xf32, #tpu.memory_space<vmem>> -> memref<32x128xf32, #tpu.memory_space<vmem>>
        %dma_start3A_357 = arith.constant 0 : i32
        %dma_start3A_358 = tpu.memref_slice %arg8[%select_n3A_353, %select_n3A_337, %dma_start3A_357] : memref<2x8x128xi32, #tpu.memory_space<vmem>> -> memref<1x1x32xi32, #tpu.memory_space<vmem>>
        %dma_start3A_359 = tpu.memref_squeeze %dma_start3A_358 : memref<1x1x32xi32, #tpu.memory_space<vmem>> -> memref<32xi32, #tpu.memory_space<vmem>>
        %dma_start3A_360 = arith.constant 0 : i32
        %dma_start3A_361 = arith.constant 0 : i32
        %dma_start3A_362 = tpu.memref_slice %arg2[%dma_start3A_360, %dma_start3A_361] : memref<10000x128xf32, #tpu.memory_space<hbm>> -> memref<10000x128xf32, #tpu.memory_space<hbm>>
        tpu.enqueue_indirect_dma source(%dma_start3A_362 : memref<10000x128xf32, #tpu.memory_space<hbm>>) target(%dma_start3A_356 : memref<32x128xf32, #tpu.memory_space<vmem>>) offsets(%dma_start3A_359 : memref<32xi32, #tpu.memory_space<vmem>>) semaphore(%arg10 : memref<!tpu.dma_semaphore, #tpu.memory_space<semaphore_mem>>)
        %dma_start3A_363 = arith.constant 32 : i32
        %dma_start3A_364 = arith.constant 0 : i32
        %dma_start3A_365 = tpu.memref_slice %arg9[%dma_start3A_363, %dma_start3A_364] : memref<256x128xf32, #tpu.memory_space<vmem>> -> memref<32x128xf32, #tpu.memory_space<vmem>>
        %dma_start3A_366 = arith.constant 32 : i32
        %dma_start3A_367 = tpu.memref_slice %arg8[%select_n3A_353, %select_n3A_337, %dma_start3A_366] : memref<2x8x128xi32, #tpu.memory_space<vmem>> -> memref<1x1x32xi32, #tpu.memory_space<vmem>>
        %dma_start3A_368 = tpu.memref_squeeze %dma_start3A_367 : memref<1x1x32xi32, #tpu.memory_space<vmem>> -> memref<32xi32, #tpu.memory_space<vmem>>
        %dma_start3A_369 = arith.constant 0 : i32
        %dma_start3A_370 = arith.constant 0 : i32
        %dma_start3A_371 = tpu.memref_slice %arg2[%dma_start3A_369, %dma_start3A_370] : memref<10000x128xf32, #tpu.memory_space<hbm>> -> memref<10000x128xf32, #tpu.memory_space<hbm>>
        tpu.enqueue_indirect_dma source(%dma_start3A_371 : memref<10000x128xf32, #tpu.memory_space<hbm>>) target(%dma_start3A_365 : memref<32x128xf32, #tpu.memory_space<vmem>>) offsets(%dma_start3A_368 : memref<32xi32, #tpu.memory_space<vmem>>) semaphore(%arg10 : memref<!tpu.dma_semaphore, #tpu.memory_space<semaphore_mem>>)
        %dma_start3A_372 = arith.constant 64 : i32
        %dma_start3A_373 = arith.constant 0 : i32
        %dma_start3A_374 = tpu.memref_slice %arg9[%dma_start3A_372, %dma_start3A_373] : memref<256x128xf32, #tpu.memory_space<vmem>> -> memref<32x128xf32, #tpu.memory_space<vmem>>
        %dma_start3A_375 = arith.constant 64 : i32
        %dma_start3A_376 = tpu.memref_slice %arg8[%select_n3A_353, %select_n3A_337, %dma_start3A_375] : memref<2x8x128xi32, #tpu.memory_space<vmem>> -> memref<1x1x32xi32, #tpu.memory_space<vmem>>
        %dma_start3A_377 = tpu.memref_squeeze %dma_start3A_376 : memref<1x1x32xi32, #tpu.memory_space<vmem>> -> memref<32xi32, #tpu.memory_space<vmem>>
        %dma_start3A_378 = arith.constant 0 : i32
        %dma_start3A_379 = arith.constant 0 : i32
        %dma_start3A_380 = tpu.memref_slice %arg2[%dma_start3A_378, %dma_start3A_379] : memref<10000x128xf32, #tpu.memory_space<hbm>> -> memref<10000x128xf32, #tpu.memory_space<hbm>>
        tpu.enqueue_indirect_dma source(%dma_start3A_380 : memref<10000x128xf32, #tpu.memory_space<hbm>>) target(%dma_start3A_374 : memref<32x128xf32, #tpu.memory_space<vmem>>) offsets(%dma_start3A_377 : memref<32xi32, #tpu.memory_space<vmem>>) semaphore(%arg10 : memref<!tpu.dma_semaphore, #tpu.memory_space<semaphore_mem>>)
        %dma_start3A_381 = arith.constant 96 : i32
        %dma_start3A_382 = arith.constant 0 : i32
        %dma_start3A_383 = tpu.memref_slice %arg9[%dma_start3A_381, %dma_start3A_382] : memref<256x128xf32, #tpu.memory_space<vmem>> -> memref<32x128xf32, #tpu.memory_space<vmem>>
        %dma_start3A_384 = arith.constant 96 : i32
        %dma_start3A_385 = tpu.memref_slice %arg8[%select_n3A_353, %select_n3A_337, %dma_start3A_384] : memref<2x8x128xi32, #tpu.memory_space<vmem>> -> memref<1x1x32xi32, #tpu.memory_space<vmem>>
        %dma_start3A_386 = tpu.memref_squeeze %dma_start3A_385 : memref<1x1x32xi32, #tpu.memory_space<vmem>> -> memref<32xi32, #tpu.memory_space<vmem>>
        %dma_start3A_387 = arith.constant 0 : i32
        %dma_start3A_388 = arith.constant 0 : i32
        %dma_start3A_389 = tpu.memref_slice %arg2[%dma_start3A_387, %dma_start3A_388] : memref<10000x128xf32, #tpu.memory_space<hbm>> -> memref<10000x128xf32, #tpu.memory_space<hbm>>
        tpu.enqueue_indirect_dma source(%dma_start3A_389 : memref<10000x128xf32, #tpu.memory_space<hbm>>) target(%dma_start3A_383 : memref<32x128xf32, #tpu.memory_space<vmem>>) offsets(%dma_start3A_386 : memref<32xi32, #tpu.memory_space<vmem>>) semaphore(%arg10 : memref<!tpu.dma_semaphore, #tpu.memory_space<semaphore_mem>>)
      } else {
      }
      %dma_wait3A_243 = arith.constant 0 : i32
      %dma_wait3A_244 = arith.constant 0 : i32
      %dma_wait3A_245 = arith.constant 128 : i32
      %dma_wait3A_246 = arith.constant 0 : i32
      %dma_wait3A_247 = tpu.memref_slice %arg9[%dma_wait3A_245, %dma_wait3A_246] : memref<256x128xf32, #tpu.memory_space<vmem>> -> memref<32x128xf32, #tpu.memory_space<vmem>>
      %dma_wait3A_248 = arith.constant 0 : i32
      %dma_wait3A_249 = tpu.memref_slice %arg8[%dma_wait3A_243, %dma_wait3A_244, %dma_wait3A_248] : memref<2x8x128xi32, #tpu.memory_space<vmem>> -> memref<1x1x32xi32, #tpu.memory_space<vmem>>
      %dma_wait3A_250 = tpu.memref_squeeze %dma_wait3A_249 : memref<1x1x32xi32, #tpu.memory_space<vmem>> -> memref<32xi32, #tpu.memory_space<vmem>>
      %dma_wait3A_251 = arith.constant 0 : i32
      %dma_wait3A_252 = arith.constant 0 : i32
      %dma_wait3A_253 = tpu.memref_slice %arg2[%dma_wait3A_251, %dma_wait3A_252] : memref<10000x128xf32, #tpu.memory_space<hbm>> -> memref<10000x128xf32, #tpu.memory_space<hbm>>
      tpu.wait_indirect_dma semaphore(%arg11 : memref<!tpu.dma_semaphore, #tpu.memory_space<semaphore_mem>>) src(%dma_wait3A_253 : memref<10000x128xf32, #tpu.memory_space<hbm>>) dst(%dma_wait3A_247 : memref<32x128xf32, #tpu.memory_space<vmem>>)
      %dma_wait3A_254 = arith.constant 0 : i32
      %dma_wait3A_255 = arith.constant 0 : i32
      %dma_wait3A_256 = arith.constant 160 : i32
      %dma_wait3A_257 = arith.constant 0 : i32
      %dma_wait3A_258 = tpu.memref_slice %arg9[%dma_wait3A_256, %dma_wait3A_257] : memref<256x128xf32, #tpu.memory_space<vmem>> -> memref<32x128xf32, #tpu.memory_space<vmem>>
      %dma_wait3A_259 = arith.constant 0 : i32
      %dma_wait3A_260 = tpu.memref_slice %arg8[%dma_wait3A_254, %dma_wait3A_255, %dma_wait3A_259] : memref<2x8x128xi32, #tpu.memory_space<vmem>> -> memref<1x1x32xi32, #tpu.memory_space<vmem>>
      %dma_wait3A_261 = tpu.memref_squeeze %dma_wait3A_260 : memref<1x1x32xi32, #tpu.memory_space<vmem>> -> memref<32xi32, #tpu.memory_space<vmem>>
      %dma_wait3A_262 = arith.constant 0 : i32
      %dma_wait3A_263 = arith.constant 0 : i32
      %dma_wait3A_264 = tpu.memref_slice %arg2[%dma_wait3A_262, %dma_wait3A_263] : memref<10000x128xf32, #tpu.memory_space<hbm>> -> memref<10000x128xf32, #tpu.memory_space<hbm>>
      tpu.wait_indirect_dma semaphore(%arg11 : memref<!tpu.dma_semaphore, #tpu.memory_space<semaphore_mem>>) src(%dma_wait3A_264 : memref<10000x128xf32, #tpu.memory_space<hbm>>) dst(%dma_wait3A_258 : memref<32x128xf32, #tpu.memory_space<vmem>>)
      %dma_wait3A_265 = arith.constant 0 : i32
      %dma_wait3A_266 = arith.constant 0 : i32
      %dma_wait3A_267 = arith.constant 192 : i32
      %dma_wait3A_268 = arith.constant 0 : i32
      %dma_wait3A_269 = tpu.memref_slice %arg9[%dma_wait3A_267, %dma_wait3A_268] : memref<256x128xf32, #tpu.memory_space<vmem>> -> memref<32x128xf32, #tpu.memory_space<vmem>>
      %dma_wait3A_270 = arith.constant 0 : i32
      %dma_wait3A_271 = tpu.memref_slice %arg8[%dma_wait3A_265, %dma_wait3A_266, %dma_wait3A_270] : memref<2x8x128xi32, #tpu.memory_space<vmem>> -> memref<1x1x32xi32, #tpu.memory_space<vmem>>
      %dma_wait3A_272 = tpu.memref_squeeze %dma_wait3A_271 : memref<1x1x32xi32, #tpu.memory_space<vmem>> -> memref<32xi32, #tpu.memory_space<vmem>>
      %dma_wait3A_273 = arith.constant 0 : i32
      %dma_wait3A_274 = arith.constant 0 : i32
      %dma_wait3A_275 = tpu.memref_slice %arg2[%dma_wait3A_273, %dma_wait3A_274] : memref<10000x128xf32, #tpu.memory_space<hbm>> -> memref<10000x128xf32, #tpu.memory_space<hbm>>
      tpu.wait_indirect_dma semaphore(%arg11 : memref<!tpu.dma_semaphore, #tpu.memory_space<semaphore_mem>>) src(%dma_wait3A_275 : memref<10000x128xf32, #tpu.memory_space<hbm>>) dst(%dma_wait3A_269 : memref<32x128xf32, #tpu.memory_space<vmem>>)
      %dma_wait3A_276 = arith.constant 0 : i32
      %dma_wait3A_277 = arith.constant 0 : i32
      %dma_wait3A_278 = arith.constant 224 : i32
      %dma_wait3A_279 = arith.constant 0 : i32
      %dma_wait3A_280 = tpu.memref_slice %arg9[%dma_wait3A_278, %dma_wait3A_279] : memref<256x128xf32, #tpu.memory_space<vmem>> -> memref<32x128xf32, #tpu.memory_space<vmem>>
      %dma_wait3A_281 = arith.constant 0 : i32
      %dma_wait3A_282 = tpu.memref_slice %arg8[%dma_wait3A_276, %dma_wait3A_277, %dma_wait3A_281] : memref<2x8x128xi32, #tpu.memory_space<vmem>> -> memref<1x1x32xi32, #tpu.memory_space<vmem>>
      %dma_wait3A_283 = tpu.memref_squeeze %dma_wait3A_282 : memref<1x1x32xi32, #tpu.memory_space<vmem>> -> memref<32xi32, #tpu.memory_space<vmem>>
      %dma_wait3A_284 = arith.constant 0 : i32
      %dma_wait3A_285 = arith.constant 0 : i32
      %dma_wait3A_286 = tpu.memref_slice %arg2[%dma_wait3A_284, %dma_wait3A_285] : memref<10000x128xf32, #tpu.memory_space<hbm>> -> memref<10000x128xf32, #tpu.memory_space<hbm>>
      tpu.wait_indirect_dma semaphore(%arg11 : memref<!tpu.dma_semaphore, #tpu.memory_space<semaphore_mem>>) src(%dma_wait3A_286 : memref<10000x128xf32, #tpu.memory_space<hbm>>) dst(%dma_wait3A_280 : memref<32x128xf32, #tpu.memory_space<vmem>>)
      %add3A_287 = arith.constant 1 : i32
      %add3A_288 = arith.addi %mul3A_144, %add3A_287 : i32
      "tpu.region"() ({
        %run_scoped3A_296 = tpu.sem_alloc : memref<!tpu.dma_semaphore, #tpu.memory_space<semaphore_mem>>
        %dma_start3A_297 = arith.constant 128 : i32
        %dma_start3A_298 = arith.constant 0 : i32
        %dma_start3A_299 = tpu.memref_slice %arg9[%dma_start3A_297, %dma_start3A_298] : memref<256x128xf32, #tpu.memory_space<vmem>> -> memref<128x128xf32, #tpu.memory_space<vmem>>
        %dma_start3A_300 = arith.constant 0 : i32
        %dma_start3A_301 = tpu.memref_slice %arg7[%add3A_288, %dma_start3A_300] : memref<80x128xi32, #tpu.memory_space<vmem>> -> memref<1x128xi32, #tpu.memory_space<vmem>>
        %dma_start3A_302 = tpu.memref_squeeze %dma_start3A_301 : memref<1x128xi32, #tpu.memory_space<vmem>> -> memref<128xi32, #tpu.memory_space<vmem>>
        %dma_start3A_303 = arith.constant 0 : i32
        %dma_start3A_304 = arith.constant 0 : i32
        %dma_start3A_305 = tpu.memref_slice %arg6[%dma_start3A_303, %dma_start3A_304] : memref<10240x128xf32, #tpu.memory_space<vmem_shared>> -> memref<10240x128xf32, #tpu.memory_space<vmem_shared>>
        tpu.enqueue_indirect_dma source(%dma_start3A_299 : memref<128x128xf32, #tpu.memory_space<vmem>>) target(%dma_start3A_305 : memref<10240x128xf32, #tpu.memory_space<vmem_shared>>) offsets(%dma_start3A_302 : memref<128xi32, #tpu.memory_space<vmem>>) semaphore(%run_scoped3A_296 : memref<!tpu.dma_semaphore, #tpu.memory_space<semaphore_mem>>) {add = true}
        %dma_wait3A_306 = arith.constant 128 : i32
        %dma_wait3A_307 = arith.constant 0 : i32
        %dma_wait3A_308 = tpu.memref_slice %arg9[%dma_wait3A_306, %dma_wait3A_307] : memref<256x128xf32, #tpu.memory_space<vmem>> -> memref<128x128xf32, #tpu.memory_space<vmem>>
        %dma_wait3A_309 = arith.constant 0 : i32
        %dma_wait3A_310 = tpu.memref_slice %arg7[%add3A_288, %dma_wait3A_309] : memref<80x128xi32, #tpu.memory_space<vmem>> -> memref<1x128xi32, #tpu.memory_space<vmem>>
        %dma_wait3A_311 = tpu.memref_squeeze %dma_wait3A_310 : memref<1x128xi32, #tpu.memory_space<vmem>> -> memref<128xi32, #tpu.memory_space<vmem>>
        %dma_wait3A_312 = arith.constant 0 : i32
        %dma_wait3A_313 = arith.constant 0 : i32
        %dma_wait3A_314 = tpu.memref_slice %arg6[%dma_wait3A_312, %dma_wait3A_313] : memref<10240x128xf32, #tpu.memory_space<vmem_shared>> -> memref<10240x128xf32, #tpu.memory_space<vmem_shared>>
        tpu.wait_indirect_dma semaphore(%run_scoped3A_296 : memref<!tpu.dma_semaphore, #tpu.memory_space<semaphore_mem>>) src(%dma_wait3A_308 : memref<128x128xf32, #tpu.memory_space<vmem>>) dst(%dma_wait3A_314 : memref<10240x128xf32, #tpu.memory_space<vmem_shared>>)
        tpu.yield
      }) : () -> ()
      %add3A_289 = arith.constant 3 : i32
      %add3A_290 = arith.addi %mul3A_144, %add3A_289 : i32
      %lt3A_291 = arith.constant 80 : i32
      %lt3A_292 = arith.cmpi slt, %add3A_290, %lt3A_291 : i32
      %convert_element_type3A_293 = arith.extui %lt3A_292 : i1 to i32
      %cond3A_294 = arith.constant 0 : i32
      %cond3A_295 = arith.cmpi ne, %convert_element_type3A_293, %cond3A_294 : i32
      scf.if %cond3A_295 {
        %add3A_296 = arith.constant 3 : i32
        %add3A_297 = arith.addi %mul3A_144, %add3A_296 : i32
        %jit3A_298 = arith.constant 8 : i32
        %div3A_299 = arith.divsi %add3A_297, %jit3A_298 : i32
        %sign3A_300 = arith.constant 0 : i32
        %sign3A_301 = arith.cmpi sgt, %add3A_297, %sign3A_300 : i32
        %sign3A_302 = arith.extui %sign3A_301 : i1 to i32
        %sign3A_303 = arith.constant 0 : i32
        %sign3A_304 = arith.cmpi slt, %add3A_297, %sign3A_303 : i32
        %sign3A_305 = arith.extui %sign3A_304 : i1 to i32
        %sign3A_306 = arith.subi %sign3A_302, %sign3A_305 : i32
        %sign3A_307 = arith.constant 0 : i32
        %sign3A_308 = arith.cmpi sgt, %jit3A_298, %sign3A_307 : i32
        %sign3A_309 = arith.extui %sign3A_308 : i1 to i32
        %sign3A_310 = arith.constant 0 : i32
        %sign3A_311 = arith.cmpi slt, %jit3A_298, %sign3A_310 : i32
        %sign3A_312 = arith.extui %sign3A_311 : i1 to i32
        %sign3A_313 = arith.subi %sign3A_309, %sign3A_312 : i32
        %ne3A_314 = arith.cmpi ne, %sign3A_306, %sign3A_313 : i32
        %rem3A_315 = arith.remsi %add3A_297, %jit3A_298 : i32
        %ne3A_316 = arith.constant 0 : i32
        %ne3A_317 = arith.cmpi ne, %rem3A_315, %ne3A_316 : i32
        %and3A_318 = arith.andi %ne3A_314, %ne3A_317 : i1
        %sub3A_319 = arith.constant 1 : i32
        %sub3A_320 = arith.subi %div3A_299, %sub3A_319 : i32
        %select_n3A_321 = arith.select %and3A_318, %sub3A_320, %div3A_299 : i32
        %jit3A_322 = arith.constant 8 : i32
        %eq3A_323 = arith.constant 0 : i32
        %eq3A_324 = arith.cmpi eq, %jit3A_322, %eq3A_323 : i32
        %jit3A_325 = arith.constant 1 : i32
        %select_n3A_326 = arith.select %eq3A_324, %jit3A_325, %jit3A_322 : i32
        %rem3A_327 = arith.remsi %add3A_297, %select_n3A_326 : i32
        %ne3A_328 = arith.constant 0 : i32
        %ne3A_329 = arith.cmpi ne, %rem3A_327, %ne3A_328 : i32
        %lt3A_330 = arith.constant 0 : i32
        %lt3A_331 = arith.cmpi slt, %rem3A_327, %lt3A_330 : i32
        %lt3A_332 = arith.constant 0 : i32
        %lt3A_333 = arith.cmpi slt, %select_n3A_326, %lt3A_332 : i32
        %ne3A_334 = arith.xori %lt3A_331, %lt3A_333 : i1
        %and3A_335 = arith.andi %ne3A_334, %ne3A_329 : i1
        %add3A_336 = arith.addi %rem3A_327, %select_n3A_326 : i32
        %select_n3A_337 = arith.select %and3A_335, %add3A_336, %rem3A_327 : i32
        %jit3A_338 = arith.constant 2 : i32
        %eq3A_339 = arith.constant 0 : i32
        %eq3A_340 = arith.cmpi eq, %jit3A_338, %eq3A_339 : i32
        %jit3A_341 = arith.constant 1 : i32
        %select_n3A_342 = arith.select %eq3A_340, %jit3A_341, %jit3A_338 : i32
        %rem3A_343 = arith.remsi %select_n3A_321, %select_n3A_342 : i32
        %ne3A_344 = arith.constant 0 : i32
        %ne3A_345 = arith.cmpi ne, %rem3A_343, %ne3A_344 : i32
        %lt3A_346 = arith.constant 0 : i32
        %lt3A_347 = arith.cmpi slt, %rem3A_343, %lt3A_346 : i32
        %lt3A_348 = arith.constant 0 : i32
        %lt3A_349 = arith.cmpi slt, %select_n3A_342, %lt3A_348 : i32
        %ne3A_350 = arith.xori %lt3A_347, %lt3A_349 : i1
        %and3A_351 = arith.andi %ne3A_350, %ne3A_345 : i1
        %add3A_352 = arith.addi %rem3A_343, %select_n3A_342 : i32
        %select_n3A_353 = arith.select %and3A_351, %add3A_352, %rem3A_343 : i32
        %dma_start3A_354 = arith.constant 128 : i32
        %dma_start3A_355 = arith.constant 0 : i32
        %dma_start3A_356 = tpu.memref_slice %arg9[%dma_start3A_354, %dma_start3A_355] : memref<256x128xf32, #tpu.memory_space<vmem>> -> memref<32x128xf32, #tpu.memory_space<vmem>>
        %dma_start3A_357 = arith.constant 0 : i32
        %dma_start3A_358 = tpu.memref_slice %arg8[%select_n3A_353, %select_n3A_337, %dma_start3A_357] : memref<2x8x128xi32, #tpu.memory_space<vmem>> -> memref<1x1x32xi32, #tpu.memory_space<vmem>>
        %dma_start3A_359 = tpu.memref_squeeze %dma_start3A_358 : memref<1x1x32xi32, #tpu.memory_space<vmem>> -> memref<32xi32, #tpu.memory_space<vmem>>
        %dma_start3A_360 = arith.constant 0 : i32
        %dma_start3A_361 = arith.constant 0 : i32
        %dma_start3A_362 = tpu.memref_slice %arg2[%dma_start3A_360, %dma_start3A_361] : memref<10000x128xf32, #tpu.memory_space<hbm>> -> memref<10000x128xf32, #tpu.memory_space<hbm>>
        tpu.enqueue_indirect_dma source(%dma_start3A_362 : memref<10000x128xf32, #tpu.memory_space<hbm>>) target(%dma_start3A_356 : memref<32x128xf32, #tpu.memory_space<vmem>>) offsets(%dma_start3A_359 : memref<32xi32, #tpu.memory_space<vmem>>) semaphore(%arg11 : memref<!tpu.dma_semaphore, #tpu.memory_space<semaphore_mem>>)
        %dma_start3A_363 = arith.constant 160 : i32
        %dma_start3A_364 = arith.constant 0 : i32
        %dma_start3A_365 = tpu.memref_slice %arg9[%dma_start3A_363, %dma_start3A_364] : memref<256x128xf32, #tpu.memory_space<vmem>> -> memref<32x128xf32, #tpu.memory_space<vmem>>
        %dma_start3A_366 = arith.constant 32 : i32
        %dma_start3A_367 = tpu.memref_slice %arg8[%select_n3A_353, %select_n3A_337, %dma_start3A_366] : memref<2x8x128xi32, #tpu.memory_space<vmem>> -> memref<1x1x32xi32, #tpu.memory_space<vmem>>
        %dma_start3A_368 = tpu.memref_squeeze %dma_start3A_367 : memref<1x1x32xi32, #tpu.memory_space<vmem>> -> memref<32xi32, #tpu.memory_space<vmem>>
        %dma_start3A_369 = arith.constant 0 : i32
        %dma_start3A_370 = arith.constant 0 : i32
        %dma_start3A_371 = tpu.memref_slice %arg2[%dma_start3A_369, %dma_start3A_370] : memref<10000x128xf32, #tpu.memory_space<hbm>> -> memref<10000x128xf32, #tpu.memory_space<hbm>>
        tpu.enqueue_indirect_dma source(%dma_start3A_371 : memref<10000x128xf32, #tpu.memory_space<hbm>>) target(%dma_start3A_365 : memref<32x128xf32, #tpu.memory_space<vmem>>) offsets(%dma_start3A_368 : memref<32xi32, #tpu.memory_space<vmem>>) semaphore(%arg11 : memref<!tpu.dma_semaphore, #tpu.memory_space<semaphore_mem>>)
        %dma_start3A_372 = arith.constant 192 : i32
        %dma_start3A_373 = arith.constant 0 : i32
        %dma_start3A_374 = tpu.memref_slice %arg9[%dma_start3A_372, %dma_start3A_373] : memref<256x128xf32, #tpu.memory_space<vmem>> -> memref<32x128xf32, #tpu.memory_space<vmem>>
        %dma_start3A_375 = arith.constant 64 : i32
        %dma_start3A_376 = tpu.memref_slice %arg8[%select_n3A_353, %select_n3A_337, %dma_start3A_375] : memref<2x8x128xi32, #tpu.memory_space<vmem>> -> memref<1x1x32xi32, #tpu.memory_space<vmem>>
        %dma_start3A_377 = tpu.memref_squeeze %dma_start3A_376 : memref<1x1x32xi32, #tpu.memory_space<vmem>> -> memref<32xi32, #tpu.memory_space<vmem>>
        %dma_start3A_378 = arith.constant 0 : i32
        %dma_start3A_379 = arith.constant 0 : i32
        %dma_start3A_380 = tpu.memref_slice %arg2[%dma_start3A_378, %dma_start3A_379] : memref<10000x128xf32, #tpu.memory_space<hbm>> -> memref<10000x128xf32, #tpu.memory_space<hbm>>
        tpu.enqueue_indirect_dma source(%dma_start3A_380 : memref<10000x128xf32, #tpu.memory_space<hbm>>) target(%dma_start3A_374 : memref<32x128xf32, #tpu.memory_space<vmem>>) offsets(%dma_start3A_377 : memref<32xi32, #tpu.memory_space<vmem>>) semaphore(%arg11 : memref<!tpu.dma_semaphore, #tpu.memory_space<semaphore_mem>>)
        %dma_start3A_381 = arith.constant 224 : i32
        %dma_start3A_382 = arith.constant 0 : i32
        %dma_start3A_383 = tpu.memref_slice %arg9[%dma_start3A_381, %dma_start3A_382] : memref<256x128xf32, #tpu.memory_space<vmem>> -> memref<32x128xf32, #tpu.memory_space<vmem>>
        %dma_start3A_384 = arith.constant 96 : i32
        %dma_start3A_385 = tpu.memref_slice %arg8[%select_n3A_353, %select_n3A_337, %dma_start3A_384] : memref<2x8x128xi32, #tpu.memory_space<vmem>> -> memref<1x1x32xi32, #tpu.memory_space<vmem>>
        %dma_start3A_386 = tpu.memref_squeeze %dma_start3A_385 : memref<1x1x32xi32, #tpu.memory_space<vmem>> -> memref<32xi32, #tpu.memory_space<vmem>>
        %dma_start3A_387 = arith.constant 0 : i32
        %dma_start3A_388 = arith.constant 0 : i32
        %dma_start3A_389 = tpu.memref_slice %arg2[%dma_start3A_387, %dma_start3A_388] : memref<10000x128xf32, #tpu.memory_space<hbm>> -> memref<10000x128xf32, #tpu.memory_space<hbm>>
        tpu.enqueue_indirect_dma source(%dma_start3A_389 : memref<10000x128xf32, #tpu.memory_space<hbm>>) target(%dma_start3A_383 : memref<32x128xf32, #tpu.memory_space<vmem>>) offsets(%dma_start3A_386 : memref<32xi32, #tpu.memory_space<vmem>>) semaphore(%arg11 : memref<!tpu.dma_semaphore, #tpu.memory_space<semaphore_mem>>)
      } else {
      }
    }
    %scan3A_120 = arith.constant 40 : i32
    %barrier3A_121 = arith.constant 0 : index
    tpu.barrier barrier_id(%barrier3A_121)
    %mul3A_122 = arith.constant 640 : i32
    %mul3A_123 = arith.muli %arg1, %mul3A_122 : i32
    %add3A_124 = arith.constant 0 : i32
    %add3A_125 = arith.addi %mul3A_123, %add3A_124 : i32
    "tpu.region"() ({
      %run_scoped3A_142 = tpu.sem_alloc : memref<!tpu.dma_semaphore, #tpu.memory_space<semaphore_mem>>
      %dma_start3A_143 = arith.constant 0 : i32
      %dma_start3A_144 = tpu.memref_slice %arg5[%arg0, %add3A_125, %dma_start3A_143] : memref<2x10240x128xf32, #tpu.memory_space<hbm>> -> memref<1x128x128xf32, #tpu.memory_space<hbm>>
      %dma_start3A_145 = tpu.memref_squeeze %dma_start3A_144 : memref<1x128x128xf32, #tpu.memory_space<hbm>> -> memref<128x128xf32, #tpu.memory_space<hbm>>
      %dma_start3A_146 = arith.constant 0 : i32
      %dma_start3A_147 = tpu.memref_slice %arg6[%add3A_125, %dma_start3A_146] : memref<10240x128xf32, #tpu.memory_space<vmem_shared>> -> memref<128x128xf32, #tpu.memory_space<vmem_shared>>
      tpu.enqueue_dma source(%dma_start3A_147 : memref<128x128xf32, #tpu.memory_space<vmem_shared>>) target(%dma_start3A_145 : memref<128x128xf32, #tpu.memory_space<hbm>>) target_semaphore(%run_scoped3A_142 : memref<!tpu.dma_semaphore, #tpu.memory_space<semaphore_mem>>)
      %dma_wait3A = arith.constant 0 : i32
      %dma_wait3A_148 = tpu.memref_slice %arg5[%arg0, %add3A_125, %dma_wait3A] : memref<2x10240x128xf32, #tpu.memory_space<hbm>> -> memref<1x128x128xf32, #tpu.memory_space<hbm>>
      %dma_wait3A_149 = tpu.memref_squeeze %dma_wait3A_148 : memref<1x128x128xf32, #tpu.memory_space<hbm>> -> memref<128x128xf32, #tpu.memory_space<hbm>>
      %dma_wait3A_150 = arith.constant 0 : i32
      %dma_wait3A_151 = tpu.memref_slice %arg6[%add3A_125, %dma_wait3A_150] : memref<10240x128xf32, #tpu.memory_space<vmem_shared>> -> memref<128x128xf32, #tpu.memory_space<vmem_shared>>
      tpu.wait_dma2 semaphore(%run_scoped3A_142 : memref<!tpu.dma_semaphore, #tpu.memory_space<semaphore_mem>>) src(%dma_wait3A_151 : memref<128x128xf32, #tpu.memory_space<vmem_shared>>) dst(%dma_wait3A_149 : memref<128x128xf32, #tpu.memory_space<hbm>>)
      tpu.yield
    }) : () -> ()
    %mul3A_126 = arith.constant 640 : i32
    %mul3A_127 = arith.muli %arg1, %mul3A_126 : i32
    %add3A_128 = arith.constant 128 : i32
    %add3A_129 = arith.addi %mul3A_127, %add3A_128 : i32
    "tpu.region"() ({
      %run_scoped3A_142 = tpu.sem_alloc : memref<!tpu.dma_semaphore, #tpu.memory_space<semaphore_mem>>
      %dma_start3A_143 = arith.constant 0 : i32
      %dma_start3A_144 = tpu.memref_slice %arg5[%arg0, %add3A_129, %dma_start3A_143] : memref<2x10240x128xf32, #tpu.memory_space<hbm>> -> memref<1x128x128xf32, #tpu.memory_space<hbm>>
      %dma_start3A_145 = tpu.memref_squeeze %dma_start3A_144 : memref<1x128x128xf32, #tpu.memory_space<hbm>> -> memref<128x128xf32, #tpu.memory_space<hbm>>
      %dma_start3A_146 = arith.constant 0 : i32
      %dma_start3A_147 = tpu.memref_slice %arg6[%add3A_129, %dma_start3A_146] : memref<10240x128xf32, #tpu.memory_space<vmem_shared>> -> memref<128x128xf32, #tpu.memory_space<vmem_shared>>
      tpu.enqueue_dma source(%dma_start3A_147 : memref<128x128xf32, #tpu.memory_space<vmem_shared>>) target(%dma_start3A_145 : memref<128x128xf32, #tpu.memory_space<hbm>>) target_semaphore(%run_scoped3A_142 : memref<!tpu.dma_semaphore, #tpu.memory_space<semaphore_mem>>)
      %dma_wait3A = arith.constant 0 : i32
      %dma_wait3A_148 = tpu.memref_slice %arg5[%arg0, %add3A_129, %dma_wait3A] : memref<2x10240x128xf32, #tpu.memory_space<hbm>> -> memref<1x128x128xf32, #tpu.memory_space<hbm>>
      %dma_wait3A_149 = tpu.memref_squeeze %dma_wait3A_148 : memref<1x128x128xf32, #tpu.memory_space<hbm>> -> memref<128x128xf32, #tpu.memory_space<hbm>>
      %dma_wait3A_150 = arith.constant 0 : i32
      %dma_wait3A_151 = tpu.memref_slice %arg6[%add3A_129, %dma_wait3A_150] : memref<10240x128xf32, #tpu.memory_space<vmem_shared>> -> memref<128x128xf32, #tpu.memory_space<vmem_shared>>
      tpu.wait_dma2 semaphore(%run_scoped3A_142 : memref<!tpu.dma_semaphore, #tpu.memory_space<semaphore_mem>>) src(%dma_wait3A_151 : memref<128x128xf32, #tpu.memory_space<vmem_shared>>) dst(%dma_wait3A_149 : memref<128x128xf32, #tpu.memory_space<hbm>>)
      tpu.yield
    }) : () -> ()
    %mul3A_130 = arith.constant 640 : i32
    %mul3A_131 = arith.muli %arg1, %mul3A_130 : i32
    %add3A_132 = arith.constant 256 : i32
    %add3A_133 = arith.addi %mul3A_131, %add3A_132 : i32
    "tpu.region"() ({
      %run_scoped3A_142 = tpu.sem_alloc : memref<!tpu.dma_semaphore, #tpu.memory_space<semaphore_mem>>
      %dma_start3A_143 = arith.constant 0 : i32
      %dma_start3A_144 = tpu.memref_slice %arg5[%arg0, %add3A_133, %dma_start3A_143] : memref<2x10240x128xf32, #tpu.memory_space<hbm>> -> memref<1x128x128xf32, #tpu.memory_space<hbm>>
      %dma_start3A_145 = tpu.memref_squeeze %dma_start3A_144 : memref<1x128x128xf32, #tpu.memory_space<hbm>> -> memref<128x128xf32, #tpu.memory_space<hbm>>
      %dma_start3A_146 = arith.constant 0 : i32
      %dma_start3A_147 = tpu.memref_slice %arg6[%add3A_133, %dma_start3A_146] : memref<10240x128xf32, #tpu.memory_space<vmem_shared>> -> memref<128x128xf32, #tpu.memory_space<vmem_shared>>
      tpu.enqueue_dma source(%dma_start3A_147 : memref<128x128xf32, #tpu.memory_space<vmem_shared>>) target(%dma_start3A_145 : memref<128x128xf32, #tpu.memory_space<hbm>>) target_semaphore(%run_scoped3A_142 : memref<!tpu.dma_semaphore, #tpu.memory_space<semaphore_mem>>)
      %dma_wait3A = arith.constant 0 : i32
      %dma_wait3A_148 = tpu.memref_slice %arg5[%arg0, %add3A_133, %dma_wait3A] : memref<2x10240x128xf32, #tpu.memory_space<hbm>> -> memref<1x128x128xf32, #tpu.memory_space<hbm>>
      %dma_wait3A_149 = tpu.memref_squeeze %dma_wait3A_148 : memref<1x128x128xf32, #tpu.memory_space<hbm>> -> memref<128x128xf32, #tpu.memory_space<hbm>>
      %dma_wait3A_150 = arith.constant 0 : i32
      %dma_wait3A_151 = tpu.memref_slice %arg6[%add3A_133, %dma_wait3A_150] : memref<10240x128xf32, #tpu.memory_space<vmem_shared>> -> memref<128x128xf32, #tpu.memory_space<vmem_shared>>
      tpu.wait_dma2 semaphore(%run_scoped3A_142 : memref<!tpu.dma_semaphore, #tpu.memory_space<semaphore_mem>>) src(%dma_wait3A_151 : memref<128x128xf32, #tpu.memory_space<vmem_shared>>) dst(%dma_wait3A_149 : memref<128x128xf32, #tpu.memory_space<hbm>>)
      tpu.yield
    }) : () -> ()
    %mul3A_134 = arith.constant 640 : i32
    %mul3A_135 = arith.muli %arg1, %mul3A_134 : i32
    %add3A_136 = arith.constant 384 : i32
    %add3A_137 = arith.addi %mul3A_135, %add3A_136 : i32
    "tpu.region"() ({
      %run_scoped3A_142 = tpu.sem_alloc : memref<!tpu.dma_semaphore, #tpu.memory_space<semaphore_mem>>
      %dma_start3A_143 = arith.constant 0 : i32
      %dma_start3A_144 = tpu.memref_slice %arg5[%arg0, %add3A_137, %dma_start3A_143] : memref<2x10240x128xf32, #tpu.memory_space<hbm>> -> memref<1x128x128xf32, #tpu.memory_space<hbm>>
      %dma_start3A_145 = tpu.memref_squeeze %dma_start3A_144 : memref<1x128x128xf32, #tpu.memory_space<hbm>> -> memref<128x128xf32, #tpu.memory_space<hbm>>
      %dma_start3A_146 = arith.constant 0 : i32
      %dma_start3A_147 = tpu.memref_slice %arg6[%add3A_137, %dma_start3A_146] : memref<10240x128xf32, #tpu.memory_space<vmem_shared>> -> memref<128x128xf32, #tpu.memory_space<vmem_shared>>
      tpu.enqueue_dma source(%dma_start3A_147 : memref<128x128xf32, #tpu.memory_space<vmem_shared>>) target(%dma_start3A_145 : memref<128x128xf32, #tpu.memory_space<hbm>>) target_semaphore(%run_scoped3A_142 : memref<!tpu.dma_semaphore, #tpu.memory_space<semaphore_mem>>)
      %dma_wait3A = arith.constant 0 : i32
      %dma_wait3A_148 = tpu.memref_slice %arg5[%arg0, %add3A_137, %dma_wait3A] : memref<2x10240x128xf32, #tpu.memory_space<hbm>> -> memref<1x128x128xf32, #tpu.memory_space<hbm>>
      %dma_wait3A_149 = tpu.memref_squeeze %dma_wait3A_148 : memref<1x128x128xf32, #tpu.memory_space<hbm>> -> memref<128x128xf32, #tpu.memory_space<hbm>>
      %dma_wait3A_150 = arith.constant 0 : i32
      %dma_wait3A_151 = tpu.memref_slice %arg6[%add3A_137, %dma_wait3A_150] : memref<10240x128xf32, #tpu.memory_space<vmem_shared>> -> memref<128x128xf32, #tpu.memory_space<vmem_shared>>
      tpu.wait_dma2 semaphore(%run_scoped3A_142 : memref<!tpu.dma_semaphore, #tpu.memory_space<semaphore_mem>>) src(%dma_wait3A_151 : memref<128x128xf32, #tpu.memory_space<vmem_shared>>) dst(%dma_wait3A_149 : memref<128x128xf32, #tpu.memory_space<hbm>>)
      tpu.yield
    }) : () -> ()
    %mul3A_138 = arith.constant 640 : i32
    %mul3A_139 = arith.muli %arg1, %mul3A_138 : i32
    %add3A_140 = arith.constant 512 : i32
    %add3A_141 = arith.addi %mul3A_139, %add3A_140 : i32
    "tpu.region"() ({
      %run_scoped3A_142 = tpu.sem_alloc : memref<!tpu.dma_semaphore, #tpu.memory_space<semaphore_mem>>
      %dma_start3A_143 = arith.constant 0 : i32
      %dma_start3A_144 = tpu.memref_slice %arg5[%arg0, %add3A_141, %dma_start3A_143] : memref<2x10240x128xf32, #tpu.memory_space<hbm>> -> memref<1x128x128xf32, #tpu.memory_space<hbm>>
      %dma_start3A_145 = tpu.memref_squeeze %dma_start3A_144 : memref<1x128x128xf32, #tpu.memory_space<hbm>> -> memref<128x128xf32, #tpu.memory_space<hbm>>
      %dma_start3A_146 = arith.constant 0 : i32
      %dma_start3A_147 = tpu.memref_slice %arg6[%add3A_141, %dma_start3A_146] : memref<10240x128xf32, #tpu.memory_space<vmem_shared>> -> memref<128x128xf32, #tpu.memory_space<vmem_shared>>
      tpu.enqueue_dma source(%dma_start3A_147 : memref<128x128xf32, #tpu.memory_space<vmem_shared>>) target(%dma_start3A_145 : memref<128x128xf32, #tpu.memory_space<hbm>>) target_semaphore(%run_scoped3A_142 : memref<!tpu.dma_semaphore, #tpu.memory_space<semaphore_mem>>)
      %dma_wait3A = arith.constant 0 : i32
      %dma_wait3A_148 = tpu.memref_slice %arg5[%arg0, %add3A_141, %dma_wait3A] : memref<2x10240x128xf32, #tpu.memory_space<hbm>> -> memref<1x128x128xf32, #tpu.memory_space<hbm>>
      %dma_wait3A_149 = tpu.memref_squeeze %dma_wait3A_148 : memref<1x128x128xf32, #tpu.memory_space<hbm>> -> memref<128x128xf32, #tpu.memory_space<hbm>>
      %dma_wait3A_150 = arith.constant 0 : i32
      %dma_wait3A_151 = tpu.memref_slice %arg6[%add3A_141, %dma_wait3A_150] : memref<10240x128xf32, #tpu.memory_space<vmem_shared>> -> memref<128x128xf32, #tpu.memory_space<vmem_shared>>
      tpu.wait_dma2 semaphore(%run_scoped3A_142 : memref<!tpu.dma_semaphore, #tpu.memory_space<semaphore_mem>>) src(%dma_wait3A_151 : memref<128x128xf32, #tpu.memory_space<vmem_shared>>) dst(%dma_wait3A_149 : memref<128x128xf32, #tpu.memory_space<hbm>>)
      tpu.yield
    }) : () -> ()
    return
  }
}

module attributes {stable_mosaic.version = 14 : i64} {
  func.func @_dense_body(%arg0: i32, %arg1: memref<2000x128xf32, #tpu.memory_space<vmem>>, %arg2: memref<128x128xf32, #tpu.memory_space<vmem>>, %arg3: memref<128x128xf32, #tpu.memory_space<vmem>>, %arg4: memref<1x128xf32, #tpu.memory_space<vmem>>, %arg5: memref<2000x128xf32, #tpu.memory_space<vmem>>, %arg6: memref<2000x128xf32, #tpu.memory_space<vmem>>) attributes {dimension_semantics = [#tpu.dimension_semantics<arbitrary>], iteration_bounds = array<i64: 5>, scalar_prefetch = 0 : i64, scratch_operands = 0 : i64, tpu.core_type = #tpu.core_type<tc>, window_params = [{transform_indices = @transform_0, window_bounds = array<i64: 2000, 128>}, {pipeline_mode = #tpu.pipeline_mode<synchronous>, transform_indices = @transform_1, window_bounds = array<i64: 128, 128>}, {pipeline_mode = #tpu.pipeline_mode<synchronous>, transform_indices = @transform_2, window_bounds = array<i64: 128, 128>}, {pipeline_mode = #tpu.pipeline_mode<synchronous>, transform_indices = @transform_3, window_bounds = array<i64: 1, 128>}, {transform_indices = @transform_4, window_bounds = array<i64: 2000, 128>}, {transform_indices = @transform_5, window_bounds = array<i64: 2000, 128>}]} {
    %get3A = arith.constant 0 : index
    %get3A_0 = arith.constant 0 : index
    %get3A_1 = vector.load %arg1[%get3A, %get3A_0] : memref<2000x128xf32, #tpu.memory_space<vmem>>, vector<2000x128xf32>
    %get3A_2 = arith.constant 0 : index
    %get3A_3 = arith.constant 0 : index
    %get3A_4 = vector.load %arg2[%get3A_2, %get3A_3] : memref<128x128xf32, #tpu.memory_space<vmem>>, vector<128x128xf32>
    %dot_general3A = arith.constant dense<0.000000e+00> : vector<2000x128xf32>
    %dot_general3A_5 = tpu.matmul %get3A_1, %get3A_4, %dot_general3A {dimension_numbers = #tpu.dot_dimension_numbers<[1], [0], [0], [1], [0, 0, 1, 1], [], []>, transpose_lhs_hint = false} : vector<2000x128xf32>, vector<128x128xf32>, vector<2000x128xf32> -> vector<2000x128xf32>
    %swap3A = arith.constant 0 : index
    %swap3A_6 = arith.constant 0 : index
    %swap3A_7 = vector.load %arg5[%swap3A, %swap3A_6] : memref<2000x128xf32, #tpu.memory_space<vmem>>, vector<2000x128xf32>
    tpu.vector_store %arg5[%swap3A, %swap3A_6], %dot_general3A_5 {strides = array<i32>} : memref<2000x128xf32, #tpu.memory_space<vmem>>, vector<2000x128xf32>,
    %get3A_8 = arith.constant 0 : index
    %get3A_9 = arith.constant 0 : index
    %get3A_10 = vector.load %arg3[%get3A_8, %get3A_9] : memref<128x128xf32, #tpu.memory_space<vmem>>, vector<128x128xf32>
    %dot_general3A_11 = arith.constant dense<0.000000e+00> : vector<2000x128xf32>
    %dot_general3A_12 = tpu.matmul %get3A_1, %get3A_10, %dot_general3A_11 {dimension_numbers = #tpu.dot_dimension_numbers<[1], [0], [0], [1], [0, 0, 1, 1], [], []>, transpose_lhs_hint = false} : vector<2000x128xf32>, vector<128x128xf32>, vector<2000x128xf32> -> vector<2000x128xf32>
    %get3A_13 = arith.constant 0 : index
    %get3A_14 = arith.constant 0 : index
    %get3A_15 = vector.load %arg4[%get3A_13, %get3A_14] : memref<1x128xf32, #tpu.memory_space<vmem>>, vector<1x128xf32>
    %add3A = vector.broadcast %get3A_15 : vector<1x128xf32> to vector<2000x128xf32>
    %add3A_16 = arith.addf %dot_general3A_12, %add3A : vector<2000x128xf32>
    %swap3A_17 = arith.constant 0 : index
    %swap3A_18 = arith.constant 0 : index
    %swap3A_19 = vector.load %arg6[%swap3A_17, %swap3A_18] : memref<2000x128xf32, #tpu.memory_space<vmem>>, vector<2000x128xf32>
    tpu.vector_store %arg6[%swap3A_17, %swap3A_18], %add3A_16 {strides = array<i32>} : memref<2000x128xf32, #tpu.memory_space<vmem>>, vector<2000x128xf32>,
    return
  }
  func.func @transform_0(%arg0: i32) -> (i32, i32) {
    %c0_i32 = arith.constant 0 : i32
    %c0_i32_0 = arith.constant 0 : i32
    return %arg0, %c0_i32 : i32, i32
  }
  func.func @transform_1(%arg0: i32) -> (i32, i32) {
    %c0_i32 = arith.constant 0 : i32
    %c0_i32_0 = arith.constant 0 : i32
    %c0_i32_1 = arith.constant 0 : i32
    return %c0_i32, %c0_i32_0 : i32, i32
  }
  func.func @transform_2(%arg0: i32) -> (i32, i32) {
    %c0_i32 = arith.constant 0 : i32
    %c0_i32_0 = arith.constant 0 : i32
    %c0_i32_1 = arith.constant 0 : i32
    return %c0_i32, %c0_i32_0 : i32, i32
  }
  func.func @transform_3(%arg0: i32) -> (i32, i32) {
    %c0_i32 = arith.constant 0 : i32
    %c0_i32_0 = arith.constant 0 : i32
    %c0_i32_1 = arith.constant 0 : i32
    return %c0_i32, %c0_i32_0 : i32, i32
  }
  func.func @transform_4(%arg0: i32) -> (i32, i32) {
    %c0_i32 = arith.constant 0 : i32
    %c0_i32_0 = arith.constant 0 : i32
    return %arg0, %c0_i32 : i32, i32
  }
  func.func @transform_5(%arg0: i32) -> (i32, i32) {
    %c0_i32 = arith.constant 0 : i32
    %c0_i32_0 = arith.constant 0 : i32
    return %arg0, %c0_i32 : i32, i32
  }
}

module attributes {stable_mosaic.version = 14 : i64} {
  func.func @_mid_body(%arg0: i32, %arg1: memref<2x2000x128xf32, #tpu.memory_space<vmem>>, %arg2: memref<2x2000x1xf32, #tpu.memory_space<vmem>>, %arg3: memref<2000x128xf32, #tpu.memory_space<vmem>>, %arg4: memref<128x128xf32, #tpu.memory_space<vmem>>, %arg5: memref<128x128xf32, #tpu.memory_space<vmem>>, %arg6: memref<1x128xf32, #tpu.memory_space<vmem>>, %arg7: memref<2000x128xf32, #tpu.memory_space<vmem>>, %arg8: memref<2000x128xf32, #tpu.memory_space<vmem>>) attributes {dimension_semantics = [#tpu.dimension_semantics<arbitrary>], iteration_bounds = array<i64: 5>, scalar_prefetch = 0 : i64, scratch_operands = 0 : i64, tpu.core_type = #tpu.core_type<tc>, window_params = [{transform_indices = @transform_0, window_bounds = array<i64: 2, 2000, 128>}, {transform_indices = @transform_1, window_bounds = array<i64: 2, 2000, 1>}, {transform_indices = @transform_2, window_bounds = array<i64: 2000, 128>}, {pipeline_mode = #tpu.pipeline_mode<synchronous>, transform_indices = @transform_3, window_bounds = array<i64: 128, 128>}, {pipeline_mode = #tpu.pipeline_mode<synchronous>, transform_indices = @transform_4, window_bounds = array<i64: 128, 128>}, {pipeline_mode = #tpu.pipeline_mode<synchronous>, transform_indices = @transform_5, window_bounds = array<i64: 1, 128>}, {transform_indices = @transform_6, window_bounds = array<i64: 2000, 128>}, {transform_indices = @transform_7, window_bounds = array<i64: 2000, 128>}]} {
    %get3A = arith.constant 0 : index
    %get3A_0 = arith.constant 0 : index
    %get3A_1 = arith.constant 0 : index
    %get3A_2 = vector.load %arg1[%get3A, %get3A_0, %get3A_1] : memref<2x2000x128xf32, #tpu.memory_space<vmem>>, vector<1x2000x128xf32>
    %get3A_3 = vector.shape_cast %get3A_2 : vector<1x2000x128xf32> to vector<2000x128xf32>
    %get3A_4 = arith.constant 1 : index
    %get3A_5 = arith.constant 0 : index
    %get3A_6 = arith.constant 0 : index
    %get3A_7 = vector.load %arg1[%get3A_4, %get3A_5, %get3A_6] : memref<2x2000x128xf32, #tpu.memory_space<vmem>>, vector<1x2000x128xf32>
    %get3A_8 = vector.shape_cast %get3A_7 : vector<1x2000x128xf32> to vector<2000x128xf32>
    %add3A = arith.addf %get3A_3, %get3A_8 : vector<2000x128xf32>
    %get3A_9 = arith.constant 0 : index
    %get3A_10 = arith.constant 0 : index
    %get3A_11 = arith.constant 0 : index
    %get3A_12 = vector.load %arg2[%get3A_9, %get3A_10, %get3A_11] : memref<2x2000x1xf32, #tpu.memory_space<vmem>>, vector<1x2000x1xf32>
    %get3A_13 = vector.shape_cast %get3A_12 : vector<1x2000x1xf32> to vector<2000x1xf32>
    %get3A_14 = arith.constant 1 : index
    %get3A_15 = arith.constant 0 : index
    %get3A_16 = arith.constant 0 : index
    %get3A_17 = vector.load %arg2[%get3A_14, %get3A_15, %get3A_16] : memref<2x2000x1xf32, #tpu.memory_space<vmem>>, vector<1x2000x1xf32>
    %get3A_18 = vector.shape_cast %get3A_17 : vector<1x2000x1xf32> to vector<2000x1xf32>
    %add3A_19 = arith.addf %get3A_13, %get3A_18 : vector<2000x1xf32>
    %max3A = arith.constant 1.000000e+00 : f32
    %max3A_20 = vector.broadcast %max3A : f32 to vector<2000x1xf32>
    %max3A_21 = arith.maximumf %add3A_19, %max3A_20 : vector<2000x1xf32>
    %div3A = vector.broadcast %max3A_21 : vector<2000x1xf32> to vector<2000x128xf32>
    %div3A_22 = arith.divf %add3A, %div3A : vector<2000x128xf32>
    %get3A_23 = arith.constant 0 : index
    %get3A_24 = arith.constant 0 : index
    %get3A_25 = vector.load %arg3[%get3A_23, %get3A_24] : memref<2000x128xf32, #tpu.memory_space<vmem>>, vector<2000x128xf32>
    %add3A_26 = arith.addf %div3A_22, %get3A_25 : vector<2000x128xf32>
    %max3A_27 = arith.constant 0.000000e+00 : f32
    %max3A_28 = vector.broadcast %max3A_27 : f32 to vector<2000x128xf32>
    %max3A_29 = arith.maximumf %add3A_26, %max3A_28 : vector<2000x128xf32>
    %get3A_30 = arith.constant 0 : index
    %get3A_31 = arith.constant 0 : index
    %get3A_32 = vector.load %arg4[%get3A_30, %get3A_31] : memref<128x128xf32, #tpu.memory_space<vmem>>, vector<128x128xf32>
    %dot_general3A = arith.constant dense<0.000000e+00> : vector<2000x128xf32>
    %dot_general3A_33 = tpu.matmul %max3A_29, %get3A_32, %dot_general3A {dimension_numbers = #tpu.dot_dimension_numbers<[1], [0], [0], [1], [0, 0, 1, 1], [], []>, transpose_lhs_hint = false} : vector<2000x128xf32>, vector<128x128xf32>, vector<2000x128xf32> -> vector<2000x128xf32>
    %swap3A = arith.constant 0 : index
    %swap3A_34 = arith.constant 0 : index
    %swap3A_35 = vector.load %arg7[%swap3A, %swap3A_34] : memref<2000x128xf32, #tpu.memory_space<vmem>>, vector<2000x128xf32>
    tpu.vector_store %arg7[%swap3A, %swap3A_34], %dot_general3A_33 {strides = array<i32>} : memref<2000x128xf32, #tpu.memory_space<vmem>>, vector<2000x128xf32>,
    %get3A_36 = arith.constant 0 : index
    %get3A_37 = arith.constant 0 : index
    %get3A_38 = vector.load %arg5[%get3A_36, %get3A_37] : memref<128x128xf32, #tpu.memory_space<vmem>>, vector<128x128xf32>
    %dot_general3A_39 = arith.constant dense<0.000000e+00> : vector<2000x128xf32>
    %dot_general3A_40 = tpu.matmul %max3A_29, %get3A_38, %dot_general3A_39 {dimension_numbers = #tpu.dot_dimension_numbers<[1], [0], [0], [1], [0, 0, 1, 1], [], []>, transpose_lhs_hint = false} : vector<2000x128xf32>, vector<128x128xf32>, vector<2000x128xf32> -> vector<2000x128xf32>
    %get3A_41 = arith.constant 0 : index
    %get3A_42 = arith.constant 0 : index
    %get3A_43 = vector.load %arg6[%get3A_41, %get3A_42] : memref<1x128xf32, #tpu.memory_space<vmem>>, vector<1x128xf32>
    %add3A_44 = vector.broadcast %get3A_43 : vector<1x128xf32> to vector<2000x128xf32>
    %add3A_45 = arith.addf %dot_general3A_40, %add3A_44 : vector<2000x128xf32>
    %swap3A_46 = arith.constant 0 : index
    %swap3A_47 = arith.constant 0 : index
    %swap3A_48 = vector.load %arg8[%swap3A_46, %swap3A_47] : memref<2000x128xf32, #tpu.memory_space<vmem>>, vector<2000x128xf32>
    tpu.vector_store %arg8[%swap3A_46, %swap3A_47], %add3A_45 {strides = array<i32>} : memref<2000x128xf32, #tpu.memory_space<vmem>>, vector<2000x128xf32>,
    return
  }
  func.func @transform_0(%arg0: i32) -> (i32, i32, i32) {
    %c0_i32 = arith.constant 0 : i32
    %c0_i32_0 = arith.constant 0 : i32
    %c0_i32_1 = arith.constant 0 : i32
    return %c0_i32, %arg0, %c0_i32_0 : i32, i32, i32
  }
  func.func @transform_1(%arg0: i32) -> (i32, i32, i32) {
    %c0_i32 = arith.constant 0 : i32
    %c0_i32_0 = arith.constant 0 : i32
    %c0_i32_1 = arith.constant 0 : i32
    return %c0_i32, %arg0, %c0_i32_0 : i32, i32, i32
  }
  func.func @transform_2(%arg0: i32) -> (i32, i32) {
    %c0_i32 = arith.constant 0 : i32
    %c0_i32_0 = arith.constant 0 : i32
    return %arg0, %c0_i32 : i32, i32
  }
  func.func @transform_3(%arg0: i32) -> (i32, i32) {
    %c0_i32 = arith.constant 0 : i32
    %c0_i32_0 = arith.constant 0 : i32
    %c0_i32_1 = arith.constant 0 : i32
    return %c0_i32, %c0_i32_0 : i32, i32
  }
  func.func @transform_4(%arg0: i32) -> (i32, i32) {
    %c0_i32 = arith.constant 0 : i32
    %c0_i32_0 = arith.constant 0 : i32
    %c0_i32_1 = arith.constant 0 : i32
    return %c0_i32, %c0_i32_0 : i32, i32
  }
  func.func @transform_5(%arg0: i32) -> (i32, i32) {
    %c0_i32 = arith.constant 0 : i32
    %c0_i32_0 = arith.constant 0 : i32
    %c0_i32_1 = arith.constant 0 : i32
    return %c0_i32, %c0_i32_0 : i32, i32
  }
  func.func @transform_6(%arg0: i32) -> (i32, i32) {
    %c0_i32 = arith.constant 0 : i32
    %c0_i32_0 = arith.constant 0 : i32
    return %arg0, %c0_i32 : i32, i32
  }
  func.func @transform_7(%arg0: i32) -> (i32, i32) {
    %c0_i32 = arith.constant 0 : i32
    %c0_i32_0 = arith.constant 0 : i32
    return %arg0, %c0_i32 : i32, i32
  }
}

module attributes {stable_mosaic.version = 14 : i64} {
  func.func @_final_body(%arg0: i32, %arg1: memref<2x2000x128xf32, #tpu.memory_space<vmem>>, %arg2: memref<2x2000x1xf32, #tpu.memory_space<vmem>>, %arg3: memref<2000x128xf32, #tpu.memory_space<vmem>>, %arg4: memref<2000x128xf32, #tpu.memory_space<vmem>>) attributes {dimension_semantics = [#tpu.dimension_semantics<arbitrary>], iteration_bounds = array<i64: 5>, scalar_prefetch = 0 : i64, scratch_operands = 0 : i64, tpu.core_type = #tpu.core_type<tc>, window_params = [{transform_indices = @transform_0, window_bounds = array<i64: 2, 2000, 128>}, {transform_indices = @transform_1, window_bounds = array<i64: 2, 2000, 1>}, {transform_indices = @transform_2, window_bounds = array<i64: 2000, 128>}, {transform_indices = @transform_3, window_bounds = array<i64: 2000, 128>}]} {
    %get3A = arith.constant 0 : index
    %get3A_0 = arith.constant 0 : index
    %get3A_1 = arith.constant 0 : index
    %get3A_2 = vector.load %arg1[%get3A, %get3A_0, %get3A_1] : memref<2x2000x128xf32, #tpu.memory_space<vmem>>, vector<1x2000x128xf32>
    %get3A_3 = vector.shape_cast %get3A_2 : vector<1x2000x128xf32> to vector<2000x128xf32>
    %get3A_4 = arith.constant 1 : index
    %get3A_5 = arith.constant 0 : index
    %get3A_6 = arith.constant 0 : index
    %get3A_7 = vector.load %arg1[%get3A_4, %get3A_5, %get3A_6] : memref<2x2000x128xf32, #tpu.memory_space<vmem>>, vector<1x2000x128xf32>
    %get3A_8 = vector.shape_cast %get3A_7 : vector<1x2000x128xf32> to vector<2000x128xf32>
    %add3A = arith.addf %get3A_3, %get3A_8 : vector<2000x128xf32>
    %get3A_9 = arith.constant 0 : index
    %get3A_10 = arith.constant 0 : index
    %get3A_11 = arith.constant 0 : index
    %get3A_12 = vector.load %arg2[%get3A_9, %get3A_10, %get3A_11] : memref<2x2000x1xf32, #tpu.memory_space<vmem>>, vector<1x2000x1xf32>
    %get3A_13 = vector.shape_cast %get3A_12 : vector<1x2000x1xf32> to vector<2000x1xf32>
    %get3A_14 = arith.constant 1 : index
    %get3A_15 = arith.constant 0 : index
    %get3A_16 = arith.constant 0 : index
    %get3A_17 = vector.load %arg2[%get3A_14, %get3A_15, %get3A_16] : memref<2x2000x1xf32, #tpu.memory_space<vmem>>, vector<1x2000x1xf32>
    %get3A_18 = vector.shape_cast %get3A_17 : vector<1x2000x1xf32> to vector<2000x1xf32>
    %add3A_19 = arith.addf %get3A_13, %get3A_18 : vector<2000x1xf32>
    %max3A = arith.constant 1.000000e+00 : f32
    %max3A_20 = vector.broadcast %max3A : f32 to vector<2000x1xf32>
    %max3A_21 = arith.maximumf %add3A_19, %max3A_20 : vector<2000x1xf32>
    %div3A = vector.broadcast %max3A_21 : vector<2000x1xf32> to vector<2000x128xf32>
    %div3A_22 = arith.divf %add3A, %div3A : vector<2000x128xf32>
    %get3A_23 = arith.constant 0 : index
    %get3A_24 = arith.constant 0 : index
    %get3A_25 = vector.load %arg3[%get3A_23, %get3A_24] : memref<2000x128xf32, #tpu.memory_space<vmem>>, vector<2000x128xf32>
    %add3A_26 = arith.addf %div3A_22, %get3A_25 : vector<2000x128xf32>
    %reduce_max3A = arith.constant dense<0xFF800000> : vector<2000xf32>
    %reduce_max3A_27 = vector.multi_reduction <maximumf>, %add3A_26, %reduce_max3A [1] : vector<2000x128xf32> to vector<2000xf32>
    %broadcast_in_dim3A = vector.shape_cast %reduce_max3A_27 : vector<2000xf32> to vector<2000x1xf32>
    %sub3A = vector.broadcast %broadcast_in_dim3A : vector<2000x1xf32> to vector<2000x128xf32>
    %sub3A_28 = arith.subf %add3A_26, %sub3A : vector<2000x128xf32>
    %exp3A = math.exp %sub3A_28 : vector<2000x128xf32>
    %reduce_sum3A = arith.constant dense<0.000000e+00> : vector<2000xf32>
    %reduce_sum3A_29 = vector.multi_reduction <add>, %exp3A, %reduce_sum3A [1] : vector<2000x128xf32> to vector<2000xf32>
    %broadcast_in_dim3A_30 = vector.shape_cast %reduce_sum3A_29 : vector<2000xf32> to vector<2000x1xf32>
    %log3A = math.log %broadcast_in_dim3A_30 : vector<2000x1xf32>
    %sub3A_31 = vector.broadcast %broadcast_in_dim3A : vector<2000x1xf32> to vector<2000x128xf32>
    %sub3A_32 = arith.subf %add3A_26, %sub3A_31 : vector<2000x128xf32>
    %sub3A_33 = vector.broadcast %log3A : vector<2000x1xf32> to vector<2000x128xf32>
    %sub3A_34 = arith.subf %sub3A_32, %sub3A_33 : vector<2000x128xf32>
    %swap3A = arith.constant 0 : index
    %swap3A_35 = arith.constant 0 : index
    %swap3A_36 = vector.load %arg4[%swap3A, %swap3A_35] : memref<2000x128xf32, #tpu.memory_space<vmem>>, vector<2000x128xf32>
    tpu.vector_store %arg4[%swap3A, %swap3A_35], %sub3A_34 {strides = array<i32>} : memref<2000x128xf32, #tpu.memory_space<vmem>>, vector<2000x128xf32>,
    return
  }
  func.func @transform_0(%arg0: i32) -> (i32, i32, i32) {
    %c0_i32 = arith.constant 0 : i32
    %c0_i32_0 = arith.constant 0 : i32
    %c0_i32_1 = arith.constant 0 : i32
    return %c0_i32, %arg0, %c0_i32_0 : i32, i32, i32
  }
  func.func @transform_1(%arg0: i32) -> (i32, i32, i32) {
    %c0_i32 = arith.constant 0 : i32
    %c0_i32_0 = arith.constant 0 : i32
    %c0_i32_1 = arith.constant 0 : i32
    return %c0_i32, %arg0, %c0_i32_0 : i32, i32, i32
  }
  func.func @transform_2(%arg0: i32) -> (i32, i32) {
    %c0_i32 = arith.constant 0 : i32
    %c0_i32_0 = arith.constant 0 : i32
    return %arg0, %c0_i32 : i32, i32
  }
  func.func @transform_3(%arg0: i32) -> (i32, i32) {
    %c0_i32 = arith.constant 0 : i32
    %c0_i32_0 = arith.constant 0 : i32
    return %arg0, %c0_i32 : i32, i32
  }
}

</mosaic_0001>

<sc_bundles>
// kernel: kernel.11.cloned.1.call-start
scs
__scs_entry_jumppad:
0x0: {  	(pc) =	sbr.rel $0x88, $3  }
0x1: {  	(tag) =	ssettag $0x0;
	lr =	simm.s32 $0x1  }
0x2: {  	[smem:$0x3F99] =	sst lr;
	_ =	strace $0xD0000000  }
0x3: {  	_ = 	snop  }
0x4: {  	_ = 	snop  }
0x5: {  	_ = 	snop  }
0x6: {  	_ = 	snop  }
0x7: {  	_ = 	snop  }
__scs_overlays_trampoline_lowered:
0x8: {  	[smem:$0x3FA8] =	sst s0  }
0x9: {  	[smem:$0x3FA9] =	sst s1  }
0xa: {  	[smem:$0x3FAA] =	sst s2  }
0xb: {  	[smem:$0x3FAB] =	sst s3  }
0xc: {  	[smem:$0x3FAC] =	sst s4  }
0xd: {  	[smem:$0x3FAD] =	sst s5  }
0xe: {  	[smem:$0x3FAE] =	sst s6  }
0xf: {  	[smem:$0x3FAF] =	sst s7  }
0x10: {  	[smem:$0x3FB0] =	sst s8  }
0x11: {  	[smem:$0x3FB1] =	sst s9;
	s0 =	simm.s32 @!p0 $0x0  }
0x12: {  	s1 =	sld [smem:$0x3F97];
	s0 =	simm.s32 @p0 $0x1  }
0x13: {  	[smem:$0x3FB2] =	sst s0;
	s0 =	simm.s32 @!p1 $0x0  }
0x14: {  	s2 =	sld [smem:$0x3F96];
	s0 =	simm.s32 @p1 $0x1  }
0x15: {  	[smem:$0x3FB3] =	sst s0;
	s0 =	simm.s32 @!p2 $0x0  }
0x16: {  	s3 =	sld [smem:$0x3FDB];
	s0 =	simm.s32 @p2 $0x1  }
0x17: {  	s4 =	simm.s32 $0x1BF5;
	[smem:$0x3FB5] =	sst s0  }
0x18: {  	s0 =	sld [smem:$0x3F98];
	_ =	swait.ge [sflag:s4], $0x0  }
0x19: {  	s7 =	sld [smem:$0x3F99]  }
0x1a: {  	s8 =	sadd.s32 $0xFFFFE003, lr  }
0x1b: {  	s9 =	sadd.s32 $0xFFFFFEF7, lr;
	s5 =	simm.s32 $0xFFFFFFFF;
	p2 =	slt.u32 s8, $0xFFFFF086  }
0x1c: {  	p1 =	slt.u32 s9, $0xF7A;
	s5 =	simm.s32 @!p2 $0x0  }
0x1d: {  	s5 =	simm.s32 @p1 $0x1;
	p0 =	seq.s32 s7, s2  }
0x1e: {  	s7 =	smul.u32 @!p0 $0xF7A, s2;
	p2 =	seq.s32 @!p0 s5, $0x0  }
0x1f: {  	s9 =	smul.u32 $0xF7A, s1;
	s8 =	simm.s32 @!p0 $0x1BF5;
	p2 =	por !p2, p0  }
0x20: {  	[sflag:s8] =	ssyncset.s32 @!p0 $0xFFFFF086;
	s6 =	sadd.s32 @!p0 s3, s7;
	s7 =	simm.s32 @!p0 $0x108  }
0x21: {  	s3 =	sadd.s32 s3, s9;
	s6 =	sadd.s32 @!p0 $0x88, s6;
	s7 =	simm.s32 @p2 $0x1082  }
0x22: {  	[simem:s7], [sflag:s8] =	dma.local @!p0 [hbm:s6], $0xF7A  }
0x23: {  	s9 =	sor.u32 $0xD0000000, s2;
	s6 =	simm.s32 $0x108;
	_ =	swait.ge @!p0 [sflag:s8], $0x0  }
0x24: {  	s3 =	sadd.s32 $0x88, s3;
	s6 =	simm.s32 @!p1 $0x1082;
	[sflag:s4] =	ssyncset.s32 $0xFFFFF086  }
0x25: {  	[simem:s6], [sflag:s4] =	dma.local [hbm:s3], $0xF7A  }
0x26: {  	[smem:$0x3F99] =	sst s1;
	(tag) =	ssettag s2;
	_ =	strace s9  }
0x27: {  	s1 =	sld [smem:$0x3FA9]  }
0x28: {  	s2 =	sld [smem:$0x3FAA]  }
0x29: {  	s4 =	sld [smem:$0x3FAC]  }
0x2a: {  	p0 =	seq.s32 s5, $0x0;
	s5 =	sld [smem:$0x3FAD]  }
0x2b: {  	s6 =	sld [smem:$0x3FAE]  }
0x2c: {  	s7 =	sld [smem:$0x3FAF]  }
0x2d: {  	s3 =	simm.s32 $0x108;
	s8 =	sld [smem:$0x3FB0]  }
0x2e: {  	s3 =	simm.s32 @!p0 $0x1082;
	s9 =	sld [smem:$0x3FB1]  }
0x2f: {  	lr =	sadd.s32 s0, s3;
	s0 =	sld [smem:$0x3FA8]  }
0x30: {  	s3 =	sld [smem:$0x3FAB]  }
0x31: {  	[smem:$0x3FB4] =	sst s10  }
0x32: {  	s10 =	sld [smem:$0x3FB2];
	_ =	sdelay $0x3  }
0x33: {  	p0 =	seq.s32 s10, $0x1;
	s10 =	sld [smem:$0x3FB4];
	_ =	sdelay $0x3  }
0x34: {  	[smem:$0x3FB4] =	sst s10  }
0x35: {  	s10 =	sld [smem:$0x3FB3];
	_ =	sdelay $0x3  }
0x36: {  	p1 =	seq.s32 s10, $0x1;
	s10 =	sld [smem:$0x3FB4];
	_ =	sdelay $0x3  }
0x37: {  	[smem:$0x3FB4] =	sst s10  }
0x38: {  	s10 =	sld [smem:$0x3FB5]  }
0x39: {  	_ = 	snop;
	(pc) =	sbr.ind lr, $3  }
0x3a: {  	_ = 	snop  }
0x3b: {  	_ = 	snop  }
0x3c: {  	p2 =	seq.s32 s10, $0x1;
	s10 =	sld [smem:$0x3FB4]  }
0x3d: {  	_ =	shalt  }
0x3e: {  	_ =	shalt  }
0x3f: {  	_ =	shalt  }
0x40: {  	_ =	shalt  }
0x41: {  	_ =	shalt  }
0x42: {  	_ =	shalt  }
0x43: {  	_ =	shalt  }
0x44: {  	_ =	shalt  }
0x45: {  	_ =	shalt  }
0x46: {  	_ =	shalt  }
0x47: {  	_ =	shalt  }
0x48: {  	_ =	shalt  }
0x49: {  	_ =	shalt  }
0x4a: {  	_ =	shalt  }
0x4b: {  	_ =	shalt  }
0x4c: {  	_ =	shalt  }
0x4d: {  	_ =	shalt  }
0x4e: {  	_ =	shalt  }
0x4f: {  	_ =	shalt  }
0x50: {  	_ =	shalt  }
0x51: {  	_ =	shalt  }
0x52: {  	_ =	shalt  }
0x53: {  	_ =	shalt  }
0x54: {  	_ =	shalt  }
0x55: {  	_ =	shalt  }
0x56: {  	_ =	shalt  }
0x57: {  	_ =	shalt  }
0x58: {  	_ =	shalt  }
0x59: {  	_ =	shalt  }
0x5a: {  	_ =	shalt  }
0x5b: {  	_ =	shalt  }
0x5c: {  	_ =	shalt  }
0x5d: {  	_ =	shalt  }
0x5e: {  	_ =	shalt  }
0x5f: {  	_ =	shalt  }
0x60: {  	_ =	shalt  }
0x61: {  	_ =	shalt  }
0x62: {  	_ =	shalt  }
0x63: {  	_ =	shalt  }
0x64: {  	_ =	shalt  }
0x65: {  	_ =	shalt  }
0x66: {  	_ =	shalt  }
0x67: {  	_ =	shalt  }
0x68: {  	_ =	shalt  }
0x69: {  	_ =	shalt  }
0x6a: {  	_ =	shalt  }
0x6b: {  	_ =	shalt  }
0x6c: {  	_ =	shalt  }
0x6d: {  	_ =	shalt  }
0x6e: {  	_ =	shalt  }
0x6f: {  	_ =	shalt  }
0x70: {  	_ =	shalt  }
0x71: {  	_ =	shalt  }
0x72: {  	_ =	shalt  }
0x73: {  	_ =	shalt  }
0x74: {  	_ =	shalt  }
0x75: {  	_ =	shalt  }
0x76: {  	_ =	shalt  }
0x77: {  	_ =	shalt  }
0x78: {  	_ =	shalt  }
0x79: {  	_ =	shalt  }
0x7a: {  	_ =	shalt  }
0x7b: {  	_ =	shalt  }
0x7c: {  	_ =	shalt  }
0x7d: {  	_ =	shalt  }
0x7e: {  	_ =	shalt  }
0x7f: {  	_ =	shalt  }
0x80: {  	_ =	shalt  }
0x81: {  	_ =	shalt  }
0x82: {  	_ =	shalt  }
0x83: {  	_ =	shalt  }
0x84: {  	_ =	shalt  }
0x85: {  	_ =	shalt  }
0x86: {  	_ =	shalt  }
0x87: {  	_ =	shalt  }
.Lfunc_end0:
.L_simem_size_0:
called_computation.1_lowered:
.L_overlay_start_0:
0x88: {  	s2 =	sld [smem:$0x3FD9]  }
0x89: {  	s3 =	sld [smem:$0x3FFE];
	_ =	sdelay $0x1  }
0x8a: {  	s1 =	srdreg.scid  }
0x8b: {  	s0 =	sand.u32 $0x1, s1  }
0x8c: {  	s17 =	sshll.u32 s0, $0xA;
	s2 =	sadd.s32 s3, s2  }
0x8d: {  	s2 =	sadd.s32 s2, s17  }
0x8e: {  	[smem:$0x3FC0] =	sst s2  }
0x8f: {  	_ = 	snop  }
0x90: {  	s2 =	sld [smem:$0x3FD0];
	(tm) =	ssettm $0x1  }
0x91: {  	s18 =	sld [smem:$0x3FFB];
	_ =	sdelay $0x3  }
0x92: {  	_ =	strace s18  }
0x93: {  	s3 =	sld [smem:$0x3FFC];
	_ =	sdelay $0x3  }
0x94: {  	_ =	strace s3  }
0x95: {  	s3 =	sld [smem:$0x3FFD];
	_ =	sdelay $0x3  }
0x96: {  	_ =	strace s3  }
0x97: {  	_ =	strace $0x8FFFFFFF  }
0x98: {  	s19 =	sld [smem:$0x3FDB];
	_ =	sdelay $0x1  }
0x99: {  	s4 =	simm.s32 $_scs_section_size  }
0x9a: {  	s5 =	simm.s32 $_size__tile_overlayer_lowered;
	s6 =	simm.s32 $_tile_overlayer_lowered  }
0x9b: {  	s22 =	simm.s32 $0x1BFF;
	s21 =	sshll.u32 s6, $0x1;
	s3 =	sadd.s32 s4, s19  }
0x9c: {  	s7 =	simm.s32 $0x0;
	s20 =	sshll.u32 s5, $0x1;
	s5 =	sadd.s32 s21, s3  }
0x9d: {  	[timem:s7], [sflag:s22] =	dma.local [hbm:s5], s20  }
0x9e: {  	_ =	swait.ge [sflag:s22], s20  }
0x9f: {  	s4 =	ssub.s32 $0x0, s20;
	[sflag:s22] =	ssyncset.done $0x0  }
0xa0: {  	[sflag:s22] =	ssyncadd.s32 s4;
	_ =	sdelay $0x1  }
0xa1: {  	s23 =	simm.s32 $0x1B8B  }
0xa2: {  	_ =	swait.ge [sflag:s23], $0x1  }
0xa3: {  	[sflag:s23] =	ssyncset.done $0x0  }
0xa4: {  	s25 =	simm.s32 $0x1B8E;
	s24 =	sld [smem:$0x3FFE];
	[sflag:s23] =	ssyncadd.s32 $0xFFFFFFFF  }
0xa5: {  	s26 =	simm.s32 $execute0_lowered;
	[smem:$0x3FD2] =	sst s25  }
0xa6: {  	s5 =	sshll.u32 s26, $0x1;
	_ =	strace $0x80000046;
	[dreg:$0x1] =	wrdreg $0xFFFFFFFF  }
0xa7: {  	s28 =	simm.s32 $_size_execute0_lowered;
	s3 =	sadd.s32 s3, s5;
	[dreg:$0x0] =	wrdreg $0x0  }
0xa8: {  	s5 =	sshll.u32 s28, $0x1;
	[dreg:$0x2] =	wrdreg s3  }
0xa9: {  	[dreg:$0x3] =	wrdreg s5  }
0xaa: {  	[dreg:$0x4] =	wrdreg $0xC0  }
0xab: {  	_ =	task [dreg:s7], $0x5FFFF  }
0xac: {  	[dreg:$0x1] =	wrdreg $0xFFFFFFFF  }
0xad: {  	[dreg:$0x0] =	wrdreg $0x60  }
0xae: {  	[dreg:$0x2] =	wrdreg s2  }
0xaf: {  	[dreg:$0x3] =	wrdreg s24  }
0xb0: {  	[dreg:$0x4] =	wrdreg $0x0  }
0xb1: {  	[dreg:$0x5] =	wrdreg $0xA  }
0xb2: {  	_ =	task.clear_ibuf [dreg:s7], $0x6FFFF;
	_ =	strace $0x90000046  }
0xb3: {  	s29 =	simm.s32 $0xA;
	_ =	strace $0x80000048  }
0xb4: {  	_ =	swait.ge [sflag:s29], $0x1  }
0xb5: {  	[sflag:s29] =	ssyncadd.s32 $0xFFFFFFFF  }
0xb6: {  	_ =	strace $0x90000048  }
0xb7: {  	_ =	sfence  }
0xb8: {  	s30 =	sld [smem:$0x0];
	_ =	sdelay $0x2  }
0xb9: {  	s31 =	sshll.u32 s1, $0xD;
	s1 =	sshrl.u32 s1, $0x2  }
0xba: {  	s3 =	sand.u32 $0x4000, s31;
	s1 =	sadd.s32 s1, s30  }
0xbb: {  	s0 =	sor.u32 s3, s0;
	s1 =	sshll.u32 s1, $0x11  }
0xbc: {  	s0 =	sor.u32 s1, s0  }
0xbd: {  	s0 =	sadd.s32 $0x8F2B, s0  }
0xbe: {  	[sflag:s0] =	ssyncadd.remote.s32 $0x1  }
0xbf: {  	_ =	sfence.sel $0xFFFF  }
0xc0: {  	[dreg:$0x0] =	wrdreg $0xFFFFFFFF;
	(pc) =	sbr.abs _section_cstart, $3  }
0xc1: {  	[dreg:$0x1] =	wrdreg $0xFFFFFFFF  }
0xc2: {  	_ =	task.clear_ibuf [dreg:s7], $0x2FFFF;
	_ =	strace $0x9FFFFFFF  }
0xc3: {  	(tm) =	ssettm $0x7FFFFFFF  }
tec
execute0_lowered:
.L_overlay_start_1:
0x0: {  	(tag) =	ssettag $0x1  }
0x1: {  	s1 =	rddreg [dreg:$0x0]  }
0x2: {  	s0 =	rddreg [dreg:$0x1]  }
0x3: {  	s2 =	srdreg.scid;
	s8 =	stileid.u32  }
0x4: {  	s3 =	rddreg [dreg:$0x2];
	s4 =	simm.s32 $0x0;
	s20 =	simm.s32 $0x17000  }
0x5: {  	s28 =	simm.s32 $0x1D000;
	s30 =	simm.s32 $0x1E000;
	s31 =	simm.s32 $0x1  }
0x6: {  	s2 =	sand.u32 $0x1, s2;
	s5 =	sshll.u32 s8, $0x1;
	s7 =	smul.u32 $0x50000, s8  }
0x7: {  	[smem:$0x7FF] =	sst s4;
	s6 =	sadd.s32 $0x2800, s0;
	s13 =	smul.u32 $0x14000, s8  }
0x8: {  	s5 =	sor.u32 s2, s5;
	s21 =	ssub.s32 $0x2, s2;
	s2 =	smul.u32 $0x140000, s2  }
0x9: {  	_ =	strace $0x80000047;
	s5 =	smul.u32 $0x2800, s5;
	s9 =	sshrl.u32 s21, $0x1  }
0xa: {  	s7 =	sshrl.u32 s7, $0x2;
	s15 =	sadd.s32 $0x4000, s13;
	s16 =	sadd.s32 $0x8000, s13  }
0xb: {  	s17 =	sadd.s32 $0xC000, s13;
	s18 =	sadd.s32 $0x10000, s13;
	s19 =	ssub.s32 s21, s9  }
0xc: {  	s7 =	sadd.s32 s7, s3;
	s8 =	sadd.s32 s15, s3;
	s9 =	sadd.s32 s16, s3  }
0xd: {  	s10 =	sadd.s32 s17, s3;
	s11 =	sadd.s32 s18, s3;
	s13 =	sadd.s32 s13, s2  }
0xe: {  	s15 =	sadd.s32 s2, s15;
	s25 =	sadd.s32 s2, s16;
	s26 =	sadd.s32 s2, s17  }
0xf: {  	s2 =	sadd.s32 s2, s18;
	s21 =	simm.s32 $0x4;
	s12 =	sshrl.u32 s5, $0x3  }
0x10: {  	s13 =	sshrl.u32 s13, $0x3;
	s22 =	sshrl.u32 s15, $0x3;
	s2 =	sshrl.u32 s2, $0x3  }
0x11: {  	s19 =	smax.u32 s19, $0x1;
	s14 =	sadd.s32 s12, s0;
	s12 =	sadd.s32 s6, s12  }
0x12: {  	s0 =	sadd.s32 $0x16800, s0;
	s14 =	sadd.s32 $0xC800, s14;
	[dreg:$0x5] =	wrdreg s12  }
0x13: {  	s23 =	sadd.s32 s0, s13;
	s24 =	sadd.s32 s0, s22;
	s12 =	sshrl.u32 s25, $0x3  }
0x14: {  	s13 =	sshrl.u32 s26, $0x3;
	s25 =	simm.s32 $0x1C000;
	[dreg:$0x4] =	wrdreg s14  }
.Ltmp0:
0x15: {  	s22 =	simm.s32 $0x2;
	[dreg:$0x6] =	wrdreg s23;
	(pc) =	sbr.rel .LBB2_1-.Ltmp0, $4  }
0x16: {  	s26 =	simm.s32 $0x0;
	[dreg:$0x7] =	wrdreg s24;
	s12 =	sadd.s32 s0, s12  }
0x17: {  	s29 =	sadd.s32 s0, s13;
	s0 =	sadd.s32 s0, s2;
	[dreg:$0x8] =	wrdreg s12  }
0x18: {  	s23 =	simm.s32 $0x16800;
	s24 =	simm.s32 $0x20;
	[dreg:$0x9] =	wrdreg s29  }
0x19: {  	v0 =	vimm.f32 $0.0e+00;
	s2 =	simm.s32 $0x80;
	[dreg:$0xa] =	wrdreg s0;
	s0 =	simm.s32 $0x1B000  }
.LBB2_9:
0x1a: {  	s12 =	stileid.u32  }
0x1b: {  	[bflag:$0x0] =	sbarrier.arrive $0xFFFF;
	s12 =	sshll.u32 s12, $0x6  }
0x1c: {  	s13 =	sshrl.u32 s7, $0x3;
	s14 =	rddreg [dreg:$0x6];
	s12 =	sor.u32 $0x1C04, s12  }
0x1d: {  	[hbm:s14], [sflag:s12] =	dma.local [spmem:s13], $0x800  }
0x1e: {  	_ =	swait.ge [sflag:s21], $0x800  }
0x1f: {  	[sflag:s21] =	ssyncset.done $0x0  }
0x20: {  	s18 =	sshrl.u32 s8, $0x3;
	s29 =	rddreg [dreg:$0x7];
	[sflag:s21] =	ssyncadd.s32 $0xFFFFF800  }
0x21: {  	[hbm:s29], [sflag:s12] =	dma.local [spmem:s18], $0x800  }
0x22: {  	_ =	swait.ge [sflag:s21], $0x800  }
0x23: {  	[sflag:s21] =	ssyncset.done $0x0  }
0x24: {  	s14 =	sshrl.u32 s9, $0x3;
	s15 =	rddreg [dreg:$0x8];
	[sflag:s21] =	ssyncadd.s32 $0xFFFFF800  }
0x25: {  	[hbm:s15], [sflag:s12] =	dma.local [spmem:s14], $0x800  }
0x26: {  	_ =	swait.ge [sflag:s21], $0x800  }
0x27: {  	[sflag:s21] =	ssyncset.done $0x0  }
0x28: {  	s16 =	sshrl.u32 s10, $0x3;
	s17 =	rddreg [dreg:$0x9];
	[sflag:s21] =	ssyncadd.s32 $0xFFFFF800  }
0x29: {  	[hbm:s17], [sflag:s12] =	dma.local [spmem:s16], $0x800  }
0x2a: {  	s26 =	sadd.s32 $0x1, s26;
	_ =	swait.ge [sflag:s21], $0x800  }
0x2b: {  	p0 =	sne.s32 s26, s19;
	s18 =	sshrl.u32 s11, $0x3;
	[sflag:s21] =	ssyncset.done $0x0  }
.Ltmp1:
0x2c: {  	s29 =	rddreg [dreg:$0xa];
	[sflag:s21] =	ssyncadd.s32 $0xFFFFF800;
	(pc) =	sbr.rel @!p0 .LBB2_10-.Ltmp1, $4  }
0x2d: {  	[hbm:s29], [sflag:s12] =	dma.local [spmem:s18], $0x800  }
0x2e: {  	_ =	swait.ge [sflag:s21], $0x800  }
0x2f: {  	[sflag:s21] =	ssyncset.done $0x0  }
0x30: {  	[sflag:s21] =	ssyncadd.s32 $0xFFFFF800  }
.LBB2_1:
0x31: {  	s12 =	simm.s32 $0x0;
	s13 =	simm.s32 $0x200  }
.LBB2_2:
0x32: {  	p0 =	sne.s32 s13, $0xFE00;
	[tilespmem:s12+$0x17070] =	vst v0  }
0x33: {  	[tilespmem:s12+$0x17000] =	vst v0  }
0x34: {  	[tilespmem:s12+$0x17010] =	vst v0  }
.Ltmp2:
0x35: {  	[tilespmem:s12+$0x17020] =	vst v0;
	(pc) =	sbr.rel @p0 .LBB2_2-.Ltmp2, $4  }
0x36: {  	[tilespmem:s12+$0x17030] =	vst v0  }
0x37: {  	[tilespmem:s12+$0x17040] =	vst v0  }
0x38: {  	[tilespmem:s12+$0x17050] =	vst v0  }
0x39: {  	[tilespmem:s12+$0x17060] =	vst v0;
	s12 =	sshra.s32 s13, $0x2;
	s13 =	sadd.s32 $0x200, s13  }
0x3a: {  	[tilespmem:s12+$0x17070] =	vst v0  }
0x3b: {  	[tilespmem:s12+$0x17000] =	vst v0  }
0x3c: {  	[tilespmem:s12+$0x17010] =	vst v0  }
0x3d: {  	[tilespmem:s12+$0x17020] =	vst v0  }
0x3e: {  	[tilespmem:s12+$0x17030] =	vst v0  }
0x3f: {  	[tilespmem:s12+$0x17040] =	vst v0  }
0x40: {  	[tilespmem:s12+$0x17050] =	vst v0  }
0x41: {  	[tilespmem:s12+$0x17060] =	vst v0  }
0x42: {  	[spmem:s7] =	stream.linear.scatter [tilespmem:s20], [sflag:$0x4], $0x4000, $0x38;
	[tilespmem:$0x1F000] =	vst v63  }
0x43: {  	_ =	swait.ge [sflag:s21], $0x4000  }
0x44: {  	[sflag:s21] =	ssyncset.done $0x0  }
0x45: {  	[sflag:s21] =	ssyncadd.s32 $0xFFFFC000  }
0x46: {  	[spmem:s8] =	stream.linear.scatter [tilespmem:s20], [sflag:$0x4], $0x4000, $0x38;
	[tilespmem:$0x1F000] =	vst v63  }
0x47: {  	_ =	swait.ge [sflag:s21], $0x4000  }
0x48: {  	[sflag:s21] =	ssyncset.done $0x0  }
0x49: {  	[sflag:s21] =	ssyncadd.s32 $0xFFFFC000  }
0x4a: {  	[spmem:s9] =	stream.linear.scatter [tilespmem:s20], [sflag:$0x4], $0x4000, $0x38;
	[tilespmem:$0x1F000] =	vst v63  }
0x4b: {  	_ =	swait.ge [sflag:s21], $0x4000  }
0x4c: {  	[sflag:s21] =	ssyncset.done $0x0  }
0x4d: {  	[sflag:s21] =	ssyncadd.s32 $0xFFFFC000  }
0x4e: {  	[spmem:s10] =	stream.linear.scatter [tilespmem:s20], [sflag:$0x4], $0x4000, $0x38;
	[tilespmem:$0x1F000] =	vst v63  }
0x4f: {  	_ =	swait.ge [sflag:s21], $0x4000  }
0x50: {  	[sflag:s21] =	ssyncset.done $0x0  }
0x51: {  	[sflag:s21] =	ssyncadd.s32 $0xFFFFC000  }
0x52: {  	[spmem:s11] =	stream.linear.scatter [tilespmem:s20], [sflag:$0x4], $0x4000, $0x38;
	[tilespmem:$0x1F000] =	vst v63  }
0x53: {  	_ =	swait.ge [sflag:s21], $0x4000  }
0x54: {  	s29 =	simm.s32 $0x0;
	[sflag:s21] =	ssyncset.done $0x0  }
0x55: {  	s13 =	simm.s32 $0x14000;
	s18 =	rddreg [dreg:$0x4];
	[sflag:s21] =	ssyncadd.s32 $0xFFFFC000  }
0x56: {  	[tilespmem:s13], [sflag:$0x4] =	stream.linear.gather [hbm4b:s18+s29], $0x2800, $0x38;
	[tilespmem:$0x1F000] =	vst v63  }
0x57: {  	_ =	swait.ge [sflag:s21], $0x2800  }
0x58: {  	[sflag:s21] =	ssyncset.done $0x0  }
0x59: {  	s14 =	rddreg [dreg:$0x5];
	[sflag:s21] =	ssyncadd.s32 $0xFFFFD800  }
0x5a: {  	[tilespmem:s23], [sflag:$0x4] =	stream.linear.gather [hbm4b:s14+s29], $0x400, $0x38;
	[tilespmem:$0x1F000] =	vst v63  }
0x5b: {  	_ =	swait.ge [sflag:s21], $0x400  }
0x5c: {  	[sflag:s21] =	ssyncset.done $0x0  }
0x5d: {  	[sflag:s21] =	ssyncadd.s32 $0xFFFFFC00  }
0x5e: {  	[tilespmem:s20], [sflag:$0x1] =	stream.indirect.gather [hbm4b:s1+s24], $0x80, s23, s24, $0xb8;
	[tilespmem:$0x1F000] =	vst v63  }
0x5f: {  	s15 =	simm.s32 $0x16820;
	s16 =	simm.s32 $0x18000  }
0x60: {  	[tilespmem:s16], [sflag:$0x1] =	stream.indirect.gather [hbm4b:s1+s24], $0x80, s15, s24, $0xb8;
	[tilespmem:$0x1F000] =	vst v63  }
0x61: {  	s17 =	simm.s32 $0x16840;
	s18 =	simm.s32 $0x19000  }
0x62: {  	[tilespmem:s18], [sflag:$0x1] =	stream.indirect.gather [hbm4b:s1+s24], $0x80, s17, s24, $0xb8;
	[tilespmem:$0x1F000] =	vst v63  }
0x63: {  	s13 =	simm.s32 $0x16860;
	s14 =	simm.s32 $0x1A000  }
0x64: {  	[tilespmem:s14], [sflag:$0x1] =	stream.indirect.gather [hbm4b:s1+s24], $0x80, s13, s24, $0xb8;
	[tilespmem:$0x1F000] =	vst v63  }
0x65: {  	s15 =	simm.s32 $0x16880  }
0x66: {  	[tilespmem:s0], [sflag:$0x2] =	stream.indirect.gather [hbm4b:s1+s24], $0x80, s15, s24, $0xb8;
	[tilespmem:$0x1F000] =	vst v63  }
0x67: {  	s16 =	simm.s32 $0x168A0  }
0x68: {  	[tilespmem:s25], [sflag:$0x2] =	stream.indirect.gather [hbm4b:s1+s24], $0x80, s16, s24, $0xb8;
	[tilespmem:$0x1F000] =	vst v63  }
0x69: {  	s17 =	simm.s32 $0x168C0  }
0x6a: {  	[tilespmem:s28], [sflag:$0x2] =	stream.indirect.gather [hbm4b:s1+s24], $0x80, s17, s24, $0xb8;
	[tilespmem:$0x1F000] =	vst v63  }
0x6b: {  	s12 =	simm.s32 $0x180;
	s18 =	simm.s32 $0x168E0  }
0x6c: {  	[tilespmem:s30], [sflag:$0x2] =	stream.indirect.gather [hbm4b:s1+s24], $0x80, s18, s24, $0xb8;
	[tilespmem:$0x1F000] =	vst v63  }
0x6d: {  	s13 =	simm.s32 $0x14080;
	s14 =	simm.s32 $0x0;
	[bflag:$0x0] =	sbarrier.arrive $0xFFFF  }
.LBB2_4:
0x6e: {  	s15 =	sand.u32 $0x6, s29;
	p0 =	sgt.u32 s14, $0x23  }
0x6f: {  	p1 =	sne.s32 @!p0 s15, $0x0  }
0x70: {  	p1 =	por p0, p1  }
.Ltmp3:
0x71: {  	_ = 	snop;
	(pc) =	sbr.rel @p1 .LBB2_6-.Ltmp3, $1  }
0x72: {  	_ =	sdelay $0x3  }
0x73: {  	s15 =	sadd.s32 $0xFFFFFE80, s12  }
0x74: {  	s15 =	sand.u32 $0x3C00, s15  }
.Ltmp4:
0x75: {  	s15 =	sadd.s32 $0x400, s15;
	(pc) =	sbr.rel .LBB2_7-.Ltmp4, $4  }
0x76: {  	s16 =	sadd.s32 s5, s15  }
0x77: {  	s15 =	sand.u32 $0x400, s15;
	s16 =	sshrl.u32 s16, $0x3  }
0x78: {  	s15 =	sor.u32 $0x16800, s15;
	s16 =	sadd.s32 s6, s16  }
0x79: {  	[tilespmem:s15], [sflag:$0x3] =	stream.linear.gather [hbm4b:s16+s4], $0x400, $0x38;
	[tilespmem:$0x1F000] =	vst v63  }
.LBB2_6:
0x7a: {  	p1 =	sne.s32 @!p0 s15, $0x6  }
0x7b: {  	p0 =	por p1, p0  }
0x7c: {  	s15 =	simm.s32 @!p0 $0x3  }
0x7d: {  	_ =	swait.ge @!p0 [sflag:s15], $0x400  }
0x7e: {  	[sflag:s15] =	ssyncset.done @!p0 $0x0  }
0x7f: {  	[sflag:s15] =	ssyncadd.s32 @!p0 $0xFFFFFC00  }
.LBB2_7:
0x80: {  	_ =	swait.ge [sflag:s31], $0x1000  }
0x81: {  	[sflag:s31] =	ssyncset.done $0x0  }
0x82: {  	[sflag:s31] =	ssyncadd.s32 $0xFFFFF000  }
0x83: {  	_ =	swait.ge [sflag:s31], $0x1000  }
0x84: {  	[sflag:s31] =	ssyncset.done $0x0  }
0x85: {  	[sflag:s31] =	ssyncadd.s32 $0xFFFFF000  }
0x86: {  	_ =	swait.ge [sflag:s31], $0x1000  }
0x87: {  	[sflag:s31] =	ssyncset.done $0x0  }
0x88: {  	[sflag:s31] =	ssyncadd.s32 $0xFFFFF000  }
0x89: {  	_ =	swait.ge [sflag:s31], $0x1000  }
0x8a: {  	[sflag:s31] =	ssyncset.done $0x0  }
0x8b: {  	s15 =	sadd.s32 $0xFFFFFF80, s13;
	p0 =	seq.s32 s14, $0x27;
	[sflag:s31] =	ssyncadd.s32 $0xFFFFF000  }
0x8c: {  	[spmem:s3] =	stream.indirect.scatter.add.f32 [tilespmem:s20], [sflag:$0x4], $0x80, s15, s2, $0xb8;
	[tilespmem:$0x1F000] =	vst v63  }
0x8d: {  	s15 =	sadd.s32 @!p0 $0xFFFFFF80, s12;
	_ =	swait.ge [sflag:s21], $0x4000  }
0x8e: {  	s17 =	simm.s32 @!p0 $0x20;
	s15 =	sand.u32 @!p0 $0x700, s15;
	[sflag:s21] =	ssyncset.done $0x0  }
0x8f: {  	s18 =	simm.s32 @!p0 $0x17000;
	s16 =	sor.u32 @!p0 $0x16800, s15;
	[sflag:s21] =	ssyncadd.s32 $0xFFFFC000  }
0x90: {  	[tilespmem:s18], [sflag:$0x1] =	stream.indirect.gather @!p0 [hbm4b:s1+s17], $0x80, s16, s17, $0xb8;
	[tilespmem:$0x1F000] =	vst v63  }
0x91: {  	s16 =	sor.u32 @!p0 $0x16820, s15;
	s18 =	simm.s32 @!p0 $0x18000  }
0x92: {  	[tilespmem:s18], [sflag:$0x1] =	stream.indirect.gather @!p0 [hbm4b:s1+s17], $0x80, s16, s17, $0xb8;
	[tilespmem:$0x1F000] =	vst v63  }
0x93: {  	s16 =	sor.u32 @!p0 $0x16840, s15;
	s18 =	simm.s32 @!p0 $0x19000  }
0x94: {  	[tilespmem:s18], [sflag:$0x1] =	stream.indirect.gather @!p0 [hbm4b:s1+s17], $0x80, s16, s17, $0xb8;
	[tilespmem:$0x1F000] =	vst v63  }
0x95: {  	s15 =	sor.u32 @!p0 $0x16860, s15;
	s16 =	simm.s32 @!p0 $0x1A000  }
0x96: {  	[tilespmem:s16], [sflag:$0x1] =	stream.indirect.gather @!p0 [hbm4b:s1+s17], $0x80, s15, s17, $0xb8;
	[tilespmem:$0x1F000] =	vst v63  }
0x97: {  	_ =	swait.ge [sflag:s22], $0x1000  }
0x98: {  	[sflag:s22] =	ssyncset.done $0x0  }
0x99: {  	[sflag:s22] =	ssyncadd.s32 $0xFFFFF000  }
0x9a: {  	_ =	swait.ge [sflag:s22], $0x1000  }
0x9b: {  	[sflag:s22] =	ssyncset.done $0x0  }
0x9c: {  	[sflag:s22] =	ssyncadd.s32 $0xFFFFF000  }
0x9d: {  	_ =	swait.ge [sflag:s22], $0x1000  }
0x9e: {  	[sflag:s22] =	ssyncset.done $0x0  }
0x9f: {  	[sflag:s22] =	ssyncadd.s32 $0xFFFFF000  }
0xa0: {  	_ =	swait.ge [sflag:s22], $0x1000  }
0xa1: {  	[sflag:s22] =	ssyncset.done $0x0  }
.Ltmp5:
0xa2: {  	[sflag:s22] =	ssyncadd.s32 $0xFFFFF000;
	(pc) =	sbr.rel @p0 .LBB2_9-.Ltmp5, $4  }
0xa3: {  	[spmem:s3] =	stream.indirect.scatter.add.f32 [tilespmem:s0], [sflag:$0x4], $0x80, s13, s2, $0xb8;
	[tilespmem:$0x1F000] =	vst v63  }
0xa4: {  	_ =	swait.ge [sflag:s21], $0x4000  }
0xa5: {  	[sflag:s21] =	ssyncset.done $0x0  }
0xa6: {  	[sflag:s21] =	ssyncadd.s32 $0xFFFFC000  }
0xa7: {  	s15 =	sand.u32 $0x780, s12  }
0xa8: {  	s16 =	sor.u32 $0x16800, s15  }
0xa9: {  	[tilespmem:s0], [sflag:$0x2] =	stream.indirect.gather [hbm4b:s1+s24], $0x80, s16, s24, $0xb8;
	[tilespmem:$0x1F000] =	vst v63  }
0xaa: {  	s17 =	sor.u32 $0x16820, s15  }
0xab: {  	[tilespmem:s25], [sflag:$0x2] =	stream.indirect.gather [hbm4b:s1+s24], $0x80, s17, s24, $0xb8;
	[tilespmem:$0x1F000] =	vst v63  }
.Ltmp6:
0xac: {  	_ = 	snop;
	(pc) =	sbr.rel .LBB2_4-.Ltmp6, $4  }
0xad: {  	s14 =	sadd.s32 $0x1, s14;
	s12 =	sadd.s32 $0x100, s12;
	s18 =	sor.u32 $0x16840, s15  }
0xae: {  	[tilespmem:s28], [sflag:$0x2] =	stream.indirect.gather [hbm4b:s1+s24], $0x80, s18, s24, $0xb8;
	[tilespmem:$0x1F000] =	vst v63  }
0xaf: {  	s13 =	sadd.s32 $0x100, s13;
	s29 =	sadd.s32 $0x2, s29;
	s15 =	sor.u32 $0x16860, s15  }
0xb0: {  	[tilespmem:s30], [sflag:$0x2] =	stream.indirect.gather [hbm4b:s1+s24], $0x80, s15, s24, $0xb8;
	[tilespmem:$0x1F000] =	vst v63  }
.LBB2_10:
0xb1: {  	_ =	sfence.sel $0x180000  }
0xb2: {  	[bflag:$0x0] =	sbarrier.arrive $0xFFFF  }
0xb3: {  	_ =	strace $0x90000047  }
0xb4: {  	s0 =	stileid.u32;
	[bflag:$0x2] =	sbarrier.arrive $0xFFFF  }
0xb5: {  	p0 =	sne.s32 s0, $0x0;
	s0 =	rddreg [dreg:$0x3]  }
0xb6: {  	s0 =	sadd.s32 @!p0 $0x100000, s0  }
0xb7: {  	[sflag:s0] =	ssyncadd.tile.s32 @!p0 $0x1;
	_ =	shalt  }
.Lfunc_end2:
_tile_overlayer_lowered:
.L_overlay_start_2:
0xb8: {  	(tag) =	ssettag $0x2  }
0xb9: {  	s0 =	rddreg [dreg:$0x0];
	s2 =	stileid.u32  }
0xba: {  	s1 =	rddreg [dreg:$0x1];
	p0 =	sne.s32 s2, $0x0  }
0xbb: {  	s3 =	rddreg [dreg:$0x2];
	[bflag:$0x3] =	sbarrier.arrive $0xFFFF;
	s2 =	simm.s32 @!p0 $0x1C04  }
0xbc: {  	[timem:s3], [sflag:s2] =	dma.local @!p0 [hbm:s0], s1  }
0xbd: {  	s0 =	simm.s32 @!p0 $0x4  }
0xbe: {  	_ =	swait.ge @!p0 [sflag:s0], s1  }
0xbf: {  	s1 =	ssub.s32 @!p0 $0x0, s1;
	[sflag:s0] =	ssyncset.done @!p0 $0x0  }
0xc0: {  	[sflag:s0] =	ssyncadd.s32 @!p0 s1  }
0xc1: {  	[bflag:$0x3] =	sbarrier.arrive $0xFFFF  }
0xc2: {  	_ =	shalt  }

// kernel: kernel.14.cloned.1.call-start
scs
__scs_entry_jumppad:
0x0: {  	(pc) =	sbr.rel $0x88, $3  }
0x1: {  	(tag) =	ssettag $0x0;
	lr =	simm.s32 $0x1  }
0x2: {  	[smem:$0x3F99] =	sst lr;
	_ =	strace $0xD0000000  }
0x3: {  	_ = 	snop  }
0x4: {  	_ = 	snop  }
0x5: {  	_ = 	snop  }
0x6: {  	_ = 	snop  }
0x7: {  	_ = 	snop  }
__scs_overlays_trampoline_lowered:
0x8: {  	[smem:$0x3FA8] =	sst s0  }
0x9: {  	[smem:$0x3FA9] =	sst s1  }
0xa: {  	[smem:$0x3FAA] =	sst s2  }
0xb: {  	[smem:$0x3FAB] =	sst s3  }
0xc: {  	[smem:$0x3FAC] =	sst s4  }
0xd: {  	[smem:$0x3FAD] =	sst s5  }
0xe: {  	[smem:$0x3FAE] =	sst s6  }
0xf: {  	[smem:$0x3FAF] =	sst s7  }
0x10: {  	[smem:$0x3FB0] =	sst s8  }
0x11: {  	[smem:$0x3FB1] =	sst s9;
	s0 =	simm.s32 @!p0 $0x0  }
0x12: {  	s1 =	sld [smem:$0x3F97];
	s0 =	simm.s32 @p0 $0x1  }
0x13: {  	[smem:$0x3FB2] =	sst s0;
	s0 =	simm.s32 @!p1 $0x0  }
0x14: {  	s2 =	sld [smem:$0x3F96];
	s0 =	simm.s32 @p1 $0x1  }
0x15: {  	[smem:$0x3FB3] =	sst s0;
	s0 =	simm.s32 @!p2 $0x0  }
0x16: {  	s3 =	sld [smem:$0x3FDB];
	s0 =	simm.s32 @p2 $0x1  }
0x17: {  	s4 =	simm.s32 $0x1BF5;
	[smem:$0x3FB5] =	sst s0  }
0x18: {  	s0 =	sld [smem:$0x3F98];
	_ =	swait.ge [sflag:s4], $0x0  }
0x19: {  	s7 =	sld [smem:$0x3F99]  }
0x1a: {  	s8 =	sadd.s32 $0xFFFFE003, lr  }
0x1b: {  	s9 =	sadd.s32 $0xFFFFFEF7, lr;
	s5 =	simm.s32 $0xFFFFFFFF;
	p2 =	slt.u32 s8, $0xFFFFF086  }
0x1c: {  	p1 =	slt.u32 s9, $0xF7A;
	s5 =	simm.s32 @!p2 $0x0  }
0x1d: {  	s5 =	simm.s32 @p1 $0x1;
	p0 =	seq.s32 s7, s2  }
0x1e: {  	s7 =	smul.u32 @!p0 $0xF7A, s2;
	p2 =	seq.s32 @!p0 s5, $0x0  }
0x1f: {  	s9 =	smul.u32 $0xF7A, s1;
	s8 =	simm.s32 @!p0 $0x1BF5;
	p2 =	por !p2, p0  }
0x20: {  	[sflag:s8] =	ssyncset.s32 @!p0 $0xFFFFF086;
	s6 =	sadd.s32 @!p0 s3, s7;
	s7 =	simm.s32 @!p0 $0x108  }
0x21: {  	s3 =	sadd.s32 s3, s9;
	s6 =	sadd.s32 @!p0 $0x88, s6;
	s7 =	simm.s32 @p2 $0x1082  }
0x22: {  	[simem:s7], [sflag:s8] =	dma.local @!p0 [hbm:s6], $0xF7A  }
0x23: {  	s9 =	sor.u32 $0xD0000000, s2;
	s6 =	simm.s32 $0x108;
	_ =	swait.ge @!p0 [sflag:s8], $0x0  }
0x24: {  	s3 =	sadd.s32 $0x88, s3;
	s6 =	simm.s32 @!p1 $0x1082;
	[sflag:s4] =	ssyncset.s32 $0xFFFFF086  }
0x25: {  	[simem:s6], [sflag:s4] =	dma.local [hbm:s3], $0xF7A  }
0x26: {  	[smem:$0x3F99] =	sst s1;
	(tag) =	ssettag s2;
	_ =	strace s9  }
0x27: {  	s1 =	sld [smem:$0x3FA9]  }
0x28: {  	s2 =	sld [smem:$0x3FAA]  }
0x29: {  	s4 =	sld [smem:$0x3FAC]  }
0x2a: {  	p0 =	seq.s32 s5, $0x0;
	s5 =	sld [smem:$0x3FAD]  }
0x2b: {  	s6 =	sld [smem:$0x3FAE]  }
0x2c: {  	s7 =	sld [smem:$0x3FAF]  }
0x2d: {  	s3 =	simm.s32 $0x108;
	s8 =	sld [smem:$0x3FB0]  }
0x2e: {  	s3 =	simm.s32 @!p0 $0x1082;
	s9 =	sld [smem:$0x3FB1]  }
0x2f: {  	lr =	sadd.s32 s0, s3;
	s0 =	sld [smem:$0x3FA8]  }
0x30: {  	s3 =	sld [smem:$0x3FAB]  }
0x31: {  	[smem:$0x3FB4] =	sst s10  }
0x32: {  	s10 =	sld [smem:$0x3FB2];
	_ =	sdelay $0x3  }
0x33: {  	p0 =	seq.s32 s10, $0x1;
	s10 =	sld [smem:$0x3FB4];
	_ =	sdelay $0x3  }
0x34: {  	[smem:$0x3FB4] =	sst s10  }
0x35: {  	s10 =	sld [smem:$0x3FB3];
	_ =	sdelay $0x3  }
0x36: {  	p1 =	seq.s32 s10, $0x1;
	s10 =	sld [smem:$0x3FB4];
	_ =	sdelay $0x3  }
0x37: {  	[smem:$0x3FB4] =	sst s10  }
0x38: {  	s10 =	sld [smem:$0x3FB5]  }
0x39: {  	_ = 	snop;
	(pc) =	sbr.ind lr, $3  }
0x3a: {  	_ = 	snop  }
0x3b: {  	_ = 	snop  }
0x3c: {  	p2 =	seq.s32 s10, $0x1;
	s10 =	sld [smem:$0x3FB4]  }
0x3d: {  	_ =	shalt  }
0x3e: {  	_ =	shalt  }
0x3f: {  	_ =	shalt  }
0x40: {  	_ =	shalt  }
0x41: {  	_ =	shalt  }
0x42: {  	_ =	shalt  }
0x43: {  	_ =	shalt  }
0x44: {  	_ =	shalt  }
0x45: {  	_ =	shalt  }
0x46: {  	_ =	shalt  }
0x47: {  	_ =	shalt  }
0x48: {  	_ =	shalt  }
0x49: {  	_ =	shalt  }
0x4a: {  	_ =	shalt  }
0x4b: {  	_ =	shalt  }
0x4c: {  	_ =	shalt  }
0x4d: {  	_ =	shalt  }
0x4e: {  	_ =	shalt  }
0x4f: {  	_ =	shalt  }
0x50: {  	_ =	shalt  }
0x51: {  	_ =	shalt  }
0x52: {  	_ =	shalt  }
0x53: {  	_ =	shalt  }
0x54: {  	_ =	shalt  }
0x55: {  	_ =	shalt  }
0x56: {  	_ =	shalt  }
0x57: {  	_ =	shalt  }
0x58: {  	_ =	shalt  }
0x59: {  	_ =	shalt  }
0x5a: {  	_ =	shalt  }
0x5b: {  	_ =	shalt  }
0x5c: {  	_ =	shalt  }
0x5d: {  	_ =	shalt  }
0x5e: {  	_ =	shalt  }
0x5f: {  	_ =	shalt  }
0x60: {  	_ =	shalt  }
0x61: {  	_ =	shalt  }
0x62: {  	_ =	shalt  }
0x63: {  	_ =	shalt  }
0x64: {  	_ =	shalt  }
0x65: {  	_ =	shalt  }
0x66: {  	_ =	shalt  }
0x67: {  	_ =	shalt  }
0x68: {  	_ =	shalt  }
0x69: {  	_ =	shalt  }
0x6a: {  	_ =	shalt  }
0x6b: {  	_ =	shalt  }
0x6c: {  	_ =	shalt  }
0x6d: {  	_ =	shalt  }
0x6e: {  	_ =	shalt  }
0x6f: {  	_ =	shalt  }
0x70: {  	_ =	shalt  }
0x71: {  	_ =	shalt  }
0x72: {  	_ =	shalt  }
0x73: {  	_ =	shalt  }
0x74: {  	_ =	shalt  }
0x75: {  	_ =	shalt  }
0x76: {  	_ =	shalt  }
0x77: {  	_ =	shalt  }
0x78: {  	_ =	shalt  }
0x79: {  	_ =	shalt  }
0x7a: {  	_ =	shalt  }
0x7b: {  	_ =	shalt  }
0x7c: {  	_ =	shalt  }
0x7d: {  	_ =	shalt  }
0x7e: {  	_ =	shalt  }
0x7f: {  	_ =	shalt  }
0x80: {  	_ =	shalt  }
0x81: {  	_ =	shalt  }
0x82: {  	_ =	shalt  }
0x83: {  	_ =	shalt  }
0x84: {  	_ =	shalt  }
0x85: {  	_ =	shalt  }
0x86: {  	_ =	shalt  }
0x87: {  	_ =	shalt  }
.Lfunc_end0:
.L_simem_size_0:
called_computation.2_lowered:
.L_overlay_start_0:
0x88: {  	s2 =	sld [smem:$0x3FD9]  }
0x89: {  	s3 =	sld [smem:$0x3FFE];
	_ =	sdelay $0x1  }
0x8a: {  	s1 =	srdreg.scid  }
0x8b: {  	s0 =	sand.u32 $0x1, s1  }
0x8c: {  	s17 =	sshll.u32 s0, $0xA;
	s2 =	sadd.s32 s3, s2  }
0x8d: {  	s2 =	sadd.s32 s2, s17  }
0x8e: {  	[smem:$0x3FC0] =	sst s2  }
0x8f: {  	_ = 	snop  }
0x90: {  	s2 =	sld [smem:$0x3FD0];
	(tm) =	ssettm $0x1  }
0x91: {  	s18 =	sld [smem:$0x3FFB];
	_ =	sdelay $0x3  }
0x92: {  	_ =	strace s18  }
0x93: {  	s3 =	sld [smem:$0x3FFC];
	_ =	sdelay $0x3  }
0x94: {  	_ =	strace s3  }
0x95: {  	s3 =	sld [smem:$0x3FFD];
	_ =	sdelay $0x3  }
0x96: {  	_ =	strace s3  }
0x97: {  	_ =	strace $0x8FFFFFFF  }
0x98: {  	s19 =	sld [smem:$0x3FDB];
	_ =	sdelay $0x1  }
0x99: {  	s4 =	simm.s32 $_scs_section_size  }
0x9a: {  	s5 =	simm.s32 $_size__tile_overlayer_lowered;
	s6 =	simm.s32 $_tile_overlayer_lowered  }
0x9b: {  	s22 =	simm.s32 $0x1BFF;
	s21 =	sshll.u32 s6, $0x1;
	s3 =	sadd.s32 s4, s19  }
0x9c: {  	s7 =	simm.s32 $0x0;
	s20 =	sshll.u32 s5, $0x1;
	s5 =	sadd.s32 s21, s3  }
0x9d: {  	[timem:s7], [sflag:s22] =	dma.local [hbm:s5], s20  }
0x9e: {  	_ =	swait.ge [sflag:s22], s20  }
0x9f: {  	s4 =	ssub.s32 $0x0, s20;
	[sflag:s22] =	ssyncset.done $0x0  }
0xa0: {  	[sflag:s22] =	ssyncadd.s32 s4;
	_ =	sdelay $0x1  }
0xa1: {  	s23 =	simm.s32 $0x1B8B  }
0xa2: {  	_ =	swait.ge [sflag:s23], $0x1  }
0xa3: {  	[sflag:s23] =	ssyncset.done $0x0  }
0xa4: {  	s25 =	simm.s32 $0x1B8E;
	s24 =	sld [smem:$0x3FFE];
	[sflag:s23] =	ssyncadd.s32 $0xFFFFFFFF  }
0xa5: {  	s26 =	simm.s32 $execute0_lowered;
	[smem:$0x3FD2] =	sst s25  }
0xa6: {  	s5 =	sshll.u32 s26, $0x1;
	_ =	strace $0x8000004C;
	[dreg:$0x1] =	wrdreg $0xFFFFFFFF  }
0xa7: {  	s28 =	simm.s32 $_size_execute0_lowered;
	s3 =	sadd.s32 s3, s5;
	[dreg:$0x0] =	wrdreg $0x0  }
0xa8: {  	s5 =	sshll.u32 s28, $0x1;
	[dreg:$0x2] =	wrdreg s3  }
0xa9: {  	[dreg:$0x3] =	wrdreg s5  }
0xaa: {  	[dreg:$0x4] =	wrdreg $0xC0  }
0xab: {  	_ =	task [dreg:s7], $0x5FFFF  }
0xac: {  	[dreg:$0x1] =	wrdreg $0xFFFFFFFF  }
0xad: {  	[dreg:$0x0] =	wrdreg $0x60  }
0xae: {  	[dreg:$0x2] =	wrdreg s2  }
0xaf: {  	[dreg:$0x3] =	wrdreg s24  }
0xb0: {  	[dreg:$0x4] =	wrdreg $0x0  }
0xb1: {  	[dreg:$0x5] =	wrdreg $0x9  }
0xb2: {  	_ =	task.clear_ibuf [dreg:s7], $0x6FFFF;
	_ =	strace $0x9000004C  }
0xb3: {  	s29 =	simm.s32 $0x9;
	_ =	strace $0x8000004E  }
0xb4: {  	_ =	swait.ge [sflag:s29], $0x1  }
0xb5: {  	[sflag:s29] =	ssyncadd.s32 $0xFFFFFFFF  }
0xb6: {  	_ =	strace $0x9000004E  }
0xb7: {  	_ =	sfence  }
0xb8: {  	s30 =	sld [smem:$0x0];
	_ =	sdelay $0x2  }
0xb9: {  	s31 =	sshll.u32 s1, $0xD;
	s1 =	sshrl.u32 s1, $0x2  }
0xba: {  	s3 =	sand.u32 $0x4000, s31;
	s1 =	sadd.s32 s1, s30  }
0xbb: {  	s0 =	sor.u32 s3, s0;
	s1 =	sshll.u32 s1, $0x11  }
0xbc: {  	s0 =	sor.u32 s1, s0  }
0xbd: {  	s0 =	sadd.s32 $0x8F2B, s0  }
0xbe: {  	[sflag:s0] =	ssyncadd.remote.s32 $0x1  }
0xbf: {  	_ =	sfence.sel $0xFFFF  }
0xc0: {  	[dreg:$0x0] =	wrdreg $0xFFFFFFFF;
	(pc) =	sbr.abs _section_cstart, $3  }
0xc1: {  	[dreg:$0x1] =	wrdreg $0xFFFFFFFF  }
0xc2: {  	_ =	task.clear_ibuf [dreg:s7], $0x2FFFF;
	_ =	strace $0x9FFFFFFF  }
0xc3: {  	(tm) =	ssettm $0x7FFFFFFF  }
tec
execute0_lowered:
.L_overlay_start_1:
0x0: {  	(tag) =	ssettag $0x1  }
0x1: {  	s1 =	rddreg [dreg:$0x0]  }
0x2: {  	s0 =	rddreg [dreg:$0x1]  }
0x3: {  	s2 =	srdreg.scid;
	s8 =	stileid.u32  }
0x4: {  	s3 =	rddreg [dreg:$0x2];
	s4 =	simm.s32 $0x0;
	s20 =	simm.s32 $0x17000  }
0x5: {  	s28 =	simm.s32 $0x1D000;
	s30 =	simm.s32 $0x1E000;
	s31 =	simm.s32 $0x1  }
0x6: {  	s2 =	sand.u32 $0x1, s2;
	s5 =	sshll.u32 s8, $0x1;
	s7 =	smul.u32 $0x50000, s8  }
0x7: {  	[smem:$0x7FF] =	sst s4;
	s6 =	sadd.s32 $0x2800, s0;
	s13 =	smul.u32 $0x14000, s8  }
0x8: {  	s5 =	sor.u32 s2, s5;
	s21 =	ssub.s32 $0x2, s2;
	s2 =	smul.u32 $0x140000, s2  }
0x9: {  	_ =	strace $0x8000004D;
	s5 =	smul.u32 $0x2800, s5;
	s9 =	sshrl.u32 s21, $0x1  }
0xa: {  	s7 =	sshrl.u32 s7, $0x2;
	s15 =	sadd.s32 $0x4000, s13;
	s16 =	sadd.s32 $0x8000, s13  }
0xb: {  	s17 =	sadd.s32 $0xC000, s13;
	s18 =	sadd.s32 $0x10000, s13;
	s19 =	ssub.s32 s21, s9  }
0xc: {  	s7 =	sadd.s32 s7, s3;
	s8 =	sadd.s32 s15, s3;
	s9 =	sadd.s32 s16, s3  }
0xd: {  	s10 =	sadd.s32 s17, s3;
	s11 =	sadd.s32 s18, s3;
	s13 =	sadd.s32 s13, s2  }
0xe: {  	s15 =	sadd.s32 s2, s15;
	s25 =	sadd.s32 s2, s16;
	s26 =	sadd.s32 s2, s17  }
0xf: {  	s2 =	sadd.s32 s2, s18;
	s21 =	simm.s32 $0x4;
	s12 =	sshrl.u32 s5, $0x3  }
0x10: {  	s13 =	sshrl.u32 s13, $0x3;
	s22 =	sshrl.u32 s15, $0x3;
	s2 =	sshrl.u32 s2, $0x3  }
0x11: {  	s19 =	smax.u32 s19, $0x1;
	s14 =	sadd.s32 s12, s0;
	s12 =	sadd.s32 s6, s12  }
0x12: {  	s0 =	sadd.s32 $0x16800, s0;
	s14 =	sadd.s32 $0xC800, s14;
	[dreg:$0x5] =	wrdreg s12  }
0x13: {  	s23 =	sadd.s32 s0, s13;
	s24 =	sadd.s32 s0, s22;
	s12 =	sshrl.u32 s25, $0x3  }
0x14: {  	s13 =	sshrl.u32 s26, $0x3;
	s25 =	simm.s32 $0x1C000;
	[dreg:$0x4] =	wrdreg s14  }
.Ltmp0:
0x15: {  	s22 =	simm.s32 $0x2;
	[dreg:$0x6] =	wrdreg s23;
	(pc) =	sbr.rel .LBB2_1-.Ltmp0, $4  }
0x16: {  	s26 =	simm.s32 $0x0;
	[dreg:$0x7] =	wrdreg s24;
	s12 =	sadd.s32 s0, s12  }
0x17: {  	s29 =	sadd.s32 s0, s13;
	s0 =	sadd.s32 s0, s2;
	[dreg:$0x8] =	wrdreg s12  }
0x18: {  	s23 =	simm.s32 $0x16800;
	s24 =	simm.s32 $0x20;
	[dreg:$0x9] =	wrdreg s29  }
0x19: {  	v0 =	vimm.f32 $0.0e+00;
	s2 =	simm.s32 $0x80;
	[dreg:$0xa] =	wrdreg s0;
	s0 =	simm.s32 $0x1B000  }
.LBB2_9:
0x1a: {  	s12 =	stileid.u32  }
0x1b: {  	[bflag:$0x0] =	sbarrier.arrive $0xFFFF;
	s12 =	sshll.u32 s12, $0x6  }
0x1c: {  	s13 =	sshrl.u32 s7, $0x3;
	s14 =	rddreg [dreg:$0x6];
	s12 =	sor.u32 $0x1C04, s12  }
0x1d: {  	[hbm:s14], [sflag:s12] =	dma.local [spmem:s13], $0x800  }
0x1e: {  	_ =	swait.ge [sflag:s21], $0x800  }
0x1f: {  	[sflag:s21] =	ssyncset.done $0x0  }
0x20: {  	s18 =	sshrl.u32 s8, $0x3;
	s29 =	rddreg [dreg:$0x7];
	[sflag:s21] =	ssyncadd.s32 $0xFFFFF800  }
0x21: {  	[hbm:s29], [sflag:s12] =	dma.local [spmem:s18], $0x800  }
0x22: {  	_ =	swait.ge [sflag:s21], $0x800  }
0x23: {  	[sflag:s21] =	ssyncset.done $0x0  }
0x24: {  	s14 =	sshrl.u32 s9, $0x3;
	s15 =	rddreg [dreg:$0x8];
	[sflag:s21] =	ssyncadd.s32 $0xFFFFF800  }
0x25: {  	[hbm:s15], [sflag:s12] =	dma.local [spmem:s14], $0x800  }
0x26: {  	_ =	swait.ge [sflag:s21], $0x800  }
0x27: {  	[sflag:s21] =	ssyncset.done $0x0  }
0x28: {  	s16 =	sshrl.u32 s10, $0x3;
	s17 =	rddreg [dreg:$0x9];
	[sflag:s21] =	ssyncadd.s32 $0xFFFFF800  }
0x29: {  	[hbm:s17], [sflag:s12] =	dma.local [spmem:s16], $0x800  }
0x2a: {  	s26 =	sadd.s32 $0x1, s26;
	_ =	swait.ge [sflag:s21], $0x800  }
0x2b: {  	p0 =	sne.s32 s26, s19;
	s18 =	sshrl.u32 s11, $0x3;
	[sflag:s21] =	ssyncset.done $0x0  }
.Ltmp1:
0x2c: {  	s29 =	rddreg [dreg:$0xa];
	[sflag:s21] =	ssyncadd.s32 $0xFFFFF800;
	(pc) =	sbr.rel @!p0 .LBB2_10-.Ltmp1, $4  }
0x2d: {  	[hbm:s29], [sflag:s12] =	dma.local [spmem:s18], $0x800  }
0x2e: {  	_ =	swait.ge [sflag:s21], $0x800  }
0x2f: {  	[sflag:s21] =	ssyncset.done $0x0  }
0x30: {  	[sflag:s21] =	ssyncadd.s32 $0xFFFFF800  }
.LBB2_1:
0x31: {  	s12 =	simm.s32 $0x0;
	s13 =	simm.s32 $0x200  }
.LBB2_2:
0x32: {  	p0 =	sne.s32 s13, $0xFE00;
	[tilespmem:s12+$0x17070] =	vst v0  }
0x33: {  	[tilespmem:s12+$0x17000] =	vst v0  }
0x34: {  	[tilespmem:s12+$0x17010] =	vst v0  }
.Ltmp2:
0x35: {  	[tilespmem:s12+$0x17020] =	vst v0;
	(pc) =	sbr.rel @p0 .LBB2_2-.Ltmp2, $4  }
0x36: {  	[tilespmem:s12+$0x17030] =	vst v0  }
0x37: {  	[tilespmem:s12+$0x17040] =	vst v0  }
0x38: {  	[tilespmem:s12+$0x17050] =	vst v0  }
0x39: {  	[tilespmem:s12+$0x17060] =	vst v0;
	s12 =	sshra.s32 s13, $0x2;
	s13 =	sadd.s32 $0x200, s13  }
0x3a: {  	[tilespmem:s12+$0x17070] =	vst v0  }
0x3b: {  	[tilespmem:s12+$0x17000] =	vst v0  }
0x3c: {  	[tilespmem:s12+$0x17010] =	vst v0  }
0x3d: {  	[tilespmem:s12+$0x17020] =	vst v0  }
0x3e: {  	[tilespmem:s12+$0x17030] =	vst v0  }
0x3f: {  	[tilespmem:s12+$0x17040] =	vst v0  }
0x40: {  	[tilespmem:s12+$0x17050] =	vst v0  }
0x41: {  	[tilespmem:s12+$0x17060] =	vst v0  }
0x42: {  	[spmem:s7] =	stream.linear.scatter [tilespmem:s20], [sflag:$0x4], $0x4000, $0x38;
	[tilespmem:$0x1F000] =	vst v63  }
0x43: {  	_ =	swait.ge [sflag:s21], $0x4000  }
0x44: {  	[sflag:s21] =	ssyncset.done $0x0  }
0x45: {  	[sflag:s21] =	ssyncadd.s32 $0xFFFFC000  }
0x46: {  	[spmem:s8] =	stream.linear.scatter [tilespmem:s20], [sflag:$0x4], $0x4000, $0x38;
	[tilespmem:$0x1F000] =	vst v63  }
0x47: {  	_ =	swait.ge [sflag:s21], $0x4000  }
0x48: {  	[sflag:s21] =	ssyncset.done $0x0  }
0x49: {  	[sflag:s21] =	ssyncadd.s32 $0xFFFFC000  }
0x4a: {  	[spmem:s9] =	stream.linear.scatter [tilespmem:s20], [sflag:$0x4], $0x4000, $0x38;
	[tilespmem:$0x1F000] =	vst v63  }
0x4b: {  	_ =	swait.ge [sflag:s21], $0x4000  }
0x4c: {  	[sflag:s21] =	ssyncset.done $0x0  }
0x4d: {  	[sflag:s21] =	ssyncadd.s32 $0xFFFFC000  }
0x4e: {  	[spmem:s10] =	stream.linear.scatter [tilespmem:s20], [sflag:$0x4], $0x4000, $0x38;
	[tilespmem:$0x1F000] =	vst v63  }
0x4f: {  	_ =	swait.ge [sflag:s21], $0x4000  }
0x50: {  	[sflag:s21] =	ssyncset.done $0x0  }
0x51: {  	[sflag:s21] =	ssyncadd.s32 $0xFFFFC000  }
0x52: {  	[spmem:s11] =	stream.linear.scatter [tilespmem:s20], [sflag:$0x4], $0x4000, $0x38;
	[tilespmem:$0x1F000] =	vst v63  }
0x53: {  	_ =	swait.ge [sflag:s21], $0x4000  }
0x54: {  	s29 =	simm.s32 $0x0;
	[sflag:s21] =	ssyncset.done $0x0  }
0x55: {  	s13 =	simm.s32 $0x14000;
	s18 =	rddreg [dreg:$0x4];
	[sflag:s21] =	ssyncadd.s32 $0xFFFFC000  }
0x56: {  	[tilespmem:s13], [sflag:$0x4] =	stream.linear.gather [hbm4b:s18+s29], $0x2800, $0x38;
	[tilespmem:$0x1F000] =	vst v63  }
0x57: {  	_ =	swait.ge [sflag:s21], $0x2800  }
0x58: {  	[sflag:s21] =	ssyncset.done $0x0  }
0x59: {  	s14 =	rddreg [dreg:$0x5];
	[sflag:s21] =	ssyncadd.s32 $0xFFFFD800  }
0x5a: {  	[tilespmem:s23], [sflag:$0x4] =	stream.linear.gather [hbm4b:s14+s29], $0x400, $0x38;
	[tilespmem:$0x1F000] =	vst v63  }
0x5b: {  	_ =	swait.ge [sflag:s21], $0x400  }
0x5c: {  	[sflag:s21] =	ssyncset.done $0x0  }
0x5d: {  	[sflag:s21] =	ssyncadd.s32 $0xFFFFFC00  }
0x5e: {  	[tilespmem:s20], [sflag:$0x1] =	stream.indirect.gather [hbm4b:s1+s24], $0x80, s23, s24, $0xb8;
	[tilespmem:$0x1F000] =	vst v63  }
0x5f: {  	s15 =	simm.s32 $0x16820;
	s16 =	simm.s32 $0x18000  }
0x60: {  	[tilespmem:s16], [sflag:$0x1] =	stream.indirect.gather [hbm4b:s1+s24], $0x80, s15, s24, $0xb8;
	[tilespmem:$0x1F000] =	vst v63  }
0x61: {  	s17 =	simm.s32 $0x16840;
	s18 =	simm.s32 $0x19000  }
0x62: {  	[tilespmem:s18], [sflag:$0x1] =	stream.indirect.gather [hbm4b:s1+s24], $0x80, s17, s24, $0xb8;
	[tilespmem:$0x1F000] =	vst v63  }
0x63: {  	s13 =	simm.s32 $0x16860;
	s14 =	simm.s32 $0x1A000  }
0x64: {  	[tilespmem:s14], [sflag:$0x1] =	stream.indirect.gather [hbm4b:s1+s24], $0x80, s13, s24, $0xb8;
	[tilespmem:$0x1F000] =	vst v63  }
0x65: {  	s15 =	simm.s32 $0x16880  }
0x66: {  	[tilespmem:s0], [sflag:$0x2] =	stream.indirect.gather [hbm4b:s1+s24], $0x80, s15, s24, $0xb8;
	[tilespmem:$0x1F000] =	vst v63  }
0x67: {  	s16 =	simm.s32 $0x168A0  }
0x68: {  	[tilespmem:s25], [sflag:$0x2] =	stream.indirect.gather [hbm4b:s1+s24], $0x80, s16, s24, $0xb8;
	[tilespmem:$0x1F000] =	vst v63  }
0x69: {  	s17 =	simm.s32 $0x168C0  }
0x6a: {  	[tilespmem:s28], [sflag:$0x2] =	stream.indirect.gather [hbm4b:s1+s24], $0x80, s17, s24, $0xb8;
	[tilespmem:$0x1F000] =	vst v63  }
0x6b: {  	s12 =	simm.s32 $0x180;
	s18 =	simm.s32 $0x168E0  }
0x6c: {  	[tilespmem:s30], [sflag:$0x2] =	stream.indirect.gather [hbm4b:s1+s24], $0x80, s18, s24, $0xb8;
	[tilespmem:$0x1F000] =	vst v63  }
0x6d: {  	s13 =	simm.s32 $0x14080;
	s14 =	simm.s32 $0x0;
	[bflag:$0x0] =	sbarrier.arrive $0xFFFF  }
.LBB2_4:
0x6e: {  	s15 =	sand.u32 $0x6, s29;
	p0 =	sgt.u32 s14, $0x23  }
0x6f: {  	p1 =	sne.s32 @!p0 s15, $0x0  }
0x70: {  	p1 =	por p0, p1  }
.Ltmp3:
0x71: {  	_ = 	snop;
	(pc) =	sbr.rel @p1 .LBB2_6-.Ltmp3, $1  }
0x72: {  	_ =	sdelay $0x3  }
0x73: {  	s15 =	sadd.s32 $0xFFFFFE80, s12  }
0x74: {  	s15 =	sand.u32 $0x3C00, s15  }
.Ltmp4:
0x75: {  	s15 =	sadd.s32 $0x400, s15;
	(pc) =	sbr.rel .LBB2_7-.Ltmp4, $4  }
0x76: {  	s16 =	sadd.s32 s5, s15  }
0x77: {  	s15 =	sand.u32 $0x400, s15;
	s16 =	sshrl.u32 s16, $0x3  }
0x78: {  	s15 =	sor.u32 $0x16800, s15;
	s16 =	sadd.s32 s6, s16  }
0x79: {  	[tilespmem:s15], [sflag:$0x3] =	stream.linear.gather [hbm4b:s16+s4], $0x400, $0x38;
	[tilespmem:$0x1F000] =	vst v63  }
.LBB2_6:
0x7a: {  	p1 =	sne.s32 @!p0 s15, $0x6  }
0x7b: {  	p0 =	por p1, p0  }
0x7c: {  	s15 =	simm.s32 @!p0 $0x3  }
0x7d: {  	_ =	swait.ge @!p0 [sflag:s15], $0x400  }
0x7e: {  	[sflag:s15] =	ssyncset.done @!p0 $0x0  }
0x7f: {  	[sflag:s15] =	ssyncadd.s32 @!p0 $0xFFFFFC00  }
.LBB2_7:
0x80: {  	_ =	swait.ge [sflag:s31], $0x1000  }
0x81: {  	[sflag:s31] =	ssyncset.done $0x0  }
0x82: {  	[sflag:s31] =	ssyncadd.s32 $0xFFFFF000  }
0x83: {  	_ =	swait.ge [sflag:s31], $0x1000  }
0x84: {  	[sflag:s31] =	ssyncset.done $0x0  }
0x85: {  	[sflag:s31] =	ssyncadd.s32 $0xFFFFF000  }
0x86: {  	_ =	swait.ge [sflag:s31], $0x1000  }
0x87: {  	[sflag:s31] =	ssyncset.done $0x0  }
0x88: {  	[sflag:s31] =	ssyncadd.s32 $0xFFFFF000  }
0x89: {  	_ =	swait.ge [sflag:s31], $0x1000  }
0x8a: {  	[sflag:s31] =	ssyncset.done $0x0  }
0x8b: {  	s15 =	sadd.s32 $0xFFFFFF80, s13;
	p0 =	seq.s32 s14, $0x27;
	[sflag:s31] =	ssyncadd.s32 $0xFFFFF000  }
0x8c: {  	[spmem:s3] =	stream.indirect.scatter.add.f32 [tilespmem:s20], [sflag:$0x4], $0x80, s15, s2, $0xb8;
	[tilespmem:$0x1F000] =	vst v63  }
0x8d: {  	s15 =	sadd.s32 @!p0 $0xFFFFFF80, s12;
	_ =	swait.ge [sflag:s21], $0x4000  }
0x8e: {  	s17 =	simm.s32 @!p0 $0x20;
	s15 =	sand.u32 @!p0 $0x700, s15;
	[sflag:s21] =	ssyncset.done $0x0  }
0x8f: {  	s18 =	simm.s32 @!p0 $0x17000;
	s16 =	sor.u32 @!p0 $0x16800, s15;
	[sflag:s21] =	ssyncadd.s32 $0xFFFFC000  }
0x90: {  	[tilespmem:s18], [sflag:$0x1] =	stream.indirect.gather @!p0 [hbm4b:s1+s17], $0x80, s16, s17, $0xb8;
	[tilespmem:$0x1F000] =	vst v63  }
0x91: {  	s16 =	sor.u32 @!p0 $0x16820, s15;
	s18 =	simm.s32 @!p0 $0x18000  }
0x92: {  	[tilespmem:s18], [sflag:$0x1] =	stream.indirect.gather @!p0 [hbm4b:s1+s17], $0x80, s16, s17, $0xb8;
	[tilespmem:$0x1F000] =	vst v63  }
0x93: {  	s16 =	sor.u32 @!p0 $0x16840, s15;
	s18 =	simm.s32 @!p0 $0x19000  }
0x94: {  	[tilespmem:s18], [sflag:$0x1] =	stream.indirect.gather @!p0 [hbm4b:s1+s17], $0x80, s16, s17, $0xb8;
	[tilespmem:$0x1F000] =	vst v63  }
0x95: {  	s15 =	sor.u32 @!p0 $0x16860, s15;
	s16 =	simm.s32 @!p0 $0x1A000  }
0x96: {  	[tilespmem:s16], [sflag:$0x1] =	stream.indirect.gather @!p0 [hbm4b:s1+s17], $0x80, s15, s17, $0xb8;
	[tilespmem:$0x1F000] =	vst v63  }
0x97: {  	_ =	swait.ge [sflag:s22], $0x1000  }
0x98: {  	[sflag:s22] =	ssyncset.done $0x0  }
0x99: {  	[sflag:s22] =	ssyncadd.s32 $0xFFFFF000  }
0x9a: {  	_ =	swait.ge [sflag:s22], $0x1000  }
0x9b: {  	[sflag:s22] =	ssyncset.done $0x0  }
0x9c: {  	[sflag:s22] =	ssyncadd.s32 $0xFFFFF000  }
0x9d: {  	_ =	swait.ge [sflag:s22], $0x1000  }
0x9e: {  	[sflag:s22] =	ssyncset.done $0x0  }
0x9f: {  	[sflag:s22] =	ssyncadd.s32 $0xFFFFF000  }
0xa0: {  	_ =	swait.ge [sflag:s22], $0x1000  }
0xa1: {  	[sflag:s22] =	ssyncset.done $0x0  }
.Ltmp5:
0xa2: {  	[sflag:s22] =	ssyncadd.s32 $0xFFFFF000;
	(pc) =	sbr.rel @p0 .LBB2_9-.Ltmp5, $4  }
0xa3: {  	[spmem:s3] =	stream.indirect.scatter.add.f32 [tilespmem:s0], [sflag:$0x4], $0x80, s13, s2, $0xb8;
	[tilespmem:$0x1F000] =	vst v63  }
0xa4: {  	_ =	swait.ge [sflag:s21], $0x4000  }
0xa5: {  	[sflag:s21] =	ssyncset.done $0x0  }
0xa6: {  	[sflag:s21] =	ssyncadd.s32 $0xFFFFC000  }
0xa7: {  	s15 =	sand.u32 $0x780, s12  }
0xa8: {  	s16 =	sor.u32 $0x16800, s15  }
0xa9: {  	[tilespmem:s0], [sflag:$0x2] =	stream.indirect.gather [hbm4b:s1+s24], $0x80, s16, s24, $0xb8;
	[tilespmem:$0x1F000] =	vst v63  }
0xaa: {  	s17 =	sor.u32 $0x16820, s15  }
0xab: {  	[tilespmem:s25], [sflag:$0x2] =	stream.indirect.gather [hbm4b:s1+s24], $0x80, s17, s24, $0xb8;
	[tilespmem:$0x1F000] =	vst v63  }
.Ltmp6:
0xac: {  	_ = 	snop;
	(pc) =	sbr.rel .LBB2_4-.Ltmp6, $4  }
0xad: {  	s14 =	sadd.s32 $0x1, s14;
	s12 =	sadd.s32 $0x100, s12;
	s18 =	sor.u32 $0x16840, s15  }
0xae: {  	[tilespmem:s28], [sflag:$0x2] =	stream.indirect.gather [hbm4b:s1+s24], $0x80, s18, s24, $0xb8;
	[tilespmem:$0x1F000] =	vst v63  }
0xaf: {  	s13 =	sadd.s32 $0x100, s13;
	s29 =	sadd.s32 $0x2, s29;
	s15 =	sor.u32 $0x16860, s15  }
0xb0: {  	[tilespmem:s30], [sflag:$0x2] =	stream.indirect.gather [hbm4b:s1+s24], $0x80, s15, s24, $0xb8;
	[tilespmem:$0x1F000] =	vst v63  }
.LBB2_10:
0xb1: {  	_ =	sfence.sel $0x180000  }
0xb2: {  	[bflag:$0x0] =	sbarrier.arrive $0xFFFF  }
0xb3: {  	_ =	strace $0x9000004D  }
0xb4: {  	s0 =	stileid.u32;
	[bflag:$0x2] =	sbarrier.arrive $0xFFFF  }
0xb5: {  	p0 =	sne.s32 s0, $0x0;
	s0 =	rddreg [dreg:$0x3]  }
0xb6: {  	s0 =	sadd.s32 @!p0 $0x100000, s0  }
0xb7: {  	[sflag:s0] =	ssyncadd.tile.s32 @!p0 $0x1;
	_ =	shalt  }
.Lfunc_end2:
_tile_overlayer_lowered:
.L_overlay_start_2:
0xb8: {  	(tag) =	ssettag $0x2  }
0xb9: {  	s0 =	rddreg [dreg:$0x0];
	s2 =	stileid.u32  }
0xba: {  	s1 =	rddreg [dreg:$0x1];
	p0 =	sne.s32 s2, $0x0  }
0xbb: {  	s3 =	rddreg [dreg:$0x2];
	[bflag:$0x3] =	sbarrier.arrive $0xFFFF;
	s2 =	simm.s32 @!p0 $0x1C04  }
0xbc: {  	[timem:s3], [sflag:s2] =	dma.local @!p0 [hbm:s0], s1  }
0xbd: {  	s0 =	simm.s32 @!p0 $0x4  }
0xbe: {  	_ =	swait.ge @!p0 [sflag:s0], s1  }
0xbf: {  	s1 =	ssub.s32 @!p0 $0x0, s1;
	[sflag:s0] =	ssyncset.done @!p0 $0x0  }
0xc0: {  	[sflag:s0] =	ssyncadd.s32 @!p0 s1  }
0xc1: {  	[bflag:$0x3] =	sbarrier.arrive $0xFFFF  }
0xc2: {  	_ =	shalt  }

// kernel: kernel.8.cloned.1.call-start
scs
__scs_entry_jumppad:
0x0: {  	(pc) =	sbr.rel $0x88, $3  }
0x1: {  	(tag) =	ssettag $0x0;
	lr =	simm.s32 $0x1  }
0x2: {  	[smem:$0x3F99] =	sst lr;
	_ =	strace $0xD0000000  }
0x3: {  	_ = 	snop  }
0x4: {  	_ = 	snop  }
0x5: {  	_ = 	snop  }
0x6: {  	_ = 	snop  }
0x7: {  	_ = 	snop  }
__scs_overlays_trampoline_lowered:
0x8: {  	[smem:$0x3FA8] =	sst s0  }
0x9: {  	[smem:$0x3FA9] =	sst s1  }
0xa: {  	[smem:$0x3FAA] =	sst s2  }
0xb: {  	[smem:$0x3FAB] =	sst s3  }
0xc: {  	[smem:$0x3FAC] =	sst s4  }
0xd: {  	[smem:$0x3FAD] =	sst s5  }
0xe: {  	[smem:$0x3FAE] =	sst s6  }
0xf: {  	[smem:$0x3FAF] =	sst s7  }
0x10: {  	[smem:$0x3FB0] =	sst s8  }
0x11: {  	[smem:$0x3FB1] =	sst s9;
	s0 =	simm.s32 @!p0 $0x0  }
0x12: {  	s1 =	sld [smem:$0x3F97];
	s0 =	simm.s32 @p0 $0x1  }
0x13: {  	[smem:$0x3FB2] =	sst s0;
	s0 =	simm.s32 @!p1 $0x0  }
0x14: {  	s2 =	sld [smem:$0x3F96];
	s0 =	simm.s32 @p1 $0x1  }
0x15: {  	[smem:$0x3FB3] =	sst s0;
	s0 =	simm.s32 @!p2 $0x0  }
0x16: {  	s3 =	sld [smem:$0x3FDB];
	s0 =	simm.s32 @p2 $0x1  }
0x17: {  	s4 =	simm.s32 $0x1BF5;
	[smem:$0x3FB5] =	sst s0  }
0x18: {  	s0 =	sld [smem:$0x3F98];
	_ =	swait.ge [sflag:s4], $0x0  }
0x19: {  	s7 =	sld [smem:$0x3F99]  }
0x1a: {  	s8 =	sadd.s32 $0xFFFFE003, lr  }
0x1b: {  	s9 =	sadd.s32 $0xFFFFFEF7, lr;
	s5 =	simm.s32 $0xFFFFFFFF;
	p2 =	slt.u32 s8, $0xFFFFF086  }
0x1c: {  	p1 =	slt.u32 s9, $0xF7A;
	s5 =	simm.s32 @!p2 $0x0  }
0x1d: {  	s5 =	simm.s32 @p1 $0x1;
	p0 =	seq.s32 s7, s2  }
0x1e: {  	s7 =	smul.u32 @!p0 $0xF7A, s2;
	p2 =	seq.s32 @!p0 s5, $0x0  }
0x1f: {  	s9 =	smul.u32 $0xF7A, s1;
	s8 =	simm.s32 @!p0 $0x1BF5;
	p2 =	por !p2, p0  }
0x20: {  	[sflag:s8] =	ssyncset.s32 @!p0 $0xFFFFF086;
	s6 =	sadd.s32 @!p0 s3, s7;
	s7 =	simm.s32 @!p0 $0x108  }
0x21: {  	s3 =	sadd.s32 s3, s9;
	s6 =	sadd.s32 @!p0 $0x88, s6;
	s7 =	simm.s32 @p2 $0x1082  }
0x22: {  	[simem:s7], [sflag:s8] =	dma.local @!p0 [hbm:s6], $0xF7A  }
0x23: {  	s9 =	sor.u32 $0xD0000000, s2;
	s6 =	simm.s32 $0x108;
	_ =	swait.ge @!p0 [sflag:s8], $0x0  }
0x24: {  	s3 =	sadd.s32 $0x88, s3;
	s6 =	simm.s32 @!p1 $0x1082;
	[sflag:s4] =	ssyncset.s32 $0xFFFFF086  }
0x25: {  	[simem:s6], [sflag:s4] =	dma.local [hbm:s3], $0xF7A  }
0x26: {  	[smem:$0x3F99] =	sst s1;
	(tag) =	ssettag s2;
	_ =	strace s9  }
0x27: {  	s1 =	sld [smem:$0x3FA9]  }
0x28: {  	s2 =	sld [smem:$0x3FAA]  }
0x29: {  	s4 =	sld [smem:$0x3FAC]  }
0x2a: {  	p0 =	seq.s32 s5, $0x0;
	s5 =	sld [smem:$0x3FAD]  }
0x2b: {  	s6 =	sld [smem:$0x3FAE]  }
0x2c: {  	s7 =	sld [smem:$0x3FAF]  }
0x2d: {  	s3 =	simm.s32 $0x108;
	s8 =	sld [smem:$0x3FB0]  }
0x2e: {  	s3 =	simm.s32 @!p0 $0x1082;
	s9 =	sld [smem:$0x3FB1]  }
0x2f: {  	lr =	sadd.s32 s0, s3;
	s0 =	sld [smem:$0x3FA8]  }
0x30: {  	s3 =	sld [smem:$0x3FAB]  }
0x31: {  	[smem:$0x3FB4] =	sst s10  }
0x32: {  	s10 =	sld [smem:$0x3FB2];
	_ =	sdelay $0x3  }
0x33: {  	p0 =	seq.s32 s10, $0x1;
	s10 =	sld [smem:$0x3FB4];
	_ =	sdelay $0x3  }
0x34: {  	[smem:$0x3FB4] =	sst s10  }
0x35: {  	s10 =	sld [smem:$0x3FB3];
	_ =	sdelay $0x3  }
0x36: {  	p1 =	seq.s32 s10, $0x1;
	s10 =	sld [smem:$0x3FB4];
	_ =	sdelay $0x3  }
0x37: {  	[smem:$0x3FB4] =	sst s10  }
0x38: {  	s10 =	sld [smem:$0x3FB5]  }
0x39: {  	_ = 	snop;
	(pc) =	sbr.ind lr, $3  }
0x3a: {  	_ = 	snop  }
0x3b: {  	_ = 	snop  }
0x3c: {  	p2 =	seq.s32 s10, $0x1;
	s10 =	sld [smem:$0x3FB4]  }
0x3d: {  	_ =	shalt  }
0x3e: {  	_ =	shalt  }
0x3f: {  	_ =	shalt  }
0x40: {  	_ =	shalt  }
0x41: {  	_ =	shalt  }
0x42: {  	_ =	shalt  }
0x43: {  	_ =	shalt  }
0x44: {  	_ =	shalt  }
0x45: {  	_ =	shalt  }
0x46: {  	_ =	shalt  }
0x47: {  	_ =	shalt  }
0x48: {  	_ =	shalt  }
0x49: {  	_ =	shalt  }
0x4a: {  	_ =	shalt  }
0x4b: {  	_ =	shalt  }
0x4c: {  	_ =	shalt  }
0x4d: {  	_ =	shalt  }
0x4e: {  	_ =	shalt  }
0x4f: {  	_ =	shalt  }
0x50: {  	_ =	shalt  }
0x51: {  	_ =	shalt  }
0x52: {  	_ =	shalt  }
0x53: {  	_ =	shalt  }
0x54: {  	_ =	shalt  }
0x55: {  	_ =	shalt  }
0x56: {  	_ =	shalt  }
0x57: {  	_ =	shalt  }
0x58: {  	_ =	shalt  }
0x59: {  	_ =	shalt  }
0x5a: {  	_ =	shalt  }
0x5b: {  	_ =	shalt  }
0x5c: {  	_ =	shalt  }
0x5d: {  	_ =	shalt  }
0x5e: {  	_ =	shalt  }
0x5f: {  	_ =	shalt  }
0x60: {  	_ =	shalt  }
0x61: {  	_ =	shalt  }
0x62: {  	_ =	shalt  }
0x63: {  	_ =	shalt  }
0x64: {  	_ =	shalt  }
0x65: {  	_ =	shalt  }
0x66: {  	_ =	shalt  }
0x67: {  	_ =	shalt  }
0x68: {  	_ =	shalt  }
0x69: {  	_ =	shalt  }
0x6a: {  	_ =	shalt  }
0x6b: {  	_ =	shalt  }
0x6c: {  	_ =	shalt  }
0x6d: {  	_ =	shalt  }
0x6e: {  	_ =	shalt  }
0x6f: {  	_ =	shalt  }
0x70: {  	_ =	shalt  }
0x71: {  	_ =	shalt  }
0x72: {  	_ =	shalt  }
0x73: {  	_ =	shalt  }
0x74: {  	_ =	shalt  }
0x75: {  	_ =	shalt  }
0x76: {  	_ =	shalt  }
0x77: {  	_ =	shalt  }
0x78: {  	_ =	shalt  }
0x79: {  	_ =	shalt  }
0x7a: {  	_ =	shalt  }
0x7b: {  	_ =	shalt  }
0x7c: {  	_ =	shalt  }
0x7d: {  	_ =	shalt  }
0x7e: {  	_ =	shalt  }
0x7f: {  	_ =	shalt  }
0x80: {  	_ =	shalt  }
0x81: {  	_ =	shalt  }
0x82: {  	_ =	shalt  }
0x83: {  	_ =	shalt  }
0x84: {  	_ =	shalt  }
0x85: {  	_ =	shalt  }
0x86: {  	_ =	shalt  }
0x87: {  	_ =	shalt  }
.Lfunc_end0:
.L_simem_size_0:
called_computation_lowered:
.L_overlay_start_0:
0x88: {  	s2 =	sld [smem:$0x3FD9]  }
0x89: {  	s3 =	sld [smem:$0x3FFE];
	_ =	sdelay $0x1  }
0x8a: {  	s1 =	srdreg.scid  }
0x8b: {  	s0 =	sand.u32 $0x1, s1  }
0x8c: {  	s17 =	sshll.u32 s0, $0xA;
	s2 =	sadd.s32 s3, s2  }
0x8d: {  	s2 =	sadd.s32 s2, s17  }
0x8e: {  	[smem:$0x3FC0] =	sst s2  }
0x8f: {  	_ = 	snop  }
0x90: {  	(tm) =	ssettm $0x1  }
0x91: {  	s18 =	sld [smem:$0x3FFB];
	_ =	sdelay $0x3  }
0x92: {  	_ =	strace s18  }
0x93: {  	s2 =	sld [smem:$0x3FFC];
	_ =	sdelay $0x3  }
0x94: {  	_ =	strace s2  }
0x95: {  	s2 =	sld [smem:$0x3FFD];
	_ =	sdelay $0x3  }
0x96: {  	_ =	strace s2  }
0x97: {  	_ =	strace $0x8FFFFFFF  }
0x98: {  	s19 =	sld [smem:$0x3FDB];
	_ =	sdelay $0x1  }
0x99: {  	s20 =	simm.s32 $_scs_section_size  }
0x9a: {  	s4 =	simm.s32 $_size__tile_overlayer_lowered;
	s5 =	simm.s32 $_tile_overlayer_lowered  }
0x9b: {  	s6 =	simm.s32 $0x1BFF;
	s21 =	sshll.u32 s5, $0x1;
	s3 =	sadd.s32 s20, s19  }
0x9c: {  	s22 =	simm.s32 $0x0;
	s4 =	sshll.u32 s4, $0x1;
	s5 =	sadd.s32 s21, s3  }
0x9d: {  	[timem:s22], [sflag:s6] =	dma.local [hbm:s5], s4  }
0x9e: {  	_ =	swait.ge [sflag:s6], s4  }
0x9f: {  	s4 =	ssub.s32 $0x0, s4;
	[sflag:s6] =	ssyncset.done $0x0  }
0xa0: {  	[sflag:s6] =	ssyncadd.s32 s4;
	_ =	sdelay $0x1  }
0xa1: {  	s23 =	simm.s32 $0x1B8B  }
0xa2: {  	_ =	swait.ge [sflag:s23], $0x1  }
0xa3: {  	[sflag:s23] =	ssyncset.done $0x0  }
0xa4: {  	[sflag:s23] =	ssyncadd.s32 $0xFFFFFFFF  }
0xa5: {  	s4 =	sld [smem:$0x0]  }
0xa6: {  	s5 =	sand.u32 $0xFFFFFFFE, s1  }
0xa7: {  	p0 =	sne.s32 s1, s5  }
0xa8: {  	s5 =	sshll.u32 @p0 s5, $0xE  }
0xa9: {  	s5 =	sadd.s32 @p0 $0x11B8D, s5;
	s6 =	sshll.u32 @p0 s4, $0x11  }
0xaa: {  	s5 =	sor.u32 @p0 s6, s5  }
0xab: {  	[sflag:s5] =	ssyncadd.remote.s32 @p0 $0x1;
	_ =	sdelay $0x1  }
0xac: {  	s5 =	simm.s32 @p0 $0x1B8D  }
0xad: {  	_ =	swait.eq @p0 [sflag:s5], $0x1  }
0xae: {  	[sflag:s5] =	ssyncadd.s32 @p0 $0xFFFFFFFF  }
0xaf: {  	s6 =	sshll.u32 @!p0 s1, $0xE  }
0xb0: {  	s6 =	sor.u32 @!p0 $0x4000, s6;
	s5 =	simm.s32 @!p0 $0x1B8D  }
0xb1: {  	s4 =	sshll.u32 @!p0 s4, $0x11;
	s6 =	sadd.s32 @!p0 $0x11B8D, s6;
	_ =	swait.eq @!p0 [sflag:s5], $0x1  }
0xb2: {  	s4 =	sor.u32 @!p0 s4, s6;
	[sflag:s5] =	ssyncadd.s32 @!p0 $0xFFFFFFFF  }
0xb3: {  	s25 =	simm.s32 $0x1B8E;
	s24 =	sld [smem:$0x3FFE];
	[sflag:s4] =	ssyncadd.remote.s32 @!p0 $0x1  }
0xb4: {  	s26 =	simm.s32 $execute0_lowered;
	[smem:$0x3FD2] =	sst s25  }
0xb5: {  	s5 =	sshll.u32 s26, $0x1;
	_ =	strace $0x80000049;
	[dreg:$0x1] =	wrdreg $0xFFFFFFFF  }
0xb6: {  	s28 =	simm.s32 $_size_execute0_lowered;
	s3 =	sadd.s32 s3, s5;
	[dreg:$0x0] =	wrdreg $0x0  }
0xb7: {  	s5 =	sshll.u32 s28, $0x1;
	[dreg:$0x2] =	wrdreg s3  }
0xb8: {  	[dreg:$0x3] =	wrdreg s5  }
0xb9: {  	[dreg:$0x4] =	wrdreg $0xC0  }
0xba: {  	_ =	task [dreg:s22], $0x5FFFF  }
0xbb: {  	[dreg:$0x1] =	wrdreg $0xFFFFFFFF  }
0xbc: {  	[dreg:$0x0] =	wrdreg $0x60  }
0xbd: {  	[dreg:$0x2] =	wrdreg s24  }
0xbe: {  	[dreg:$0x3] =	wrdreg $0x0  }
0xbf: {  	[dreg:$0x4] =	wrdreg $0x9  }
0xc0: {  	_ =	task.clear_ibuf [dreg:s22], $0x5FFFF;
	_ =	strace $0x90000049  }
0xc1: {  	s29 =	simm.s32 $0x9;
	_ =	strace $0x8000004B  }
0xc2: {  	_ =	swait.ge [sflag:s29], $0x1  }
0xc3: {  	[sflag:s29] =	ssyncadd.s32 $0xFFFFFFFF  }
0xc4: {  	_ =	strace $0x9000004B  }
0xc5: {  	_ =	sfence  }
0xc6: {  	s30 =	sld [smem:$0x0];
	_ =	sdelay $0x2  }
0xc7: {  	s31 =	sshll.u32 s1, $0xD;
	s1 =	sshrl.u32 s1, $0x2  }
0xc8: {  	s4 =	sand.u32 $0x4000, s31;
	s1 =	sadd.s32 s1, s30  }
0xc9: {  	s0 =	sor.u32 s4, s0;
	s1 =	sshll.u32 s1, $0x11  }
0xca: {  	s0 =	sor.u32 s1, s0  }
0xcb: {  	s0 =	sadd.s32 $0x8F2B, s0  }
0xcc: {  	[sflag:s0] =	ssyncadd.remote.s32 $0x1  }
0xcd: {  	_ =	sfence.sel $0xFFFF  }
0xce: {  	[dreg:$0x0] =	wrdreg $0xFFFFFFFF;
	(pc) =	sbr.abs _section_cstart, $3  }
0xcf: {  	[dreg:$0x1] =	wrdreg $0xFFFFFFFF  }
0xd0: {  	_ =	task.clear_ibuf [dreg:s22], $0x2FFFF;
	_ =	strace $0x9FFFFFFF  }
0xd1: {  	(tm) =	ssettm $0x7FFFFFFF  }
tec
execute0_lowered:
.L_overlay_start_1:
0x0: {  	(tag) =	ssettag $0x1  }
0x1: {  	s4 =	rddreg [dreg:$0x0];
	s1 =	srdreg.scid  }
0x2: {  	s0 =	stileid.u32;
	s2 =	rddreg [dreg:$0x1]  }
0x3: {  	s3 =	simm.s32 $0x0;
	s19 =	simm.s32 $0x80;
	s20 =	simm.s32 $0x1  }
0x4: {  	s5 =	sand.u32 $0x1, s1;
	s1 =	rddreg [dreg:$0x2];
	s7 =	smul.u32 $0x50000, s0  }
0x5: {  	s6 =	sshll.u32 s0, $0x1;
	[smem:$0x7FF] =	sst s3;
	s8 =	smul.u32 $0x14000, s0  }
0x6: {  	s14 =	sadd.s32 $0x66800, s4;
	s6 =	sor.u32 s5, s6;
	s16 =	smul.u32 $0x140000, s5  }
0x7: {  	_ =	strace $0x8000004A;
	s30 =	ssub.s32 $0x2, s5;
	s6 =	smul.u32 $0x500, s6  }
0x8: {  	s31 =	sshrl.u32 s30, $0x1;
	s7 =	sshrl.u32 s7, $0x2;
	s10 =	sadd.s32 $0x4000, s8  }
0x9: {  	s12 =	sadd.s32 $0x8000, s8;
	s13 =	sadd.s32 $0xC000, s8;
	s17 =	sadd.s32 $0x10000, s8  }
0xa: {  	s15 =	ssub.s32 s30, s31;
	s5 =	sadd.s32 s10, s2;
	s11 =	sadd.s32 s8, s16  }
0xb: {  	s10 =	sadd.s32 s16, s10;
	s8 =	sadd.s32 s17, s2;
	s9 =	sadd.s32 s6, s4  }
0xc: {  	s4 =	sadd.s32 s7, s2;
	s6 =	sadd.s32 s12, s2;
	s7 =	sadd.s32 s13, s2  }
0xd: {  	s11 =	sshrl.u32 s11, $0x3;
	s18 =	sshrl.u32 s10, $0x3;
	s12 =	sadd.s32 s16, s12  }
0xe: {  	s13 =	sadd.s32 s16, s13;
	s16 =	sadd.s32 s16, s17;
	s15 =	smax.u32 s15, $0x1  }
0xf: {  	s17 =	simm.s32 $0x2;
	s9 =	sadd.s32 $0xC800, s9;
	s10 =	sadd.s32 s14, s11  }
0x10: {  	s11 =	sadd.s32 s14, s18;
	s12 =	sshrl.u32 s12, $0x3;
	s13 =	sshrl.u32 s13, $0x3  }
0x11: {  	s16 =	sshrl.u32 s16, $0x3;
	s18 =	simm.s32 $0x18000;
	s12 =	sadd.s32 s14, s12  }
0x12: {  	v0 =	vimm.f32 $0.0e+00;
	v1 =	vimm.f32 $1.000000000e+00;
	s13 =	sadd.s32 s14, s13;
	s14 =	sadd.s32 s14, s16;
	s16 =	simm.s32 $0x14000  }
.LBB2_1:
0x13: {  	s21 =	simm.s32 $0x0;
	s22 =	simm.s32 $0x200  }
.LBB2_2:
0x14: {  	p0 =	sne.s32 s22, $0xFE00;
	[tilespmem:s21+$0x14070] =	vst v0  }
0x15: {  	[tilespmem:s21+$0x14000] =	vst v0  }
0x16: {  	[tilespmem:s21+$0x14010] =	vst v0  }
.Ltmp0:
0x17: {  	[tilespmem:s21+$0x14020] =	vst v0;
	(pc) =	sbr.rel @p0 .LBB2_2-.Ltmp0, $4  }
0x18: {  	[tilespmem:s21+$0x14030] =	vst v0  }
0x19: {  	[tilespmem:s21+$0x14040] =	vst v0  }
0x1a: {  	[tilespmem:s21+$0x14050] =	vst v0  }
0x1b: {  	[tilespmem:s21+$0x14060] =	vst v0;
	s21 =	sshra.s32 s22, $0x2;
	s22 =	sadd.s32 $0x200, s22  }
0x1c: {  	[tilespmem:s21+$0x14070] =	vst v0  }
0x1d: {  	[tilespmem:s21+$0x14000] =	vst v0  }
0x1e: {  	[tilespmem:s21+$0x14010] =	vst v0  }
0x1f: {  	[tilespmem:s21+$0x14020] =	vst v0  }
0x20: {  	[tilespmem:s21+$0x14030] =	vst v0  }
0x21: {  	[tilespmem:s21+$0x14040] =	vst v0  }
0x22: {  	[tilespmem:s21+$0x14050] =	vst v0  }
0x23: {  	[tilespmem:s21+$0x14060] =	vst v0  }
0x24: {  	[spmem:s4] =	stream.linear.scatter [tilespmem:s16], [sflag:$0x2], $0x4000, $0x38;
	[tilespmem:$0x1A800] =	vst v63  }
0x25: {  	_ =	swait.ge [sflag:s17], $0x4000  }
0x26: {  	[sflag:s17] =	ssyncset.done $0x0  }
0x27: {  	[sflag:s17] =	ssyncadd.s32 $0xFFFFC000  }
0x28: {  	[spmem:s5] =	stream.linear.scatter [tilespmem:s16], [sflag:$0x2], $0x4000, $0x38;
	[tilespmem:$0x1A800] =	vst v63  }
0x29: {  	_ =	swait.ge [sflag:s17], $0x4000  }
0x2a: {  	[sflag:s17] =	ssyncset.done $0x0  }
0x2b: {  	[sflag:s17] =	ssyncadd.s32 $0xFFFFC000  }
0x2c: {  	[spmem:s6] =	stream.linear.scatter [tilespmem:s16], [sflag:$0x2], $0x4000, $0x38;
	[tilespmem:$0x1A800] =	vst v63  }
0x2d: {  	_ =	swait.ge [sflag:s17], $0x4000  }
0x2e: {  	[sflag:s17] =	ssyncset.done $0x0  }
0x2f: {  	[sflag:s17] =	ssyncadd.s32 $0xFFFFC000  }
0x30: {  	[spmem:s7] =	stream.linear.scatter [tilespmem:s16], [sflag:$0x2], $0x4000, $0x38;
	[tilespmem:$0x1A800] =	vst v63  }
0x31: {  	_ =	swait.ge [sflag:s17], $0x4000  }
0x32: {  	[sflag:s17] =	ssyncset.done $0x0  }
0x33: {  	[sflag:s17] =	ssyncadd.s32 $0xFFFFC000  }
0x34: {  	[spmem:s8] =	stream.linear.scatter [tilespmem:s16], [sflag:$0x2], $0x4000, $0x38;
	[tilespmem:$0x1A800] =	vst v63  }
0x35: {  	_ =	swait.ge [sflag:s17], $0x4000  }
0x36: {  	[sflag:s17] =	ssyncset.done $0x0  }
0x37: {  	s21 =	simm.s32 $0x0;
	s22 =	simm.s32 $0x200;
	[sflag:s17] =	ssyncadd.s32 $0xFFFFC000  }
.LBB2_4:
0x38: {  	p0 =	sne.s32 s22, $0xFE00;
	[tilespmem:s21+$0x14070] =	vst v1  }
0x39: {  	[tilespmem:s21+$0x14000] =	vst v1  }
0x3a: {  	[tilespmem:s21+$0x14010] =	vst v1  }
.Ltmp1:
0x3b: {  	[tilespmem:s21+$0x14020] =	vst v1;
	(pc) =	sbr.rel @p0 .LBB2_4-.Ltmp1, $4  }
0x3c: {  	[tilespmem:s21+$0x14030] =	vst v1  }
0x3d: {  	[tilespmem:s21+$0x14040] =	vst v1  }
0x3e: {  	[tilespmem:s21+$0x14050] =	vst v1  }
0x3f: {  	[tilespmem:s21+$0x14060] =	vst v1;
	s21 =	sshra.s32 s22, $0x2;
	s22 =	sadd.s32 $0x200, s22  }
0x40: {  	[tilespmem:s21+$0x14070] =	vst v1  }
0x41: {  	[tilespmem:s21+$0x14000] =	vst v1  }
0x42: {  	[tilespmem:s21+$0x14010] =	vst v1  }
0x43: {  	[tilespmem:s21+$0x14020] =	vst v1  }
0x44: {  	[tilespmem:s21+$0x14030] =	vst v1  }
0x45: {  	[tilespmem:s21+$0x14040] =	vst v1  }
0x46: {  	[tilespmem:s21+$0x14050] =	vst v1  }
0x47: {  	[tilespmem:s21+$0x14060] =	vst v1;
	s26 =	simm.s32 $0x0  }
0x48: {  	[tilespmem:s18], [sflag:$0x2] =	stream.linear.gather [hbm4b:s9+s26], $0x2800, $0x38;
	[tilespmem:$0x1A800] =	vst v63  }
0x49: {  	_ =	swait.ge [sflag:s17], $0x2800  }
0x4a: {  	[sflag:s17] =	ssyncset.done $0x0  }
0x4b: {  	[sflag:s17] =	ssyncadd.s32 $0xFFFFD800  }
0x4c: {  	s28 =	simm.s32 $0x18000;
	[bflag:$0x0] =	sbarrier.arrive $0xFFFF  }
0x4d: {  	[spmem:s2] =	stream.indirect.scatter.add.f32 [tilespmem:s16], [sflag:$0x1], $0x80, s28, s19, $0xb8;
	[tilespmem:$0x1A800] =	vst v63  }
0x4e: {  	s29 =	simm.s32 $0x18080  }
0x4f: {  	[spmem:s2] =	stream.indirect.scatter.add.f32 [tilespmem:s16], [sflag:$0x1], $0x80, s29, s19, $0xb8;
	[tilespmem:$0x1A800] =	vst v63  }
0x50: {  	s30 =	simm.s32 $0x18100  }
0x51: {  	[spmem:s2] =	stream.indirect.scatter.add.f32 [tilespmem:s16], [sflag:$0x1], $0x80, s30, s19, $0xb8;
	[tilespmem:$0x1A800] =	vst v63  }
0x52: {  	s31 =	simm.s32 $0x18180  }
0x53: {  	[spmem:s2] =	stream.indirect.scatter.add.f32 [tilespmem:s16], [sflag:$0x1], $0x80, s31, s19, $0xb8;
	[tilespmem:$0x1A800] =	vst v63  }
0x54: {  	_ =	swait.ge [sflag:s20], $0x4000  }
0x55: {  	[sflag:s20] =	ssyncset.done $0x0  }
0x56: {  	[sflag:s20] =	ssyncadd.s32 $0xFFFFC000  }
0x57: {  	_ =	swait.ge [sflag:s20], $0x4000  }
0x58: {  	[sflag:s20] =	ssyncset.done $0x0  }
0x59: {  	[sflag:s20] =	ssyncadd.s32 $0xFFFFC000  }
0x5a: {  	_ =	swait.ge [sflag:s20], $0x4000  }
0x5b: {  	[sflag:s20] =	ssyncset.done $0x0  }
0x5c: {  	[sflag:s20] =	ssyncadd.s32 $0xFFFFC000  }
0x5d: {  	_ =	swait.ge [sflag:s20], $0x4000  }
0x5e: {  	s22 =	simm.s32 $0x1000;
	s21 =	simm.s32 $0x200;
	[sflag:s20] =	ssyncset.done $0x0  }
.LBB2_6:
0x5f: {  	s23 =	sadd.s32 $0x18000, s21  }
0x60: {  	[sflag:s20] =	ssyncadd.s32 $0xFFFFC000;
	s24 =	smov.u32 s22;
	s25 =	sadd.s32 $0x800, s22  }
0x61: {  	[spmem:s2] =	stream.indirect.scatter.add.f32 [tilespmem:s16], [sflag:$0x1], $0x80, s23, s19, $0xb8;
	[tilespmem:$0x1A800] =	vst v63  }
0x62: {  	p0 =	sne.s32 s22, $0x9800;
	s22 =	sadd.s32 $0x18080, s21  }
0x63: {  	[spmem:s2] =	stream.indirect.scatter.add.f32 [tilespmem:s16], [sflag:$0x1], $0x80, s22, s19, $0xb8;
	[tilespmem:$0x1A800] =	vst v63  }
0x64: {  	s22 =	sadd.s32 $0x18100, s21  }
0x65: {  	[spmem:s2] =	stream.indirect.scatter.add.f32 [tilespmem:s16], [sflag:$0x1], $0x80, s22, s19, $0xb8;
	[tilespmem:$0x1A800] =	vst v63  }
0x66: {  	s21 =	sadd.s32 $0x18180, s21  }
0x67: {  	[spmem:s2] =	stream.indirect.scatter.add.f32 [tilespmem:s16], [sflag:$0x1], $0x80, s21, s19, $0xb8;
	[tilespmem:$0x1A800] =	vst v63  }
0x68: {  	_ =	swait.ge [sflag:s20], $0x4000  }
0x69: {  	[sflag:s20] =	ssyncset.done $0x0  }
0x6a: {  	[sflag:s20] =	ssyncadd.s32 $0xFFFFC000  }
0x6b: {  	_ =	swait.ge [sflag:s20], $0x4000  }
0x6c: {  	[sflag:s20] =	ssyncset.done $0x0  }
0x6d: {  	[sflag:s20] =	ssyncadd.s32 $0xFFFFC000  }
.Ltmp2:
0x6e: {  	_ =	swait.ge [sflag:s20], $0x4000;
	(pc) =	sbr.rel @p0 .LBB2_6-.Ltmp2, $4  }
0x6f: {  	[sflag:s20] =	ssyncset.done $0x0  }
0x70: {  	[sflag:s20] =	ssyncadd.s32 $0xFFFFC000  }
0x71: {  	_ =	swait.ge [sflag:s20], $0x4000  }
0x72: {  	s22 =	smov.u32 s25;
	s21 =	sshra.s32 s24, $0x2;
	[sflag:s20] =	ssyncset.done $0x0  }
0x73: {  	s22 =	sadd.s32 $0x18000, s21;
	[sflag:s20] =	ssyncadd.s32 $0xFFFFC000  }
0x74: {  	[spmem:s2] =	stream.indirect.scatter.add.f32 [tilespmem:s16], [sflag:$0x1], $0x80, s22, s19, $0xb8;
	[tilespmem:$0x1A800] =	vst v63  }
0x75: {  	s31 =	sadd.s32 $0x18080, s21  }
0x76: {  	[spmem:s2] =	stream.indirect.scatter.add.f32 [tilespmem:s16], [sflag:$0x1], $0x80, s31, s19, $0xb8;
	[tilespmem:$0x1A800] =	vst v63  }
0x77: {  	s23 =	sadd.s32 $0x18100, s21  }
0x78: {  	[spmem:s2] =	stream.indirect.scatter.add.f32 [tilespmem:s16], [sflag:$0x1], $0x80, s23, s19, $0xb8;
	[tilespmem:$0x1A800] =	vst v63  }
0x79: {  	s24 =	sadd.s32 $0x18180, s21  }
0x7a: {  	[spmem:s2] =	stream.indirect.scatter.add.f32 [tilespmem:s16], [sflag:$0x1], $0x80, s24, s19, $0xb8;
	[tilespmem:$0x1A800] =	vst v63  }
0x7b: {  	_ =	swait.ge [sflag:s20], $0x4000  }
0x7c: {  	[sflag:s20] =	ssyncset.done $0x0  }
0x7d: {  	[sflag:s20] =	ssyncadd.s32 $0xFFFFC000  }
0x7e: {  	_ =	swait.ge [sflag:s20], $0x4000  }
0x7f: {  	[sflag:s20] =	ssyncset.done $0x0  }
0x80: {  	[sflag:s20] =	ssyncadd.s32 $0xFFFFC000  }
0x81: {  	_ =	swait.ge [sflag:s20], $0x4000  }
0x82: {  	[sflag:s20] =	ssyncset.done $0x0  }
0x83: {  	[sflag:s20] =	ssyncadd.s32 $0xFFFFC000  }
0x84: {  	_ =	swait.ge [sflag:s20], $0x4000  }
0x85: {  	[sflag:s20] =	ssyncset.done $0x0  }
0x86: {  	s25 =	sshll.u32 s0, $0x6;
	[sflag:s20] =	ssyncadd.s32 $0xFFFFC000  }
0x87: {  	s26 =	sshrl.u32 s4, $0x3;
	s21 =	sor.u32 $0x1C02, s25;
	[bflag:$0x0] =	sbarrier.arrive $0xFFFF  }
0x88: {  	[hbm:s10], [sflag:s21] =	dma.local [spmem:s26], $0x800  }
0x89: {  	_ =	swait.ge [sflag:s17], $0x800  }
0x8a: {  	[sflag:s17] =	ssyncset.done $0x0  }
0x8b: {  	s28 =	sshrl.u32 s5, $0x3;
	[sflag:s17] =	ssyncadd.s32 $0xFFFFF800  }
0x8c: {  	[hbm:s11], [sflag:s21] =	dma.local [spmem:s28], $0x800  }
0x8d: {  	_ =	swait.ge [sflag:s17], $0x800  }
0x8e: {  	[sflag:s17] =	ssyncset.done $0x0  }
0x8f: {  	s29 =	sshrl.u32 s6, $0x3;
	[sflag:s17] =	ssyncadd.s32 $0xFFFFF800  }
0x90: {  	[hbm:s12], [sflag:s21] =	dma.local [spmem:s29], $0x800  }
0x91: {  	_ =	swait.ge [sflag:s17], $0x800  }
0x92: {  	[sflag:s17] =	ssyncset.done $0x0  }
0x93: {  	s30 =	sshrl.u32 s7, $0x3;
	[sflag:s17] =	ssyncadd.s32 $0xFFFFF800  }
0x94: {  	[hbm:s13], [sflag:s21] =	dma.local [spmem:s30], $0x800  }
0x95: {  	s3 =	sadd.s32 $0x1, s3;
	_ =	swait.ge [sflag:s17], $0x800  }
0x96: {  	p0 =	sne.s32 s3, s15;
	[sflag:s17] =	ssyncset.done $0x0  }
.Ltmp3:
0x97: {  	s31 =	sshrl.u32 s8, $0x3;
	[sflag:s17] =	ssyncadd.s32 $0xFFFFF800;
	(pc) =	sbr.rel @p0 .LBB2_1-.Ltmp3, $4  }
0x98: {  	[hbm:s14], [sflag:s21] =	dma.local [spmem:s31], $0x800  }
0x99: {  	_ =	swait.ge [sflag:s17], $0x800  }
0x9a: {  	[sflag:s17] =	ssyncset.done $0x0  }
0x9b: {  	[sflag:s17] =	ssyncadd.s32 $0xFFFFF800  }
0x9c: {  	_ =	sfence.sel $0x180000  }
0x9d: {  	[bflag:$0x0] =	sbarrier.arrive $0xFFFF  }
0x9e: {  	p0 =	sne.s32 s0, $0x0;
	_ =	strace $0x9000004A  }
0x9f: {  	s0 =	sadd.s32 @!p0 $0x100000, s1;
	[bflag:$0x2] =	sbarrier.arrive $0xFFFF  }
0xa0: {  	[sflag:s0] =	ssyncadd.tile.s32 @!p0 $0x1;
	_ =	shalt  }
.Lfunc_end2:
_tile_overlayer_lowered:
.L_overlay_start_2:
0xa1: {  	(tag) =	ssettag $0x2  }
0xa2: {  	s0 =	rddreg [dreg:$0x0];
	s2 =	stileid.u32  }
0xa3: {  	s1 =	rddreg [dreg:$0x1];
	p0 =	sne.s32 s2, $0x0  }
0xa4: {  	s3 =	rddreg [dreg:$0x2];
	[bflag:$0x3] =	sbarrier.arrive $0xFFFF;
	s2 =	simm.s32 @!p0 $0x1C02  }
0xa5: {  	[timem:s3], [sflag:s2] =	dma.local @!p0 [hbm:s0], s1  }
0xa6: {  	s0 =	simm.s32 @!p0 $0x2  }
0xa7: {  	_ =	swait.ge @!p0 [sflag:s0], s1  }
0xa8: {  	s1 =	ssub.s32 @!p0 $0x0, s1;
	[sflag:s0] =	ssyncset.done @!p0 $0x0  }
0xa9: {  	[sflag:s0] =	ssyncadd.s32 @!p0 s1  }
0xaa: {  	[bflag:$0x3] =	sbarrier.arrive $0xFFFF  }
0xab: {  	_ =	shalt  }

</sc_bundles>
